<compile_context>
chip_gen: v7x
topology: tpu7x:2x2x1
jax: 0.10.2.dev20260603
libtpu: 0.0.44.dev20260713+nightly
codegen_flags: <defaults>
</compile_context>

<pallas_src>
import functools
import math

import jax
import jax.numpy as jnp
from jax import lax
from jax.experimental import pallas as pl
from jax.experimental.pallas import tpu as pltpu
from jax.experimental.pallas import tpu_sc as plsc

B, C, D, V = 4096, 200, 64, 1000000

NC, NS, L = 2, 16, 16
NW = NC * NS
BPW = B // NW
NG = (C + L - 1) // L
RB = 2
CW = RB * C
NBATCH = BPW // RB
NBUF = 2
PAD = 8


def _head_body(x_ref, w_ref, b_ref, o_ref):
    xw = jnp.dot(x_ref[...], w_ref[...], preferred_element_type=jnp.float32)
    xw = xw + b_ref[...]
    o_ref[...] = xw * 0.5 * (1.0 + lax.erf(xw * (1.0 / math.sqrt(2.0))))


def _head(x, W1, b1):
    return pl.pallas_call(
        _head_body,
        out_shape=jax.ShapeDtypeStruct((B, D), jnp.float32),
    )(x, W1, b1.reshape(1, D))


TBN = 4096


def _pair_body(t_ref, o_ref):
    x = t_ref[...]
    y = x.T
    y3 = y.reshape(TBN // 2, 2, D)
    o_ref[...] = jnp.concatenate([y3[:, 0, :], y3[:, 1, :]], axis=1)


def _table_to_rowmajor(table):
    return pl.pallas_call(
        _pair_body,
        grid=(pl.cdiv(V, TBN),),
        in_specs=[pl.BlockSpec((D, TBN), lambda i: (0, i))],
        out_specs=pl.BlockSpec((TBN // 2, 2 * D), lambda i: (i, 0)),
        out_shape=jax.ShapeDtypeStruct((V // 2, 2 * D), jnp.float32),
    )(table.T)


@functools.partial(
    pl.kernel,
    mesh=plsc.VectorSubcoreMesh(core_axis_name="c", subcore_axis_name="s"),
    out_type=jax.ShapeDtypeStruct((B * C,), jnp.float32),
    compiler_params=pltpu.CompilerParams(
        needs_layout_passes=False, use_tc_tiling_on_sc=False),
    scratch_types=[
        pltpu.VMEM((BPW, D), jnp.float32),
        pltpu.VMEM((BPW * C,), jnp.int32),
        pltpu.VMEM((CW + PAD, D), jnp.float32),
        pltpu.VMEM((CW + PAD, D), jnp.float32),
        pltpu.VMEM((CW + PAD,), jnp.float32),
        pltpu.VMEM((CW + PAD,), jnp.float32),
        pltpu.VMEM((CW + PAD,), jnp.float32),
        pltpu.VMEM((CW + PAD,), jnp.float32),
        pltpu.VMEM((2 * D,), jnp.float32),
        pltpu.SemaphoreType.DMA,
        pltpu.SemaphoreType.DMA,
        pltpu.SemaphoreType.DMA,
        pltpu.SemaphoreType.DMA,
    ],
)
def _sc_scores(h_hbm, cand_hbm, table_hbm, bias_hbm, out_hbm,
               h_v, cand_v, rows0, rows1, bias0, bias1, out0, out1, h2_v,
               semr0, semr1, semb0, semb1):
    wid = lax.axis_index("s") * NC + lax.axis_index("c")
    base_b = wid * BPW
    pltpu.sync_copy(h_hbm.at[pl.ds(base_b, BPW)], h_v)
    pltpu.sync_copy(cand_hbm.at[pl.ds(base_b * C, BPW * C)], cand_v)

    bufs = [(rows0, bias0, out0, semr0, semb0),
            (rows1, bias1, out1, semr1, semb1)]

    def issue(i, k):
        rows, bias_b, _, semr, semb = bufs[k]
        idx = cand_v.at[pl.ds(i * CW, CW)]
        pltpu.async_copy(table_hbm.at[idx], rows.at[pl.ds(0, CW)], semr)
        pltpu.async_copy(bias_hbm.at[idx], bias_b.at[pl.ds(0, CW)], semb)

    issue(0, 0)
    issue(1, 1)

    def body(i2, carry):
        for k in range(NBUF):
            i = i2 * NBUF + k
            rows, bias_b, out_b, semr, semb = bufs[k]
            idx = cand_v.at[pl.ds(i * CW, CW)]
            pltpu.make_async_copy(
                table_hbm.at[idx], rows.at[pl.ds(0, CW)], semr).wait()
            pltpu.make_async_copy(
                bias_hbm.at[idx], bias_b.at[pl.ds(0, CW)], semb).wait()

            for r in range(RB):
                b = i * RB + r
                for kk in range(D // L):
                    hv = h_v[b, pl.ds(kk * L, L)]
                    h2_v[pl.ds(kk * L, L)] = hv
                    h2_v[pl.ds(D + kk * L, L)] = hv

                def per_group(g, carry2, r=r, rows=rows, bias_b=bias_b,
                              out_b=out_b):
                    jvec = r * C + g * L + lax.iota(jnp.int32, L)
                    acc = plsc.load_gather(bias_b, [jvec])
                    dvec = lax.iota(jnp.int32, L)
                    for s in range(D):
                        col = plsc.load_gather(rows, [jvec, dvec])
                        acc = acc + col * h2_v[pl.ds(s, L)]
                        if s + 1 < D:
                            dvec = (dvec + 1) & (D - 1)
                    plsc.store_scatter(out_b, [jvec], acc)
                    return carry2

                lax.fori_loop(0, NG, per_group, 0)

            @pl.when(i + NBUF < NBATCH)
            def _():
                issue(i + NBUF, k)

            pltpu.sync_copy(
                out_b.at[pl.ds(0, CW)],
                out_hbm.at[pl.ds((base_b + i * RB) * C, CW)])
        return carry

    lax.fori_loop(0, NBATCH // NBUF, body, 0)


def kernel(x, candidates, W1, b1, table, bias):
    h = _head(x, W1, b1)
    cand = candidates.astype(jnp.int32).reshape(B * C)
    table_lin = _table_to_rowmajor(table).reshape(V, D)
    return _sc_scores(h, cand, table_lin, bias).reshape(B, C)

# --- scband reference (transcript-rebuilt; emitter-appended) ---
"""Pipeline reference for scband-dot-product-prediction-head-27556510171582 (READ-ONLY COPY).

The authoritative reference and input builder live on the scoring server;
editing this copy changes nothing except your own understanding.
"""

import jax, jax.numpy as jnp
import numpy as np

B, C, D, V = 4096, 200, 64, 1000000

def setup_inputs(seed: int = 0) -> dict:
    key = jax.random.key(seed)
    k1, k2, k3, k4, k5 = jax.random.split(key, 5)
    x = jax.random.normal(k1, (B, D), dtype=jnp.float32)
    candidates = jax.random.randint(k2, (B, C), 0, V, dtype=jnp.int64)
    W1 = jax.random.normal(k3, (D, D), dtype=jnp.float32) * (1.0 / np.sqrt(D))
    b1 = jnp.zeros((D,), dtype=jnp.float32)
    table = jax.random.normal(k4, (V, D), dtype=jnp.float32) * 0.02
    bias = jnp.zeros((V,), dtype=jnp.float32)
    return {"x": x, "candidates": candidates, "W1": W1, "b1": b1, "table": table, "bias": bias}

def reference(x, candidates, W1, b1, table, bias):
    # head: Linear(d_model, d_model) + exact GELU
    h = jax.nn.gelu(x @ W1 + b1, approximate=False)          # [B, D]
    # embedding gather of candidate items
    emb = jnp.take(table, candidates, axis=0)                 # [B, C, D]
    logits = jnp.sum(h[:, None, :] * emb, axis=-1)            # [B, C]
    # bias.expand(B, -1).gather(1, candidates) == bias[candidates]
    logits = logits + jnp.take(bias, candidates, axis=0)      # [B, C]
    return logits

if __name__ == "__main__":
    import jax
    _d = setup_inputs()
    print(jax.jit(kernel)(*tuple(_d.values())))

</pallas_src>

<mosaic_0001>
#map = affine_map<(d0, d1) -> (0, 0)>
#map1 = affine_map<(d0, d1) -> (0)>
module attributes {stable_mosaic.version = 14 : i64} {
  func.func @_sc_scores(%arg0: i32, %arg1: i32, %arg2: memref<4096x64xf32, #tpu.memory_space<hbm>>, %arg3: memref<819200xi32, #tpu.memory_space<hbm>>, %arg4: memref<1000000x64xf32, #tpu.memory_space<hbm>>, %arg5: memref<1000000xf32, #tpu.memory_space<hbm>>, %arg6: memref<819200xf32, #tpu.memory_space<hbm>>, %arg7: memref<128x64xf32, #tpu.memory_space<vmem>>, %arg8: memref<25600xi32, #tpu.memory_space<vmem>>, %arg9: memref<408x64xf32, #tpu.memory_space<vmem>>, %arg10: memref<408x64xf32, #tpu.memory_space<vmem>>, %arg11: memref<408xf32, #tpu.memory_space<vmem>>, %arg12: memref<408xf32, #tpu.memory_space<vmem>>, %arg13: memref<408xf32, #tpu.memory_space<vmem>>, %arg14: memref<408xf32, #tpu.memory_space<vmem>>, %arg15: memref<128xf32, #tpu.memory_space<vmem>>, %arg16: memref<!tpu.dma_semaphore, #tpu.memory_space<semaphore_mem>>, %arg17: memref<!tpu.dma_semaphore, #tpu.memory_space<semaphore_mem>>, %arg18: memref<!tpu.dma_semaphore, #tpu.memory_space<semaphore_mem>>, %arg19: memref<!tpu.dma_semaphore, #tpu.memory_space<semaphore_mem>>) attributes {dimension_semantics = [#tpu.dimension_semantics<core_parallel>, #tpu.dimension_semantics<subcore_parallel>], iteration_bounds = array<i64: 2, 16>, scalar_prefetch = 0 : i64, scratch_operands = 13 : i64, tpu.core_type = #tpu.core_type<sc_vector_subcore>, window_params = [{transform_indices = #map}, {transform_indices = #map1}, {transform_indices = #map}, {transform_indices = #map1}, {transform_indices = #map1}]} {
    %mul3A = arith.constant 2 : i32
    %mul3A_0 = arith.muli %arg1, %mul3A : i32
    %add3A = arith.addi %mul3A_0, %arg0 : i32
    %mul3A_1 = arith.constant 128 : i32
    %mul3A_2 = arith.muli %add3A, %mul3A_1 : i32
    "tpu.region"() ({
      %run_scoped3A = tpu.sem_alloc : memref<!tpu.dma_semaphore, #tpu.memory_space<semaphore_mem>>
      %dma_start3A_37 = arith.constant 0 : i32
      %dma_start3A_38 = tpu.memref_slice %arg2[%mul3A_2, %dma_start3A_37] : memref<4096x64xf32, #tpu.memory_space<hbm>> -> memref<128x64xf32, #tpu.memory_space<hbm>>
      %dma_start3A_39 = arith.constant 0 : i32
      %dma_start3A_40 = tpu.memref_slice %arg2[%mul3A_2, %dma_start3A_39] : memref<4096x64xf32, #tpu.memory_space<hbm>> -> memref<128x64xf32, #tpu.memory_space<hbm>>
      tpu.enqueue_dma source(%dma_start3A_40 : memref<128x64xf32, #tpu.memory_space<hbm>>) target(%arg7 : memref<128x64xf32, #tpu.memory_space<vmem>>) target_semaphore(%run_scoped3A : memref<!tpu.dma_semaphore, #tpu.memory_space<semaphore_mem>>)
      %dma_wait3A = arith.constant 0 : i32
      %dma_wait3A_41 = tpu.memref_slice %arg2[%mul3A_2, %dma_wait3A] : memref<4096x64xf32, #tpu.memory_space<hbm>> -> memref<128x64xf32, #tpu.memory_space<hbm>>
      %dma_wait3A_42 = arith.constant 0 : i32
      %dma_wait3A_43 = tpu.memref_slice %arg2[%mul3A_2, %dma_wait3A_42] : memref<4096x64xf32, #tpu.memory_space<hbm>> -> memref<128x64xf32, #tpu.memory_space<hbm>>
      tpu.wait_dma2 semaphore(%run_scoped3A : memref<!tpu.dma_semaphore, #tpu.memory_space<semaphore_mem>>) src(%dma_wait3A_43 : memref<128x64xf32, #tpu.memory_space<hbm>>) dst(%arg7 : memref<128x64xf32, #tpu.memory_space<vmem>>)
      tpu.yield
    }) : () -> ()
    %mul3A_3 = arith.constant 200 : i32
    %mul3A_4 = arith.muli %mul3A_2, %mul3A_3 : i32
    "tpu.region"() ({
      %run_scoped3A = tpu.sem_alloc : memref<!tpu.dma_semaphore, #tpu.memory_space<semaphore_mem>>
      %dma_start3A_37 = tpu.memref_slice %arg3[%mul3A_4] : memref<819200xi32, #tpu.memory_space<hbm>> -> memref<25600xi32, #tpu.memory_space<hbm>>
      %dma_start3A_38 = tpu.memref_slice %arg3[%mul3A_4] : memref<819200xi32, #tpu.memory_space<hbm>> -> memref<25600xi32, #tpu.memory_space<hbm>>
      tpu.enqueue_dma source(%dma_start3A_38 : memref<25600xi32, #tpu.memory_space<hbm>>) target(%arg8 : memref<25600xi32, #tpu.memory_space<vmem>>) target_semaphore(%run_scoped3A : memref<!tpu.dma_semaphore, #tpu.memory_space<semaphore_mem>>)
      %dma_wait3A = tpu.memref_slice %arg3[%mul3A_4] : memref<819200xi32, #tpu.memory_space<hbm>> -> memref<25600xi32, #tpu.memory_space<hbm>>
      %dma_wait3A_39 = tpu.memref_slice %arg3[%mul3A_4] : memref<819200xi32, #tpu.memory_space<hbm>> -> memref<25600xi32, #tpu.memory_space<hbm>>
      tpu.wait_dma2 semaphore(%run_scoped3A : memref<!tpu.dma_semaphore, #tpu.memory_space<semaphore_mem>>) src(%dma_wait3A_39 : memref<25600xi32, #tpu.memory_space<hbm>>) dst(%arg8 : memref<25600xi32, #tpu.memory_space<vmem>>)
      tpu.yield
    }) : () -> ()
    %dma_start3A = arith.constant 0 : i32
    %dma_start3A_5 = arith.constant 0 : i32
    %dma_start3A_6 = tpu.memref_slice %arg9[%dma_start3A, %dma_start3A_5] : memref<408x64xf32, #tpu.memory_space<vmem>> -> memref<400x64xf32, #tpu.memory_space<vmem>>
    %dma_start3A_7 = arith.constant 0 : i32
    %dma_start3A_8 = tpu.memref_slice %arg8[%dma_start3A_7] : memref<25600xi32, #tpu.memory_space<vmem>> -> memref<400xi32, #tpu.memory_space<vmem>>
    %dma_start3A_9 = arith.constant 0 : i32
    %dma_start3A_10 = arith.constant 0 : i32
    %dma_start3A_11 = tpu.memref_slice %arg4[%dma_start3A_9, %dma_start3A_10] : memref<1000000x64xf32, #tpu.memory_space<hbm>> -> memref<1000000x64xf32, #tpu.memory_space<hbm>>
    tpu.enqueue_indirect_dma source(%dma_start3A_11 : memref<1000000x64xf32, #tpu.memory_space<hbm>>) target(%dma_start3A_6 : memref<400x64xf32, #tpu.memory_space<vmem>>) offsets(%dma_start3A_8 : memref<400xi32, #tpu.memory_space<vmem>>) semaphore(%arg16 : memref<!tpu.dma_semaphore, #tpu.memory_space<semaphore_mem>>)
    %dma_start3A_12 = arith.constant 0 : i32
    %dma_start3A_13 = tpu.memref_slice %arg11[%dma_start3A_12] : memref<408xf32, #tpu.memory_space<vmem>> -> memref<400xf32, #tpu.memory_space<vmem>>
    %dma_start3A_14 = arith.constant 0 : i32
    %dma_start3A_15 = tpu.memref_slice %arg8[%dma_start3A_14] : memref<25600xi32, #tpu.memory_space<vmem>> -> memref<400xi32, #tpu.memory_space<vmem>>
    %dma_start3A_16 = arith.constant 0 : i32
    %dma_start3A_17 = tpu.memref_slice %arg5[%dma_start3A_16] : memref<1000000xf32, #tpu.memory_space<hbm>> -> memref<1000000xf32, #tpu.memory_space<hbm>>
    tpu.enqueue_indirect_dma source(%dma_start3A_17 : memref<1000000xf32, #tpu.memory_space<hbm>>) target(%dma_start3A_13 : memref<400xf32, #tpu.memory_space<vmem>>) offsets(%dma_start3A_15 : memref<400xi32, #tpu.memory_space<vmem>>) semaphore(%arg18 : memref<!tpu.dma_semaphore, #tpu.memory_space<semaphore_mem>>)
    %dma_start3A_18 = arith.constant 0 : i32
    %dma_start3A_19 = arith.constant 0 : i32
    %dma_start3A_20 = tpu.memref_slice %arg10[%dma_start3A_18, %dma_start3A_19] : memref<408x64xf32, #tpu.memory_space<vmem>> -> memref<400x64xf32, #tpu.memory_space<vmem>>
    %dma_start3A_21 = arith.constant 400 : i32
    %dma_start3A_22 = tpu.memref_slice %arg8[%dma_start3A_21] : memref<25600xi32, #tpu.memory_space<vmem>> -> memref<400xi32, #tpu.memory_space<vmem>>
    %dma_start3A_23 = arith.constant 0 : i32
    %dma_start3A_24 = arith.constant 0 : i32
    %dma_start3A_25 = tpu.memref_slice %arg4[%dma_start3A_23, %dma_start3A_24] : memref<1000000x64xf32, #tpu.memory_space<hbm>> -> memref<1000000x64xf32, #tpu.memory_space<hbm>>
    tpu.enqueue_indirect_dma source(%dma_start3A_25 : memref<1000000x64xf32, #tpu.memory_space<hbm>>) target(%dma_start3A_20 : memref<400x64xf32, #tpu.memory_space<vmem>>) offsets(%dma_start3A_22 : memref<400xi32, #tpu.memory_space<vmem>>) semaphore(%arg17 : memref<!tpu.dma_semaphore, #tpu.memory_space<semaphore_mem>>)
    %dma_start3A_26 = arith.constant 0 : i32
    %dma_start3A_27 = tpu.memref_slice %arg12[%dma_start3A_26] : memref<408xf32, #tpu.memory_space<vmem>> -> memref<400xf32, #tpu.memory_space<vmem>>
    %dma_start3A_28 = arith.constant 400 : i32
    %dma_start3A_29 = tpu.memref_slice %arg8[%dma_start3A_28] : memref<25600xi32, #tpu.memory_space<vmem>> -> memref<400xi32, #tpu.memory_space<vmem>>
    %dma_start3A_30 = arith.constant 0 : i32
    %dma_start3A_31 = tpu.memref_slice %arg5[%dma_start3A_30] : memref<1000000xf32, #tpu.memory_space<hbm>> -> memref<1000000xf32, #tpu.memory_space<hbm>>
    tpu.enqueue_indirect_dma source(%dma_start3A_31 : memref<1000000xf32, #tpu.memory_space<hbm>>) target(%dma_start3A_27 : memref<400xf32, #tpu.memory_space<vmem>>) offsets(%dma_start3A_29 : memref<400xi32, #tpu.memory_space<vmem>>) semaphore(%arg19 : memref<!tpu.dma_semaphore, #tpu.memory_space<semaphore_mem>>)
    %scan3A = arith.constant 0 : i32
    %scan3A_32 = arith.constant 0 : i32
    %scan3A_33 = arith.constant 32 : i32
    %scan3A_34 = arith.addi %scan3A_32, %scan3A_33 : i32
    %scan3A_35 = arith.constant 1 : i32
    scf.for %scan3A_37 = %scan3A_32 to %scan3A_34 step %scan3A_35  : i32 {
      %mul3A_38 = arith.constant 2 : i32
      %mul3A_39 = arith.muli %scan3A_37, %mul3A_38 : i32
      %add3A_40 = arith.constant 0 : i32
      %add3A_41 = arith.addi %mul3A_39, %add3A_40 : i32
      %mul3A_42 = arith.constant 400 : i32
      %mul3A_43 = arith.muli %add3A_41, %mul3A_42 : i32
      %dma_wait3A = arith.constant 0 : i32
      %dma_wait3A_44 = arith.constant 0 : i32
      %dma_wait3A_45 = tpu.memref_slice %arg9[%dma_wait3A, %dma_wait3A_44] : memref<408x64xf32, #tpu.memory_space<vmem>> -> memref<400x64xf32, #tpu.memory_space<vmem>>
      %dma_wait3A_46 = tpu.memref_slice %arg8[%mul3A_43] : memref<25600xi32, #tpu.memory_space<vmem>> -> memref<400xi32, #tpu.memory_space<vmem>>
      %dma_wait3A_47 = arith.constant 0 : i32
      %dma_wait3A_48 = arith.constant 0 : i32
      %dma_wait3A_49 = tpu.memref_slice %arg4[%dma_wait3A_47, %dma_wait3A_48] : memref<1000000x64xf32, #tpu.memory_space<hbm>> -> memref<1000000x64xf32, #tpu.memory_space<hbm>>
      tpu.wait_indirect_dma semaphore(%arg16 : memref<!tpu.dma_semaphore, #tpu.memory_space<semaphore_mem>>) src(%dma_wait3A_49 : memref<1000000x64xf32, #tpu.memory_space<hbm>>) dst(%dma_wait3A_45 : memref<400x64xf32, #tpu.memory_space<vmem>>)
      %dma_wait3A_50 = arith.constant 0 : i32
      %dma_wait3A_51 = tpu.memref_slice %arg11[%dma_wait3A_50] : memref<408xf32, #tpu.memory_space<vmem>> -> memref<400xf32, #tpu.memory_space<vmem>>
      %dma_wait3A_52 = tpu.memref_slice %arg8[%mul3A_43] : memref<25600xi32, #tpu.memory_space<vmem>> -> memref<400xi32, #tpu.memory_space<vmem>>
      %dma_wait3A_53 = arith.constant 0 : i32
      %dma_wait3A_54 = tpu.memref_slice %arg5[%dma_wait3A_53] : memref<1000000xf32, #tpu.memory_space<hbm>> -> memref<1000000xf32, #tpu.memory_space<hbm>>
      tpu.wait_indirect_dma semaphore(%arg18 : memref<!tpu.dma_semaphore, #tpu.memory_space<semaphore_mem>>) src(%dma_wait3A_54 : memref<1000000xf32, #tpu.memory_space<hbm>>) dst(%dma_wait3A_51 : memref<400xf32, #tpu.memory_space<vmem>>)
      %mul3A_55 = arith.constant 2 : i32
      %mul3A_56 = arith.muli %add3A_41, %mul3A_55 : i32
      %add3A_57 = arith.constant 0 : i32
      %add3A_58 = arith.addi %mul3A_56, %add3A_57 : i32
      %get3A = arith.index_cast %add3A_58 : i32 to index
      %get3A_59 = arith.constant 0 : index
      %get3A_60 = tpu.vector_load %arg7[%get3A, %get3A_59] {strides = array<i32>} : memref<128x64xf32, #tpu.memory_space<vmem>>, vector<16xf32>,
      %swap3A = arith.constant 0 : index
      %swap3A_61 = tpu.vector_load %arg15[%swap3A] {strides = array<i32>} : memref<128xf32, #tpu.memory_space<vmem>>, vector<16xf32>,
      tpu.vector_store %arg15[%swap3A], %get3A_60 {strides = array<i32>} : memref<128xf32, #tpu.memory_space<vmem>>, vector<16xf32>,
      %swap3A_62 = arith.constant 64 : index
      %swap3A_63 = tpu.vector_load %arg15[%swap3A_62] {strides = array<i32>} : memref<128xf32, #tpu.memory_space<vmem>>, vector<16xf32>,
      tpu.vector_store %arg15[%swap3A_62], %get3A_60 {strides = array<i32>} : memref<128xf32, #tpu.memory_space<vmem>>, vector<16xf32>,
      %get3A_64 = arith.index_cast %add3A_58 : i32 to index
      %get3A_65 = arith.constant 16 : index
      %get3A_66 = tpu.vector_load %arg7[%get3A_64, %get3A_65] {strides = array<i32>} : memref<128x64xf32, #tpu.memory_space<vmem>>, vector<16xf32>,
      %swap3A_67 = arith.constant 16 : index
      %swap3A_68 = tpu.vector_load %arg15[%swap3A_67] {strides = array<i32>} : memref<128xf32, #tpu.memory_space<vmem>>, vector<16xf32>,
      tpu.vector_store %arg15[%swap3A_67], %get3A_66 {strides = array<i32>} : memref<128xf32, #tpu.memory_space<vmem>>, vector<16xf32>,
      %swap3A_69 = arith.constant 80 : index
      %swap3A_70 = tpu.vector_load %arg15[%swap3A_69] {strides = array<i32>} : memref<128xf32, #tpu.memory_space<vmem>>, vector<16xf32>,
      tpu.vector_store %arg15[%swap3A_69], %get3A_66 {strides = array<i32>} : memref<128xf32, #tpu.memory_space<vmem>>, vector<16xf32>,
      %get3A_71 = arith.index_cast %add3A_58 : i32 to index
      %get3A_72 = arith.constant 32 : index
      %get3A_73 = tpu.vector_load %arg7[%get3A_71, %get3A_72] {strides = array<i32>} : memref<128x64xf32, #tpu.memory_space<vmem>>, vector<16xf32>,
      %swap3A_74 = arith.constant 32 : index
      %swap3A_75 = tpu.vector_load %arg15[%swap3A_74] {strides = array<i32>} : memref<128xf32, #tpu.memory_space<vmem>>, vector<16xf32>,
      tpu.vector_store %arg15[%swap3A_74], %get3A_73 {strides = array<i32>} : memref<128xf32, #tpu.memory_space<vmem>>, vector<16xf32>,
      %swap3A_76 = arith.constant 96 : index
      %swap3A_77 = tpu.vector_load %arg15[%swap3A_76] {strides = array<i32>} : memref<128xf32, #tpu.memory_space<vmem>>, vector<16xf32>,
      tpu.vector_store %arg15[%swap3A_76], %get3A_73 {strides = array<i32>} : memref<128xf32, #tpu.memory_space<vmem>>, vector<16xf32>,
      %get3A_78 = arith.index_cast %add3A_58 : i32 to index
      %get3A_79 = arith.constant 48 : index
      %get3A_80 = tpu.vector_load %arg7[%get3A_78, %get3A_79] {strides = array<i32>} : memref<128x64xf32, #tpu.memory_space<vmem>>, vector<16xf32>,
      %swap3A_81 = arith.constant 48 : index
      %swap3A_82 = tpu.vector_load %arg15[%swap3A_81] {strides = array<i32>} : memref<128xf32, #tpu.memory_space<vmem>>, vector<16xf32>,
      tpu.vector_store %arg15[%swap3A_81], %get3A_80 {strides = array<i32>} : memref<128xf32, #tpu.memory_space<vmem>>, vector<16xf32>,
      %swap3A_83 = arith.constant 112 : index
      %swap3A_84 = tpu.vector_load %arg15[%swap3A_83] {strides = array<i32>} : memref<128xf32, #tpu.memory_space<vmem>>, vector<16xf32>,
      tpu.vector_store %arg15[%swap3A_83], %get3A_80 {strides = array<i32>} : memref<128xf32, #tpu.memory_space<vmem>>, vector<16xf32>,
      %scan3A_85 = arith.constant 0 : i32
      %scan3A_86 = arith.constant 0 : i32
      %scan3A_87 = arith.constant 13 : i32
      %scan3A_88 = arith.addi %scan3A_86, %scan3A_87 : i32
      %scan3A_89 = arith.constant 1 : i32
      scf.for %scan3A_244 = %scan3A_86 to %scan3A_88 step %scan3A_89  : i32 {
        %mul3A_245 = arith.constant 16 : i32
        %mul3A_246 = arith.muli %scan3A_244, %mul3A_245 : i32
        %add3A_247 = arith.constant 0 : i32
        %add3A_248 = arith.addi %add3A_247, %mul3A_246 : i32
        %iota3A = tpu.iota {dimensions = array<i32: 0>} : vector<16xi32>
        %add3A_249 = vector.broadcast %add3A_248 : i32 to vector<16xi32>
        %add3A_250 = arith.addi %add3A_249, %iota3A : vector<16xi32>
        %gather3A = tpu.vector_load_idx %arg11[%add3A_250] : memref<408xf32, #tpu.memory_space<vmem>>[vector<16xi32>], vector<16xf32>,
        %iota3A_251 = tpu.iota {dimensions = array<i32: 0>} : vector<16xi32>
        %gather3A_252 = tpu.vector_load_idx %arg9[%add3A_250, %iota3A_251] : memref<408x64xf32, #tpu.memory_space<vmem>>[vector<16xi32>, vector<16xi32>], vector<16xf32>,
        %get3A_253 = arith.constant 0 : index
        %get3A_254 = tpu.vector_load %arg15[%get3A_253] {strides = array<i32>} : memref<128xf32, #tpu.memory_space<vmem>>, vector<16xf32>,
        %mul3A_255 = arith.mulf %gather3A_252, %get3A_254 : vector<16xf32>
        %add3A_256 = arith.addf %gather3A, %mul3A_255 : vector<16xf32>
        %add3A_257 = arith.constant 1 : i32
        %add3A_258 = vector.broadcast %add3A_257 : i32 to vector<16xi32>
        %add3A_259 = arith.addi %iota3A_251, %add3A_258 : vector<16xi32>
        %and3A = arith.constant 63 : i32
        %and3A_260 = vector.broadcast %and3A : i32 to vector<16xi32>
        %and3A_261 = arith.andi %add3A_259, %and3A_260 : vector<16xi32>
        %gather3A_262 = tpu.vector_load_idx %arg9[%add3A_250, %and3A_261] : memref<408x64xf32, #tpu.memory_space<vmem>>[vector<16xi32>, vector<16xi32>], vector<16xf32>,
        %get3A_263 = arith.constant 1 : index
        %get3A_264 = tpu.vector_load %arg15[%get3A_263] {strides = array<i32>} : memref<128xf32, #tpu.memory_space<vmem>>, vector<16xf32>,
        %mul3A_265 = arith.mulf %gather3A_262, %get3A_264 : vector<16xf32>
        %add3A_266 = arith.addf %add3A_256, %mul3A_265 : vector<16xf32>
        %add3A_267 = arith.constant 1 : i32
        %add3A_268 = vector.broadcast %add3A_267 : i32 to vector<16xi32>
        %add3A_269 = arith.addi %and3A_261, %add3A_268 : vector<16xi32>
        %and3A_270 = arith.constant 63 : i32
        %and3A_271 = vector.broadcast %and3A_270 : i32 to vector<16xi32>
        %and3A_272 = arith.andi %add3A_269, %and3A_271 : vector<16xi32>
        %gather3A_273 = tpu.vector_load_idx %arg9[%add3A_250, %and3A_272] : memref<408x64xf32, #tpu.memory_space<vmem>>[vector<16xi32>, vector<16xi32>], vector<16xf32>,
        %get3A_274 = arith.constant 2 : index
        %get3A_275 = tpu.vector_load %arg15[%get3A_274] {strides = array<i32>} : memref<128xf32, #tpu.memory_space<vmem>>, vector<16xf32>,
        %mul3A_276 = arith.mulf %gather3A_273, %get3A_275 : vector<16xf32>
        %add3A_277 = arith.addf %add3A_266, %mul3A_276 : vector<16xf32>
        %add3A_278 = arith.constant 1 : i32
        %add3A_279 = vector.broadcast %add3A_278 : i32 to vector<16xi32>
        %add3A_280 = arith.addi %and3A_272, %add3A_279 : vector<16xi32>
        %and3A_281 = arith.constant 63 : i32
        %and3A_282 = vector.broadcast %and3A_281 : i32 to vector<16xi32>
        %and3A_283 = arith.andi %add3A_280, %and3A_282 : vector<16xi32>
        %gather3A_284 = tpu.vector_load_idx %arg9[%add3A_250, %and3A_283] : memref<408x64xf32, #tpu.memory_space<vmem>>[vector<16xi32>, vector<16xi32>], vector<16xf32>,
        %get3A_285 = arith.constant 3 : index
        %get3A_286 = tpu.vector_load %arg15[%get3A_285] {strides = array<i32>} : memref<128xf32, #tpu.memory_space<vmem>>, vector<16xf32>,
        %mul3A_287 = arith.mulf %gather3A_284, %get3A_286 : vector<16xf32>
        %add3A_288 = arith.addf %add3A_277, %mul3A_287 : vector<16xf32>
        %add3A_289 = arith.constant 1 : i32
        %add3A_290 = vector.broadcast %add3A_289 : i32 to vector<16xi32>
        %add3A_291 = arith.addi %and3A_283, %add3A_290 : vector<16xi32>
        %and3A_292 = arith.constant 63 : i32
        %and3A_293 = vector.broadcast %and3A_292 : i32 to vector<16xi32>
        %and3A_294 = arith.andi %add3A_291, %and3A_293 : vector<16xi32>
        %gather3A_295 = tpu.vector_load_idx %arg9[%add3A_250, %and3A_294] : memref<408x64xf32, #tpu.memory_space<vmem>>[vector<16xi32>, vector<16xi32>], vector<16xf32>,
        %get3A_296 = arith.constant 4 : index
        %get3A_297 = tpu.vector_load %arg15[%get3A_296] {strides = array<i32>} : memref<128xf32, #tpu.memory_space<vmem>>, vector<16xf32>,
        %mul3A_298 = arith.mulf %gather3A_295, %get3A_297 : vector<16xf32>
        %add3A_299 = arith.addf %add3A_288, %mul3A_298 : vector<16xf32>
        %add3A_300 = arith.constant 1 : i32
        %add3A_301 = vector.broadcast %add3A_300 : i32 to vector<16xi32>
        %add3A_302 = arith.addi %and3A_294, %add3A_301 : vector<16xi32>
        %and3A_303 = arith.constant 63 : i32
        %and3A_304 = vector.broadcast %and3A_303 : i32 to vector<16xi32>
        %and3A_305 = arith.andi %add3A_302, %and3A_304 : vector<16xi32>
        %gather3A_306 = tpu.vector_load_idx %arg9[%add3A_250, %and3A_305] : memref<408x64xf32, #tpu.memory_space<vmem>>[vector<16xi32>, vector<16xi32>], vector<16xf32>,
        %get3A_307 = arith.constant 5 : index
        %get3A_308 = tpu.vector_load %arg15[%get3A_307] {strides = array<i32>} : memref<128xf32, #tpu.memory_space<vmem>>, vector<16xf32>,
        %mul3A_309 = arith.mulf %gather3A_306, %get3A_308 : vector<16xf32>
        %add3A_310 = arith.addf %add3A_299, %mul3A_309 : vector<16xf32>
        %add3A_311 = arith.constant 1 : i32
        %add3A_312 = vector.broadcast %add3A_311 : i32 to vector<16xi32>
        %add3A_313 = arith.addi %and3A_305, %add3A_312 : vector<16xi32>
        %and3A_314 = arith.constant 63 : i32
        %and3A_315 = vector.broadcast %and3A_314 : i32 to vector<16xi32>
        %and3A_316 = arith.andi %add3A_313, %and3A_315 : vector<16xi32>
        %gather3A_317 = tpu.vector_load_idx %arg9[%add3A_250, %and3A_316] : memref<408x64xf32, #tpu.memory_space<vmem>>[vector<16xi32>, vector<16xi32>], vector<16xf32>,
        %get3A_318 = arith.constant 6 : index
        %get3A_319 = tpu.vector_load %arg15[%get3A_318] {strides = array<i32>} : memref<128xf32, #tpu.memory_space<vmem>>, vector<16xf32>,
        %mul3A_320 = arith.mulf %gather3A_317, %get3A_319 : vector<16xf32>
        %add3A_321 = arith.addf %add3A_310, %mul3A_320 : vector<16xf32>
        %add3A_322 = arith.constant 1 : i32
        %add3A_323 = vector.broadcast %add3A_322 : i32 to vector<16xi32>
        %add3A_324 = arith.addi %and3A_316, %add3A_323 : vector<16xi32>
        %and3A_325 = arith.constant 63 : i32
        %and3A_326 = vector.broadcast %and3A_325 : i32 to vector<16xi32>
        %and3A_327 = arith.andi %add3A_324, %and3A_326 : vector<16xi32>
        %gather3A_328 = tpu.vector_load_idx %arg9[%add3A_250, %and3A_327] : memref<408x64xf32, #tpu.memory_space<vmem>>[vector<16xi32>, vector<16xi32>], vector<16xf32>,
        %get3A_329 = arith.constant 7 : index
        %get3A_330 = tpu.vector_load %arg15[%get3A_329] {strides = array<i32>} : memref<128xf32, #tpu.memory_space<vmem>>, vector<16xf32>,
        %mul3A_331 = arith.mulf %gather3A_328, %get3A_330 : vector<16xf32>
        %add3A_332 = arith.addf %add3A_321, %mul3A_331 : vector<16xf32>
        %add3A_333 = arith.constant 1 : i32
        %add3A_334 = vector.broadcast %add3A_333 : i32 to vector<16xi32>
        %add3A_335 = arith.addi %and3A_327, %add3A_334 : vector<16xi32>
        %and3A_336 = arith.constant 63 : i32
        %and3A_337 = vector.broadcast %and3A_336 : i32 to vector<16xi32>
        %and3A_338 = arith.andi %add3A_335, %and3A_337 : vector<16xi32>
        %gather3A_339 = tpu.vector_load_idx %arg9[%add3A_250, %and3A_338] : memref<408x64xf32, #tpu.memory_space<vmem>>[vector<16xi32>, vector<16xi32>], vector<16xf32>,
        %get3A_340 = arith.constant 8 : index
        %get3A_341 = tpu.vector_load %arg15[%get3A_340] {strides = array<i32>} : memref<128xf32, #tpu.memory_space<vmem>>, vector<16xf32>,
        %mul3A_342 = arith.mulf %gather3A_339, %get3A_341 : vector<16xf32>
        %add3A_343 = arith.addf %add3A_332, %mul3A_342 : vector<16xf32>
        %add3A_344 = arith.constant 1 : i32
        %add3A_345 = vector.broadcast %add3A_344 : i32 to vector<16xi32>
        %add3A_346 = arith.addi %and3A_338, %add3A_345 : vector<16xi32>
        %and3A_347 = arith.constant 63 : i32
        %and3A_348 = vector.broadcast %and3A_347 : i32 to vector<16xi32>
        %and3A_349 = arith.andi %add3A_346, %and3A_348 : vector<16xi32>
        %gather3A_350 = tpu.vector_load_idx %arg9[%add3A_250, %and3A_349] : memref<408x64xf32, #tpu.memory_space<vmem>>[vector<16xi32>, vector<16xi32>], vector<16xf32>,
        %get3A_351 = arith.constant 9 : index
        %get3A_352 = tpu.vector_load %arg15[%get3A_351] {strides = array<i32>} : memref<128xf32, #tpu.memory_space<vmem>>, vector<16xf32>,
        %mul3A_353 = arith.mulf %gather3A_350, %get3A_352 : vector<16xf32>
        %add3A_354 = arith.addf %add3A_343, %mul3A_353 : vector<16xf32>
        %add3A_355 = arith.constant 1 : i32
        %add3A_356 = vector.broadcast %add3A_355 : i32 to vector<16xi32>
        %add3A_357 = arith.addi %and3A_349, %add3A_356 : vector<16xi32>
        %and3A_358 = arith.constant 63 : i32
        %and3A_359 = vector.broadcast %and3A_358 : i32 to vector<16xi32>
        %and3A_360 = arith.andi %add3A_357, %and3A_359 : vector<16xi32>
        %gather3A_361 = tpu.vector_load_idx %arg9[%add3A_250, %and3A_360] : memref<408x64xf32, #tpu.memory_space<vmem>>[vector<16xi32>, vector<16xi32>], vector<16xf32>,
        %get3A_362 = arith.constant 10 : index
        %get3A_363 = tpu.vector_load %arg15[%get3A_362] {strides = array<i32>} : memref<128xf32, #tpu.memory_space<vmem>>, vector<16xf32>,
        %mul3A_364 = arith.mulf %gather3A_361, %get3A_363 : vector<16xf32>
        %add3A_365 = arith.addf %add3A_354, %mul3A_364 : vector<16xf32>
        %add3A_366 = arith.constant 1 : i32
        %add3A_367 = vector.broadcast %add3A_366 : i32 to vector<16xi32>
        %add3A_368 = arith.addi %and3A_360, %add3A_367 : vector<16xi32>
        %and3A_369 = arith.constant 63 : i32
        %and3A_370 = vector.broadcast %and3A_369 : i32 to vector<16xi32>
        %and3A_371 = arith.andi %add3A_368, %and3A_370 : vector<16xi32>
        %gather3A_372 = tpu.vector_load_idx %arg9[%add3A_250, %and3A_371] : memref<408x64xf32, #tpu.memory_space<vmem>>[vector<16xi32>, vector<16xi32>], vector<16xf32>,
        %get3A_373 = arith.constant 11 : index
        %get3A_374 = tpu.vector_load %arg15[%get3A_373] {strides = array<i32>} : memref<128xf32, #tpu.memory_space<vmem>>, vector<16xf32>,
        %mul3A_375 = arith.mulf %gather3A_372, %get3A_374 : vector<16xf32>
        %add3A_376 = arith.addf %add3A_365, %mul3A_375 : vector<16xf32>
        %add3A_377 = arith.constant 1 : i32
        %add3A_378 = vector.broadcast %add3A_377 : i32 to vector<16xi32>
        %add3A_379 = arith.addi %and3A_371, %add3A_378 : vector<16xi32>
        %and3A_380 = arith.constant 63 : i32
        %and3A_381 = vector.broadcast %and3A_380 : i32 to vector<16xi32>
        %and3A_382 = arith.andi %add3A_379, %and3A_381 : vector<16xi32>
        %gather3A_383 = tpu.vector_load_idx %arg9[%add3A_250, %and3A_382] : memref<408x64xf32, #tpu.memory_space<vmem>>[vector<16xi32>, vector<16xi32>], vector<16xf32>,
        %get3A_384 = arith.constant 12 : index
        %get3A_385 = tpu.vector_load %arg15[%get3A_384] {strides = array<i32>} : memref<128xf32, #tpu.memory_space<vmem>>, vector<16xf32>,
        %mul3A_386 = arith.mulf %gather3A_383, %get3A_385 : vector<16xf32>
        %add3A_387 = arith.addf %add3A_376, %mul3A_386 : vector<16xf32>
        %add3A_388 = arith.constant 1 : i32
        %add3A_389 = vector.broadcast %add3A_388 : i32 to vector<16xi32>
        %add3A_390 = arith.addi %and3A_382, %add3A_389 : vector<16xi32>
        %and3A_391 = arith.constant 63 : i32
        %and3A_392 = vector.broadcast %and3A_391 : i32 to vector<16xi32>
        %and3A_393 = arith.andi %add3A_390, %and3A_392 : vector<16xi32>
        %gather3A_394 = tpu.vector_load_idx %arg9[%add3A_250, %and3A_393] : memref<408x64xf32, #tpu.memory_space<vmem>>[vector<16xi32>, vector<16xi32>], vector<16xf32>,
        %get3A_395 = arith.constant 13 : index
        %get3A_396 = tpu.vector_load %arg15[%get3A_395] {strides = array<i32>} : memref<128xf32, #tpu.memory_space<vmem>>, vector<16xf32>,
        %mul3A_397 = arith.mulf %gather3A_394, %get3A_396 : vector<16xf32>
        %add3A_398 = arith.addf %add3A_387, %mul3A_397 : vector<16xf32>
        %add3A_399 = arith.constant 1 : i32
        %add3A_400 = vector.broadcast %add3A_399 : i32 to vector<16xi32>
        %add3A_401 = arith.addi %and3A_393, %add3A_400 : vector<16xi32>
        %and3A_402 = arith.constant 63 : i32
        %and3A_403 = vector.broadcast %and3A_402 : i32 to vector<16xi32>
        %and3A_404 = arith.andi %add3A_401, %and3A_403 : vector<16xi32>
        %gather3A_405 = tpu.vector_load_idx %arg9[%add3A_250, %and3A_404] : memref<408x64xf32, #tpu.memory_space<vmem>>[vector<16xi32>, vector<16xi32>], vector<16xf32>,
        %get3A_406 = arith.constant 14 : index
        %get3A_407 = tpu.vector_load %arg15[%get3A_406] {strides = array<i32>} : memref<128xf32, #tpu.memory_space<vmem>>, vector<16xf32>,
        %mul3A_408 = arith.mulf %gather3A_405, %get3A_407 : vector<16xf32>
        %add3A_409 = arith.addf %add3A_398, %mul3A_408 : vector<16xf32>
        %add3A_410 = arith.constant 1 : i32
        %add3A_411 = vector.broadcast %add3A_410 : i32 to vector<16xi32>
        %add3A_412 = arith.addi %and3A_404, %add3A_411 : vector<16xi32>
        %and3A_413 = arith.constant 63 : i32
        %and3A_414 = vector.broadcast %and3A_413 : i32 to vector<16xi32>
        %and3A_415 = arith.andi %add3A_412, %and3A_414 : vector<16xi32>
        %gather3A_416 = tpu.vector_load_idx %arg9[%add3A_250, %and3A_415] : memref<408x64xf32, #tpu.memory_space<vmem>>[vector<16xi32>, vector<16xi32>], vector<16xf32>,
        %get3A_417 = arith.constant 15 : index
        %get3A_418 = tpu.vector_load %arg15[%get3A_417] {strides = array<i32>} : memref<128xf32, #tpu.memory_space<vmem>>, vector<16xf32>,
        %mul3A_419 = arith.mulf %gather3A_416, %get3A_418 : vector<16xf32>
        %add3A_420 = arith.addf %add3A_409, %mul3A_419 : vector<16xf32>
        %add3A_421 = arith.constant 1 : i32
        %add3A_422 = vector.broadcast %add3A_421 : i32 to vector<16xi32>
        %add3A_423 = arith.addi %and3A_415, %add3A_422 : vector<16xi32>
        %and3A_424 = arith.constant 63 : i32
        %and3A_425 = vector.broadcast %and3A_424 : i32 to vector<16xi32>
        %and3A_426 = arith.andi %add3A_423, %and3A_425 : vector<16xi32>
        %gather3A_427 = tpu.vector_load_idx %arg9[%add3A_250, %and3A_426] : memref<408x64xf32, #tpu.memory_space<vmem>>[vector<16xi32>, vector<16xi32>], vector<16xf32>,
        %get3A_428 = arith.constant 16 : index
        %get3A_429 = tpu.vector_load %arg15[%get3A_428] {strides = array<i32>} : memref<128xf32, #tpu.memory_space<vmem>>, vector<16xf32>,
        %mul3A_430 = arith.mulf %gather3A_427, %get3A_429 : vector<16xf32>
        %add3A_431 = arith.addf %add3A_420, %mul3A_430 : vector<16xf32>
        %add3A_432 = arith.constant 1 : i32
        %add3A_433 = vector.broadcast %add3A_432 : i32 to vector<16xi32>
        %add3A_434 = arith.addi %and3A_426, %add3A_433 : vector<16xi32>
        %and3A_435 = arith.constant 63 : i32
        %and3A_436 = vector.broadcast %and3A_435 : i32 to vector<16xi32>
        %and3A_437 = arith.andi %add3A_434, %and3A_436 : vector<16xi32>
        %gather3A_438 = tpu.vector_load_idx %arg9[%add3A_250, %and3A_437] : memref<408x64xf32, #tpu.memory_space<vmem>>[vector<16xi32>, vector<16xi32>], vector<16xf32>,
        %get3A_439 = arith.constant 17 : index
        %get3A_440 = tpu.vector_load %arg15[%get3A_439] {strides = array<i32>} : memref<128xf32, #tpu.memory_space<vmem>>, vector<16xf32>,
        %mul3A_441 = arith.mulf %gather3A_438, %get3A_440 : vector<16xf32>
        %add3A_442 = arith.addf %add3A_431, %mul3A_441 : vector<16xf32>
        %add3A_443 = arith.constant 1 : i32
        %add3A_444 = vector.broadcast %add3A_443 : i32 to vector<16xi32>
        %add3A_445 = arith.addi %and3A_437, %add3A_444 : vector<16xi32>
        %and3A_446 = arith.constant 63 : i32
        %and3A_447 = vector.broadcast %and3A_446 : i32 to vector<16xi32>
        %and3A_448 = arith.andi %add3A_445, %and3A_447 : vector<16xi32>
        %gather3A_449 = tpu.vector_load_idx %arg9[%add3A_250, %and3A_448] : memref<408x64xf32, #tpu.memory_space<vmem>>[vector<16xi32>, vector<16xi32>], vector<16xf32>,
        %get3A_450 = arith.constant 18 : index
        %get3A_451 = tpu.vector_load %arg15[%get3A_450] {strides = array<i32>} : memref<128xf32, #tpu.memory_space<vmem>>, vector<16xf32>,
        %mul3A_452 = arith.mulf %gather3A_449, %get3A_451 : vector<16xf32>
        %add3A_453 = arith.addf %add3A_442, %mul3A_452 : vector<16xf32>
        %add3A_454 = arith.constant 1 : i32
        %add3A_455 = vector.broadcast %add3A_454 : i32 to vector<16xi32>
        %add3A_456 = arith.addi %and3A_448, %add3A_455 : vector<16xi32>
        %and3A_457 = arith.constant 63 : i32
        %and3A_458 = vector.broadcast %and3A_457 : i32 to vector<16xi32>
        %and3A_459 = arith.andi %add3A_456, %and3A_458 : vector<16xi32>
        %gather3A_460 = tpu.vector_load_idx %arg9[%add3A_250, %and3A_459] : memref<408x64xf32, #tpu.memory_space<vmem>>[vector<16xi32>, vector<16xi32>], vector<16xf32>,
        %get3A_461 = arith.constant 19 : index
        %get3A_462 = tpu.vector_load %arg15[%get3A_461] {strides = array<i32>} : memref<128xf32, #tpu.memory_space<vmem>>, vector<16xf32>,
        %mul3A_463 = arith.mulf %gather3A_460, %get3A_462 : vector<16xf32>
        %add3A_464 = arith.addf %add3A_453, %mul3A_463 : vector<16xf32>
        %add3A_465 = arith.constant 1 : i32
        %add3A_466 = vector.broadcast %add3A_465 : i32 to vector<16xi32>
        %add3A_467 = arith.addi %and3A_459, %add3A_466 : vector<16xi32>
        %and3A_468 = arith.constant 63 : i32
        %and3A_469 = vector.broadcast %and3A_468 : i32 to vector<16xi32>
        %and3A_470 = arith.andi %add3A_467, %and3A_469 : vector<16xi32>
        %gather3A_471 = tpu.vector_load_idx %arg9[%add3A_250, %and3A_470] : memref<408x64xf32, #tpu.memory_space<vmem>>[vector<16xi32>, vector<16xi32>], vector<16xf32>,
        %get3A_472 = arith.constant 20 : index
        %get3A_473 = tpu.vector_load %arg15[%get3A_472] {strides = array<i32>} : memref<128xf32, #tpu.memory_space<vmem>>, vector<16xf32>,
        %mul3A_474 = arith.mulf %gather3A_471, %get3A_473 : vector<16xf32>
        %add3A_475 = arith.addf %add3A_464, %mul3A_474 : vector<16xf32>
        %add3A_476 = arith.constant 1 : i32
        %add3A_477 = vector.broadcast %add3A_476 : i32 to vector<16xi32>
        %add3A_478 = arith.addi %and3A_470, %add3A_477 : vector<16xi32>
        %and3A_479 = arith.constant 63 : i32
        %and3A_480 = vector.broadcast %and3A_479 : i32 to vector<16xi32>
        %and3A_481 = arith.andi %add3A_478, %and3A_480 : vector<16xi32>
        %gather3A_482 = tpu.vector_load_idx %arg9[%add3A_250, %and3A_481] : memref<408x64xf32, #tpu.memory_space<vmem>>[vector<16xi32>, vector<16xi32>], vector<16xf32>,
        %get3A_483 = arith.constant 21 : index
        %get3A_484 = tpu.vector_load %arg15[%get3A_483] {strides = array<i32>} : memref<128xf32, #tpu.memory_space<vmem>>, vector<16xf32>,
        %mul3A_485 = arith.mulf %gather3A_482, %get3A_484 : vector<16xf32>
        %add3A_486 = arith.addf %add3A_475, %mul3A_485 : vector<16xf32>
        %add3A_487 = arith.constant 1 : i32
        %add3A_488 = vector.broadcast %add3A_487 : i32 to vector<16xi32>
        %add3A_489 = arith.addi %and3A_481, %add3A_488 : vector<16xi32>
        %and3A_490 = arith.constant 63 : i32
        %and3A_491 = vector.broadcast %and3A_490 : i32 to vector<16xi32>
        %and3A_492 = arith.andi %add3A_489, %and3A_491 : vector<16xi32>
        %gather3A_493 = tpu.vector_load_idx %arg9[%add3A_250, %and3A_492] : memref<408x64xf32, #tpu.memory_space<vmem>>[vector<16xi32>, vector<16xi32>], vector<16xf32>,
        %get3A_494 = arith.constant 22 : index
        %get3A_495 = tpu.vector_load %arg15[%get3A_494] {strides = array<i32>} : memref<128xf32, #tpu.memory_space<vmem>>, vector<16xf32>,
        %mul3A_496 = arith.mulf %gather3A_493, %get3A_495 : vector<16xf32>
        %add3A_497 = arith.addf %add3A_486, %mul3A_496 : vector<16xf32>
        %add3A_498 = arith.constant 1 : i32
        %add3A_499 = vector.broadcast %add3A_498 : i32 to vector<16xi32>
        %add3A_500 = arith.addi %and3A_492, %add3A_499 : vector<16xi32>
        %and3A_501 = arith.constant 63 : i32
        %and3A_502 = vector.broadcast %and3A_501 : i32 to vector<16xi32>
        %and3A_503 = arith.andi %add3A_500, %and3A_502 : vector<16xi32>
        %gather3A_504 = tpu.vector_load_idx %arg9[%add3A_250, %and3A_503] : memref<408x64xf32, #tpu.memory_space<vmem>>[vector<16xi32>, vector<16xi32>], vector<16xf32>,
        %get3A_505 = arith.constant 23 : index
        %get3A_506 = tpu.vector_load %arg15[%get3A_505] {strides = array<i32>} : memref<128xf32, #tpu.memory_space<vmem>>, vector<16xf32>,
        %mul3A_507 = arith.mulf %gather3A_504, %get3A_506 : vector<16xf32>
        %add3A_508 = arith.addf %add3A_497, %mul3A_507 : vector<16xf32>
        %add3A_509 = arith.constant 1 : i32
        %add3A_510 = vector.broadcast %add3A_509 : i32 to vector<16xi32>
        %add3A_511 = arith.addi %and3A_503, %add3A_510 : vector<16xi32>
        %and3A_512 = arith.constant 63 : i32
        %and3A_513 = vector.broadcast %and3A_512 : i32 to vector<16xi32>
        %and3A_514 = arith.andi %add3A_511, %and3A_513 : vector<16xi32>
        %gather3A_515 = tpu.vector_load_idx %arg9[%add3A_250, %and3A_514] : memref<408x64xf32, #tpu.memory_space<vmem>>[vector<16xi32>, vector<16xi32>], vector<16xf32>,
        %get3A_516 = arith.constant 24 : index
        %get3A_517 = tpu.vector_load %arg15[%get3A_516] {strides = array<i32>} : memref<128xf32, #tpu.memory_space<vmem>>, vector<16xf32>,
        %mul3A_518 = arith.mulf %gather3A_515, %get3A_517 : vector<16xf32>
        %add3A_519 = arith.addf %add3A_508, %mul3A_518 : vector<16xf32>
        %add3A_520 = arith.constant 1 : i32
        %add3A_521 = vector.broadcast %add3A_520 : i32 to vector<16xi32>
        %add3A_522 = arith.addi %and3A_514, %add3A_521 : vector<16xi32>
        %and3A_523 = arith.constant 63 : i32
        %and3A_524 = vector.broadcast %and3A_523 : i32 to vector<16xi32>
        %and3A_525 = arith.andi %add3A_522, %and3A_524 : vector<16xi32>
        %gather3A_526 = tpu.vector_load_idx %arg9[%add3A_250, %and3A_525] : memref<408x64xf32, #tpu.memory_space<vmem>>[vector<16xi32>, vector<16xi32>], vector<16xf32>,
        %get3A_527 = arith.constant 25 : index
        %get3A_528 = tpu.vector_load %arg15[%get3A_527] {strides = array<i32>} : memref<128xf32, #tpu.memory_space<vmem>>, vector<16xf32>,
        %mul3A_529 = arith.mulf %gather3A_526, %get3A_528 : vector<16xf32>
        %add3A_530 = arith.addf %add3A_519, %mul3A_529 : vector<16xf32>
        %add3A_531 = arith.constant 1 : i32
        %add3A_532 = vector.broadcast %add3A_531 : i32 to vector<16xi32>
        %add3A_533 = arith.addi %and3A_525, %add3A_532 : vector<16xi32>
        %and3A_534 = arith.constant 63 : i32
        %and3A_535 = vector.broadcast %and3A_534 : i32 to vector<16xi32>
        %and3A_536 = arith.andi %add3A_533, %and3A_535 : vector<16xi32>
        %gather3A_537 = tpu.vector_load_idx %arg9[%add3A_250, %and3A_536] : memref<408x64xf32, #tpu.memory_space<vmem>>[vector<16xi32>, vector<16xi32>], vector<16xf32>,
        %get3A_538 = arith.constant 26 : index
        %get3A_539 = tpu.vector_load %arg15[%get3A_538] {strides = array<i32>} : memref<128xf32, #tpu.memory_space<vmem>>, vector<16xf32>,
        %mul3A_540 = arith.mulf %gather3A_537, %get3A_539 : vector<16xf32>
        %add3A_541 = arith.addf %add3A_530, %mul3A_540 : vector<16xf32>
        %add3A_542 = arith.constant 1 : i32
        %add3A_543 = vector.broadcast %add3A_542 : i32 to vector<16xi32>
        %add3A_544 = arith.addi %and3A_536, %add3A_543 : vector<16xi32>
        %and3A_545 = arith.constant 63 : i32
        %and3A_546 = vector.broadcast %and3A_545 : i32 to vector<16xi32>
        %and3A_547 = arith.andi %add3A_544, %and3A_546 : vector<16xi32>
        %gather3A_548 = tpu.vector_load_idx %arg9[%add3A_250, %and3A_547] : memref<408x64xf32, #tpu.memory_space<vmem>>[vector<16xi32>, vector<16xi32>], vector<16xf32>,
        %get3A_549 = arith.constant 27 : index
        %get3A_550 = tpu.vector_load %arg15[%get3A_549] {strides = array<i32>} : memref<128xf32, #tpu.memory_space<vmem>>, vector<16xf32>,
        %mul3A_551 = arith.mulf %gather3A_548, %get3A_550 : vector<16xf32>
        %add3A_552 = arith.addf %add3A_541, %mul3A_551 : vector<16xf32>
        %add3A_553 = arith.constant 1 : i32
        %add3A_554 = vector.broadcast %add3A_553 : i32 to vector<16xi32>
        %add3A_555 = arith.addi %and3A_547, %add3A_554 : vector<16xi32>
        %and3A_556 = arith.constant 63 : i32
        %and3A_557 = vector.broadcast %and3A_556 : i32 to vector<16xi32>
        %and3A_558 = arith.andi %add3A_555, %and3A_557 : vector<16xi32>
        %gather3A_559 = tpu.vector_load_idx %arg9[%add3A_250, %and3A_558] : memref<408x64xf32, #tpu.memory_space<vmem>>[vector<16xi32>, vector<16xi32>], vector<16xf32>,
        %get3A_560 = arith.constant 28 : index
        %get3A_561 = tpu.vector_load %arg15[%get3A_560] {strides = array<i32>} : memref<128xf32, #tpu.memory_space<vmem>>, vector<16xf32>,
        %mul3A_562 = arith.mulf %gather3A_559, %get3A_561 : vector<16xf32>
        %add3A_563 = arith.addf %add3A_552, %mul3A_562 : vector<16xf32>
        %add3A_564 = arith.constant 1 : i32
        %add3A_565 = vector.broadcast %add3A_564 : i32 to vector<16xi32>
        %add3A_566 = arith.addi %and3A_558, %add3A_565 : vector<16xi32>
        %and3A_567 = arith.constant 63 : i32
        %and3A_568 = vector.broadcast %and3A_567 : i32 to vector<16xi32>
        %and3A_569 = arith.andi %add3A_566, %and3A_568 : vector<16xi32>
        %gather3A_570 = tpu.vector_load_idx %arg9[%add3A_250, %and3A_569] : memref<408x64xf32, #tpu.memory_space<vmem>>[vector<16xi32>, vector<16xi32>], vector<16xf32>,
        %get3A_571 = arith.constant 29 : index
        %get3A_572 = tpu.vector_load %arg15[%get3A_571] {strides = array<i32>} : memref<128xf32, #tpu.memory_space<vmem>>, vector<16xf32>,
        %mul3A_573 = arith.mulf %gather3A_570, %get3A_572 : vector<16xf32>
        %add3A_574 = arith.addf %add3A_563, %mul3A_573 : vector<16xf32>
        %add3A_575 = arith.constant 1 : i32
        %add3A_576 = vector.broadcast %add3A_575 : i32 to vector<16xi32>
        %add3A_577 = arith.addi %and3A_569, %add3A_576 : vector<16xi32>
        %and3A_578 = arith.constant 63 : i32
        %and3A_579 = vector.broadcast %and3A_578 : i32 to vector<16xi32>
        %and3A_580 = arith.andi %add3A_577, %and3A_579 : vector<16xi32>
        %gather3A_581 = tpu.vector_load_idx %arg9[%add3A_250, %and3A_580] : memref<408x64xf32, #tpu.memory_space<vmem>>[vector<16xi32>, vector<16xi32>], vector<16xf32>,
        %get3A_582 = arith.constant 30 : index
        %get3A_583 = tpu.vector_load %arg15[%get3A_582] {strides = array<i32>} : memref<128xf32, #tpu.memory_space<vmem>>, vector<16xf32>,
        %mul3A_584 = arith.mulf %gather3A_581, %get3A_583 : vector<16xf32>
        %add3A_585 = arith.addf %add3A_574, %mul3A_584 : vector<16xf32>
        %add3A_586 = arith.constant 1 : i32
        %add3A_587 = vector.broadcast %add3A_586 : i32 to vector<16xi32>
        %add3A_588 = arith.addi %and3A_580, %add3A_587 : vector<16xi32>
        %and3A_589 = arith.constant 63 : i32
        %and3A_590 = vector.broadcast %and3A_589 : i32 to vector<16xi32>
        %and3A_591 = arith.andi %add3A_588, %and3A_590 : vector<16xi32>
        %gather3A_592 = tpu.vector_load_idx %arg9[%add3A_250, %and3A_591] : memref<408x64xf32, #tpu.memory_space<vmem>>[vector<16xi32>, vector<16xi32>], vector<16xf32>,
        %get3A_593 = arith.constant 31 : index
        %get3A_594 = tpu.vector_load %arg15[%get3A_593] {strides = array<i32>} : memref<128xf32, #tpu.memory_space<vmem>>, vector<16xf32>,
        %mul3A_595 = arith.mulf %gather3A_592, %get3A_594 : vector<16xf32>
        %add3A_596 = arith.addf %add3A_585, %mul3A_595 : vector<16xf32>
        %add3A_597 = arith.constant 1 : i32
        %add3A_598 = vector.broadcast %add3A_597 : i32 to vector<16xi32>
        %add3A_599 = arith.addi %and3A_591, %add3A_598 : vector<16xi32>
        %and3A_600 = arith.constant 63 : i32
        %and3A_601 = vector.broadcast %and3A_600 : i32 to vector<16xi32>
        %and3A_602 = arith.andi %add3A_599, %and3A_601 : vector<16xi32>
        %gather3A_603 = tpu.vector_load_idx %arg9[%add3A_250, %and3A_602] : memref<408x64xf32, #tpu.memory_space<vmem>>[vector<16xi32>, vector<16xi32>], vector<16xf32>,
        %get3A_604 = arith.constant 32 : index
        %get3A_605 = tpu.vector_load %arg15[%get3A_604] {strides = array<i32>} : memref<128xf32, #tpu.memory_space<vmem>>, vector<16xf32>,
        %mul3A_606 = arith.mulf %gather3A_603, %get3A_605 : vector<16xf32>
        %add3A_607 = arith.addf %add3A_596, %mul3A_606 : vector<16xf32>
        %add3A_608 = arith.constant 1 : i32
        %add3A_609 = vector.broadcast %add3A_608 : i32 to vector<16xi32>
        %add3A_610 = arith.addi %and3A_602, %add3A_609 : vector<16xi32>
        %and3A_611 = arith.constant 63 : i32
        %and3A_612 = vector.broadcast %and3A_611 : i32 to vector<16xi32>
        %and3A_613 = arith.andi %add3A_610, %and3A_612 : vector<16xi32>
        %gather3A_614 = tpu.vector_load_idx %arg9[%add3A_250, %and3A_613] : memref<408x64xf32, #tpu.memory_space<vmem>>[vector<16xi32>, vector<16xi32>], vector<16xf32>,
        %get3A_615 = arith.constant 33 : index
        %get3A_616 = tpu.vector_load %arg15[%get3A_615] {strides = array<i32>} : memref<128xf32, #tpu.memory_space<vmem>>, vector<16xf32>,
        %mul3A_617 = arith.mulf %gather3A_614, %get3A_616 : vector<16xf32>
        %add3A_618 = arith.addf %add3A_607, %mul3A_617 : vector<16xf32>
        %add3A_619 = arith.constant 1 : i32
        %add3A_620 = vector.broadcast %add3A_619 : i32 to vector<16xi32>
        %add3A_621 = arith.addi %and3A_613, %add3A_620 : vector<16xi32>
        %and3A_622 = arith.constant 63 : i32
        %and3A_623 = vector.broadcast %and3A_622 : i32 to vector<16xi32>
        %and3A_624 = arith.andi %add3A_621, %and3A_623 : vector<16xi32>
        %gather3A_625 = tpu.vector_load_idx %arg9[%add3A_250, %and3A_624] : memref<408x64xf32, #tpu.memory_space<vmem>>[vector<16xi32>, vector<16xi32>], vector<16xf32>,
        %get3A_626 = arith.constant 34 : index
        %get3A_627 = tpu.vector_load %arg15[%get3A_626] {strides = array<i32>} : memref<128xf32, #tpu.memory_space<vmem>>, vector<16xf32>,
        %mul3A_628 = arith.mulf %gather3A_625, %get3A_627 : vector<16xf32>
        %add3A_629 = arith.addf %add3A_618, %mul3A_628 : vector<16xf32>
        %add3A_630 = arith.constant 1 : i32
        %add3A_631 = vector.broadcast %add3A_630 : i32 to vector<16xi32>
        %add3A_632 = arith.addi %and3A_624, %add3A_631 : vector<16xi32>
        %and3A_633 = arith.constant 63 : i32
        %and3A_634 = vector.broadcast %and3A_633 : i32 to vector<16xi32>
        %and3A_635 = arith.andi %add3A_632, %and3A_634 : vector<16xi32>
        %gather3A_636 = tpu.vector_load_idx %arg9[%add3A_250, %and3A_635] : memref<408x64xf32, #tpu.memory_space<vmem>>[vector<16xi32>, vector<16xi32>], vector<16xf32>,
        %get3A_637 = arith.constant 35 : index
        %get3A_638 = tpu.vector_load %arg15[%get3A_637] {strides = array<i32>} : memref<128xf32, #tpu.memory_space<vmem>>, vector<16xf32>,
        %mul3A_639 = arith.mulf %gather3A_636, %get3A_638 : vector<16xf32>
        %add3A_640 = arith.addf %add3A_629, %mul3A_639 : vector<16xf32>
        %add3A_641 = arith.constant 1 : i32
        %add3A_642 = vector.broadcast %add3A_641 : i32 to vector<16xi32>
        %add3A_643 = arith.addi %and3A_635, %add3A_642 : vector<16xi32>
        %and3A_644 = arith.constant 63 : i32
        %and3A_645 = vector.broadcast %and3A_644 : i32 to vector<16xi32>
        %and3A_646 = arith.andi %add3A_643, %and3A_645 : vector<16xi32>
        %gather3A_647 = tpu.vector_load_idx %arg9[%add3A_250, %and3A_646] : memref<408x64xf32, #tpu.memory_space<vmem>>[vector<16xi32>, vector<16xi32>], vector<16xf32>,
        %get3A_648 = arith.constant 36 : index
        %get3A_649 = tpu.vector_load %arg15[%get3A_648] {strides = array<i32>} : memref<128xf32, #tpu.memory_space<vmem>>, vector<16xf32>,
        %mul3A_650 = arith.mulf %gather3A_647, %get3A_649 : vector<16xf32>
        %add3A_651 = arith.addf %add3A_640, %mul3A_650 : vector<16xf32>
        %add3A_652 = arith.constant 1 : i32
        %add3A_653 = vector.broadcast %add3A_652 : i32 to vector<16xi32>
        %add3A_654 = arith.addi %and3A_646, %add3A_653 : vector<16xi32>
        %and3A_655 = arith.constant 63 : i32
        %and3A_656 = vector.broadcast %and3A_655 : i32 to vector<16xi32>
        %and3A_657 = arith.andi %add3A_654, %and3A_656 : vector<16xi32>
        %gather3A_658 = tpu.vector_load_idx %arg9[%add3A_250, %and3A_657] : memref<408x64xf32, #tpu.memory_space<vmem>>[vector<16xi32>, vector<16xi32>], vector<16xf32>,
        %get3A_659 = arith.constant 37 : index
        %get3A_660 = tpu.vector_load %arg15[%get3A_659] {strides = array<i32>} : memref<128xf32, #tpu.memory_space<vmem>>, vector<16xf32>,
        %mul3A_661 = arith.mulf %gather3A_658, %get3A_660 : vector<16xf32>
        %add3A_662 = arith.addf %add3A_651, %mul3A_661 : vector<16xf32>
        %add3A_663 = arith.constant 1 : i32
        %add3A_664 = vector.broadcast %add3A_663 : i32 to vector<16xi32>
        %add3A_665 = arith.addi %and3A_657, %add3A_664 : vector<16xi32>
        %and3A_666 = arith.constant 63 : i32
        %and3A_667 = vector.broadcast %and3A_666 : i32 to vector<16xi32>
        %and3A_668 = arith.andi %add3A_665, %and3A_667 : vector<16xi32>
        %gather3A_669 = tpu.vector_load_idx %arg9[%add3A_250, %and3A_668] : memref<408x64xf32, #tpu.memory_space<vmem>>[vector<16xi32>, vector<16xi32>], vector<16xf32>,
        %get3A_670 = arith.constant 38 : index
        %get3A_671 = tpu.vector_load %arg15[%get3A_670] {strides = array<i32>} : memref<128xf32, #tpu.memory_space<vmem>>, vector<16xf32>,
        %mul3A_672 = arith.mulf %gather3A_669, %get3A_671 : vector<16xf32>
        %add3A_673 = arith.addf %add3A_662, %mul3A_672 : vector<16xf32>
        %add3A_674 = arith.constant 1 : i32
        %add3A_675 = vector.broadcast %add3A_674 : i32 to vector<16xi32>
        %add3A_676 = arith.addi %and3A_668, %add3A_675 : vector<16xi32>
        %and3A_677 = arith.constant 63 : i32
        %and3A_678 = vector.broadcast %and3A_677 : i32 to vector<16xi32>
        %and3A_679 = arith.andi %add3A_676, %and3A_678 : vector<16xi32>
        %gather3A_680 = tpu.vector_load_idx %arg9[%add3A_250, %and3A_679] : memref<408x64xf32, #tpu.memory_space<vmem>>[vector<16xi32>, vector<16xi32>], vector<16xf32>,
        %get3A_681 = arith.constant 39 : index
        %get3A_682 = tpu.vector_load %arg15[%get3A_681] {strides = array<i32>} : memref<128xf32, #tpu.memory_space<vmem>>, vector<16xf32>,
        %mul3A_683 = arith.mulf %gather3A_680, %get3A_682 : vector<16xf32>
        %add3A_684 = arith.addf %add3A_673, %mul3A_683 : vector<16xf32>
        %add3A_685 = arith.constant 1 : i32
        %add3A_686 = vector.broadcast %add3A_685 : i32 to vector<16xi32>
        %add3A_687 = arith.addi %and3A_679, %add3A_686 : vector<16xi32>
        %and3A_688 = arith.constant 63 : i32
        %and3A_689 = vector.broadcast %and3A_688 : i32 to vector<16xi32>
        %and3A_690 = arith.andi %add3A_687, %and3A_689 : vector<16xi32>
        %gather3A_691 = tpu.vector_load_idx %arg9[%add3A_250, %and3A_690] : memref<408x64xf32, #tpu.memory_space<vmem>>[vector<16xi32>, vector<16xi32>], vector<16xf32>,
        %get3A_692 = arith.constant 40 : index
        %get3A_693 = tpu.vector_load %arg15[%get3A_692] {strides = array<i32>} : memref<128xf32, #tpu.memory_space<vmem>>, vector<16xf32>,
        %mul3A_694 = arith.mulf %gather3A_691, %get3A_693 : vector<16xf32>
        %add3A_695 = arith.addf %add3A_684, %mul3A_694 : vector<16xf32>
        %add3A_696 = arith.constant 1 : i32
        %add3A_697 = vector.broadcast %add3A_696 : i32 to vector<16xi32>
        %add3A_698 = arith.addi %and3A_690, %add3A_697 : vector<16xi32>
        %and3A_699 = arith.constant 63 : i32
        %and3A_700 = vector.broadcast %and3A_699 : i32 to vector<16xi32>
        %and3A_701 = arith.andi %add3A_698, %and3A_700 : vector<16xi32>
        %gather3A_702 = tpu.vector_load_idx %arg9[%add3A_250, %and3A_701] : memref<408x64xf32, #tpu.memory_space<vmem>>[vector<16xi32>, vector<16xi32>], vector<16xf32>,
        %get3A_703 = arith.constant 41 : index
        %get3A_704 = tpu.vector_load %arg15[%get3A_703] {strides = array<i32>} : memref<128xf32, #tpu.memory_space<vmem>>, vector<16xf32>,
        %mul3A_705 = arith.mulf %gather3A_702, %get3A_704 : vector<16xf32>
        %add3A_706 = arith.addf %add3A_695, %mul3A_705 : vector<16xf32>
        %add3A_707 = arith.constant 1 : i32
        %add3A_708 = vector.broadcast %add3A_707 : i32 to vector<16xi32>
        %add3A_709 = arith.addi %and3A_701, %add3A_708 : vector<16xi32>
        %and3A_710 = arith.constant 63 : i32
        %and3A_711 = vector.broadcast %and3A_710 : i32 to vector<16xi32>
        %and3A_712 = arith.andi %add3A_709, %and3A_711 : vector<16xi32>
        %gather3A_713 = tpu.vector_load_idx %arg9[%add3A_250, %and3A_712] : memref<408x64xf32, #tpu.memory_space<vmem>>[vector<16xi32>, vector<16xi32>], vector<16xf32>,
        %get3A_714 = arith.constant 42 : index
        %get3A_715 = tpu.vector_load %arg15[%get3A_714] {strides = array<i32>} : memref<128xf32, #tpu.memory_space<vmem>>, vector<16xf32>,
        %mul3A_716 = arith.mulf %gather3A_713, %get3A_715 : vector<16xf32>
        %add3A_717 = arith.addf %add3A_706, %mul3A_716 : vector<16xf32>
        %add3A_718 = arith.constant 1 : i32
        %add3A_719 = vector.broadcast %add3A_718 : i32 to vector<16xi32>
        %add3A_720 = arith.addi %and3A_712, %add3A_719 : vector<16xi32>
        %and3A_721 = arith.constant 63 : i32
        %and3A_722 = vector.broadcast %and3A_721 : i32 to vector<16xi32>
        %and3A_723 = arith.andi %add3A_720, %and3A_722 : vector<16xi32>
        %gather3A_724 = tpu.vector_load_idx %arg9[%add3A_250, %and3A_723] : memref<408x64xf32, #tpu.memory_space<vmem>>[vector<16xi32>, vector<16xi32>], vector<16xf32>,
        %get3A_725 = arith.constant 43 : index
        %get3A_726 = tpu.vector_load %arg15[%get3A_725] {strides = array<i32>} : memref<128xf32, #tpu.memory_space<vmem>>, vector<16xf32>,
        %mul3A_727 = arith.mulf %gather3A_724, %get3A_726 : vector<16xf32>
        %add3A_728 = arith.addf %add3A_717, %mul3A_727 : vector<16xf32>
        %add3A_729 = arith.constant 1 : i32
        %add3A_730 = vector.broadcast %add3A_729 : i32 to vector<16xi32>
        %add3A_731 = arith.addi %and3A_723, %add3A_730 : vector<16xi32>
        %and3A_732 = arith.constant 63 : i32
        %and3A_733 = vector.broadcast %and3A_732 : i32 to vector<16xi32>
        %and3A_734 = arith.andi %add3A_731, %and3A_733 : vector<16xi32>
        %gather3A_735 = tpu.vector_load_idx %arg9[%add3A_250, %and3A_734] : memref<408x64xf32, #tpu.memory_space<vmem>>[vector<16xi32>, vector<16xi32>], vector<16xf32>,
        %get3A_736 = arith.constant 44 : index
        %get3A_737 = tpu.vector_load %arg15[%get3A_736] {strides = array<i32>} : memref<128xf32, #tpu.memory_space<vmem>>, vector<16xf32>,
        %mul3A_738 = arith.mulf %gather3A_735, %get3A_737 : vector<16xf32>
        %add3A_739 = arith.addf %add3A_728, %mul3A_738 : vector<16xf32>
        %add3A_740 = arith.constant 1 : i32
        %add3A_741 = vector.broadcast %add3A_740 : i32 to vector<16xi32>
        %add3A_742 = arith.addi %and3A_734, %add3A_741 : vector<16xi32>
        %and3A_743 = arith.constant 63 : i32
        %and3A_744 = vector.broadcast %and3A_743 : i32 to vector<16xi32>
        %and3A_745 = arith.andi %add3A_742, %and3A_744 : vector<16xi32>
        %gather3A_746 = tpu.vector_load_idx %arg9[%add3A_250, %and3A_745] : memref<408x64xf32, #tpu.memory_space<vmem>>[vector<16xi32>, vector<16xi32>], vector<16xf32>,
        %get3A_747 = arith.constant 45 : index
        %get3A_748 = tpu.vector_load %arg15[%get3A_747] {strides = array<i32>} : memref<128xf32, #tpu.memory_space<vmem>>, vector<16xf32>,
        %mul3A_749 = arith.mulf %gather3A_746, %get3A_748 : vector<16xf32>
        %add3A_750 = arith.addf %add3A_739, %mul3A_749 : vector<16xf32>
        %add3A_751 = arith.constant 1 : i32
        %add3A_752 = vector.broadcast %add3A_751 : i32 to vector<16xi32>
        %add3A_753 = arith.addi %and3A_745, %add3A_752 : vector<16xi32>
        %and3A_754 = arith.constant 63 : i32
        %and3A_755 = vector.broadcast %and3A_754 : i32 to vector<16xi32>
        %and3A_756 = arith.andi %add3A_753, %and3A_755 : vector<16xi32>
        %gather3A_757 = tpu.vector_load_idx %arg9[%add3A_250, %and3A_756] : memref<408x64xf32, #tpu.memory_space<vmem>>[vector<16xi32>, vector<16xi32>], vector<16xf32>,
        %get3A_758 = arith.constant 46 : index
        %get3A_759 = tpu.vector_load %arg15[%get3A_758] {strides = array<i32>} : memref<128xf32, #tpu.memory_space<vmem>>, vector<16xf32>,
        %mul3A_760 = arith.mulf %gather3A_757, %get3A_759 : vector<16xf32>
        %add3A_761 = arith.addf %add3A_750, %mul3A_760 : vector<16xf32>
        %add3A_762 = arith.constant 1 : i32
        %add3A_763 = vector.broadcast %add3A_762 : i32 to vector<16xi32>
        %add3A_764 = arith.addi %and3A_756, %add3A_763 : vector<16xi32>
        %and3A_765 = arith.constant 63 : i32
        %and3A_766 = vector.broadcast %and3A_765 : i32 to vector<16xi32>
        %and3A_767 = arith.andi %add3A_764, %and3A_766 : vector<16xi32>
        %gather3A_768 = tpu.vector_load_idx %arg9[%add3A_250, %and3A_767] : memref<408x64xf32, #tpu.memory_space<vmem>>[vector<16xi32>, vector<16xi32>], vector<16xf32>,
        %get3A_769 = arith.constant 47 : index
        %get3A_770 = tpu.vector_load %arg15[%get3A_769] {strides = array<i32>} : memref<128xf32, #tpu.memory_space<vmem>>, vector<16xf32>,
        %mul3A_771 = arith.mulf %gather3A_768, %get3A_770 : vector<16xf32>
        %add3A_772 = arith.addf %add3A_761, %mul3A_771 : vector<16xf32>
        %add3A_773 = arith.constant 1 : i32
        %add3A_774 = vector.broadcast %add3A_773 : i32 to vector<16xi32>
        %add3A_775 = arith.addi %and3A_767, %add3A_774 : vector<16xi32>
        %and3A_776 = arith.constant 63 : i32
        %and3A_777 = vector.broadcast %and3A_776 : i32 to vector<16xi32>
        %and3A_778 = arith.andi %add3A_775, %and3A_777 : vector<16xi32>
        %gather3A_779 = tpu.vector_load_idx %arg9[%add3A_250, %and3A_778] : memref<408x64xf32, #tpu.memory_space<vmem>>[vector<16xi32>, vector<16xi32>], vector<16xf32>,
        %get3A_780 = arith.constant 48 : index
        %get3A_781 = tpu.vector_load %arg15[%get3A_780] {strides = array<i32>} : memref<128xf32, #tpu.memory_space<vmem>>, vector<16xf32>,
        %mul3A_782 = arith.mulf %gather3A_779, %get3A_781 : vector<16xf32>
        %add3A_783 = arith.addf %add3A_772, %mul3A_782 : vector<16xf32>
        %add3A_784 = arith.constant 1 : i32
        %add3A_785 = vector.broadcast %add3A_784 : i32 to vector<16xi32>
        %add3A_786 = arith.addi %and3A_778, %add3A_785 : vector<16xi32>
        %and3A_787 = arith.constant 63 : i32
        %and3A_788 = vector.broadcast %and3A_787 : i32 to vector<16xi32>
        %and3A_789 = arith.andi %add3A_786, %and3A_788 : vector<16xi32>
        %gather3A_790 = tpu.vector_load_idx %arg9[%add3A_250, %and3A_789] : memref<408x64xf32, #tpu.memory_space<vmem>>[vector<16xi32>, vector<16xi32>], vector<16xf32>,
        %get3A_791 = arith.constant 49 : index
        %get3A_792 = tpu.vector_load %arg15[%get3A_791] {strides = array<i32>} : memref<128xf32, #tpu.memory_space<vmem>>, vector<16xf32>,
        %mul3A_793 = arith.mulf %gather3A_790, %get3A_792 : vector<16xf32>
        %add3A_794 = arith.addf %add3A_783, %mul3A_793 : vector<16xf32>
        %add3A_795 = arith.constant 1 : i32
        %add3A_796 = vector.broadcast %add3A_795 : i32 to vector<16xi32>
        %add3A_797 = arith.addi %and3A_789, %add3A_796 : vector<16xi32>
        %and3A_798 = arith.constant 63 : i32
        %and3A_799 = vector.broadcast %and3A_798 : i32 to vector<16xi32>
        %and3A_800 = arith.andi %add3A_797, %and3A_799 : vector<16xi32>
        %gather3A_801 = tpu.vector_load_idx %arg9[%add3A_250, %and3A_800] : memref<408x64xf32, #tpu.memory_space<vmem>>[vector<16xi32>, vector<16xi32>], vector<16xf32>,
        %get3A_802 = arith.constant 50 : index
        %get3A_803 = tpu.vector_load %arg15[%get3A_802] {strides = array<i32>} : memref<128xf32, #tpu.memory_space<vmem>>, vector<16xf32>,
        %mul3A_804 = arith.mulf %gather3A_801, %get3A_803 : vector<16xf32>
        %add3A_805 = arith.addf %add3A_794, %mul3A_804 : vector<16xf32>
        %add3A_806 = arith.constant 1 : i32
        %add3A_807 = vector.broadcast %add3A_806 : i32 to vector<16xi32>
        %add3A_808 = arith.addi %and3A_800, %add3A_807 : vector<16xi32>
        %and3A_809 = arith.constant 63 : i32
        %and3A_810 = vector.broadcast %and3A_809 : i32 to vector<16xi32>
        %and3A_811 = arith.andi %add3A_808, %and3A_810 : vector<16xi32>
        %gather3A_812 = tpu.vector_load_idx %arg9[%add3A_250, %and3A_811] : memref<408x64xf32, #tpu.memory_space<vmem>>[vector<16xi32>, vector<16xi32>], vector<16xf32>,
        %get3A_813 = arith.constant 51 : index
        %get3A_814 = tpu.vector_load %arg15[%get3A_813] {strides = array<i32>} : memref<128xf32, #tpu.memory_space<vmem>>, vector<16xf32>,
        %mul3A_815 = arith.mulf %gather3A_812, %get3A_814 : vector<16xf32>
        %add3A_816 = arith.addf %add3A_805, %mul3A_815 : vector<16xf32>
        %add3A_817 = arith.constant 1 : i32
        %add3A_818 = vector.broadcast %add3A_817 : i32 to vector<16xi32>
        %add3A_819 = arith.addi %and3A_811, %add3A_818 : vector<16xi32>
        %and3A_820 = arith.constant 63 : i32
        %and3A_821 = vector.broadcast %and3A_820 : i32 to vector<16xi32>
        %and3A_822 = arith.andi %add3A_819, %and3A_821 : vector<16xi32>
        %gather3A_823 = tpu.vector_load_idx %arg9[%add3A_250, %and3A_822] : memref<408x64xf32, #tpu.memory_space<vmem>>[vector<16xi32>, vector<16xi32>], vector<16xf32>,
        %get3A_824 = arith.constant 52 : index
        %get3A_825 = tpu.vector_load %arg15[%get3A_824] {strides = array<i32>} : memref<128xf32, #tpu.memory_space<vmem>>, vector<16xf32>,
        %mul3A_826 = arith.mulf %gather3A_823, %get3A_825 : vector<16xf32>
        %add3A_827 = arith.addf %add3A_816, %mul3A_826 : vector<16xf32>
        %add3A_828 = arith.constant 1 : i32
        %add3A_829 = vector.broadcast %add3A_828 : i32 to vector<16xi32>
        %add3A_830 = arith.addi %and3A_822, %add3A_829 : vector<16xi32>
        %and3A_831 = arith.constant 63 : i32
        %and3A_832 = vector.broadcast %and3A_831 : i32 to vector<16xi32>
        %and3A_833 = arith.andi %add3A_830, %and3A_832 : vector<16xi32>
        %gather3A_834 = tpu.vector_load_idx %arg9[%add3A_250, %and3A_833] : memref<408x64xf32, #tpu.memory_space<vmem>>[vector<16xi32>, vector<16xi32>], vector<16xf32>,
        %get3A_835 = arith.constant 53 : index
        %get3A_836 = tpu.vector_load %arg15[%get3A_835] {strides = array<i32>} : memref<128xf32, #tpu.memory_space<vmem>>, vector<16xf32>,
        %mul3A_837 = arith.mulf %gather3A_834, %get3A_836 : vector<16xf32>
        %add3A_838 = arith.addf %add3A_827, %mul3A_837 : vector<16xf32>
        %add3A_839 = arith.constant 1 : i32
        %add3A_840 = vector.broadcast %add3A_839 : i32 to vector<16xi32>
        %add3A_841 = arith.addi %and3A_833, %add3A_840 : vector<16xi32>
        %and3A_842 = arith.constant 63 : i32
        %and3A_843 = vector.broadcast %and3A_842 : i32 to vector<16xi32>
        %and3A_844 = arith.andi %add3A_841, %and3A_843 : vector<16xi32>
        %gather3A_845 = tpu.vector_load_idx %arg9[%add3A_250, %and3A_844] : memref<408x64xf32, #tpu.memory_space<vmem>>[vector<16xi32>, vector<16xi32>], vector<16xf32>,
        %get3A_846 = arith.constant 54 : index
        %get3A_847 = tpu.vector_load %arg15[%get3A_846] {strides = array<i32>} : memref<128xf32, #tpu.memory_space<vmem>>, vector<16xf32>,
        %mul3A_848 = arith.mulf %gather3A_845, %get3A_847 : vector<16xf32>
        %add3A_849 = arith.addf %add3A_838, %mul3A_848 : vector<16xf32>
        %add3A_850 = arith.constant 1 : i32
        %add3A_851 = vector.broadcast %add3A_850 : i32 to vector<16xi32>
        %add3A_852 = arith.addi %and3A_844, %add3A_851 : vector<16xi32>
        %and3A_853 = arith.constant 63 : i32
        %and3A_854 = vector.broadcast %and3A_853 : i32 to vector<16xi32>
        %and3A_855 = arith.andi %add3A_852, %and3A_854 : vector<16xi32>
        %gather3A_856 = tpu.vector_load_idx %arg9[%add3A_250, %and3A_855] : memref<408x64xf32, #tpu.memory_space<vmem>>[vector<16xi32>, vector<16xi32>], vector<16xf32>,
        %get3A_857 = arith.constant 55 : index
        %get3A_858 = tpu.vector_load %arg15[%get3A_857] {strides = array<i32>} : memref<128xf32, #tpu.memory_space<vmem>>, vector<16xf32>,
        %mul3A_859 = arith.mulf %gather3A_856, %get3A_858 : vector<16xf32>
        %add3A_860 = arith.addf %add3A_849, %mul3A_859 : vector<16xf32>
        %add3A_861 = arith.constant 1 : i32
        %add3A_862 = vector.broadcast %add3A_861 : i32 to vector<16xi32>
        %add3A_863 = arith.addi %and3A_855, %add3A_862 : vector<16xi32>
        %and3A_864 = arith.constant 63 : i32
        %and3A_865 = vector.broadcast %and3A_864 : i32 to vector<16xi32>
        %and3A_866 = arith.andi %add3A_863, %and3A_865 : vector<16xi32>
        %gather3A_867 = tpu.vector_load_idx %arg9[%add3A_250, %and3A_866] : memref<408x64xf32, #tpu.memory_space<vmem>>[vector<16xi32>, vector<16xi32>], vector<16xf32>,
        %get3A_868 = arith.constant 56 : index
        %get3A_869 = tpu.vector_load %arg15[%get3A_868] {strides = array<i32>} : memref<128xf32, #tpu.memory_space<vmem>>, vector<16xf32>,
        %mul3A_870 = arith.mulf %gather3A_867, %get3A_869 : vector<16xf32>
        %add3A_871 = arith.addf %add3A_860, %mul3A_870 : vector<16xf32>
        %add3A_872 = arith.constant 1 : i32
        %add3A_873 = vector.broadcast %add3A_872 : i32 to vector<16xi32>
        %add3A_874 = arith.addi %and3A_866, %add3A_873 : vector<16xi32>
        %and3A_875 = arith.constant 63 : i32
        %and3A_876 = vector.broadcast %and3A_875 : i32 to vector<16xi32>
        %and3A_877 = arith.andi %add3A_874, %and3A_876 : vector<16xi32>
        %gather3A_878 = tpu.vector_load_idx %arg9[%add3A_250, %and3A_877] : memref<408x64xf32, #tpu.memory_space<vmem>>[vector<16xi32>, vector<16xi32>], vector<16xf32>,
        %get3A_879 = arith.constant 57 : index
        %get3A_880 = tpu.vector_load %arg15[%get3A_879] {strides = array<i32>} : memref<128xf32, #tpu.memory_space<vmem>>, vector<16xf32>,
        %mul3A_881 = arith.mulf %gather3A_878, %get3A_880 : vector<16xf32>
        %add3A_882 = arith.addf %add3A_871, %mul3A_881 : vector<16xf32>
        %add3A_883 = arith.constant 1 : i32
        %add3A_884 = vector.broadcast %add3A_883 : i32 to vector<16xi32>
        %add3A_885 = arith.addi %and3A_877, %add3A_884 : vector<16xi32>
        %and3A_886 = arith.constant 63 : i32
        %and3A_887 = vector.broadcast %and3A_886 : i32 to vector<16xi32>
        %and3A_888 = arith.andi %add3A_885, %and3A_887 : vector<16xi32>
        %gather3A_889 = tpu.vector_load_idx %arg9[%add3A_250, %and3A_888] : memref<408x64xf32, #tpu.memory_space<vmem>>[vector<16xi32>, vector<16xi32>], vector<16xf32>,
        %get3A_890 = arith.constant 58 : index
        %get3A_891 = tpu.vector_load %arg15[%get3A_890] {strides = array<i32>} : memref<128xf32, #tpu.memory_space<vmem>>, vector<16xf32>,
        %mul3A_892 = arith.mulf %gather3A_889, %get3A_891 : vector<16xf32>
        %add3A_893 = arith.addf %add3A_882, %mul3A_892 : vector<16xf32>
        %add3A_894 = arith.constant 1 : i32
        %add3A_895 = vector.broadcast %add3A_894 : i32 to vector<16xi32>
        %add3A_896 = arith.addi %and3A_888, %add3A_895 : vector<16xi32>
        %and3A_897 = arith.constant 63 : i32
        %and3A_898 = vector.broadcast %and3A_897 : i32 to vector<16xi32>
        %and3A_899 = arith.andi %add3A_896, %and3A_898 : vector<16xi32>
        %gather3A_900 = tpu.vector_load_idx %arg9[%add3A_250, %and3A_899] : memref<408x64xf32, #tpu.memory_space<vmem>>[vector<16xi32>, vector<16xi32>], vector<16xf32>,
        %get3A_901 = arith.constant 59 : index
        %get3A_902 = tpu.vector_load %arg15[%get3A_901] {strides = array<i32>} : memref<128xf32, #tpu.memory_space<vmem>>, vector<16xf32>,
        %mul3A_903 = arith.mulf %gather3A_900, %get3A_902 : vector<16xf32>
        %add3A_904 = arith.addf %add3A_893, %mul3A_903 : vector<16xf32>
        %add3A_905 = arith.constant 1 : i32
        %add3A_906 = vector.broadcast %add3A_905 : i32 to vector<16xi32>
        %add3A_907 = arith.addi %and3A_899, %add3A_906 : vector<16xi32>
        %and3A_908 = arith.constant 63 : i32
        %and3A_909 = vector.broadcast %and3A_908 : i32 to vector<16xi32>
        %and3A_910 = arith.andi %add3A_907, %and3A_909 : vector<16xi32>
        %gather3A_911 = tpu.vector_load_idx %arg9[%add3A_250, %and3A_910] : memref<408x64xf32, #tpu.memory_space<vmem>>[vector<16xi32>, vector<16xi32>], vector<16xf32>,
        %get3A_912 = arith.constant 60 : index
        %get3A_913 = tpu.vector_load %arg15[%get3A_912] {strides = array<i32>} : memref<128xf32, #tpu.memory_space<vmem>>, vector<16xf32>,
        %mul3A_914 = arith.mulf %gather3A_911, %get3A_913 : vector<16xf32>
        %add3A_915 = arith.addf %add3A_904, %mul3A_914 : vector<16xf32>
        %add3A_916 = arith.constant 1 : i32
        %add3A_917 = vector.broadcast %add3A_916 : i32 to vector<16xi32>
        %add3A_918 = arith.addi %and3A_910, %add3A_917 : vector<16xi32>
        %and3A_919 = arith.constant 63 : i32
        %and3A_920 = vector.broadcast %and3A_919 : i32 to vector<16xi32>
        %and3A_921 = arith.andi %add3A_918, %and3A_920 : vector<16xi32>
        %gather3A_922 = tpu.vector_load_idx %arg9[%add3A_250, %and3A_921] : memref<408x64xf32, #tpu.memory_space<vmem>>[vector<16xi32>, vector<16xi32>], vector<16xf32>,
        %get3A_923 = arith.constant 61 : index
        %get3A_924 = tpu.vector_load %arg15[%get3A_923] {strides = array<i32>} : memref<128xf32, #tpu.memory_space<vmem>>, vector<16xf32>,
        %mul3A_925 = arith.mulf %gather3A_922, %get3A_924 : vector<16xf32>
        %add3A_926 = arith.addf %add3A_915, %mul3A_925 : vector<16xf32>
        %add3A_927 = arith.constant 1 : i32
        %add3A_928 = vector.broadcast %add3A_927 : i32 to vector<16xi32>
        %add3A_929 = arith.addi %and3A_921, %add3A_928 : vector<16xi32>
        %and3A_930 = arith.constant 63 : i32
        %and3A_931 = vector.broadcast %and3A_930 : i32 to vector<16xi32>
        %and3A_932 = arith.andi %add3A_929, %and3A_931 : vector<16xi32>
        %gather3A_933 = tpu.vector_load_idx %arg9[%add3A_250, %and3A_932] : memref<408x64xf32, #tpu.memory_space<vmem>>[vector<16xi32>, vector<16xi32>], vector<16xf32>,
        %get3A_934 = arith.constant 62 : index
        %get3A_935 = tpu.vector_load %arg15[%get3A_934] {strides = array<i32>} : memref<128xf32, #tpu.memory_space<vmem>>, vector<16xf32>,
        %mul3A_936 = arith.mulf %gather3A_933, %get3A_935 : vector<16xf32>
        %add3A_937 = arith.addf %add3A_926, %mul3A_936 : vector<16xf32>
        %add3A_938 = arith.constant 1 : i32
        %add3A_939 = vector.broadcast %add3A_938 : i32 to vector<16xi32>
        %add3A_940 = arith.addi %and3A_932, %add3A_939 : vector<16xi32>
        %and3A_941 = arith.constant 63 : i32
        %and3A_942 = vector.broadcast %and3A_941 : i32 to vector<16xi32>
        %and3A_943 = arith.andi %add3A_940, %and3A_942 : vector<16xi32>
        %gather3A_944 = tpu.vector_load_idx %arg9[%add3A_250, %and3A_943] : memref<408x64xf32, #tpu.memory_space<vmem>>[vector<16xi32>, vector<16xi32>], vector<16xf32>,
        %get3A_945 = arith.constant 63 : index
        %get3A_946 = tpu.vector_load %arg15[%get3A_945] {strides = array<i32>} : memref<128xf32, #tpu.memory_space<vmem>>, vector<16xf32>,
        %mul3A_947 = arith.mulf %gather3A_944, %get3A_946 : vector<16xf32>
        %add3A_948 = arith.addf %add3A_937, %mul3A_947 : vector<16xf32>
        tpu.vector_store_idx %arg13[%add3A_250], %add3A_948 : memref<408xf32, #tpu.memory_space<vmem>>[vector<16xi32>], vector<16xf32>,
      }
      %scan3A_90 = arith.constant 13 : i32
      %mul3A_91 = arith.constant 2 : i32
      %mul3A_92 = arith.muli %add3A_41, %mul3A_91 : i32
      %add3A_93 = arith.constant 1 : i32
      %add3A_94 = arith.addi %mul3A_92, %add3A_93 : i32
      %get3A_95 = arith.index_cast %add3A_94 : i32 to index
      %get3A_96 = arith.constant 0 : index
      %get3A_97 = tpu.vector_load %arg7[%get3A_95, %get3A_96] {strides = array<i32>} : memref<128x64xf32, #tpu.memory_space<vmem>>, vector<16xf32>,
      %swap3A_98 = arith.constant 0 : index
      %swap3A_99 = tpu.vector_load %arg15[%swap3A_98] {strides = array<i32>} : memref<128xf32, #tpu.memory_space<vmem>>, vector<16xf32>,
      tpu.vector_store %arg15[%swap3A_98], %get3A_97 {strides = array<i32>} : memref<128xf32, #tpu.memory_space<vmem>>, vector<16xf32>,
      %swap3A_100 = arith.constant 64 : index
      %swap3A_101 = tpu.vector_load %arg15[%swap3A_100] {strides = array<i32>} : memref<128xf32, #tpu.memory_space<vmem>>, vector<16xf32>,
      tpu.vector_store %arg15[%swap3A_100], %get3A_97 {strides = array<i32>} : memref<128xf32, #tpu.memory_space<vmem>>, vector<16xf32>,
      %get3A_102 = arith.index_cast %add3A_94 : i32 to index
      %get3A_103 = arith.constant 16 : index
      %get3A_104 = tpu.vector_load %arg7[%get3A_102, %get3A_103] {strides = array<i32>} : memref<128x64xf32, #tpu.memory_space<vmem>>, vector<16xf32>,
      %swap3A_105 = arith.constant 16 : index
      %swap3A_106 = tpu.vector_load %arg15[%swap3A_105] {strides = array<i32>} : memref<128xf32, #tpu.memory_space<vmem>>, vector<16xf32>,
      tpu.vector_store %arg15[%swap3A_105], %get3A_104 {strides = array<i32>} : memref<128xf32, #tpu.memory_space<vmem>>, vector<16xf32>,
      %swap3A_107 = arith.constant 80 : index
      %swap3A_108 = tpu.vector_load %arg15[%swap3A_107] {strides = array<i32>} : memref<128xf32, #tpu.memory_space<vmem>>, vector<16xf32>,
      tpu.vector_store %arg15[%swap3A_107], %get3A_104 {strides = array<i32>} : memref<128xf32, #tpu.memory_space<vmem>>, vector<16xf32>,
      %get3A_109 = arith.index_cast %add3A_94 : i32 to index
      %get3A_110 = arith.constant 32 : index
      %get3A_111 = tpu.vector_load %arg7[%get3A_109, %get3A_110] {strides = array<i32>} : memref<128x64xf32, #tpu.memory_space<vmem>>, vector<16xf32>,
      %swap3A_112 = arith.constant 32 : index
      %swap3A_113 = tpu.vector_load %arg15[%swap3A_112] {strides = array<i32>} : memref<128xf32, #tpu.memory_space<vmem>>, vector<16xf32>,
      tpu.vector_store %arg15[%swap3A_112], %get3A_111 {strides = array<i32>} : memref<128xf32, #tpu.memory_space<vmem>>, vector<16xf32>,
      %swap3A_114 = arith.constant 96 : index
      %swap3A_115 = tpu.vector_load %arg15[%swap3A_114] {strides = array<i32>} : memref<128xf32, #tpu.memory_space<vmem>>, vector<16xf32>,
      tpu.vector_store %arg15[%swap3A_114], %get3A_111 {strides = array<i32>} : memref<128xf32, #tpu.memory_space<vmem>>, vector<16xf32>,
      %get3A_116 = arith.index_cast %add3A_94 : i32 to index
      %get3A_117 = arith.constant 48 : index
      %get3A_118 = tpu.vector_load %arg7[%get3A_116, %get3A_117] {strides = array<i32>} : memref<128x64xf32, #tpu.memory_space<vmem>>, vector<16xf32>,
      %swap3A_119 = arith.constant 48 : index
      %swap3A_120 = tpu.vector_load %arg15[%swap3A_119] {strides = array<i32>} : memref<128xf32, #tpu.memory_space<vmem>>, vector<16xf32>,
      tpu.vector_store %arg15[%swap3A_119], %get3A_118 {strides = array<i32>} : memref<128xf32, #tpu.memory_space<vmem>>, vector<16xf32>,
      %swap3A_121 = arith.constant 112 : index
      %swap3A_122 = tpu.vector_load %arg15[%swap3A_121] {strides = array<i32>} : memref<128xf32, #tpu.memory_space<vmem>>, vector<16xf32>,
      tpu.vector_store %arg15[%swap3A_121], %get3A_118 {strides = array<i32>} : memref<128xf32, #tpu.memory_space<vmem>>, vector<16xf32>,
      %scan3A_123 = arith.constant 0 : i32
      %scan3A_124 = arith.constant 0 : i32
      %scan3A_125 = arith.constant 13 : i32
      %scan3A_126 = arith.addi %scan3A_124, %scan3A_125 : i32
      %scan3A_127 = arith.constant 1 : i32
      scf.for %scan3A_244 = %scan3A_124 to %scan3A_126 step %scan3A_127  : i32 {
        %mul3A_245 = arith.constant 16 : i32
        %mul3A_246 = arith.muli %scan3A_244, %mul3A_245 : i32
        %add3A_247 = arith.constant 200 : i32
        %add3A_248 = arith.addi %add3A_247, %mul3A_246 : i32
        %iota3A = tpu.iota {dimensions = array<i32: 0>} : vector<16xi32>
        %add3A_249 = vector.broadcast %add3A_248 : i32 to vector<16xi32>
        %add3A_250 = arith.addi %add3A_249, %iota3A : vector<16xi32>
        %gather3A = tpu.vector_load_idx %arg11[%add3A_250] : memref<408xf32, #tpu.memory_space<vmem>>[vector<16xi32>], vector<16xf32>,
        %iota3A_251 = tpu.iota {dimensions = array<i32: 0>} : vector<16xi32>
        %gather3A_252 = tpu.vector_load_idx %arg9[%add3A_250, %iota3A_251] : memref<408x64xf32, #tpu.memory_space<vmem>>[vector<16xi32>, vector<16xi32>], vector<16xf32>,
        %get3A_253 = arith.constant 0 : index
        %get3A_254 = tpu.vector_load %arg15[%get3A_253] {strides = array<i32>} : memref<128xf32, #tpu.memory_space<vmem>>, vector<16xf32>,
        %mul3A_255 = arith.mulf %gather3A_252, %get3A_254 : vector<16xf32>
        %add3A_256 = arith.addf %gather3A, %mul3A_255 : vector<16xf32>
        %add3A_257 = arith.constant 1 : i32
        %add3A_258 = vector.broadcast %add3A_257 : i32 to vector<16xi32>
        %add3A_259 = arith.addi %iota3A_251, %add3A_258 : vector<16xi32>
        %and3A = arith.constant 63 : i32
        %and3A_260 = vector.broadcast %and3A : i32 to vector<16xi32>
        %and3A_261 = arith.andi %add3A_259, %and3A_260 : vector<16xi32>
        %gather3A_262 = tpu.vector_load_idx %arg9[%add3A_250, %and3A_261] : memref<408x64xf32, #tpu.memory_space<vmem>>[vector<16xi32>, vector<16xi32>], vector<16xf32>,
        %get3A_263 = arith.constant 1 : index
        %get3A_264 = tpu.vector_load %arg15[%get3A_263] {strides = array<i32>} : memref<128xf32, #tpu.memory_space<vmem>>, vector<16xf32>,
        %mul3A_265 = arith.mulf %gather3A_262, %get3A_264 : vector<16xf32>
        %add3A_266 = arith.addf %add3A_256, %mul3A_265 : vector<16xf32>
        %add3A_267 = arith.constant 1 : i32
        %add3A_268 = vector.broadcast %add3A_267 : i32 to vector<16xi32>
        %add3A_269 = arith.addi %and3A_261, %add3A_268 : vector<16xi32>
        %and3A_270 = arith.constant 63 : i32
        %and3A_271 = vector.broadcast %and3A_270 : i32 to vector<16xi32>
        %and3A_272 = arith.andi %add3A_269, %and3A_271 : vector<16xi32>
        %gather3A_273 = tpu.vector_load_idx %arg9[%add3A_250, %and3A_272] : memref<408x64xf32, #tpu.memory_space<vmem>>[vector<16xi32>, vector<16xi32>], vector<16xf32>,
        %get3A_274 = arith.constant 2 : index
        %get3A_275 = tpu.vector_load %arg15[%get3A_274] {strides = array<i32>} : memref<128xf32, #tpu.memory_space<vmem>>, vector<16xf32>,
        %mul3A_276 = arith.mulf %gather3A_273, %get3A_275 : vector<16xf32>
        %add3A_277 = arith.addf %add3A_266, %mul3A_276 : vector<16xf32>
        %add3A_278 = arith.constant 1 : i32
        %add3A_279 = vector.broadcast %add3A_278 : i32 to vector<16xi32>
        %add3A_280 = arith.addi %and3A_272, %add3A_279 : vector<16xi32>
        %and3A_281 = arith.constant 63 : i32
        %and3A_282 = vector.broadcast %and3A_281 : i32 to vector<16xi32>
        %and3A_283 = arith.andi %add3A_280, %and3A_282 : vector<16xi32>
        %gather3A_284 = tpu.vector_load_idx %arg9[%add3A_250, %and3A_283] : memref<408x64xf32, #tpu.memory_space<vmem>>[vector<16xi32>, vector<16xi32>], vector<16xf32>,
        %get3A_285 = arith.constant 3 : index
        %get3A_286 = tpu.vector_load %arg15[%get3A_285] {strides = array<i32>} : memref<128xf32, #tpu.memory_space<vmem>>, vector<16xf32>,
        %mul3A_287 = arith.mulf %gather3A_284, %get3A_286 : vector<16xf32>
        %add3A_288 = arith.addf %add3A_277, %mul3A_287 : vector<16xf32>
        %add3A_289 = arith.constant 1 : i32
        %add3A_290 = vector.broadcast %add3A_289 : i32 to vector<16xi32>
        %add3A_291 = arith.addi %and3A_283, %add3A_290 : vector<16xi32>
        %and3A_292 = arith.constant 63 : i32
        %and3A_293 = vector.broadcast %and3A_292 : i32 to vector<16xi32>
        %and3A_294 = arith.andi %add3A_291, %and3A_293 : vector<16xi32>
        %gather3A_295 = tpu.vector_load_idx %arg9[%add3A_250, %and3A_294] : memref<408x64xf32, #tpu.memory_space<vmem>>[vector<16xi32>, vector<16xi32>], vector<16xf32>,
        %get3A_296 = arith.constant 4 : index
        %get3A_297 = tpu.vector_load %arg15[%get3A_296] {strides = array<i32>} : memref<128xf32, #tpu.memory_space<vmem>>, vector<16xf32>,
        %mul3A_298 = arith.mulf %gather3A_295, %get3A_297 : vector<16xf32>
        %add3A_299 = arith.addf %add3A_288, %mul3A_298 : vector<16xf32>
        %add3A_300 = arith.constant 1 : i32
        %add3A_301 = vector.broadcast %add3A_300 : i32 to vector<16xi32>
        %add3A_302 = arith.addi %and3A_294, %add3A_301 : vector<16xi32>
        %and3A_303 = arith.constant 63 : i32
        %and3A_304 = vector.broadcast %and3A_303 : i32 to vector<16xi32>
        %and3A_305 = arith.andi %add3A_302, %and3A_304 : vector<16xi32>
        %gather3A_306 = tpu.vector_load_idx %arg9[%add3A_250, %and3A_305] : memref<408x64xf32, #tpu.memory_space<vmem>>[vector<16xi32>, vector<16xi32>], vector<16xf32>,
        %get3A_307 = arith.constant 5 : index
        %get3A_308 = tpu.vector_load %arg15[%get3A_307] {strides = array<i32>} : memref<128xf32, #tpu.memory_space<vmem>>, vector<16xf32>,
        %mul3A_309 = arith.mulf %gather3A_306, %get3A_308 : vector<16xf32>
        %add3A_310 = arith.addf %add3A_299, %mul3A_309 : vector<16xf32>
        %add3A_311 = arith.constant 1 : i32
        %add3A_312 = vector.broadcast %add3A_311 : i32 to vector<16xi32>
        %add3A_313 = arith.addi %and3A_305, %add3A_312 : vector<16xi32>
        %and3A_314 = arith.constant 63 : i32
        %and3A_315 = vector.broadcast %and3A_314 : i32 to vector<16xi32>
        %and3A_316 = arith.andi %add3A_313, %and3A_315 : vector<16xi32>
        %gather3A_317 = tpu.vector_load_idx %arg9[%add3A_250, %and3A_316] : memref<408x64xf32, #tpu.memory_space<vmem>>[vector<16xi32>, vector<16xi32>], vector<16xf32>,
        %get3A_318 = arith.constant 6 : index
        %get3A_319 = tpu.vector_load %arg15[%get3A_318] {strides = array<i32>} : memref<128xf32, #tpu.memory_space<vmem>>, vector<16xf32>,
        %mul3A_320 = arith.mulf %gather3A_317, %get3A_319 : vector<16xf32>
        %add3A_321 = arith.addf %add3A_310, %mul3A_320 : vector<16xf32>
        %add3A_322 = arith.constant 1 : i32
        %add3A_323 = vector.broadcast %add3A_322 : i32 to vector<16xi32>
        %add3A_324 = arith.addi %and3A_316, %add3A_323 : vector<16xi32>
        %and3A_325 = arith.constant 63 : i32
        %and3A_326 = vector.broadcast %and3A_325 : i32 to vector<16xi32>
        %and3A_327 = arith.andi %add3A_324, %and3A_326 : vector<16xi32>
        %gather3A_328 = tpu.vector_load_idx %arg9[%add3A_250, %and3A_327] : memref<408x64xf32, #tpu.memory_space<vmem>>[vector<16xi32>, vector<16xi32>], vector<16xf32>,
        %get3A_329 = arith.constant 7 : index
        %get3A_330 = tpu.vector_load %arg15[%get3A_329] {strides = array<i32>} : memref<128xf32, #tpu.memory_space<vmem>>, vector<16xf32>,
        %mul3A_331 = arith.mulf %gather3A_328, %get3A_330 : vector<16xf32>
        %add3A_332 = arith.addf %add3A_321, %mul3A_331 : vector<16xf32>
        %add3A_333 = arith.constant 1 : i32
        %add3A_334 = vector.broadcast %add3A_333 : i32 to vector<16xi32>
        %add3A_335 = arith.addi %and3A_327, %add3A_334 : vector<16xi32>
        %and3A_336 = arith.constant 63 : i32
        %and3A_337 = vector.broadcast %and3A_336 : i32 to vector<16xi32>
        %and3A_338 = arith.andi %add3A_335, %and3A_337 : vector<16xi32>
        %gather3A_339 = tpu.vector_load_idx %arg9[%add3A_250, %and3A_338] : memref<408x64xf32, #tpu.memory_space<vmem>>[vector<16xi32>, vector<16xi32>], vector<16xf32>,
        %get3A_340 = arith.constant 8 : index
        %get3A_341 = tpu.vector_load %arg15[%get3A_340] {strides = array<i32>} : memref<128xf32, #tpu.memory_space<vmem>>, vector<16xf32>,
        %mul3A_342 = arith.mulf %gather3A_339, %get3A_341 : vector<16xf32>
        %add3A_343 = arith.addf %add3A_332, %mul3A_342 : vector<16xf32>
        %add3A_344 = arith.constant 1 : i32
        %add3A_345 = vector.broadcast %add3A_344 : i32 to vector<16xi32>
        %add3A_346 = arith.addi %and3A_338, %add3A_345 : vector<16xi32>
        %and3A_347 = arith.constant 63 : i32
        %and3A_348 = vector.broadcast %and3A_347 : i32 to vector<16xi32>
        %and3A_349 = arith.andi %add3A_346, %and3A_348 : vector<16xi32>
        %gather3A_350 = tpu.vector_load_idx %arg9[%add3A_250, %and3A_349] : memref<408x64xf32, #tpu.memory_space<vmem>>[vector<16xi32>, vector<16xi32>], vector<16xf32>,
        %get3A_351 = arith.constant 9 : index
        %get3A_352 = tpu.vector_load %arg15[%get3A_351] {strides = array<i32>} : memref<128xf32, #tpu.memory_space<vmem>>, vector<16xf32>,
        %mul3A_353 = arith.mulf %gather3A_350, %get3A_352 : vector<16xf32>
        %add3A_354 = arith.addf %add3A_343, %mul3A_353 : vector<16xf32>
        %add3A_355 = arith.constant 1 : i32
        %add3A_356 = vector.broadcast %add3A_355 : i32 to vector<16xi32>
        %add3A_357 = arith.addi %and3A_349, %add3A_356 : vector<16xi32>
        %and3A_358 = arith.constant 63 : i32
        %and3A_359 = vector.broadcast %and3A_358 : i32 to vector<16xi32>
        %and3A_360 = arith.andi %add3A_357, %and3A_359 : vector<16xi32>
        %gather3A_361 = tpu.vector_load_idx %arg9[%add3A_250, %and3A_360] : memref<408x64xf32, #tpu.memory_space<vmem>>[vector<16xi32>, vector<16xi32>], vector<16xf32>,
        %get3A_362 = arith.constant 10 : index
        %get3A_363 = tpu.vector_load %arg15[%get3A_362] {strides = array<i32>} : memref<128xf32, #tpu.memory_space<vmem>>, vector<16xf32>,
        %mul3A_364 = arith.mulf %gather3A_361, %get3A_363 : vector<16xf32>
        %add3A_365 = arith.addf %add3A_354, %mul3A_364 : vector<16xf32>
        %add3A_366 = arith.constant 1 : i32
        %add3A_367 = vector.broadcast %add3A_366 : i32 to vector<16xi32>
        %add3A_368 = arith.addi %and3A_360, %add3A_367 : vector<16xi32>
        %and3A_369 = arith.constant 63 : i32
        %and3A_370 = vector.broadcast %and3A_369 : i32 to vector<16xi32>
        %and3A_371 = arith.andi %add3A_368, %and3A_370 : vector<16xi32>
        %gather3A_372 = tpu.vector_load_idx %arg9[%add3A_250, %and3A_371] : memref<408x64xf32, #tpu.memory_space<vmem>>[vector<16xi32>, vector<16xi32>], vector<16xf32>,
        %get3A_373 = arith.constant 11 : index
        %get3A_374 = tpu.vector_load %arg15[%get3A_373] {strides = array<i32>} : memref<128xf32, #tpu.memory_space<vmem>>, vector<16xf32>,
        %mul3A_375 = arith.mulf %gather3A_372, %get3A_374 : vector<16xf32>
        %add3A_376 = arith.addf %add3A_365, %mul3A_375 : vector<16xf32>
        %add3A_377 = arith.constant 1 : i32
        %add3A_378 = vector.broadcast %add3A_377 : i32 to vector<16xi32>
        %add3A_379 = arith.addi %and3A_371, %add3A_378 : vector<16xi32>
        %and3A_380 = arith.constant 63 : i32
        %and3A_381 = vector.broadcast %and3A_380 : i32 to vector<16xi32>
        %and3A_382 = arith.andi %add3A_379, %and3A_381 : vector<16xi32>
        %gather3A_383 = tpu.vector_load_idx %arg9[%add3A_250, %and3A_382] : memref<408x64xf32, #tpu.memory_space<vmem>>[vector<16xi32>, vector<16xi32>], vector<16xf32>,
        %get3A_384 = arith.constant 12 : index
        %get3A_385 = tpu.vector_load %arg15[%get3A_384] {strides = array<i32>} : memref<128xf32, #tpu.memory_space<vmem>>, vector<16xf32>,
        %mul3A_386 = arith.mulf %gather3A_383, %get3A_385 : vector<16xf32>
        %add3A_387 = arith.addf %add3A_376, %mul3A_386 : vector<16xf32>
        %add3A_388 = arith.constant 1 : i32
        %add3A_389 = vector.broadcast %add3A_388 : i32 to vector<16xi32>
        %add3A_390 = arith.addi %and3A_382, %add3A_389 : vector<16xi32>
        %and3A_391 = arith.constant 63 : i32
        %and3A_392 = vector.broadcast %and3A_391 : i32 to vector<16xi32>
        %and3A_393 = arith.andi %add3A_390, %and3A_392 : vector<16xi32>
        %gather3A_394 = tpu.vector_load_idx %arg9[%add3A_250, %and3A_393] : memref<408x64xf32, #tpu.memory_space<vmem>>[vector<16xi32>, vector<16xi32>], vector<16xf32>,
        %get3A_395 = arith.constant 13 : index
        %get3A_396 = tpu.vector_load %arg15[%get3A_395] {strides = array<i32>} : memref<128xf32, #tpu.memory_space<vmem>>, vector<16xf32>,
        %mul3A_397 = arith.mulf %gather3A_394, %get3A_396 : vector<16xf32>
        %add3A_398 = arith.addf %add3A_387, %mul3A_397 : vector<16xf32>
        %add3A_399 = arith.constant 1 : i32
        %add3A_400 = vector.broadcast %add3A_399 : i32 to vector<16xi32>
        %add3A_401 = arith.addi %and3A_393, %add3A_400 : vector<16xi32>
        %and3A_402 = arith.constant 63 : i32
        %and3A_403 = vector.broadcast %and3A_402 : i32 to vector<16xi32>
        %and3A_404 = arith.andi %add3A_401, %and3A_403 : vector<16xi32>
        %gather3A_405 = tpu.vector_load_idx %arg9[%add3A_250, %and3A_404] : memref<408x64xf32, #tpu.memory_space<vmem>>[vector<16xi32>, vector<16xi32>], vector<16xf32>,
        %get3A_406 = arith.constant 14 : index
        %get3A_407 = tpu.vector_load %arg15[%get3A_406] {strides = array<i32>} : memref<128xf32, #tpu.memory_space<vmem>>, vector<16xf32>,
        %mul3A_408 = arith.mulf %gather3A_405, %get3A_407 : vector<16xf32>
        %add3A_409 = arith.addf %add3A_398, %mul3A_408 : vector<16xf32>
        %add3A_410 = arith.constant 1 : i32
        %add3A_411 = vector.broadcast %add3A_410 : i32 to vector<16xi32>
        %add3A_412 = arith.addi %and3A_404, %add3A_411 : vector<16xi32>
        %and3A_413 = arith.constant 63 : i32
        %and3A_414 = vector.broadcast %and3A_413 : i32 to vector<16xi32>
        %and3A_415 = arith.andi %add3A_412, %and3A_414 : vector<16xi32>
        %gather3A_416 = tpu.vector_load_idx %arg9[%add3A_250, %and3A_415] : memref<408x64xf32, #tpu.memory_space<vmem>>[vector<16xi32>, vector<16xi32>], vector<16xf32>,
        %get3A_417 = arith.constant 15 : index
        %get3A_418 = tpu.vector_load %arg15[%get3A_417] {strides = array<i32>} : memref<128xf32, #tpu.memory_space<vmem>>, vector<16xf32>,
        %mul3A_419 = arith.mulf %gather3A_416, %get3A_418 : vector<16xf32>
        %add3A_420 = arith.addf %add3A_409, %mul3A_419 : vector<16xf32>
        %add3A_421 = arith.constant 1 : i32
        %add3A_422 = vector.broadcast %add3A_421 : i32 to vector<16xi32>
        %add3A_423 = arith.addi %and3A_415, %add3A_422 : vector<16xi32>
        %and3A_424 = arith.constant 63 : i32
        %and3A_425 = vector.broadcast %and3A_424 : i32 to vector<16xi32>
        %and3A_426 = arith.andi %add3A_423, %and3A_425 : vector<16xi32>
        %gather3A_427 = tpu.vector_load_idx %arg9[%add3A_250, %and3A_426] : memref<408x64xf32, #tpu.memory_space<vmem>>[vector<16xi32>, vector<16xi32>], vector<16xf32>,
        %get3A_428 = arith.constant 16 : index
        %get3A_429 = tpu.vector_load %arg15[%get3A_428] {strides = array<i32>} : memref<128xf32, #tpu.memory_space<vmem>>, vector<16xf32>,
        %mul3A_430 = arith.mulf %gather3A_427, %get3A_429 : vector<16xf32>
        %add3A_431 = arith.addf %add3A_420, %mul3A_430 : vector<16xf32>
        %add3A_432 = arith.constant 1 : i32
        %add3A_433 = vector.broadcast %add3A_432 : i32 to vector<16xi32>
        %add3A_434 = arith.addi %and3A_426, %add3A_433 : vector<16xi32>
        %and3A_435 = arith.constant 63 : i32
        %and3A_436 = vector.broadcast %and3A_435 : i32 to vector<16xi32>
        %and3A_437 = arith.andi %add3A_434, %and3A_436 : vector<16xi32>
        %gather3A_438 = tpu.vector_load_idx %arg9[%add3A_250, %and3A_437] : memref<408x64xf32, #tpu.memory_space<vmem>>[vector<16xi32>, vector<16xi32>], vector<16xf32>,
        %get3A_439 = arith.constant 17 : index
        %get3A_440 = tpu.vector_load %arg15[%get3A_439] {strides = array<i32>} : memref<128xf32, #tpu.memory_space<vmem>>, vector<16xf32>,
        %mul3A_441 = arith.mulf %gather3A_438, %get3A_440 : vector<16xf32>
        %add3A_442 = arith.addf %add3A_431, %mul3A_441 : vector<16xf32>
        %add3A_443 = arith.constant 1 : i32
        %add3A_444 = vector.broadcast %add3A_443 : i32 to vector<16xi32>
        %add3A_445 = arith.addi %and3A_437, %add3A_444 : vector<16xi32>
        %and3A_446 = arith.constant 63 : i32
        %and3A_447 = vector.broadcast %and3A_446 : i32 to vector<16xi32>
        %and3A_448 = arith.andi %add3A_445, %and3A_447 : vector<16xi32>
        %gather3A_449 = tpu.vector_load_idx %arg9[%add3A_250, %and3A_448] : memref<408x64xf32, #tpu.memory_space<vmem>>[vector<16xi32>, vector<16xi32>], vector<16xf32>,
        %get3A_450 = arith.constant 18 : index
        %get3A_451 = tpu.vector_load %arg15[%get3A_450] {strides = array<i32>} : memref<128xf32, #tpu.memory_space<vmem>>, vector<16xf32>,
        %mul3A_452 = arith.mulf %gather3A_449, %get3A_451 : vector<16xf32>
        %add3A_453 = arith.addf %add3A_442, %mul3A_452 : vector<16xf32>
        %add3A_454 = arith.constant 1 : i32
        %add3A_455 = vector.broadcast %add3A_454 : i32 to vector<16xi32>
        %add3A_456 = arith.addi %and3A_448, %add3A_455 : vector<16xi32>
        %and3A_457 = arith.constant 63 : i32
        %and3A_458 = vector.broadcast %and3A_457 : i32 to vector<16xi32>
        %and3A_459 = arith.andi %add3A_456, %and3A_458 : vector<16xi32>
        %gather3A_460 = tpu.vector_load_idx %arg9[%add3A_250, %and3A_459] : memref<408x64xf32, #tpu.memory_space<vmem>>[vector<16xi32>, vector<16xi32>], vector<16xf32>,
        %get3A_461 = arith.constant 19 : index
        %get3A_462 = tpu.vector_load %arg15[%get3A_461] {strides = array<i32>} : memref<128xf32, #tpu.memory_space<vmem>>, vector<16xf32>,
        %mul3A_463 = arith.mulf %gather3A_460, %get3A_462 : vector<16xf32>
        %add3A_464 = arith.addf %add3A_453, %mul3A_463 : vector<16xf32>
        %add3A_465 = arith.constant 1 : i32
        %add3A_466 = vector.broadcast %add3A_465 : i32 to vector<16xi32>
        %add3A_467 = arith.addi %and3A_459, %add3A_466 : vector<16xi32>
        %and3A_468 = arith.constant 63 : i32
        %and3A_469 = vector.broadcast %and3A_468 : i32 to vector<16xi32>
        %and3A_470 = arith.andi %add3A_467, %and3A_469 : vector<16xi32>
        %gather3A_471 = tpu.vector_load_idx %arg9[%add3A_250, %and3A_470] : memref<408x64xf32, #tpu.memory_space<vmem>>[vector<16xi32>, vector<16xi32>], vector<16xf32>,
        %get3A_472 = arith.constant 20 : index
        %get3A_473 = tpu.vector_load %arg15[%get3A_472] {strides = array<i32>} : memref<128xf32, #tpu.memory_space<vmem>>, vector<16xf32>,
        %mul3A_474 = arith.mulf %gather3A_471, %get3A_473 : vector<16xf32>
        %add3A_475 = arith.addf %add3A_464, %mul3A_474 : vector<16xf32>
        %add3A_476 = arith.constant 1 : i32
        %add3A_477 = vector.broadcast %add3A_476 : i32 to vector<16xi32>
        %add3A_478 = arith.addi %and3A_470, %add3A_477 : vector<16xi32>
        %and3A_479 = arith.constant 63 : i32
        %and3A_480 = vector.broadcast %and3A_479 : i32 to vector<16xi32>
        %and3A_481 = arith.andi %add3A_478, %and3A_480 : vector<16xi32>
        %gather3A_482 = tpu.vector_load_idx %arg9[%add3A_250, %and3A_481] : memref<408x64xf32, #tpu.memory_space<vmem>>[vector<16xi32>, vector<16xi32>], vector<16xf32>,
        %get3A_483 = arith.constant 21 : index
        %get3A_484 = tpu.vector_load %arg15[%get3A_483] {strides = array<i32>} : memref<128xf32, #tpu.memory_space<vmem>>, vector<16xf32>,
        %mul3A_485 = arith.mulf %gather3A_482, %get3A_484 : vector<16xf32>
        %add3A_486 = arith.addf %add3A_475, %mul3A_485 : vector<16xf32>
        %add3A_487 = arith.constant 1 : i32
        %add3A_488 = vector.broadcast %add3A_487 : i32 to vector<16xi32>
        %add3A_489 = arith.addi %and3A_481, %add3A_488 : vector<16xi32>
        %and3A_490 = arith.constant 63 : i32
        %and3A_491 = vector.broadcast %and3A_490 : i32 to vector<16xi32>
        %and3A_492 = arith.andi %add3A_489, %and3A_491 : vector<16xi32>
        %gather3A_493 = tpu.vector_load_idx %arg9[%add3A_250, %and3A_492] : memref<408x64xf32, #tpu.memory_space<vmem>>[vector<16xi32>, vector<16xi32>], vector<16xf32>,
        %get3A_494 = arith.constant 22 : index
        %get3A_495 = tpu.vector_load %arg15[%get3A_494] {strides = array<i32>} : memref<128xf32, #tpu.memory_space<vmem>>, vector<16xf32>,
        %mul3A_496 = arith.mulf %gather3A_493, %get3A_495 : vector<16xf32>
        %add3A_497 = arith.addf %add3A_486, %mul3A_496 : vector<16xf32>
        %add3A_498 = arith.constant 1 : i32
        %add3A_499 = vector.broadcast %add3A_498 : i32 to vector<16xi32>
        %add3A_500 = arith.addi %and3A_492, %add3A_499 : vector<16xi32>
        %and3A_501 = arith.constant 63 : i32
        %and3A_502 = vector.broadcast %and3A_501 : i32 to vector<16xi32>
        %and3A_503 = arith.andi %add3A_500, %and3A_502 : vector<16xi32>
        %gather3A_504 = tpu.vector_load_idx %arg9[%add3A_250, %and3A_503] : memref<408x64xf32, #tpu.memory_space<vmem>>[vector<16xi32>, vector<16xi32>], vector<16xf32>,
        %get3A_505 = arith.constant 23 : index
        %get3A_506 = tpu.vector_load %arg15[%get3A_505] {strides = array<i32>} : memref<128xf32, #tpu.memory_space<vmem>>, vector<16xf32>,
        %mul3A_507 = arith.mulf %gather3A_504, %get3A_506 : vector<16xf32>
        %add3A_508 = arith.addf %add3A_497, %mul3A_507 : vector<16xf32>
        %add3A_509 = arith.constant 1 : i32
        %add3A_510 = vector.broadcast %add3A_509 : i32 to vector<16xi32>
        %add3A_511 = arith.addi %and3A_503, %add3A_510 : vector<16xi32>
        %and3A_512 = arith.constant 63 : i32
        %and3A_513 = vector.broadcast %and3A_512 : i32 to vector<16xi32>
        %and3A_514 = arith.andi %add3A_511, %and3A_513 : vector<16xi32>
        %gather3A_515 = tpu.vector_load_idx %arg9[%add3A_250, %and3A_514] : memref<408x64xf32, #tpu.memory_space<vmem>>[vector<16xi32>, vector<16xi32>], vector<16xf32>,
        %get3A_516 = arith.constant 24 : index
        %get3A_517 = tpu.vector_load %arg15[%get3A_516] {strides = array<i32>} : memref<128xf32, #tpu.memory_space<vmem>>, vector<16xf32>,
        %mul3A_518 = arith.mulf %gather3A_515, %get3A_517 : vector<16xf32>
        %add3A_519 = arith.addf %add3A_508, %mul3A_518 : vector<16xf32>
        %add3A_520 = arith.constant 1 : i32
        %add3A_521 = vector.broadcast %add3A_520 : i32 to vector<16xi32>
        %add3A_522 = arith.addi %and3A_514, %add3A_521 : vector<16xi32>
        %and3A_523 = arith.constant 63 : i32
        %and3A_524 = vector.broadcast %and3A_523 : i32 to vector<16xi32>
        %and3A_525 = arith.andi %add3A_522, %and3A_524 : vector<16xi32>
        %gather3A_526 = tpu.vector_load_idx %arg9[%add3A_250, %and3A_525] : memref<408x64xf32, #tpu.memory_space<vmem>>[vector<16xi32>, vector<16xi32>], vector<16xf32>,
        %get3A_527 = arith.constant 25 : index
        %get3A_528 = tpu.vector_load %arg15[%get3A_527] {strides = array<i32>} : memref<128xf32, #tpu.memory_space<vmem>>, vector<16xf32>,
        %mul3A_529 = arith.mulf %gather3A_526, %get3A_528 : vector<16xf32>
        %add3A_530 = arith.addf %add3A_519, %mul3A_529 : vector<16xf32>
        %add3A_531 = arith.constant 1 : i32
        %add3A_532 = vector.broadcast %add3A_531 : i32 to vector<16xi32>
        %add3A_533 = arith.addi %and3A_525, %add3A_532 : vector<16xi32>
        %and3A_534 = arith.constant 63 : i32
        %and3A_535 = vector.broadcast %and3A_534 : i32 to vector<16xi32>
        %and3A_536 = arith.andi %add3A_533, %and3A_535 : vector<16xi32>
        %gather3A_537 = tpu.vector_load_idx %arg9[%add3A_250, %and3A_536] : memref<408x64xf32, #tpu.memory_space<vmem>>[vector<16xi32>, vector<16xi32>], vector<16xf32>,
        %get3A_538 = arith.constant 26 : index
        %get3A_539 = tpu.vector_load %arg15[%get3A_538] {strides = array<i32>} : memref<128xf32, #tpu.memory_space<vmem>>, vector<16xf32>,
        %mul3A_540 = arith.mulf %gather3A_537, %get3A_539 : vector<16xf32>
        %add3A_541 = arith.addf %add3A_530, %mul3A_540 : vector<16xf32>
        %add3A_542 = arith.constant 1 : i32
        %add3A_543 = vector.broadcast %add3A_542 : i32 to vector<16xi32>
        %add3A_544 = arith.addi %and3A_536, %add3A_543 : vector<16xi32>
        %and3A_545 = arith.constant 63 : i32
        %and3A_546 = vector.broadcast %and3A_545 : i32 to vector<16xi32>
        %and3A_547 = arith.andi %add3A_544, %and3A_546 : vector<16xi32>
        %gather3A_548 = tpu.vector_load_idx %arg9[%add3A_250, %and3A_547] : memref<408x64xf32, #tpu.memory_space<vmem>>[vector<16xi32>, vector<16xi32>], vector<16xf32>,
        %get3A_549 = arith.constant 27 : index
        %get3A_550 = tpu.vector_load %arg15[%get3A_549] {strides = array<i32>} : memref<128xf32, #tpu.memory_space<vmem>>, vector<16xf32>,
        %mul3A_551 = arith.mulf %gather3A_548, %get3A_550 : vector<16xf32>
        %add3A_552 = arith.addf %add3A_541, %mul3A_551 : vector<16xf32>
        %add3A_553 = arith.constant 1 : i32
        %add3A_554 = vector.broadcast %add3A_553 : i32 to vector<16xi32>
        %add3A_555 = arith.addi %and3A_547, %add3A_554 : vector<16xi32>
        %and3A_556 = arith.constant 63 : i32
        %and3A_557 = vector.broadcast %and3A_556 : i32 to vector<16xi32>
        %and3A_558 = arith.andi %add3A_555, %and3A_557 : vector<16xi32>
        %gather3A_559 = tpu.vector_load_idx %arg9[%add3A_250, %and3A_558] : memref<408x64xf32, #tpu.memory_space<vmem>>[vector<16xi32>, vector<16xi32>], vector<16xf32>,
        %get3A_560 = arith.constant 28 : index
        %get3A_561 = tpu.vector_load %arg15[%get3A_560] {strides = array<i32>} : memref<128xf32, #tpu.memory_space<vmem>>, vector<16xf32>,
        %mul3A_562 = arith.mulf %gather3A_559, %get3A_561 : vector<16xf32>
        %add3A_563 = arith.addf %add3A_552, %mul3A_562 : vector<16xf32>
        %add3A_564 = arith.constant 1 : i32
        %add3A_565 = vector.broadcast %add3A_564 : i32 to vector<16xi32>
        %add3A_566 = arith.addi %and3A_558, %add3A_565 : vector<16xi32>
        %and3A_567 = arith.constant 63 : i32
        %and3A_568 = vector.broadcast %and3A_567 : i32 to vector<16xi32>
        %and3A_569 = arith.andi %add3A_566, %and3A_568 : vector<16xi32>
        %gather3A_570 = tpu.vector_load_idx %arg9[%add3A_250, %and3A_569] : memref<408x64xf32, #tpu.memory_space<vmem>>[vector<16xi32>, vector<16xi32>], vector<16xf32>,
        %get3A_571 = arith.constant 29 : index
        %get3A_572 = tpu.vector_load %arg15[%get3A_571] {strides = array<i32>} : memref<128xf32, #tpu.memory_space<vmem>>, vector<16xf32>,
        %mul3A_573 = arith.mulf %gather3A_570, %get3A_572 : vector<16xf32>
        %add3A_574 = arith.addf %add3A_563, %mul3A_573 : vector<16xf32>
        %add3A_575 = arith.constant 1 : i32
        %add3A_576 = vector.broadcast %add3A_575 : i32 to vector<16xi32>
        %add3A_577 = arith.addi %and3A_569, %add3A_576 : vector<16xi32>
        %and3A_578 = arith.constant 63 : i32
        %and3A_579 = vector.broadcast %and3A_578 : i32 to vector<16xi32>
        %and3A_580 = arith.andi %add3A_577, %and3A_579 : vector<16xi32>
        %gather3A_581 = tpu.vector_load_idx %arg9[%add3A_250, %and3A_580] : memref<408x64xf32, #tpu.memory_space<vmem>>[vector<16xi32>, vector<16xi32>], vector<16xf32>,
        %get3A_582 = arith.constant 30 : index
        %get3A_583 = tpu.vector_load %arg15[%get3A_582] {strides = array<i32>} : memref<128xf32, #tpu.memory_space<vmem>>, vector<16xf32>,
        %mul3A_584 = arith.mulf %gather3A_581, %get3A_583 : vector<16xf32>
        %add3A_585 = arith.addf %add3A_574, %mul3A_584 : vector<16xf32>
        %add3A_586 = arith.constant 1 : i32
        %add3A_587 = vector.broadcast %add3A_586 : i32 to vector<16xi32>
        %add3A_588 = arith.addi %and3A_580, %add3A_587 : vector<16xi32>
        %and3A_589 = arith.constant 63 : i32
        %and3A_590 = vector.broadcast %and3A_589 : i32 to vector<16xi32>
        %and3A_591 = arith.andi %add3A_588, %and3A_590 : vector<16xi32>
        %gather3A_592 = tpu.vector_load_idx %arg9[%add3A_250, %and3A_591] : memref<408x64xf32, #tpu.memory_space<vmem>>[vector<16xi32>, vector<16xi32>], vector<16xf32>,
        %get3A_593 = arith.constant 31 : index
        %get3A_594 = tpu.vector_load %arg15[%get3A_593] {strides = array<i32>} : memref<128xf32, #tpu.memory_space<vmem>>, vector<16xf32>,
        %mul3A_595 = arith.mulf %gather3A_592, %get3A_594 : vector<16xf32>
        %add3A_596 = arith.addf %add3A_585, %mul3A_595 : vector<16xf32>
        %add3A_597 = arith.constant 1 : i32
        %add3A_598 = vector.broadcast %add3A_597 : i32 to vector<16xi32>
        %add3A_599 = arith.addi %and3A_591, %add3A_598 : vector<16xi32>
        %and3A_600 = arith.constant 63 : i32
        %and3A_601 = vector.broadcast %and3A_600 : i32 to vector<16xi32>
        %and3A_602 = arith.andi %add3A_599, %and3A_601 : vector<16xi32>
        %gather3A_603 = tpu.vector_load_idx %arg9[%add3A_250, %and3A_602] : memref<408x64xf32, #tpu.memory_space<vmem>>[vector<16xi32>, vector<16xi32>], vector<16xf32>,
        %get3A_604 = arith.constant 32 : index
        %get3A_605 = tpu.vector_load %arg15[%get3A_604] {strides = array<i32>} : memref<128xf32, #tpu.memory_space<vmem>>, vector<16xf32>,
        %mul3A_606 = arith.mulf %gather3A_603, %get3A_605 : vector<16xf32>
        %add3A_607 = arith.addf %add3A_596, %mul3A_606 : vector<16xf32>
        %add3A_608 = arith.constant 1 : i32
        %add3A_609 = vector.broadcast %add3A_608 : i32 to vector<16xi32>
        %add3A_610 = arith.addi %and3A_602, %add3A_609 : vector<16xi32>
        %and3A_611 = arith.constant 63 : i32
        %and3A_612 = vector.broadcast %and3A_611 : i32 to vector<16xi32>
        %and3A_613 = arith.andi %add3A_610, %and3A_612 : vector<16xi32>
        %gather3A_614 = tpu.vector_load_idx %arg9[%add3A_250, %and3A_613] : memref<408x64xf32, #tpu.memory_space<vmem>>[vector<16xi32>, vector<16xi32>], vector<16xf32>,
        %get3A_615 = arith.constant 33 : index
        %get3A_616 = tpu.vector_load %arg15[%get3A_615] {strides = array<i32>} : memref<128xf32, #tpu.memory_space<vmem>>, vector<16xf32>,
        %mul3A_617 = arith.mulf %gather3A_614, %get3A_616 : vector<16xf32>
        %add3A_618 = arith.addf %add3A_607, %mul3A_617 : vector<16xf32>
        %add3A_619 = arith.constant 1 : i32
        %add3A_620 = vector.broadcast %add3A_619 : i32 to vector<16xi32>
        %add3A_621 = arith.addi %and3A_613, %add3A_620 : vector<16xi32>
        %and3A_622 = arith.constant 63 : i32
        %and3A_623 = vector.broadcast %and3A_622 : i32 to vector<16xi32>
        %and3A_624 = arith.andi %add3A_621, %and3A_623 : vector<16xi32>
        %gather3A_625 = tpu.vector_load_idx %arg9[%add3A_250, %and3A_624] : memref<408x64xf32, #tpu.memory_space<vmem>>[vector<16xi32>, vector<16xi32>], vector<16xf32>,
        %get3A_626 = arith.constant 34 : index
        %get3A_627 = tpu.vector_load %arg15[%get3A_626] {strides = array<i32>} : memref<128xf32, #tpu.memory_space<vmem>>, vector<16xf32>,
        %mul3A_628 = arith.mulf %gather3A_625, %get3A_627 : vector<16xf32>
        %add3A_629 = arith.addf %add3A_618, %mul3A_628 : vector<16xf32>
        %add3A_630 = arith.constant 1 : i32
        %add3A_631 = vector.broadcast %add3A_630 : i32 to vector<16xi32>
        %add3A_632 = arith.addi %and3A_624, %add3A_631 : vector<16xi32>
        %and3A_633 = arith.constant 63 : i32
        %and3A_634 = vector.broadcast %and3A_633 : i32 to vector<16xi32>
        %and3A_635 = arith.andi %add3A_632, %and3A_634 : vector<16xi32>
        %gather3A_636 = tpu.vector_load_idx %arg9[%add3A_250, %and3A_635] : memref<408x64xf32, #tpu.memory_space<vmem>>[vector<16xi32>, vector<16xi32>], vector<16xf32>,
        %get3A_637 = arith.constant 35 : index
        %get3A_638 = tpu.vector_load %arg15[%get3A_637] {strides = array<i32>} : memref<128xf32, #tpu.memory_space<vmem>>, vector<16xf32>,
        %mul3A_639 = arith.mulf %gather3A_636, %get3A_638 : vector<16xf32>
        %add3A_640 = arith.addf %add3A_629, %mul3A_639 : vector<16xf32>
        %add3A_641 = arith.constant 1 : i32
        %add3A_642 = vector.broadcast %add3A_641 : i32 to vector<16xi32>
        %add3A_643 = arith.addi %and3A_635, %add3A_642 : vector<16xi32>
        %and3A_644 = arith.constant 63 : i32
        %and3A_645 = vector.broadcast %and3A_644 : i32 to vector<16xi32>
        %and3A_646 = arith.andi %add3A_643, %and3A_645 : vector<16xi32>
        %gather3A_647 = tpu.vector_load_idx %arg9[%add3A_250, %and3A_646] : memref<408x64xf32, #tpu.memory_space<vmem>>[vector<16xi32>, vector<16xi32>], vector<16xf32>,
        %get3A_648 = arith.constant 36 : index
        %get3A_649 = tpu.vector_load %arg15[%get3A_648] {strides = array<i32>} : memref<128xf32, #tpu.memory_space<vmem>>, vector<16xf32>,
        %mul3A_650 = arith.mulf %gather3A_647, %get3A_649 : vector<16xf32>
        %add3A_651 = arith.addf %add3A_640, %mul3A_650 : vector<16xf32>
        %add3A_652 = arith.constant 1 : i32
        %add3A_653 = vector.broadcast %add3A_652 : i32 to vector<16xi32>
        %add3A_654 = arith.addi %and3A_646, %add3A_653 : vector<16xi32>
        %and3A_655 = arith.constant 63 : i32
        %and3A_656 = vector.broadcast %and3A_655 : i32 to vector<16xi32>
        %and3A_657 = arith.andi %add3A_654, %and3A_656 : vector<16xi32>
        %gather3A_658 = tpu.vector_load_idx %arg9[%add3A_250, %and3A_657] : memref<408x64xf32, #tpu.memory_space<vmem>>[vector<16xi32>, vector<16xi32>], vector<16xf32>,
        %get3A_659 = arith.constant 37 : index
        %get3A_660 = tpu.vector_load %arg15[%get3A_659] {strides = array<i32>} : memref<128xf32, #tpu.memory_space<vmem>>, vector<16xf32>,
        %mul3A_661 = arith.mulf %gather3A_658, %get3A_660 : vector<16xf32>
        %add3A_662 = arith.addf %add3A_651, %mul3A_661 : vector<16xf32>
        %add3A_663 = arith.constant 1 : i32
        %add3A_664 = vector.broadcast %add3A_663 : i32 to vector<16xi32>
        %add3A_665 = arith.addi %and3A_657, %add3A_664 : vector<16xi32>
        %and3A_666 = arith.constant 63 : i32
        %and3A_667 = vector.broadcast %and3A_666 : i32 to vector<16xi32>
        %and3A_668 = arith.andi %add3A_665, %and3A_667 : vector<16xi32>
        %gather3A_669 = tpu.vector_load_idx %arg9[%add3A_250, %and3A_668] : memref<408x64xf32, #tpu.memory_space<vmem>>[vector<16xi32>, vector<16xi32>], vector<16xf32>,
        %get3A_670 = arith.constant 38 : index
        %get3A_671 = tpu.vector_load %arg15[%get3A_670] {strides = array<i32>} : memref<128xf32, #tpu.memory_space<vmem>>, vector<16xf32>,
        %mul3A_672 = arith.mulf %gather3A_669, %get3A_671 : vector<16xf32>
        %add3A_673 = arith.addf %add3A_662, %mul3A_672 : vector<16xf32>
        %add3A_674 = arith.constant 1 : i32
        %add3A_675 = vector.broadcast %add3A_674 : i32 to vector<16xi32>
        %add3A_676 = arith.addi %and3A_668, %add3A_675 : vector<16xi32>
        %and3A_677 = arith.constant 63 : i32
        %and3A_678 = vector.broadcast %and3A_677 : i32 to vector<16xi32>
        %and3A_679 = arith.andi %add3A_676, %and3A_678 : vector<16xi32>
        %gather3A_680 = tpu.vector_load_idx %arg9[%add3A_250, %and3A_679] : memref<408x64xf32, #tpu.memory_space<vmem>>[vector<16xi32>, vector<16xi32>], vector<16xf32>,
        %get3A_681 = arith.constant 39 : index
        %get3A_682 = tpu.vector_load %arg15[%get3A_681] {strides = array<i32>} : memref<128xf32, #tpu.memory_space<vmem>>, vector<16xf32>,
        %mul3A_683 = arith.mulf %gather3A_680, %get3A_682 : vector<16xf32>
        %add3A_684 = arith.addf %add3A_673, %mul3A_683 : vector<16xf32>
        %add3A_685 = arith.constant 1 : i32
        %add3A_686 = vector.broadcast %add3A_685 : i32 to vector<16xi32>
        %add3A_687 = arith.addi %and3A_679, %add3A_686 : vector<16xi32>
        %and3A_688 = arith.constant 63 : i32
        %and3A_689 = vector.broadcast %and3A_688 : i32 to vector<16xi32>
        %and3A_690 = arith.andi %add3A_687, %and3A_689 : vector<16xi32>
        %gather3A_691 = tpu.vector_load_idx %arg9[%add3A_250, %and3A_690] : memref<408x64xf32, #tpu.memory_space<vmem>>[vector<16xi32>, vector<16xi32>], vector<16xf32>,
        %get3A_692 = arith.constant 40 : index
        %get3A_693 = tpu.vector_load %arg15[%get3A_692] {strides = array<i32>} : memref<128xf32, #tpu.memory_space<vmem>>, vector<16xf32>,
        %mul3A_694 = arith.mulf %gather3A_691, %get3A_693 : vector<16xf32>
        %add3A_695 = arith.addf %add3A_684, %mul3A_694 : vector<16xf32>
        %add3A_696 = arith.constant 1 : i32
        %add3A_697 = vector.broadcast %add3A_696 : i32 to vector<16xi32>
        %add3A_698 = arith.addi %and3A_690, %add3A_697 : vector<16xi32>
        %and3A_699 = arith.constant 63 : i32
        %and3A_700 = vector.broadcast %and3A_699 : i32 to vector<16xi32>
        %and3A_701 = arith.andi %add3A_698, %and3A_700 : vector<16xi32>
        %gather3A_702 = tpu.vector_load_idx %arg9[%add3A_250, %and3A_701] : memref<408x64xf32, #tpu.memory_space<vmem>>[vector<16xi32>, vector<16xi32>], vector<16xf32>,
        %get3A_703 = arith.constant 41 : index
        %get3A_704 = tpu.vector_load %arg15[%get3A_703] {strides = array<i32>} : memref<128xf32, #tpu.memory_space<vmem>>, vector<16xf32>,
        %mul3A_705 = arith.mulf %gather3A_702, %get3A_704 : vector<16xf32>
        %add3A_706 = arith.addf %add3A_695, %mul3A_705 : vector<16xf32>
        %add3A_707 = arith.constant 1 : i32
        %add3A_708 = vector.broadcast %add3A_707 : i32 to vector<16xi32>
        %add3A_709 = arith.addi %and3A_701, %add3A_708 : vector<16xi32>
        %and3A_710 = arith.constant 63 : i32
        %and3A_711 = vector.broadcast %and3A_710 : i32 to vector<16xi32>
        %and3A_712 = arith.andi %add3A_709, %and3A_711 : vector<16xi32>
        %gather3A_713 = tpu.vector_load_idx %arg9[%add3A_250, %and3A_712] : memref<408x64xf32, #tpu.memory_space<vmem>>[vector<16xi32>, vector<16xi32>], vector<16xf32>,
        %get3A_714 = arith.constant 42 : index
        %get3A_715 = tpu.vector_load %arg15[%get3A_714] {strides = array<i32>} : memref<128xf32, #tpu.memory_space<vmem>>, vector<16xf32>,
        %mul3A_716 = arith.mulf %gather3A_713, %get3A_715 : vector<16xf32>
        %add3A_717 = arith.addf %add3A_706, %mul3A_716 : vector<16xf32>
        %add3A_718 = arith.constant 1 : i32
        %add3A_719 = vector.broadcast %add3A_718 : i32 to vector<16xi32>
        %add3A_720 = arith.addi %and3A_712, %add3A_719 : vector<16xi32>
        %and3A_721 = arith.constant 63 : i32
        %and3A_722 = vector.broadcast %and3A_721 : i32 to vector<16xi32>
        %and3A_723 = arith.andi %add3A_720, %and3A_722 : vector<16xi32>
        %gather3A_724 = tpu.vector_load_idx %arg9[%add3A_250, %and3A_723] : memref<408x64xf32, #tpu.memory_space<vmem>>[vector<16xi32>, vector<16xi32>], vector<16xf32>,
        %get3A_725 = arith.constant 43 : index
        %get3A_726 = tpu.vector_load %arg15[%get3A_725] {strides = array<i32>} : memref<128xf32, #tpu.memory_space<vmem>>, vector<16xf32>,
        %mul3A_727 = arith.mulf %gather3A_724, %get3A_726 : vector<16xf32>
        %add3A_728 = arith.addf %add3A_717, %mul3A_727 : vector<16xf32>
        %add3A_729 = arith.constant 1 : i32
        %add3A_730 = vector.broadcast %add3A_729 : i32 to vector<16xi32>
        %add3A_731 = arith.addi %and3A_723, %add3A_730 : vector<16xi32>
        %and3A_732 = arith.constant 63 : i32
        %and3A_733 = vector.broadcast %and3A_732 : i32 to vector<16xi32>
        %and3A_734 = arith.andi %add3A_731, %and3A_733 : vector<16xi32>
        %gather3A_735 = tpu.vector_load_idx %arg9[%add3A_250, %and3A_734] : memref<408x64xf32, #tpu.memory_space<vmem>>[vector<16xi32>, vector<16xi32>], vector<16xf32>,
        %get3A_736 = arith.constant 44 : index
        %get3A_737 = tpu.vector_load %arg15[%get3A_736] {strides = array<i32>} : memref<128xf32, #tpu.memory_space<vmem>>, vector<16xf32>,
        %mul3A_738 = arith.mulf %gather3A_735, %get3A_737 : vector<16xf32>
        %add3A_739 = arith.addf %add3A_728, %mul3A_738 : vector<16xf32>
        %add3A_740 = arith.constant 1 : i32
        %add3A_741 = vector.broadcast %add3A_740 : i32 to vector<16xi32>
        %add3A_742 = arith.addi %and3A_734, %add3A_741 : vector<16xi32>
        %and3A_743 = arith.constant 63 : i32
        %and3A_744 = vector.broadcast %and3A_743 : i32 to vector<16xi32>
        %and3A_745 = arith.andi %add3A_742, %and3A_744 : vector<16xi32>
        %gather3A_746 = tpu.vector_load_idx %arg9[%add3A_250, %and3A_745] : memref<408x64xf32, #tpu.memory_space<vmem>>[vector<16xi32>, vector<16xi32>], vector<16xf32>,
        %get3A_747 = arith.constant 45 : index
        %get3A_748 = tpu.vector_load %arg15[%get3A_747] {strides = array<i32>} : memref<128xf32, #tpu.memory_space<vmem>>, vector<16xf32>,
        %mul3A_749 = arith.mulf %gather3A_746, %get3A_748 : vector<16xf32>
        %add3A_750 = arith.addf %add3A_739, %mul3A_749 : vector<16xf32>
        %add3A_751 = arith.constant 1 : i32
        %add3A_752 = vector.broadcast %add3A_751 : i32 to vector<16xi32>
        %add3A_753 = arith.addi %and3A_745, %add3A_752 : vector<16xi32>
        %and3A_754 = arith.constant 63 : i32
        %and3A_755 = vector.broadcast %and3A_754 : i32 to vector<16xi32>
        %and3A_756 = arith.andi %add3A_753, %and3A_755 : vector<16xi32>
        %gather3A_757 = tpu.vector_load_idx %arg9[%add3A_250, %and3A_756] : memref<408x64xf32, #tpu.memory_space<vmem>>[vector<16xi32>, vector<16xi32>], vector<16xf32>,
        %get3A_758 = arith.constant 46 : index
        %get3A_759 = tpu.vector_load %arg15[%get3A_758] {strides = array<i32>} : memref<128xf32, #tpu.memory_space<vmem>>, vector<16xf32>,
        %mul3A_760 = arith.mulf %gather3A_757, %get3A_759 : vector<16xf32>
        %add3A_761 = arith.addf %add3A_750, %mul3A_760 : vector<16xf32>
        %add3A_762 = arith.constant 1 : i32
        %add3A_763 = vector.broadcast %add3A_762 : i32 to vector<16xi32>
        %add3A_764 = arith.addi %and3A_756, %add3A_763 : vector<16xi32>
        %and3A_765 = arith.constant 63 : i32
        %and3A_766 = vector.broadcast %and3A_765 : i32 to vector<16xi32>
        %and3A_767 = arith.andi %add3A_764, %and3A_766 : vector<16xi32>
        %gather3A_768 = tpu.vector_load_idx %arg9[%add3A_250, %and3A_767] : memref<408x64xf32, #tpu.memory_space<vmem>>[vector<16xi32>, vector<16xi32>], vector<16xf32>,
        %get3A_769 = arith.constant 47 : index
        %get3A_770 = tpu.vector_load %arg15[%get3A_769] {strides = array<i32>} : memref<128xf32, #tpu.memory_space<vmem>>, vector<16xf32>,
        %mul3A_771 = arith.mulf %gather3A_768, %get3A_770 : vector<16xf32>
        %add3A_772 = arith.addf %add3A_761, %mul3A_771 : vector<16xf32>
        %add3A_773 = arith.constant 1 : i32
        %add3A_774 = vector.broadcast %add3A_773 : i32 to vector<16xi32>
        %add3A_775 = arith.addi %and3A_767, %add3A_774 : vector<16xi32>
        %and3A_776 = arith.constant 63 : i32
        %and3A_777 = vector.broadcast %and3A_776 : i32 to vector<16xi32>
        %and3A_778 = arith.andi %add3A_775, %and3A_777 : vector<16xi32>
        %gather3A_779 = tpu.vector_load_idx %arg9[%add3A_250, %and3A_778] : memref<408x64xf32, #tpu.memory_space<vmem>>[vector<16xi32>, vector<16xi32>], vector<16xf32>,
        %get3A_780 = arith.constant 48 : index
        %get3A_781 = tpu.vector_load %arg15[%get3A_780] {strides = array<i32>} : memref<128xf32, #tpu.memory_space<vmem>>, vector<16xf32>,
        %mul3A_782 = arith.mulf %gather3A_779, %get3A_781 : vector<16xf32>
        %add3A_783 = arith.addf %add3A_772, %mul3A_782 : vector<16xf32>
        %add3A_784 = arith.constant 1 : i32
        %add3A_785 = vector.broadcast %add3A_784 : i32 to vector<16xi32>
        %add3A_786 = arith.addi %and3A_778, %add3A_785 : vector<16xi32>
        %and3A_787 = arith.constant 63 : i32
        %and3A_788 = vector.broadcast %and3A_787 : i32 to vector<16xi32>
        %and3A_789 = arith.andi %add3A_786, %and3A_788 : vector<16xi32>
        %gather3A_790 = tpu.vector_load_idx %arg9[%add3A_250, %and3A_789] : memref<408x64xf32, #tpu.memory_space<vmem>>[vector<16xi32>, vector<16xi32>], vector<16xf32>,
        %get3A_791 = arith.constant 49 : index
        %get3A_792 = tpu.vector_load %arg15[%get3A_791] {strides = array<i32>} : memref<128xf32, #tpu.memory_space<vmem>>, vector<16xf32>,
        %mul3A_793 = arith.mulf %gather3A_790, %get3A_792 : vector<16xf32>
        %add3A_794 = arith.addf %add3A_783, %mul3A_793 : vector<16xf32>
        %add3A_795 = arith.constant 1 : i32
        %add3A_796 = vector.broadcast %add3A_795 : i32 to vector<16xi32>
        %add3A_797 = arith.addi %and3A_789, %add3A_796 : vector<16xi32>
        %and3A_798 = arith.constant 63 : i32
        %and3A_799 = vector.broadcast %and3A_798 : i32 to vector<16xi32>
        %and3A_800 = arith.andi %add3A_797, %and3A_799 : vector<16xi32>
        %gather3A_801 = tpu.vector_load_idx %arg9[%add3A_250, %and3A_800] : memref<408x64xf32, #tpu.memory_space<vmem>>[vector<16xi32>, vector<16xi32>], vector<16xf32>,
        %get3A_802 = arith.constant 50 : index
        %get3A_803 = tpu.vector_load %arg15[%get3A_802] {strides = array<i32>} : memref<128xf32, #tpu.memory_space<vmem>>, vector<16xf32>,
        %mul3A_804 = arith.mulf %gather3A_801, %get3A_803 : vector<16xf32>
        %add3A_805 = arith.addf %add3A_794, %mul3A_804 : vector<16xf32>
        %add3A_806 = arith.constant 1 : i32
        %add3A_807 = vector.broadcast %add3A_806 : i32 to vector<16xi32>
        %add3A_808 = arith.addi %and3A_800, %add3A_807 : vector<16xi32>
        %and3A_809 = arith.constant 63 : i32
        %and3A_810 = vector.broadcast %and3A_809 : i32 to vector<16xi32>
        %and3A_811 = arith.andi %add3A_808, %and3A_810 : vector<16xi32>
        %gather3A_812 = tpu.vector_load_idx %arg9[%add3A_250, %and3A_811] : memref<408x64xf32, #tpu.memory_space<vmem>>[vector<16xi32>, vector<16xi32>], vector<16xf32>,
        %get3A_813 = arith.constant 51 : index
        %get3A_814 = tpu.vector_load %arg15[%get3A_813] {strides = array<i32>} : memref<128xf32, #tpu.memory_space<vmem>>, vector<16xf32>,
        %mul3A_815 = arith.mulf %gather3A_812, %get3A_814 : vector<16xf32>
        %add3A_816 = arith.addf %add3A_805, %mul3A_815 : vector<16xf32>
        %add3A_817 = arith.constant 1 : i32
        %add3A_818 = vector.broadcast %add3A_817 : i32 to vector<16xi32>
        %add3A_819 = arith.addi %and3A_811, %add3A_818 : vector<16xi32>
        %and3A_820 = arith.constant 63 : i32
        %and3A_821 = vector.broadcast %and3A_820 : i32 to vector<16xi32>
        %and3A_822 = arith.andi %add3A_819, %and3A_821 : vector<16xi32>
        %gather3A_823 = tpu.vector_load_idx %arg9[%add3A_250, %and3A_822] : memref<408x64xf32, #tpu.memory_space<vmem>>[vector<16xi32>, vector<16xi32>], vector<16xf32>,
        %get3A_824 = arith.constant 52 : index
        %get3A_825 = tpu.vector_load %arg15[%get3A_824] {strides = array<i32>} : memref<128xf32, #tpu.memory_space<vmem>>, vector<16xf32>,
        %mul3A_826 = arith.mulf %gather3A_823, %get3A_825 : vector<16xf32>
        %add3A_827 = arith.addf %add3A_816, %mul3A_826 : vector<16xf32>
        %add3A_828 = arith.constant 1 : i32
        %add3A_829 = vector.broadcast %add3A_828 : i32 to vector<16xi32>
        %add3A_830 = arith.addi %and3A_822, %add3A_829 : vector<16xi32>
        %and3A_831 = arith.constant 63 : i32
        %and3A_832 = vector.broadcast %and3A_831 : i32 to vector<16xi32>
        %and3A_833 = arith.andi %add3A_830, %and3A_832 : vector<16xi32>
        %gather3A_834 = tpu.vector_load_idx %arg9[%add3A_250, %and3A_833] : memref<408x64xf32, #tpu.memory_space<vmem>>[vector<16xi32>, vector<16xi32>], vector<16xf32>,
        %get3A_835 = arith.constant 53 : index
        %get3A_836 = tpu.vector_load %arg15[%get3A_835] {strides = array<i32>} : memref<128xf32, #tpu.memory_space<vmem>>, vector<16xf32>,
        %mul3A_837 = arith.mulf %gather3A_834, %get3A_836 : vector<16xf32>
        %add3A_838 = arith.addf %add3A_827, %mul3A_837 : vector<16xf32>
        %add3A_839 = arith.constant 1 : i32
        %add3A_840 = vector.broadcast %add3A_839 : i32 to vector<16xi32>
        %add3A_841 = arith.addi %and3A_833, %add3A_840 : vector<16xi32>
        %and3A_842 = arith.constant 63 : i32
        %and3A_843 = vector.broadcast %and3A_842 : i32 to vector<16xi32>
        %and3A_844 = arith.andi %add3A_841, %and3A_843 : vector<16xi32>
        %gather3A_845 = tpu.vector_load_idx %arg9[%add3A_250, %and3A_844] : memref<408x64xf32, #tpu.memory_space<vmem>>[vector<16xi32>, vector<16xi32>], vector<16xf32>,
        %get3A_846 = arith.constant 54 : index
        %get3A_847 = tpu.vector_load %arg15[%get3A_846] {strides = array<i32>} : memref<128xf32, #tpu.memory_space<vmem>>, vector<16xf32>,
        %mul3A_848 = arith.mulf %gather3A_845, %get3A_847 : vector<16xf32>
        %add3A_849 = arith.addf %add3A_838, %mul3A_848 : vector<16xf32>
        %add3A_850 = arith.constant 1 : i32
        %add3A_851 = vector.broadcast %add3A_850 : i32 to vector<16xi32>
        %add3A_852 = arith.addi %and3A_844, %add3A_851 : vector<16xi32>
        %and3A_853 = arith.constant 63 : i32
        %and3A_854 = vector.broadcast %and3A_853 : i32 to vector<16xi32>
        %and3A_855 = arith.andi %add3A_852, %and3A_854 : vector<16xi32>
        %gather3A_856 = tpu.vector_load_idx %arg9[%add3A_250, %and3A_855] : memref<408x64xf32, #tpu.memory_space<vmem>>[vector<16xi32>, vector<16xi32>], vector<16xf32>,
        %get3A_857 = arith.constant 55 : index
        %get3A_858 = tpu.vector_load %arg15[%get3A_857] {strides = array<i32>} : memref<128xf32, #tpu.memory_space<vmem>>, vector<16xf32>,
        %mul3A_859 = arith.mulf %gather3A_856, %get3A_858 : vector<16xf32>
        %add3A_860 = arith.addf %add3A_849, %mul3A_859 : vector<16xf32>
        %add3A_861 = arith.constant 1 : i32
        %add3A_862 = vector.broadcast %add3A_861 : i32 to vector<16xi32>
        %add3A_863 = arith.addi %and3A_855, %add3A_862 : vector<16xi32>
        %and3A_864 = arith.constant 63 : i32
        %and3A_865 = vector.broadcast %and3A_864 : i32 to vector<16xi32>
        %and3A_866 = arith.andi %add3A_863, %and3A_865 : vector<16xi32>
        %gather3A_867 = tpu.vector_load_idx %arg9[%add3A_250, %and3A_866] : memref<408x64xf32, #tpu.memory_space<vmem>>[vector<16xi32>, vector<16xi32>], vector<16xf32>,
        %get3A_868 = arith.constant 56 : index
        %get3A_869 = tpu.vector_load %arg15[%get3A_868] {strides = array<i32>} : memref<128xf32, #tpu.memory_space<vmem>>, vector<16xf32>,
        %mul3A_870 = arith.mulf %gather3A_867, %get3A_869 : vector<16xf32>
        %add3A_871 = arith.addf %add3A_860, %mul3A_870 : vector<16xf32>
        %add3A_872 = arith.constant 1 : i32
        %add3A_873 = vector.broadcast %add3A_872 : i32 to vector<16xi32>
        %add3A_874 = arith.addi %and3A_866, %add3A_873 : vector<16xi32>
        %and3A_875 = arith.constant 63 : i32
        %and3A_876 = vector.broadcast %and3A_875 : i32 to vector<16xi32>
        %and3A_877 = arith.andi %add3A_874, %and3A_876 : vector<16xi32>
        %gather3A_878 = tpu.vector_load_idx %arg9[%add3A_250, %and3A_877] : memref<408x64xf32, #tpu.memory_space<vmem>>[vector<16xi32>, vector<16xi32>], vector<16xf32>,
        %get3A_879 = arith.constant 57 : index
        %get3A_880 = tpu.vector_load %arg15[%get3A_879] {strides = array<i32>} : memref<128xf32, #tpu.memory_space<vmem>>, vector<16xf32>,
        %mul3A_881 = arith.mulf %gather3A_878, %get3A_880 : vector<16xf32>
        %add3A_882 = arith.addf %add3A_871, %mul3A_881 : vector<16xf32>
        %add3A_883 = arith.constant 1 : i32
        %add3A_884 = vector.broadcast %add3A_883 : i32 to vector<16xi32>
        %add3A_885 = arith.addi %and3A_877, %add3A_884 : vector<16xi32>
        %and3A_886 = arith.constant 63 : i32
        %and3A_887 = vector.broadcast %and3A_886 : i32 to vector<16xi32>
        %and3A_888 = arith.andi %add3A_885, %and3A_887 : vector<16xi32>
        %gather3A_889 = tpu.vector_load_idx %arg9[%add3A_250, %and3A_888] : memref<408x64xf32, #tpu.memory_space<vmem>>[vector<16xi32>, vector<16xi32>], vector<16xf32>,
        %get3A_890 = arith.constant 58 : index
        %get3A_891 = tpu.vector_load %arg15[%get3A_890] {strides = array<i32>} : memref<128xf32, #tpu.memory_space<vmem>>, vector<16xf32>,
        %mul3A_892 = arith.mulf %gather3A_889, %get3A_891 : vector<16xf32>
        %add3A_893 = arith.addf %add3A_882, %mul3A_892 : vector<16xf32>
        %add3A_894 = arith.constant 1 : i32
        %add3A_895 = vector.broadcast %add3A_894 : i32 to vector<16xi32>
        %add3A_896 = arith.addi %and3A_888, %add3A_895 : vector<16xi32>
        %and3A_897 = arith.constant 63 : i32
        %and3A_898 = vector.broadcast %and3A_897 : i32 to vector<16xi32>
        %and3A_899 = arith.andi %add3A_896, %and3A_898 : vector<16xi32>
        %gather3A_900 = tpu.vector_load_idx %arg9[%add3A_250, %and3A_899] : memref<408x64xf32, #tpu.memory_space<vmem>>[vector<16xi32>, vector<16xi32>], vector<16xf32>,
        %get3A_901 = arith.constant 59 : index
        %get3A_902 = tpu.vector_load %arg15[%get3A_901] {strides = array<i32>} : memref<128xf32, #tpu.memory_space<vmem>>, vector<16xf32>,
        %mul3A_903 = arith.mulf %gather3A_900, %get3A_902 : vector<16xf32>
        %add3A_904 = arith.addf %add3A_893, %mul3A_903 : vector<16xf32>
        %add3A_905 = arith.constant 1 : i32
        %add3A_906 = vector.broadcast %add3A_905 : i32 to vector<16xi32>
        %add3A_907 = arith.addi %and3A_899, %add3A_906 : vector<16xi32>
        %and3A_908 = arith.constant 63 : i32
        %and3A_909 = vector.broadcast %and3A_908 : i32 to vector<16xi32>
        %and3A_910 = arith.andi %add3A_907, %and3A_909 : vector<16xi32>
        %gather3A_911 = tpu.vector_load_idx %arg9[%add3A_250, %and3A_910] : memref<408x64xf32, #tpu.memory_space<vmem>>[vector<16xi32>, vector<16xi32>], vector<16xf32>,
        %get3A_912 = arith.constant 60 : index
        %get3A_913 = tpu.vector_load %arg15[%get3A_912] {strides = array<i32>} : memref<128xf32, #tpu.memory_space<vmem>>, vector<16xf32>,
        %mul3A_914 = arith.mulf %gather3A_911, %get3A_913 : vector<16xf32>
        %add3A_915 = arith.addf %add3A_904, %mul3A_914 : vector<16xf32>
        %add3A_916 = arith.constant 1 : i32
        %add3A_917 = vector.broadcast %add3A_916 : i32 to vector<16xi32>
        %add3A_918 = arith.addi %and3A_910, %add3A_917 : vector<16xi32>
        %and3A_919 = arith.constant 63 : i32
        %and3A_920 = vector.broadcast %and3A_919 : i32 to vector<16xi32>
        %and3A_921 = arith.andi %add3A_918, %and3A_920 : vector<16xi32>
        %gather3A_922 = tpu.vector_load_idx %arg9[%add3A_250, %and3A_921] : memref<408x64xf32, #tpu.memory_space<vmem>>[vector<16xi32>, vector<16xi32>], vector<16xf32>,
        %get3A_923 = arith.constant 61 : index
        %get3A_924 = tpu.vector_load %arg15[%get3A_923] {strides = array<i32>} : memref<128xf32, #tpu.memory_space<vmem>>, vector<16xf32>,
        %mul3A_925 = arith.mulf %gather3A_922, %get3A_924 : vector<16xf32>
        %add3A_926 = arith.addf %add3A_915, %mul3A_925 : vector<16xf32>
        %add3A_927 = arith.constant 1 : i32
        %add3A_928 = vector.broadcast %add3A_927 : i32 to vector<16xi32>
        %add3A_929 = arith.addi %and3A_921, %add3A_928 : vector<16xi32>
        %and3A_930 = arith.constant 63 : i32
        %and3A_931 = vector.broadcast %and3A_930 : i32 to vector<16xi32>
        %and3A_932 = arith.andi %add3A_929, %and3A_931 : vector<16xi32>
        %gather3A_933 = tpu.vector_load_idx %arg9[%add3A_250, %and3A_932] : memref<408x64xf32, #tpu.memory_space<vmem>>[vector<16xi32>, vector<16xi32>], vector<16xf32>,
        %get3A_934 = arith.constant 62 : index
        %get3A_935 = tpu.vector_load %arg15[%get3A_934] {strides = array<i32>} : memref<128xf32, #tpu.memory_space<vmem>>, vector<16xf32>,
        %mul3A_936 = arith.mulf %gather3A_933, %get3A_935 : vector<16xf32>
        %add3A_937 = arith.addf %add3A_926, %mul3A_936 : vector<16xf32>
        %add3A_938 = arith.constant 1 : i32
        %add3A_939 = vector.broadcast %add3A_938 : i32 to vector<16xi32>
        %add3A_940 = arith.addi %and3A_932, %add3A_939 : vector<16xi32>
        %and3A_941 = arith.constant 63 : i32
        %and3A_942 = vector.broadcast %and3A_941 : i32 to vector<16xi32>
        %and3A_943 = arith.andi %add3A_940, %and3A_942 : vector<16xi32>
        %gather3A_944 = tpu.vector_load_idx %arg9[%add3A_250, %and3A_943] : memref<408x64xf32, #tpu.memory_space<vmem>>[vector<16xi32>, vector<16xi32>], vector<16xf32>,
        %get3A_945 = arith.constant 63 : index
        %get3A_946 = tpu.vector_load %arg15[%get3A_945] {strides = array<i32>} : memref<128xf32, #tpu.memory_space<vmem>>, vector<16xf32>,
        %mul3A_947 = arith.mulf %gather3A_944, %get3A_946 : vector<16xf32>
        %add3A_948 = arith.addf %add3A_937, %mul3A_947 : vector<16xf32>
        tpu.vector_store_idx %arg13[%add3A_250], %add3A_948 : memref<408xf32, #tpu.memory_space<vmem>>[vector<16xi32>], vector<16xf32>,
      }
      %scan3A_128 = arith.constant 13 : i32
      %add3A_129 = arith.constant 2 : i32
      %add3A_130 = arith.addi %add3A_41, %add3A_129 : i32
      %lt3A = arith.constant 64 : i32
      %lt3A_131 = arith.cmpi slt, %add3A_130, %lt3A : i32
      %convert_element_type3A = arith.extui %lt3A_131 : i1 to i32
      %cond3A = arith.constant 0 : i32
      %cond3A_132 = arith.cmpi ne, %convert_element_type3A, %cond3A : i32
      scf.if %cond3A_132 {
        %add3A_244 = arith.constant 2 : i32
        %add3A_245 = arith.addi %add3A_41, %add3A_244 : i32
        %mul3A_246 = arith.constant 400 : i32
        %mul3A_247 = arith.muli %add3A_245, %mul3A_246 : i32
        %dma_start3A_248 = arith.constant 0 : i32
        %dma_start3A_249 = arith.constant 0 : i32
        %dma_start3A_250 = tpu.memref_slice %arg9[%dma_start3A_248, %dma_start3A_249] : memref<408x64xf32, #tpu.memory_space<vmem>> -> memref<400x64xf32, #tpu.memory_space<vmem>>
        %dma_start3A_251 = tpu.memref_slice %arg8[%mul3A_247] : memref<25600xi32, #tpu.memory_space<vmem>> -> memref<400xi32, #tpu.memory_space<vmem>>
        %dma_start3A_252 = arith.constant 0 : i32
        %dma_start3A_253 = arith.constant 0 : i32
        %dma_start3A_254 = tpu.memref_slice %arg4[%dma_start3A_252, %dma_start3A_253] : memref<1000000x64xf32, #tpu.memory_space<hbm>> -> memref<1000000x64xf32, #tpu.memory_space<hbm>>
        tpu.enqueue_indirect_dma source(%dma_start3A_254 : memref<1000000x64xf32, #tpu.memory_space<hbm>>) target(%dma_start3A_250 : memref<400x64xf32, #tpu.memory_space<vmem>>) offsets(%dma_start3A_251 : memref<400xi32, #tpu.memory_space<vmem>>) semaphore(%arg16 : memref<!tpu.dma_semaphore, #tpu.memory_space<semaphore_mem>>)
        %dma_start3A_255 = arith.constant 0 : i32
        %dma_start3A_256 = tpu.memref_slice %arg11[%dma_start3A_255] : memref<408xf32, #tpu.memory_space<vmem>> -> memref<400xf32, #tpu.memory_space<vmem>>
        %dma_start3A_257 = tpu.memref_slice %arg8[%mul3A_247] : memref<25600xi32, #tpu.memory_space<vmem>> -> memref<400xi32, #tpu.memory_space<vmem>>
        %dma_start3A_258 = arith.constant 0 : i32
        %dma_start3A_259 = tpu.memref_slice %arg5[%dma_start3A_258] : memref<1000000xf32, #tpu.memory_space<hbm>> -> memref<1000000xf32, #tpu.memory_space<hbm>>
        tpu.enqueue_indirect_dma source(%dma_start3A_259 : memref<1000000xf32, #tpu.memory_space<hbm>>) target(%dma_start3A_256 : memref<400xf32, #tpu.memory_space<vmem>>) offsets(%dma_start3A_257 : memref<400xi32, #tpu.memory_space<vmem>>) semaphore(%arg18 : memref<!tpu.dma_semaphore, #tpu.memory_space<semaphore_mem>>)
      } else {
      }
      %mul3A_133 = arith.constant 2 : i32
      %mul3A_134 = arith.muli %add3A_41, %mul3A_133 : i32
      %add3A_135 = arith.addi %mul3A_2, %mul3A_134 : i32
      %mul3A_136 = arith.constant 200 : i32
      %mul3A_137 = arith.muli %add3A_135, %mul3A_136 : i32
      "tpu.region"() ({
        %run_scoped3A = tpu.sem_alloc : memref<!tpu.dma_semaphore, #tpu.memory_space<semaphore_mem>>
        %dma_start3A_244 = arith.constant 0 : i32
        %dma_start3A_245 = tpu.memref_slice %arg13[%dma_start3A_244] : memref<408xf32, #tpu.memory_space<vmem>> -> memref<400xf32, #tpu.memory_space<vmem>>
        %dma_start3A_246 = tpu.memref_slice %arg6[%mul3A_137] : memref<819200xf32, #tpu.memory_space<hbm>> -> memref<400xf32, #tpu.memory_space<hbm>>
        %dma_start3A_247 = tpu.memref_slice %arg6[%mul3A_137] : memref<819200xf32, #tpu.memory_space<hbm>> -> memref<400xf32, #tpu.memory_space<hbm>>
        %dma_start3A_248 = arith.constant 0 : i32
        %dma_start3A_249 = tpu.memref_slice %arg13[%dma_start3A_248] : memref<408xf32, #tpu.memory_space<vmem>> -> memref<400xf32, #tpu.memory_space<vmem>>
        tpu.enqueue_dma source(%dma_start3A_249 : memref<400xf32, #tpu.memory_space<vmem>>) target(%dma_start3A_247 : memref<400xf32, #tpu.memory_space<hbm>>) target_semaphore(%run_scoped3A : memref<!tpu.dma_semaphore, #tpu.memory_space<semaphore_mem>>)
        %dma_wait3A_250 = arith.constant 0 : i32
        %dma_wait3A_251 = tpu.memref_slice %arg13[%dma_wait3A_250] : memref<408xf32, #tpu.memory_space<vmem>> -> memref<400xf32, #tpu.memory_space<vmem>>
        %dma_wait3A_252 = tpu.memref_slice %arg6[%mul3A_137] : memref<819200xf32, #tpu.memory_space<hbm>> -> memref<400xf32, #tpu.memory_space<hbm>>
        %dma_wait3A_253 = tpu.memref_slice %arg6[%mul3A_137] : memref<819200xf32, #tpu.memory_space<hbm>> -> memref<400xf32, #tpu.memory_space<hbm>>
        %dma_wait3A_254 = arith.constant 0 : i32
        %dma_wait3A_255 = tpu.memref_slice %arg13[%dma_wait3A_254] : memref<408xf32, #tpu.memory_space<vmem>> -> memref<400xf32, #tpu.memory_space<vmem>>
        tpu.wait_dma2 semaphore(%run_scoped3A : memref<!tpu.dma_semaphore, #tpu.memory_space<semaphore_mem>>) src(%dma_wait3A_255 : memref<400xf32, #tpu.memory_space<vmem>>) dst(%dma_wait3A_253 : memref<400xf32, #tpu.memory_space<hbm>>)
        tpu.yield
      }) : () -> ()
      %mul3A_138 = arith.constant 2 : i32
      %mul3A_139 = arith.muli %scan3A_37, %mul3A_138 : i32
      %add3A_140 = arith.constant 1 : i32
      %add3A_141 = arith.addi %mul3A_139, %add3A_140 : i32
      %mul3A_142 = arith.constant 400 : i32
      %mul3A_143 = arith.muli %add3A_141, %mul3A_142 : i32
      %dma_wait3A_144 = arith.constant 0 : i32
      %dma_wait3A_145 = arith.constant 0 : i32
      %dma_wait3A_146 = tpu.memref_slice %arg10[%dma_wait3A_144, %dma_wait3A_145] : memref<408x64xf32, #tpu.memory_space<vmem>> -> memref<400x64xf32, #tpu.memory_space<vmem>>
      %dma_wait3A_147 = tpu.memref_slice %arg8[%mul3A_143] : memref<25600xi32, #tpu.memory_space<vmem>> -> memref<400xi32, #tpu.memory_space<vmem>>
      %dma_wait3A_148 = arith.constant 0 : i32
      %dma_wait3A_149 = arith.constant 0 : i32
      %dma_wait3A_150 = tpu.memref_slice %arg4[%dma_wait3A_148, %dma_wait3A_149] : memref<1000000x64xf32, #tpu.memory_space<hbm>> -> memref<1000000x64xf32, #tpu.memory_space<hbm>>
      tpu.wait_indirect_dma semaphore(%arg17 : memref<!tpu.dma_semaphore, #tpu.memory_space<semaphore_mem>>) src(%dma_wait3A_150 : memref<1000000x64xf32, #tpu.memory_space<hbm>>) dst(%dma_wait3A_146 : memref<400x64xf32, #tpu.memory_space<vmem>>)
      %dma_wait3A_151 = arith.constant 0 : i32
      %dma_wait3A_152 = tpu.memref_slice %arg12[%dma_wait3A_151] : memref<408xf32, #tpu.memory_space<vmem>> -> memref<400xf32, #tpu.memory_space<vmem>>
      %dma_wait3A_153 = tpu.memref_slice %arg8[%mul3A_143] : memref<25600xi32, #tpu.memory_space<vmem>> -> memref<400xi32, #tpu.memory_space<vmem>>
      %dma_wait3A_154 = arith.constant 0 : i32
      %dma_wait3A_155 = tpu.memref_slice %arg5[%dma_wait3A_154] : memref<1000000xf32, #tpu.memory_space<hbm>> -> memref<1000000xf32, #tpu.memory_space<hbm>>
      tpu.wait_indirect_dma semaphore(%arg19 : memref<!tpu.dma_semaphore, #tpu.memory_space<semaphore_mem>>) src(%dma_wait3A_155 : memref<1000000xf32, #tpu.memory_space<hbm>>) dst(%dma_wait3A_152 : memref<400xf32, #tpu.memory_space<vmem>>)
      %mul3A_156 = arith.constant 2 : i32
      %mul3A_157 = arith.muli %add3A_141, %mul3A_156 : i32
      %add3A_158 = arith.constant 0 : i32
      %add3A_159 = arith.addi %mul3A_157, %add3A_158 : i32
      %get3A_160 = arith.index_cast %add3A_159 : i32 to index
      %get3A_161 = arith.constant 0 : index
      %get3A_162 = tpu.vector_load %arg7[%get3A_160, %get3A_161] {strides = array<i32>} : memref<128x64xf32, #tpu.memory_space<vmem>>, vector<16xf32>,
      %swap3A_163 = arith.constant 0 : index
      %swap3A_164 = tpu.vector_load %arg15[%swap3A_163] {strides = array<i32>} : memref<128xf32, #tpu.memory_space<vmem>>, vector<16xf32>,
      tpu.vector_store %arg15[%swap3A_163], %get3A_162 {strides = array<i32>} : memref<128xf32, #tpu.memory_space<vmem>>, vector<16xf32>,
      %swap3A_165 = arith.constant 64 : index
      %swap3A_166 = tpu.vector_load %arg15[%swap3A_165] {strides = array<i32>} : memref<128xf32, #tpu.memory_space<vmem>>, vector<16xf32>,
      tpu.vector_store %arg15[%swap3A_165], %get3A_162 {strides = array<i32>} : memref<128xf32, #tpu.memory_space<vmem>>, vector<16xf32>,
      %get3A_167 = arith.index_cast %add3A_159 : i32 to index
      %get3A_168 = arith.constant 16 : index
      %get3A_169 = tpu.vector_load %arg7[%get3A_167, %get3A_168] {strides = array<i32>} : memref<128x64xf32, #tpu.memory_space<vmem>>, vector<16xf32>,
      %swap3A_170 = arith.constant 16 : index
      %swap3A_171 = tpu.vector_load %arg15[%swap3A_170] {strides = array<i32>} : memref<128xf32, #tpu.memory_space<vmem>>, vector<16xf32>,
      tpu.vector_store %arg15[%swap3A_170], %get3A_169 {strides = array<i32>} : memref<128xf32, #tpu.memory_space<vmem>>, vector<16xf32>,
      %swap3A_172 = arith.constant 80 : index
      %swap3A_173 = tpu.vector_load %arg15[%swap3A_172] {strides = array<i32>} : memref<128xf32, #tpu.memory_space<vmem>>, vector<16xf32>,
      tpu.vector_store %arg15[%swap3A_172], %get3A_169 {strides = array<i32>} : memref<128xf32, #tpu.memory_space<vmem>>, vector<16xf32>,
      %get3A_174 = arith.index_cast %add3A_159 : i32 to index
      %get3A_175 = arith.constant 32 : index
      %get3A_176 = tpu.vector_load %arg7[%get3A_174, %get3A_175] {strides = array<i32>} : memref<128x64xf32, #tpu.memory_space<vmem>>, vector<16xf32>,
      %swap3A_177 = arith.constant 32 : index
      %swap3A_178 = tpu.vector_load %arg15[%swap3A_177] {strides = array<i32>} : memref<128xf32, #tpu.memory_space<vmem>>, vector<16xf32>,
      tpu.vector_store %arg15[%swap3A_177], %get3A_176 {strides = array<i32>} : memref<128xf32, #tpu.memory_space<vmem>>, vector<16xf32>,
      %swap3A_179 = arith.constant 96 : index
      %swap3A_180 = tpu.vector_load %arg15[%swap3A_179] {strides = array<i32>} : memref<128xf32, #tpu.memory_space<vmem>>, vector<16xf32>,
      tpu.vector_store %arg15[%swap3A_179], %get3A_176 {strides = array<i32>} : memref<128xf32, #tpu.memory_space<vmem>>, vector<16xf32>,
      %get3A_181 = arith.index_cast %add3A_159 : i32 to index
      %get3A_182 = arith.constant 48 : index
      %get3A_183 = tpu.vector_load %arg7[%get3A_181, %get3A_182] {strides = array<i32>} : memref<128x64xf32, #tpu.memory_space<vmem>>, vector<16xf32>,
      %swap3A_184 = arith.constant 48 : index
      %swap3A_185 = tpu.vector_load %arg15[%swap3A_184] {strides = array<i32>} : memref<128xf32, #tpu.memory_space<vmem>>, vector<16xf32>,
      tpu.vector_store %arg15[%swap3A_184], %get3A_183 {strides = array<i32>} : memref<128xf32, #tpu.memory_space<vmem>>, vector<16xf32>,
      %swap3A_186 = arith.constant 112 : index
      %swap3A_187 = tpu.vector_load %arg15[%swap3A_186] {strides = array<i32>} : memref<128xf32, #tpu.memory_space<vmem>>, vector<16xf32>,
      tpu.vector_store %arg15[%swap3A_186], %get3A_183 {strides = array<i32>} : memref<128xf32, #tpu.memory_space<vmem>>, vector<16xf32>,
      %scan3A_188 = arith.constant 0 : i32
      %scan3A_189 = arith.constant 0 : i32
      %scan3A_190 = arith.constant 13 : i32
      %scan3A_191 = arith.addi %scan3A_189, %scan3A_190 : i32
      %scan3A_192 = arith.constant 1 : i32
      scf.for %scan3A_244 = %scan3A_189 to %scan3A_191 step %scan3A_192  : i32 {
        %mul3A_245 = arith.constant 16 : i32
        %mul3A_246 = arith.muli %scan3A_244, %mul3A_245 : i32
        %add3A_247 = arith.constant 0 : i32
        %add3A_248 = arith.addi %add3A_247, %mul3A_246 : i32
        %iota3A = tpu.iota {dimensions = array<i32: 0>} : vector<16xi32>
        %add3A_249 = vector.broadcast %add3A_248 : i32 to vector<16xi32>
        %add3A_250 = arith.addi %add3A_249, %iota3A : vector<16xi32>
        %gather3A = tpu.vector_load_idx %arg12[%add3A_250] : memref<408xf32, #tpu.memory_space<vmem>>[vector<16xi32>], vector<16xf32>,
        %iota3A_251 = tpu.iota {dimensions = array<i32: 0>} : vector<16xi32>
        %gather3A_252 = tpu.vector_load_idx %arg10[%add3A_250, %iota3A_251] : memref<408x64xf32, #tpu.memory_space<vmem>>[vector<16xi32>, vector<16xi32>], vector<16xf32>,
        %get3A_253 = arith.constant 0 : index
        %get3A_254 = tpu.vector_load %arg15[%get3A_253] {strides = array<i32>} : memref<128xf32, #tpu.memory_space<vmem>>, vector<16xf32>,
        %mul3A_255 = arith.mulf %gather3A_252, %get3A_254 : vector<16xf32>
        %add3A_256 = arith.addf %gather3A, %mul3A_255 : vector<16xf32>
        %add3A_257 = arith.constant 1 : i32
        %add3A_258 = vector.broadcast %add3A_257 : i32 to vector<16xi32>
        %add3A_259 = arith.addi %iota3A_251, %add3A_258 : vector<16xi32>
        %and3A = arith.constant 63 : i32
        %and3A_260 = vector.broadcast %and3A : i32 to vector<16xi32>
        %and3A_261 = arith.andi %add3A_259, %and3A_260 : vector<16xi32>
        %gather3A_262 = tpu.vector_load_idx %arg10[%add3A_250, %and3A_261] : memref<408x64xf32, #tpu.memory_space<vmem>>[vector<16xi32>, vector<16xi32>], vector<16xf32>,
        %get3A_263 = arith.constant 1 : index
        %get3A_264 = tpu.vector_load %arg15[%get3A_263] {strides = array<i32>} : memref<128xf32, #tpu.memory_space<vmem>>, vector<16xf32>,
        %mul3A_265 = arith.mulf %gather3A_262, %get3A_264 : vector<16xf32>
        %add3A_266 = arith.addf %add3A_256, %mul3A_265 : vector<16xf32>
        %add3A_267 = arith.constant 1 : i32
        %add3A_268 = vector.broadcast %add3A_267 : i32 to vector<16xi32>
        %add3A_269 = arith.addi %and3A_261, %add3A_268 : vector<16xi32>
        %and3A_270 = arith.constant 63 : i32
        %and3A_271 = vector.broadcast %and3A_270 : i32 to vector<16xi32>
        %and3A_272 = arith.andi %add3A_269, %and3A_271 : vector<16xi32>
        %gather3A_273 = tpu.vector_load_idx %arg10[%add3A_250, %and3A_272] : memref<408x64xf32, #tpu.memory_space<vmem>>[vector<16xi32>, vector<16xi32>], vector<16xf32>,
        %get3A_274 = arith.constant 2 : index
        %get3A_275 = tpu.vector_load %arg15[%get3A_274] {strides = array<i32>} : memref<128xf32, #tpu.memory_space<vmem>>, vector<16xf32>,
        %mul3A_276 = arith.mulf %gather3A_273, %get3A_275 : vector<16xf32>
        %add3A_277 = arith.addf %add3A_266, %mul3A_276 : vector<16xf32>
        %add3A_278 = arith.constant 1 : i32
        %add3A_279 = vector.broadcast %add3A_278 : i32 to vector<16xi32>
        %add3A_280 = arith.addi %and3A_272, %add3A_279 : vector<16xi32>
        %and3A_281 = arith.constant 63 : i32
        %and3A_282 = vector.broadcast %and3A_281 : i32 to vector<16xi32>
        %and3A_283 = arith.andi %add3A_280, %and3A_282 : vector<16xi32>
        %gather3A_284 = tpu.vector_load_idx %arg10[%add3A_250, %and3A_283] : memref<408x64xf32, #tpu.memory_space<vmem>>[vector<16xi32>, vector<16xi32>], vector<16xf32>,
        %get3A_285 = arith.constant 3 : index
        %get3A_286 = tpu.vector_load %arg15[%get3A_285] {strides = array<i32>} : memref<128xf32, #tpu.memory_space<vmem>>, vector<16xf32>,
        %mul3A_287 = arith.mulf %gather3A_284, %get3A_286 : vector<16xf32>
        %add3A_288 = arith.addf %add3A_277, %mul3A_287 : vector<16xf32>
        %add3A_289 = arith.constant 1 : i32
        %add3A_290 = vector.broadcast %add3A_289 : i32 to vector<16xi32>
        %add3A_291 = arith.addi %and3A_283, %add3A_290 : vector<16xi32>
        %and3A_292 = arith.constant 63 : i32
        %and3A_293 = vector.broadcast %and3A_292 : i32 to vector<16xi32>
        %and3A_294 = arith.andi %add3A_291, %and3A_293 : vector<16xi32>
        %gather3A_295 = tpu.vector_load_idx %arg10[%add3A_250, %and3A_294] : memref<408x64xf32, #tpu.memory_space<vmem>>[vector<16xi32>, vector<16xi32>], vector<16xf32>,
        %get3A_296 = arith.constant 4 : index
        %get3A_297 = tpu.vector_load %arg15[%get3A_296] {strides = array<i32>} : memref<128xf32, #tpu.memory_space<vmem>>, vector<16xf32>,
        %mul3A_298 = arith.mulf %gather3A_295, %get3A_297 : vector<16xf32>
        %add3A_299 = arith.addf %add3A_288, %mul3A_298 : vector<16xf32>
        %add3A_300 = arith.constant 1 : i32
        %add3A_301 = vector.broadcast %add3A_300 : i32 to vector<16xi32>
        %add3A_302 = arith.addi %and3A_294, %add3A_301 : vector<16xi32>
        %and3A_303 = arith.constant 63 : i32
        %and3A_304 = vector.broadcast %and3A_303 : i32 to vector<16xi32>
        %and3A_305 = arith.andi %add3A_302, %and3A_304 : vector<16xi32>
        %gather3A_306 = tpu.vector_load_idx %arg10[%add3A_250, %and3A_305] : memref<408x64xf32, #tpu.memory_space<vmem>>[vector<16xi32>, vector<16xi32>], vector<16xf32>,
        %get3A_307 = arith.constant 5 : index
        %get3A_308 = tpu.vector_load %arg15[%get3A_307] {strides = array<i32>} : memref<128xf32, #tpu.memory_space<vmem>>, vector<16xf32>,
        %mul3A_309 = arith.mulf %gather3A_306, %get3A_308 : vector<16xf32>
        %add3A_310 = arith.addf %add3A_299, %mul3A_309 : vector<16xf32>
        %add3A_311 = arith.constant 1 : i32
        %add3A_312 = vector.broadcast %add3A_311 : i32 to vector<16xi32>
        %add3A_313 = arith.addi %and3A_305, %add3A_312 : vector<16xi32>
        %and3A_314 = arith.constant 63 : i32
        %and3A_315 = vector.broadcast %and3A_314 : i32 to vector<16xi32>
        %and3A_316 = arith.andi %add3A_313, %and3A_315 : vector<16xi32>
        %gather3A_317 = tpu.vector_load_idx %arg10[%add3A_250, %and3A_316] : memref<408x64xf32, #tpu.memory_space<vmem>>[vector<16xi32>, vector<16xi32>], vector<16xf32>,
        %get3A_318 = arith.constant 6 : index
        %get3A_319 = tpu.vector_load %arg15[%get3A_318] {strides = array<i32>} : memref<128xf32, #tpu.memory_space<vmem>>, vector<16xf32>,
        %mul3A_320 = arith.mulf %gather3A_317, %get3A_319 : vector<16xf32>
        %add3A_321 = arith.addf %add3A_310, %mul3A_320 : vector<16xf32>
        %add3A_322 = arith.constant 1 : i32
        %add3A_323 = vector.broadcast %add3A_322 : i32 to vector<16xi32>
        %add3A_324 = arith.addi %and3A_316, %add3A_323 : vector<16xi32>
        %and3A_325 = arith.constant 63 : i32
        %and3A_326 = vector.broadcast %and3A_325 : i32 to vector<16xi32>
        %and3A_327 = arith.andi %add3A_324, %and3A_326 : vector<16xi32>
        %gather3A_328 = tpu.vector_load_idx %arg10[%add3A_250, %and3A_327] : memref<408x64xf32, #tpu.memory_space<vmem>>[vector<16xi32>, vector<16xi32>], vector<16xf32>,
        %get3A_329 = arith.constant 7 : index
        %get3A_330 = tpu.vector_load %arg15[%get3A_329] {strides = array<i32>} : memref<128xf32, #tpu.memory_space<vmem>>, vector<16xf32>,
        %mul3A_331 = arith.mulf %gather3A_328, %get3A_330 : vector<16xf32>
        %add3A_332 = arith.addf %add3A_321, %mul3A_331 : vector<16xf32>
        %add3A_333 = arith.constant 1 : i32
        %add3A_334 = vector.broadcast %add3A_333 : i32 to vector<16xi32>
        %add3A_335 = arith.addi %and3A_327, %add3A_334 : vector<16xi32>
        %and3A_336 = arith.constant 63 : i32
        %and3A_337 = vector.broadcast %and3A_336 : i32 to vector<16xi32>
        %and3A_338 = arith.andi %add3A_335, %and3A_337 : vector<16xi32>
        %gather3A_339 = tpu.vector_load_idx %arg10[%add3A_250, %and3A_338] : memref<408x64xf32, #tpu.memory_space<vmem>>[vector<16xi32>, vector<16xi32>], vector<16xf32>,
        %get3A_340 = arith.constant 8 : index
        %get3A_341 = tpu.vector_load %arg15[%get3A_340] {strides = array<i32>} : memref<128xf32, #tpu.memory_space<vmem>>, vector<16xf32>,
        %mul3A_342 = arith.mulf %gather3A_339, %get3A_341 : vector<16xf32>
        %add3A_343 = arith.addf %add3A_332, %mul3A_342 : vector<16xf32>
        %add3A_344 = arith.constant 1 : i32
        %add3A_345 = vector.broadcast %add3A_344 : i32 to vector<16xi32>
        %add3A_346 = arith.addi %and3A_338, %add3A_345 : vector<16xi32>
        %and3A_347 = arith.constant 63 : i32
        %and3A_348 = vector.broadcast %and3A_347 : i32 to vector<16xi32>
        %and3A_349 = arith.andi %add3A_346, %and3A_348 : vector<16xi32>
        %gather3A_350 = tpu.vector_load_idx %arg10[%add3A_250, %and3A_349] : memref<408x64xf32, #tpu.memory_space<vmem>>[vector<16xi32>, vector<16xi32>], vector<16xf32>,
        %get3A_351 = arith.constant 9 : index
        %get3A_352 = tpu.vector_load %arg15[%get3A_351] {strides = array<i32>} : memref<128xf32, #tpu.memory_space<vmem>>, vector<16xf32>,
        %mul3A_353 = arith.mulf %gather3A_350, %get3A_352 : vector<16xf32>
        %add3A_354 = arith.addf %add3A_343, %mul3A_353 : vector<16xf32>
        %add3A_355 = arith.constant 1 : i32
        %add3A_356 = vector.broadcast %add3A_355 : i32 to vector<16xi32>
        %add3A_357 = arith.addi %and3A_349, %add3A_356 : vector<16xi32>
        %and3A_358 = arith.constant 63 : i32
        %and3A_359 = vector.broadcast %and3A_358 : i32 to vector<16xi32>
        %and3A_360 = arith.andi %add3A_357, %and3A_359 : vector<16xi32>
        %gather3A_361 = tpu.vector_load_idx %arg10[%add3A_250, %and3A_360] : memref<408x64xf32, #tpu.memory_space<vmem>>[vector<16xi32>, vector<16xi32>], vector<16xf32>,
        %get3A_362 = arith.constant 10 : index
        %get3A_363 = tpu.vector_load %arg15[%get3A_362] {strides = array<i32>} : memref<128xf32, #tpu.memory_space<vmem>>, vector<16xf32>,
        %mul3A_364 = arith.mulf %gather3A_361, %get3A_363 : vector<16xf32>
        %add3A_365 = arith.addf %add3A_354, %mul3A_364 : vector<16xf32>
        %add3A_366 = arith.constant 1 : i32
        %add3A_367 = vector.broadcast %add3A_366 : i32 to vector<16xi32>
        %add3A_368 = arith.addi %and3A_360, %add3A_367 : vector<16xi32>
        %and3A_369 = arith.constant 63 : i32
        %and3A_370 = vector.broadcast %and3A_369 : i32 to vector<16xi32>
        %and3A_371 = arith.andi %add3A_368, %and3A_370 : vector<16xi32>
        %gather3A_372 = tpu.vector_load_idx %arg10[%add3A_250, %and3A_371] : memref<408x64xf32, #tpu.memory_space<vmem>>[vector<16xi32>, vector<16xi32>], vector<16xf32>,
        %get3A_373 = arith.constant 11 : index
        %get3A_374 = tpu.vector_load %arg15[%get3A_373] {strides = array<i32>} : memref<128xf32, #tpu.memory_space<vmem>>, vector<16xf32>,
        %mul3A_375 = arith.mulf %gather3A_372, %get3A_374 : vector<16xf32>
        %add3A_376 = arith.addf %add3A_365, %mul3A_375 : vector<16xf32>
        %add3A_377 = arith.constant 1 : i32
        %add3A_378 = vector.broadcast %add3A_377 : i32 to vector<16xi32>
        %add3A_379 = arith.addi %and3A_371, %add3A_378 : vector<16xi32>
        %and3A_380 = arith.constant 63 : i32
        %and3A_381 = vector.broadcast %and3A_380 : i32 to vector<16xi32>
        %and3A_382 = arith.andi %add3A_379, %and3A_381 : vector<16xi32>
        %gather3A_383 = tpu.vector_load_idx %arg10[%add3A_250, %and3A_382] : memref<408x64xf32, #tpu.memory_space<vmem>>[vector<16xi32>, vector<16xi32>], vector<16xf32>,
        %get3A_384 = arith.constant 12 : index
        %get3A_385 = tpu.vector_load %arg15[%get3A_384] {strides = array<i32>} : memref<128xf32, #tpu.memory_space<vmem>>, vector<16xf32>,
        %mul3A_386 = arith.mulf %gather3A_383, %get3A_385 : vector<16xf32>
        %add3A_387 = arith.addf %add3A_376, %mul3A_386 : vector<16xf32>
        %add3A_388 = arith.constant 1 : i32
        %add3A_389 = vector.broadcast %add3A_388 : i32 to vector<16xi32>
        %add3A_390 = arith.addi %and3A_382, %add3A_389 : vector<16xi32>
        %and3A_391 = arith.constant 63 : i32
        %and3A_392 = vector.broadcast %and3A_391 : i32 to vector<16xi32>
        %and3A_393 = arith.andi %add3A_390, %and3A_392 : vector<16xi32>
        %gather3A_394 = tpu.vector_load_idx %arg10[%add3A_250, %and3A_393] : memref<408x64xf32, #tpu.memory_space<vmem>>[vector<16xi32>, vector<16xi32>], vector<16xf32>,
        %get3A_395 = arith.constant 13 : index
        %get3A_396 = tpu.vector_load %arg15[%get3A_395] {strides = array<i32>} : memref<128xf32, #tpu.memory_space<vmem>>, vector<16xf32>,
        %mul3A_397 = arith.mulf %gather3A_394, %get3A_396 : vector<16xf32>
        %add3A_398 = arith.addf %add3A_387, %mul3A_397 : vector<16xf32>
        %add3A_399 = arith.constant 1 : i32
        %add3A_400 = vector.broadcast %add3A_399 : i32 to vector<16xi32>
        %add3A_401 = arith.addi %and3A_393, %add3A_400 : vector<16xi32>
        %and3A_402 = arith.constant 63 : i32
        %and3A_403 = vector.broadcast %and3A_402 : i32 to vector<16xi32>
        %and3A_404 = arith.andi %add3A_401, %and3A_403 : vector<16xi32>
        %gather3A_405 = tpu.vector_load_idx %arg10[%add3A_250, %and3A_404] : memref<408x64xf32, #tpu.memory_space<vmem>>[vector<16xi32>, vector<16xi32>], vector<16xf32>,
        %get3A_406 = arith.constant 14 : index
        %get3A_407 = tpu.vector_load %arg15[%get3A_406] {strides = array<i32>} : memref<128xf32, #tpu.memory_space<vmem>>, vector<16xf32>,
        %mul3A_408 = arith.mulf %gather3A_405, %get3A_407 : vector<16xf32>
        %add3A_409 = arith.addf %add3A_398, %mul3A_408 : vector<16xf32>
        %add3A_410 = arith.constant 1 : i32
        %add3A_411 = vector.broadcast %add3A_410 : i32 to vector<16xi32>
        %add3A_412 = arith.addi %and3A_404, %add3A_411 : vector<16xi32>
        %and3A_413 = arith.constant 63 : i32
        %and3A_414 = vector.broadcast %and3A_413 : i32 to vector<16xi32>
        %and3A_415 = arith.andi %add3A_412, %and3A_414 : vector<16xi32>
        %gather3A_416 = tpu.vector_load_idx %arg10[%add3A_250, %and3A_415] : memref<408x64xf32, #tpu.memory_space<vmem>>[vector<16xi32>, vector<16xi32>], vector<16xf32>,
        %get3A_417 = arith.constant 15 : index
        %get3A_418 = tpu.vector_load %arg15[%get3A_417] {strides = array<i32>} : memref<128xf32, #tpu.memory_space<vmem>>, vector<16xf32>,
        %mul3A_419 = arith.mulf %gather3A_416, %get3A_418 : vector<16xf32>
        %add3A_420 = arith.addf %add3A_409, %mul3A_419 : vector<16xf32>
        %add3A_421 = arith.constant 1 : i32
        %add3A_422 = vector.broadcast %add3A_421 : i32 to vector<16xi32>
        %add3A_423 = arith.addi %and3A_415, %add3A_422 : vector<16xi32>
        %and3A_424 = arith.constant 63 : i32
        %and3A_425 = vector.broadcast %and3A_424 : i32 to vector<16xi32>
        %and3A_426 = arith.andi %add3A_423, %and3A_425 : vector<16xi32>
        %gather3A_427 = tpu.vector_load_idx %arg10[%add3A_250, %and3A_426] : memref<408x64xf32, #tpu.memory_space<vmem>>[vector<16xi32>, vector<16xi32>], vector<16xf32>,
        %get3A_428 = arith.constant 16 : index
        %get3A_429 = tpu.vector_load %arg15[%get3A_428] {strides = array<i32>} : memref<128xf32, #tpu.memory_space<vmem>>, vector<16xf32>,
        %mul3A_430 = arith.mulf %gather3A_427, %get3A_429 : vector<16xf32>
        %add3A_431 = arith.addf %add3A_420, %mul3A_430 : vector<16xf32>
        %add3A_432 = arith.constant 1 : i32
        %add3A_433 = vector.broadcast %add3A_432 : i32 to vector<16xi32>
        %add3A_434 = arith.addi %and3A_426, %add3A_433 : vector<16xi32>
        %and3A_435 = arith.constant 63 : i32
        %and3A_436 = vector.broadcast %and3A_435 : i32 to vector<16xi32>
        %and3A_437 = arith.andi %add3A_434, %and3A_436 : vector<16xi32>
        %gather3A_438 = tpu.vector_load_idx %arg10[%add3A_250, %and3A_437] : memref<408x64xf32, #tpu.memory_space<vmem>>[vector<16xi32>, vector<16xi32>], vector<16xf32>,
        %get3A_439 = arith.constant 17 : index
        %get3A_440 = tpu.vector_load %arg15[%get3A_439] {strides = array<i32>} : memref<128xf32, #tpu.memory_space<vmem>>, vector<16xf32>,
        %mul3A_441 = arith.mulf %gather3A_438, %get3A_440 : vector<16xf32>
        %add3A_442 = arith.addf %add3A_431, %mul3A_441 : vector<16xf32>
        %add3A_443 = arith.constant 1 : i32
        %add3A_444 = vector.broadcast %add3A_443 : i32 to vector<16xi32>
        %add3A_445 = arith.addi %and3A_437, %add3A_444 : vector<16xi32>
        %and3A_446 = arith.constant 63 : i32
        %and3A_447 = vector.broadcast %and3A_446 : i32 to vector<16xi32>
        %and3A_448 = arith.andi %add3A_445, %and3A_447 : vector<16xi32>
        %gather3A_449 = tpu.vector_load_idx %arg10[%add3A_250, %and3A_448] : memref<408x64xf32, #tpu.memory_space<vmem>>[vector<16xi32>, vector<16xi32>], vector<16xf32>,
        %get3A_450 = arith.constant 18 : index
        %get3A_451 = tpu.vector_load %arg15[%get3A_450] {strides = array<i32>} : memref<128xf32, #tpu.memory_space<vmem>>, vector<16xf32>,
        %mul3A_452 = arith.mulf %gather3A_449, %get3A_451 : vector<16xf32>
        %add3A_453 = arith.addf %add3A_442, %mul3A_452 : vector<16xf32>
        %add3A_454 = arith.constant 1 : i32
        %add3A_455 = vector.broadcast %add3A_454 : i32 to vector<16xi32>
        %add3A_456 = arith.addi %and3A_448, %add3A_455 : vector<16xi32>
        %and3A_457 = arith.constant 63 : i32
        %and3A_458 = vector.broadcast %and3A_457 : i32 to vector<16xi32>
        %and3A_459 = arith.andi %add3A_456, %and3A_458 : vector<16xi32>
        %gather3A_460 = tpu.vector_load_idx %arg10[%add3A_250, %and3A_459] : memref<408x64xf32, #tpu.memory_space<vmem>>[vector<16xi32>, vector<16xi32>], vector<16xf32>,
        %get3A_461 = arith.constant 19 : index
        %get3A_462 = tpu.vector_load %arg15[%get3A_461] {strides = array<i32>} : memref<128xf32, #tpu.memory_space<vmem>>, vector<16xf32>,
        %mul3A_463 = arith.mulf %gather3A_460, %get3A_462 : vector<16xf32>
        %add3A_464 = arith.addf %add3A_453, %mul3A_463 : vector<16xf32>
        %add3A_465 = arith.constant 1 : i32
        %add3A_466 = vector.broadcast %add3A_465 : i32 to vector<16xi32>
        %add3A_467 = arith.addi %and3A_459, %add3A_466 : vector<16xi32>
        %and3A_468 = arith.constant 63 : i32
        %and3A_469 = vector.broadcast %and3A_468 : i32 to vector<16xi32>
        %and3A_470 = arith.andi %add3A_467, %and3A_469 : vector<16xi32>
        %gather3A_471 = tpu.vector_load_idx %arg10[%add3A_250, %and3A_470] : memref<408x64xf32, #tpu.memory_space<vmem>>[vector<16xi32>, vector<16xi32>], vector<16xf32>,
        %get3A_472 = arith.constant 20 : index
        %get3A_473 = tpu.vector_load %arg15[%get3A_472] {strides = array<i32>} : memref<128xf32, #tpu.memory_space<vmem>>, vector<16xf32>,
        %mul3A_474 = arith.mulf %gather3A_471, %get3A_473 : vector<16xf32>
        %add3A_475 = arith.addf %add3A_464, %mul3A_474 : vector<16xf32>
        %add3A_476 = arith.constant 1 : i32
        %add3A_477 = vector.broadcast %add3A_476 : i32 to vector<16xi32>
        %add3A_478 = arith.addi %and3A_470, %add3A_477 : vector<16xi32>
        %and3A_479 = arith.constant 63 : i32
        %and3A_480 = vector.broadcast %and3A_479 : i32 to vector<16xi32>
        %and3A_481 = arith.andi %add3A_478, %and3A_480 : vector<16xi32>
        %gather3A_482 = tpu.vector_load_idx %arg10[%add3A_250, %and3A_481] : memref<408x64xf32, #tpu.memory_space<vmem>>[vector<16xi32>, vector<16xi32>], vector<16xf32>,
        %get3A_483 = arith.constant 21 : index
        %get3A_484 = tpu.vector_load %arg15[%get3A_483] {strides = array<i32>} : memref<128xf32, #tpu.memory_space<vmem>>, vector<16xf32>,
        %mul3A_485 = arith.mulf %gather3A_482, %get3A_484 : vector<16xf32>
        %add3A_486 = arith.addf %add3A_475, %mul3A_485 : vector<16xf32>
        %add3A_487 = arith.constant 1 : i32
        %add3A_488 = vector.broadcast %add3A_487 : i32 to vector<16xi32>
        %add3A_489 = arith.addi %and3A_481, %add3A_488 : vector<16xi32>
        %and3A_490 = arith.constant 63 : i32
        %and3A_491 = vector.broadcast %and3A_490 : i32 to vector<16xi32>
        %and3A_492 = arith.andi %add3A_489, %and3A_491 : vector<16xi32>
        %gather3A_493 = tpu.vector_load_idx %arg10[%add3A_250, %and3A_492] : memref<408x64xf32, #tpu.memory_space<vmem>>[vector<16xi32>, vector<16xi32>], vector<16xf32>,
        %get3A_494 = arith.constant 22 : index
        %get3A_495 = tpu.vector_load %arg15[%get3A_494] {strides = array<i32>} : memref<128xf32, #tpu.memory_space<vmem>>, vector<16xf32>,
        %mul3A_496 = arith.mulf %gather3A_493, %get3A_495 : vector<16xf32>
        %add3A_497 = arith.addf %add3A_486, %mul3A_496 : vector<16xf32>
        %add3A_498 = arith.constant 1 : i32
        %add3A_499 = vector.broadcast %add3A_498 : i32 to vector<16xi32>
        %add3A_500 = arith.addi %and3A_492, %add3A_499 : vector<16xi32>
        %and3A_501 = arith.constant 63 : i32
        %and3A_502 = vector.broadcast %and3A_501 : i32 to vector<16xi32>
        %and3A_503 = arith.andi %add3A_500, %and3A_502 : vector<16xi32>
        %gather3A_504 = tpu.vector_load_idx %arg10[%add3A_250, %and3A_503] : memref<408x64xf32, #tpu.memory_space<vmem>>[vector<16xi32>, vector<16xi32>], vector<16xf32>,
        %get3A_505 = arith.constant 23 : index
        %get3A_506 = tpu.vector_load %arg15[%get3A_505] {strides = array<i32>} : memref<128xf32, #tpu.memory_space<vmem>>, vector<16xf32>,
        %mul3A_507 = arith.mulf %gather3A_504, %get3A_506 : vector<16xf32>
        %add3A_508 = arith.addf %add3A_497, %mul3A_507 : vector<16xf32>
        %add3A_509 = arith.constant 1 : i32
        %add3A_510 = vector.broadcast %add3A_509 : i32 to vector<16xi32>
        %add3A_511 = arith.addi %and3A_503, %add3A_510 : vector<16xi32>
        %and3A_512 = arith.constant 63 : i32
        %and3A_513 = vector.broadcast %and3A_512 : i32 to vector<16xi32>
        %and3A_514 = arith.andi %add3A_511, %and3A_513 : vector<16xi32>
        %gather3A_515 = tpu.vector_load_idx %arg10[%add3A_250, %and3A_514] : memref<408x64xf32, #tpu.memory_space<vmem>>[vector<16xi32>, vector<16xi32>], vector<16xf32>,
        %get3A_516 = arith.constant 24 : index
        %get3A_517 = tpu.vector_load %arg15[%get3A_516] {strides = array<i32>} : memref<128xf32, #tpu.memory_space<vmem>>, vector<16xf32>,
        %mul3A_518 = arith.mulf %gather3A_515, %get3A_517 : vector<16xf32>
        %add3A_519 = arith.addf %add3A_508, %mul3A_518 : vector<16xf32>
        %add3A_520 = arith.constant 1 : i32
        %add3A_521 = vector.broadcast %add3A_520 : i32 to vector<16xi32>
        %add3A_522 = arith.addi %and3A_514, %add3A_521 : vector<16xi32>
        %and3A_523 = arith.constant 63 : i32
        %and3A_524 = vector.broadcast %and3A_523 : i32 to vector<16xi32>
        %and3A_525 = arith.andi %add3A_522, %and3A_524 : vector<16xi32>
        %gather3A_526 = tpu.vector_load_idx %arg10[%add3A_250, %and3A_525] : memref<408x64xf32, #tpu.memory_space<vmem>>[vector<16xi32>, vector<16xi32>], vector<16xf32>,
        %get3A_527 = arith.constant 25 : index
        %get3A_528 = tpu.vector_load %arg15[%get3A_527] {strides = array<i32>} : memref<128xf32, #tpu.memory_space<vmem>>, vector<16xf32>,
        %mul3A_529 = arith.mulf %gather3A_526, %get3A_528 : vector<16xf32>
        %add3A_530 = arith.addf %add3A_519, %mul3A_529 : vector<16xf32>
        %add3A_531 = arith.constant 1 : i32
        %add3A_532 = vector.broadcast %add3A_531 : i32 to vector<16xi32>
        %add3A_533 = arith.addi %and3A_525, %add3A_532 : vector<16xi32>
        %and3A_534 = arith.constant 63 : i32
        %and3A_535 = vector.broadcast %and3A_534 : i32 to vector<16xi32>
        %and3A_536 = arith.andi %add3A_533, %and3A_535 : vector<16xi32>
        %gather3A_537 = tpu.vector_load_idx %arg10[%add3A_250, %and3A_536] : memref<408x64xf32, #tpu.memory_space<vmem>>[vector<16xi32>, vector<16xi32>], vector<16xf32>,
        %get3A_538 = arith.constant 26 : index
        %get3A_539 = tpu.vector_load %arg15[%get3A_538] {strides = array<i32>} : memref<128xf32, #tpu.memory_space<vmem>>, vector<16xf32>,
        %mul3A_540 = arith.mulf %gather3A_537, %get3A_539 : vector<16xf32>
        %add3A_541 = arith.addf %add3A_530, %mul3A_540 : vector<16xf32>
        %add3A_542 = arith.constant 1 : i32
        %add3A_543 = vector.broadcast %add3A_542 : i32 to vector<16xi32>
        %add3A_544 = arith.addi %and3A_536, %add3A_543 : vector<16xi32>
        %and3A_545 = arith.constant 63 : i32
        %and3A_546 = vector.broadcast %and3A_545 : i32 to vector<16xi32>
        %and3A_547 = arith.andi %add3A_544, %and3A_546 : vector<16xi32>
        %gather3A_548 = tpu.vector_load_idx %arg10[%add3A_250, %and3A_547] : memref<408x64xf32, #tpu.memory_space<vmem>>[vector<16xi32>, vector<16xi32>], vector<16xf32>,
        %get3A_549 = arith.constant 27 : index
        %get3A_550 = tpu.vector_load %arg15[%get3A_549] {strides = array<i32>} : memref<128xf32, #tpu.memory_space<vmem>>, vector<16xf32>,
        %mul3A_551 = arith.mulf %gather3A_548, %get3A_550 : vector<16xf32>
        %add3A_552 = arith.addf %add3A_541, %mul3A_551 : vector<16xf32>
        %add3A_553 = arith.constant 1 : i32
        %add3A_554 = vector.broadcast %add3A_553 : i32 to vector<16xi32>
        %add3A_555 = arith.addi %and3A_547, %add3A_554 : vector<16xi32>
        %and3A_556 = arith.constant 63 : i32
        %and3A_557 = vector.broadcast %and3A_556 : i32 to vector<16xi32>
        %and3A_558 = arith.andi %add3A_555, %and3A_557 : vector<16xi32>
        %gather3A_559 = tpu.vector_load_idx %arg10[%add3A_250, %and3A_558] : memref<408x64xf32, #tpu.memory_space<vmem>>[vector<16xi32>, vector<16xi32>], vector<16xf32>,
        %get3A_560 = arith.constant 28 : index
        %get3A_561 = tpu.vector_load %arg15[%get3A_560] {strides = array<i32>} : memref<128xf32, #tpu.memory_space<vmem>>, vector<16xf32>,
        %mul3A_562 = arith.mulf %gather3A_559, %get3A_561 : vector<16xf32>
        %add3A_563 = arith.addf %add3A_552, %mul3A_562 : vector<16xf32>
        %add3A_564 = arith.constant 1 : i32
        %add3A_565 = vector.broadcast %add3A_564 : i32 to vector<16xi32>
        %add3A_566 = arith.addi %and3A_558, %add3A_565 : vector<16xi32>
        %and3A_567 = arith.constant 63 : i32
        %and3A_568 = vector.broadcast %and3A_567 : i32 to vector<16xi32>
        %and3A_569 = arith.andi %add3A_566, %and3A_568 : vector<16xi32>
        %gather3A_570 = tpu.vector_load_idx %arg10[%add3A_250, %and3A_569] : memref<408x64xf32, #tpu.memory_space<vmem>>[vector<16xi32>, vector<16xi32>], vector<16xf32>,
        %get3A_571 = arith.constant 29 : index
        %get3A_572 = tpu.vector_load %arg15[%get3A_571] {strides = array<i32>} : memref<128xf32, #tpu.memory_space<vmem>>, vector<16xf32>,
        %mul3A_573 = arith.mulf %gather3A_570, %get3A_572 : vector<16xf32>
        %add3A_574 = arith.addf %add3A_563, %mul3A_573 : vector<16xf32>
        %add3A_575 = arith.constant 1 : i32
        %add3A_576 = vector.broadcast %add3A_575 : i32 to vector<16xi32>
        %add3A_577 = arith.addi %and3A_569, %add3A_576 : vector<16xi32>
        %and3A_578 = arith.constant 63 : i32
        %and3A_579 = vector.broadcast %and3A_578 : i32 to vector<16xi32>
        %and3A_580 = arith.andi %add3A_577, %and3A_579 : vector<16xi32>
        %gather3A_581 = tpu.vector_load_idx %arg10[%add3A_250, %and3A_580] : memref<408x64xf32, #tpu.memory_space<vmem>>[vector<16xi32>, vector<16xi32>], vector<16xf32>,
        %get3A_582 = arith.constant 30 : index
        %get3A_583 = tpu.vector_load %arg15[%get3A_582] {strides = array<i32>} : memref<128xf32, #tpu.memory_space<vmem>>, vector<16xf32>,
        %mul3A_584 = arith.mulf %gather3A_581, %get3A_583 : vector<16xf32>
        %add3A_585 = arith.addf %add3A_574, %mul3A_584 : vector<16xf32>
        %add3A_586 = arith.constant 1 : i32
        %add3A_587 = vector.broadcast %add3A_586 : i32 to vector<16xi32>
        %add3A_588 = arith.addi %and3A_580, %add3A_587 : vector<16xi32>
        %and3A_589 = arith.constant 63 : i32
        %and3A_590 = vector.broadcast %and3A_589 : i32 to vector<16xi32>
        %and3A_591 = arith.andi %add3A_588, %and3A_590 : vector<16xi32>
        %gather3A_592 = tpu.vector_load_idx %arg10[%add3A_250, %and3A_591] : memref<408x64xf32, #tpu.memory_space<vmem>>[vector<16xi32>, vector<16xi32>], vector<16xf32>,
        %get3A_593 = arith.constant 31 : index
        %get3A_594 = tpu.vector_load %arg15[%get3A_593] {strides = array<i32>} : memref<128xf32, #tpu.memory_space<vmem>>, vector<16xf32>,
        %mul3A_595 = arith.mulf %gather3A_592, %get3A_594 : vector<16xf32>
        %add3A_596 = arith.addf %add3A_585, %mul3A_595 : vector<16xf32>
        %add3A_597 = arith.constant 1 : i32
        %add3A_598 = vector.broadcast %add3A_597 : i32 to vector<16xi32>
        %add3A_599 = arith.addi %and3A_591, %add3A_598 : vector<16xi32>
        %and3A_600 = arith.constant 63 : i32
        %and3A_601 = vector.broadcast %and3A_600 : i32 to vector<16xi32>
        %and3A_602 = arith.andi %add3A_599, %and3A_601 : vector<16xi32>
        %gather3A_603 = tpu.vector_load_idx %arg10[%add3A_250, %and3A_602] : memref<408x64xf32, #tpu.memory_space<vmem>>[vector<16xi32>, vector<16xi32>], vector<16xf32>,
        %get3A_604 = arith.constant 32 : index
        %get3A_605 = tpu.vector_load %arg15[%get3A_604] {strides = array<i32>} : memref<128xf32, #tpu.memory_space<vmem>>, vector<16xf32>,
        %mul3A_606 = arith.mulf %gather3A_603, %get3A_605 : vector<16xf32>
        %add3A_607 = arith.addf %add3A_596, %mul3A_606 : vector<16xf32>
        %add3A_608 = arith.constant 1 : i32
        %add3A_609 = vector.broadcast %add3A_608 : i32 to vector<16xi32>
        %add3A_610 = arith.addi %and3A_602, %add3A_609 : vector<16xi32>
        %and3A_611 = arith.constant 63 : i32
        %and3A_612 = vector.broadcast %and3A_611 : i32 to vector<16xi32>
        %and3A_613 = arith.andi %add3A_610, %and3A_612 : vector<16xi32>
        %gather3A_614 = tpu.vector_load_idx %arg10[%add3A_250, %and3A_613] : memref<408x64xf32, #tpu.memory_space<vmem>>[vector<16xi32>, vector<16xi32>], vector<16xf32>,
        %get3A_615 = arith.constant 33 : index
        %get3A_616 = tpu.vector_load %arg15[%get3A_615] {strides = array<i32>} : memref<128xf32, #tpu.memory_space<vmem>>, vector<16xf32>,
        %mul3A_617 = arith.mulf %gather3A_614, %get3A_616 : vector<16xf32>
        %add3A_618 = arith.addf %add3A_607, %mul3A_617 : vector<16xf32>
        %add3A_619 = arith.constant 1 : i32
        %add3A_620 = vector.broadcast %add3A_619 : i32 to vector<16xi32>
        %add3A_621 = arith.addi %and3A_613, %add3A_620 : vector<16xi32>
        %and3A_622 = arith.constant 63 : i32
        %and3A_623 = vector.broadcast %and3A_622 : i32 to vector<16xi32>
        %and3A_624 = arith.andi %add3A_621, %and3A_623 : vector<16xi32>
        %gather3A_625 = tpu.vector_load_idx %arg10[%add3A_250, %and3A_624] : memref<408x64xf32, #tpu.memory_space<vmem>>[vector<16xi32>, vector<16xi32>], vector<16xf32>,
        %get3A_626 = arith.constant 34 : index
        %get3A_627 = tpu.vector_load %arg15[%get3A_626] {strides = array<i32>} : memref<128xf32, #tpu.memory_space<vmem>>, vector<16xf32>,
        %mul3A_628 = arith.mulf %gather3A_625, %get3A_627 : vector<16xf32>
        %add3A_629 = arith.addf %add3A_618, %mul3A_628 : vector<16xf32>
        %add3A_630 = arith.constant 1 : i32
        %add3A_631 = vector.broadcast %add3A_630 : i32 to vector<16xi32>
        %add3A_632 = arith.addi %and3A_624, %add3A_631 : vector<16xi32>
        %and3A_633 = arith.constant 63 : i32
        %and3A_634 = vector.broadcast %and3A_633 : i32 to vector<16xi32>
        %and3A_635 = arith.andi %add3A_632, %and3A_634 : vector<16xi32>
        %gather3A_636 = tpu.vector_load_idx %arg10[%add3A_250, %and3A_635] : memref<408x64xf32, #tpu.memory_space<vmem>>[vector<16xi32>, vector<16xi32>], vector<16xf32>,
        %get3A_637 = arith.constant 35 : index
        %get3A_638 = tpu.vector_load %arg15[%get3A_637] {strides = array<i32>} : memref<128xf32, #tpu.memory_space<vmem>>, vector<16xf32>,
        %mul3A_639 = arith.mulf %gather3A_636, %get3A_638 : vector<16xf32>
        %add3A_640 = arith.addf %add3A_629, %mul3A_639 : vector<16xf32>
        %add3A_641 = arith.constant 1 : i32
        %add3A_642 = vector.broadcast %add3A_641 : i32 to vector<16xi32>
        %add3A_643 = arith.addi %and3A_635, %add3A_642 : vector<16xi32>
        %and3A_644 = arith.constant 63 : i32
        %and3A_645 = vector.broadcast %and3A_644 : i32 to vector<16xi32>
        %and3A_646 = arith.andi %add3A_643, %and3A_645 : vector<16xi32>
        %gather3A_647 = tpu.vector_load_idx %arg10[%add3A_250, %and3A_646] : memref<408x64xf32, #tpu.memory_space<vmem>>[vector<16xi32>, vector<16xi32>], vector<16xf32>,
        %get3A_648 = arith.constant 36 : index
        %get3A_649 = tpu.vector_load %arg15[%get3A_648] {strides = array<i32>} : memref<128xf32, #tpu.memory_space<vmem>>, vector<16xf32>,
        %mul3A_650 = arith.mulf %gather3A_647, %get3A_649 : vector<16xf32>
        %add3A_651 = arith.addf %add3A_640, %mul3A_650 : vector<16xf32>
        %add3A_652 = arith.constant 1 : i32
        %add3A_653 = vector.broadcast %add3A_652 : i32 to vector<16xi32>
        %add3A_654 = arith.addi %and3A_646, %add3A_653 : vector<16xi32>
        %and3A_655 = arith.constant 63 : i32
        %and3A_656 = vector.broadcast %and3A_655 : i32 to vector<16xi32>
        %and3A_657 = arith.andi %add3A_654, %and3A_656 : vector<16xi32>
        %gather3A_658 = tpu.vector_load_idx %arg10[%add3A_250, %and3A_657] : memref<408x64xf32, #tpu.memory_space<vmem>>[vector<16xi32>, vector<16xi32>], vector<16xf32>,
        %get3A_659 = arith.constant 37 : index
        %get3A_660 = tpu.vector_load %arg15[%get3A_659] {strides = array<i32>} : memref<128xf32, #tpu.memory_space<vmem>>, vector<16xf32>,
        %mul3A_661 = arith.mulf %gather3A_658, %get3A_660 : vector<16xf32>
        %add3A_662 = arith.addf %add3A_651, %mul3A_661 : vector<16xf32>
        %add3A_663 = arith.constant 1 : i32
        %add3A_664 = vector.broadcast %add3A_663 : i32 to vector<16xi32>
        %add3A_665 = arith.addi %and3A_657, %add3A_664 : vector<16xi32>
        %and3A_666 = arith.constant 63 : i32
        %and3A_667 = vector.broadcast %and3A_666 : i32 to vector<16xi32>
        %and3A_668 = arith.andi %add3A_665, %and3A_667 : vector<16xi32>
        %gather3A_669 = tpu.vector_load_idx %arg10[%add3A_250, %and3A_668] : memref<408x64xf32, #tpu.memory_space<vmem>>[vector<16xi32>, vector<16xi32>], vector<16xf32>,
        %get3A_670 = arith.constant 38 : index
        %get3A_671 = tpu.vector_load %arg15[%get3A_670] {strides = array<i32>} : memref<128xf32, #tpu.memory_space<vmem>>, vector<16xf32>,
        %mul3A_672 = arith.mulf %gather3A_669, %get3A_671 : vector<16xf32>
        %add3A_673 = arith.addf %add3A_662, %mul3A_672 : vector<16xf32>
        %add3A_674 = arith.constant 1 : i32
        %add3A_675 = vector.broadcast %add3A_674 : i32 to vector<16xi32>
        %add3A_676 = arith.addi %and3A_668, %add3A_675 : vector<16xi32>
        %and3A_677 = arith.constant 63 : i32
        %and3A_678 = vector.broadcast %and3A_677 : i32 to vector<16xi32>
        %and3A_679 = arith.andi %add3A_676, %and3A_678 : vector<16xi32>
        %gather3A_680 = tpu.vector_load_idx %arg10[%add3A_250, %and3A_679] : memref<408x64xf32, #tpu.memory_space<vmem>>[vector<16xi32>, vector<16xi32>], vector<16xf32>,
        %get3A_681 = arith.constant 39 : index
        %get3A_682 = tpu.vector_load %arg15[%get3A_681] {strides = array<i32>} : memref<128xf32, #tpu.memory_space<vmem>>, vector<16xf32>,
        %mul3A_683 = arith.mulf %gather3A_680, %get3A_682 : vector<16xf32>
        %add3A_684 = arith.addf %add3A_673, %mul3A_683 : vector<16xf32>
        %add3A_685 = arith.constant 1 : i32
        %add3A_686 = vector.broadcast %add3A_685 : i32 to vector<16xi32>
        %add3A_687 = arith.addi %and3A_679, %add3A_686 : vector<16xi32>
        %and3A_688 = arith.constant 63 : i32
        %and3A_689 = vector.broadcast %and3A_688 : i32 to vector<16xi32>
        %and3A_690 = arith.andi %add3A_687, %and3A_689 : vector<16xi32>
        %gather3A_691 = tpu.vector_load_idx %arg10[%add3A_250, %and3A_690] : memref<408x64xf32, #tpu.memory_space<vmem>>[vector<16xi32>, vector<16xi32>], vector<16xf32>,
        %get3A_692 = arith.constant 40 : index
        %get3A_693 = tpu.vector_load %arg15[%get3A_692] {strides = array<i32>} : memref<128xf32, #tpu.memory_space<vmem>>, vector<16xf32>,
        %mul3A_694 = arith.mulf %gather3A_691, %get3A_693 : vector<16xf32>
        %add3A_695 = arith.addf %add3A_684, %mul3A_694 : vector<16xf32>
        %add3A_696 = arith.constant 1 : i32
        %add3A_697 = vector.broadcast %add3A_696 : i32 to vector<16xi32>
        %add3A_698 = arith.addi %and3A_690, %add3A_697 : vector<16xi32>
        %and3A_699 = arith.constant 63 : i32
        %and3A_700 = vector.broadcast %and3A_699 : i32 to vector<16xi32>
        %and3A_701 = arith.andi %add3A_698, %and3A_700 : vector<16xi32>
        %gather3A_702 = tpu.vector_load_idx %arg10[%add3A_250, %and3A_701] : memref<408x64xf32, #tpu.memory_space<vmem>>[vector<16xi32>, vector<16xi32>], vector<16xf32>,
        %get3A_703 = arith.constant 41 : index
        %get3A_704 = tpu.vector_load %arg15[%get3A_703] {strides = array<i32>} : memref<128xf32, #tpu.memory_space<vmem>>, vector<16xf32>,
        %mul3A_705 = arith.mulf %gather3A_702, %get3A_704 : vector<16xf32>
        %add3A_706 = arith.addf %add3A_695, %mul3A_705 : vector<16xf32>
        %add3A_707 = arith.constant 1 : i32
        %add3A_708 = vector.broadcast %add3A_707 : i32 to vector<16xi32>
        %add3A_709 = arith.addi %and3A_701, %add3A_708 : vector<16xi32>
        %and3A_710 = arith.constant 63 : i32
        %and3A_711 = vector.broadcast %and3A_710 : i32 to vector<16xi32>
        %and3A_712 = arith.andi %add3A_709, %and3A_711 : vector<16xi32>
        %gather3A_713 = tpu.vector_load_idx %arg10[%add3A_250, %and3A_712] : memref<408x64xf32, #tpu.memory_space<vmem>>[vector<16xi32>, vector<16xi32>], vector<16xf32>,
        %get3A_714 = arith.constant 42 : index
        %get3A_715 = tpu.vector_load %arg15[%get3A_714] {strides = array<i32>} : memref<128xf32, #tpu.memory_space<vmem>>, vector<16xf32>,
        %mul3A_716 = arith.mulf %gather3A_713, %get3A_715 : vector<16xf32>
        %add3A_717 = arith.addf %add3A_706, %mul3A_716 : vector<16xf32>
        %add3A_718 = arith.constant 1 : i32
        %add3A_719 = vector.broadcast %add3A_718 : i32 to vector<16xi32>
        %add3A_720 = arith.addi %and3A_712, %add3A_719 : vector<16xi32>
        %and3A_721 = arith.constant 63 : i32
        %and3A_722 = vector.broadcast %and3A_721 : i32 to vector<16xi32>
        %and3A_723 = arith.andi %add3A_720, %and3A_722 : vector<16xi32>
        %gather3A_724 = tpu.vector_load_idx %arg10[%add3A_250, %and3A_723] : memref<408x64xf32, #tpu.memory_space<vmem>>[vector<16xi32>, vector<16xi32>], vector<16xf32>,
        %get3A_725 = arith.constant 43 : index
        %get3A_726 = tpu.vector_load %arg15[%get3A_725] {strides = array<i32>} : memref<128xf32, #tpu.memory_space<vmem>>, vector<16xf32>,
        %mul3A_727 = arith.mulf %gather3A_724, %get3A_726 : vector<16xf32>
        %add3A_728 = arith.addf %add3A_717, %mul3A_727 : vector<16xf32>
        %add3A_729 = arith.constant 1 : i32
        %add3A_730 = vector.broadcast %add3A_729 : i32 to vector<16xi32>
        %add3A_731 = arith.addi %and3A_723, %add3A_730 : vector<16xi32>
        %and3A_732 = arith.constant 63 : i32
        %and3A_733 = vector.broadcast %and3A_732 : i32 to vector<16xi32>
        %and3A_734 = arith.andi %add3A_731, %and3A_733 : vector<16xi32>
        %gather3A_735 = tpu.vector_load_idx %arg10[%add3A_250, %and3A_734] : memref<408x64xf32, #tpu.memory_space<vmem>>[vector<16xi32>, vector<16xi32>], vector<16xf32>,
        %get3A_736 = arith.constant 44 : index
        %get3A_737 = tpu.vector_load %arg15[%get3A_736] {strides = array<i32>} : memref<128xf32, #tpu.memory_space<vmem>>, vector<16xf32>,
        %mul3A_738 = arith.mulf %gather3A_735, %get3A_737 : vector<16xf32>
        %add3A_739 = arith.addf %add3A_728, %mul3A_738 : vector<16xf32>
        %add3A_740 = arith.constant 1 : i32
        %add3A_741 = vector.broadcast %add3A_740 : i32 to vector<16xi32>
        %add3A_742 = arith.addi %and3A_734, %add3A_741 : vector<16xi32>
        %and3A_743 = arith.constant 63 : i32
        %and3A_744 = vector.broadcast %and3A_743 : i32 to vector<16xi32>
        %and3A_745 = arith.andi %add3A_742, %and3A_744 : vector<16xi32>
        %gather3A_746 = tpu.vector_load_idx %arg10[%add3A_250, %and3A_745] : memref<408x64xf32, #tpu.memory_space<vmem>>[vector<16xi32>, vector<16xi32>], vector<16xf32>,
        %get3A_747 = arith.constant 45 : index
        %get3A_748 = tpu.vector_load %arg15[%get3A_747] {strides = array<i32>} : memref<128xf32, #tpu.memory_space<vmem>>, vector<16xf32>,
        %mul3A_749 = arith.mulf %gather3A_746, %get3A_748 : vector<16xf32>
        %add3A_750 = arith.addf %add3A_739, %mul3A_749 : vector<16xf32>
        %add3A_751 = arith.constant 1 : i32
        %add3A_752 = vector.broadcast %add3A_751 : i32 to vector<16xi32>
        %add3A_753 = arith.addi %and3A_745, %add3A_752 : vector<16xi32>
        %and3A_754 = arith.constant 63 : i32
        %and3A_755 = vector.broadcast %and3A_754 : i32 to vector<16xi32>
        %and3A_756 = arith.andi %add3A_753, %and3A_755 : vector<16xi32>
        %gather3A_757 = tpu.vector_load_idx %arg10[%add3A_250, %and3A_756] : memref<408x64xf32, #tpu.memory_space<vmem>>[vector<16xi32>, vector<16xi32>], vector<16xf32>,
        %get3A_758 = arith.constant 46 : index
        %get3A_759 = tpu.vector_load %arg15[%get3A_758] {strides = array<i32>} : memref<128xf32, #tpu.memory_space<vmem>>, vector<16xf32>,
        %mul3A_760 = arith.mulf %gather3A_757, %get3A_759 : vector<16xf32>
        %add3A_761 = arith.addf %add3A_750, %mul3A_760 : vector<16xf32>
        %add3A_762 = arith.constant 1 : i32
        %add3A_763 = vector.broadcast %add3A_762 : i32 to vector<16xi32>
        %add3A_764 = arith.addi %and3A_756, %add3A_763 : vector<16xi32>
        %and3A_765 = arith.constant 63 : i32
        %and3A_766 = vector.broadcast %and3A_765 : i32 to vector<16xi32>
        %and3A_767 = arith.andi %add3A_764, %and3A_766 : vector<16xi32>
        %gather3A_768 = tpu.vector_load_idx %arg10[%add3A_250, %and3A_767] : memref<408x64xf32, #tpu.memory_space<vmem>>[vector<16xi32>, vector<16xi32>], vector<16xf32>,
        %get3A_769 = arith.constant 47 : index
        %get3A_770 = tpu.vector_load %arg15[%get3A_769] {strides = array<i32>} : memref<128xf32, #tpu.memory_space<vmem>>, vector<16xf32>,
        %mul3A_771 = arith.mulf %gather3A_768, %get3A_770 : vector<16xf32>
        %add3A_772 = arith.addf %add3A_761, %mul3A_771 : vector<16xf32>
        %add3A_773 = arith.constant 1 : i32
        %add3A_774 = vector.broadcast %add3A_773 : i32 to vector<16xi32>
        %add3A_775 = arith.addi %and3A_767, %add3A_774 : vector<16xi32>
        %and3A_776 = arith.constant 63 : i32
        %and3A_777 = vector.broadcast %and3A_776 : i32 to vector<16xi32>
        %and3A_778 = arith.andi %add3A_775, %and3A_777 : vector<16xi32>
        %gather3A_779 = tpu.vector_load_idx %arg10[%add3A_250, %and3A_778] : memref<408x64xf32, #tpu.memory_space<vmem>>[vector<16xi32>, vector<16xi32>], vector<16xf32>,
        %get3A_780 = arith.constant 48 : index
        %get3A_781 = tpu.vector_load %arg15[%get3A_780] {strides = array<i32>} : memref<128xf32, #tpu.memory_space<vmem>>, vector<16xf32>,
        %mul3A_782 = arith.mulf %gather3A_779, %get3A_781 : vector<16xf32>
        %add3A_783 = arith.addf %add3A_772, %mul3A_782 : vector<16xf32>
        %add3A_784 = arith.constant 1 : i32
        %add3A_785 = vector.broadcast %add3A_784 : i32 to vector<16xi32>
        %add3A_786 = arith.addi %and3A_778, %add3A_785 : vector<16xi32>
        %and3A_787 = arith.constant 63 : i32
        %and3A_788 = vector.broadcast %and3A_787 : i32 to vector<16xi32>
        %and3A_789 = arith.andi %add3A_786, %and3A_788 : vector<16xi32>
        %gather3A_790 = tpu.vector_load_idx %arg10[%add3A_250, %and3A_789] : memref<408x64xf32, #tpu.memory_space<vmem>>[vector<16xi32>, vector<16xi32>], vector<16xf32>,
        %get3A_791 = arith.constant 49 : index
        %get3A_792 = tpu.vector_load %arg15[%get3A_791] {strides = array<i32>} : memref<128xf32, #tpu.memory_space<vmem>>, vector<16xf32>,
        %mul3A_793 = arith.mulf %gather3A_790, %get3A_792 : vector<16xf32>
        %add3A_794 = arith.addf %add3A_783, %mul3A_793 : vector<16xf32>
        %add3A_795 = arith.constant 1 : i32
        %add3A_796 = vector.broadcast %add3A_795 : i32 to vector<16xi32>
        %add3A_797 = arith.addi %and3A_789, %add3A_796 : vector<16xi32>
        %and3A_798 = arith.constant 63 : i32
        %and3A_799 = vector.broadcast %and3A_798 : i32 to vector<16xi32>
        %and3A_800 = arith.andi %add3A_797, %and3A_799 : vector<16xi32>
        %gather3A_801 = tpu.vector_load_idx %arg10[%add3A_250, %and3A_800] : memref<408x64xf32, #tpu.memory_space<vmem>>[vector<16xi32>, vector<16xi32>], vector<16xf32>,
        %get3A_802 = arith.constant 50 : index
        %get3A_803 = tpu.vector_load %arg15[%get3A_802] {strides = array<i32>} : memref<128xf32, #tpu.memory_space<vmem>>, vector<16xf32>,
        %mul3A_804 = arith.mulf %gather3A_801, %get3A_803 : vector<16xf32>
        %add3A_805 = arith.addf %add3A_794, %mul3A_804 : vector<16xf32>
        %add3A_806 = arith.constant 1 : i32
        %add3A_807 = vector.broadcast %add3A_806 : i32 to vector<16xi32>
        %add3A_808 = arith.addi %and3A_800, %add3A_807 : vector<16xi32>
        %and3A_809 = arith.constant 63 : i32
        %and3A_810 = vector.broadcast %and3A_809 : i32 to vector<16xi32>
        %and3A_811 = arith.andi %add3A_808, %and3A_810 : vector<16xi32>
        %gather3A_812 = tpu.vector_load_idx %arg10[%add3A_250, %and3A_811] : memref<408x64xf32, #tpu.memory_space<vmem>>[vector<16xi32>, vector<16xi32>], vector<16xf32>,
        %get3A_813 = arith.constant 51 : index
        %get3A_814 = tpu.vector_load %arg15[%get3A_813] {strides = array<i32>} : memref<128xf32, #tpu.memory_space<vmem>>, vector<16xf32>,
        %mul3A_815 = arith.mulf %gather3A_812, %get3A_814 : vector<16xf32>
        %add3A_816 = arith.addf %add3A_805, %mul3A_815 : vector<16xf32>
        %add3A_817 = arith.constant 1 : i32
        %add3A_818 = vector.broadcast %add3A_817 : i32 to vector<16xi32>
        %add3A_819 = arith.addi %and3A_811, %add3A_818 : vector<16xi32>
        %and3A_820 = arith.constant 63 : i32
        %and3A_821 = vector.broadcast %and3A_820 : i32 to vector<16xi32>
        %and3A_822 = arith.andi %add3A_819, %and3A_821 : vector<16xi32>
        %gather3A_823 = tpu.vector_load_idx %arg10[%add3A_250, %and3A_822] : memref<408x64xf32, #tpu.memory_space<vmem>>[vector<16xi32>, vector<16xi32>], vector<16xf32>,
        %get3A_824 = arith.constant 52 : index
        %get3A_825 = tpu.vector_load %arg15[%get3A_824] {strides = array<i32>} : memref<128xf32, #tpu.memory_space<vmem>>, vector<16xf32>,
        %mul3A_826 = arith.mulf %gather3A_823, %get3A_825 : vector<16xf32>
        %add3A_827 = arith.addf %add3A_816, %mul3A_826 : vector<16xf32>
        %add3A_828 = arith.constant 1 : i32
        %add3A_829 = vector.broadcast %add3A_828 : i32 to vector<16xi32>
        %add3A_830 = arith.addi %and3A_822, %add3A_829 : vector<16xi32>
        %and3A_831 = arith.constant 63 : i32
        %and3A_832 = vector.broadcast %and3A_831 : i32 to vector<16xi32>
        %and3A_833 = arith.andi %add3A_830, %and3A_832 : vector<16xi32>
        %gather3A_834 = tpu.vector_load_idx %arg10[%add3A_250, %and3A_833] : memref<408x64xf32, #tpu.memory_space<vmem>>[vector<16xi32>, vector<16xi32>], vector<16xf32>,
        %get3A_835 = arith.constant 53 : index
        %get3A_836 = tpu.vector_load %arg15[%get3A_835] {strides = array<i32>} : memref<128xf32, #tpu.memory_space<vmem>>, vector<16xf32>,
        %mul3A_837 = arith.mulf %gather3A_834, %get3A_836 : vector<16xf32>
        %add3A_838 = arith.addf %add3A_827, %mul3A_837 : vector<16xf32>
        %add3A_839 = arith.constant 1 : i32
        %add3A_840 = vector.broadcast %add3A_839 : i32 to vector<16xi32>
        %add3A_841 = arith.addi %and3A_833, %add3A_840 : vector<16xi32>
        %and3A_842 = arith.constant 63 : i32
        %and3A_843 = vector.broadcast %and3A_842 : i32 to vector<16xi32>
        %and3A_844 = arith.andi %add3A_841, %and3A_843 : vector<16xi32>
        %gather3A_845 = tpu.vector_load_idx %arg10[%add3A_250, %and3A_844] : memref<408x64xf32, #tpu.memory_space<vmem>>[vector<16xi32>, vector<16xi32>], vector<16xf32>,
        %get3A_846 = arith.constant 54 : index
        %get3A_847 = tpu.vector_load %arg15[%get3A_846] {strides = array<i32>} : memref<128xf32, #tpu.memory_space<vmem>>, vector<16xf32>,
        %mul3A_848 = arith.mulf %gather3A_845, %get3A_847 : vector<16xf32>
        %add3A_849 = arith.addf %add3A_838, %mul3A_848 : vector<16xf32>
        %add3A_850 = arith.constant 1 : i32
        %add3A_851 = vector.broadcast %add3A_850 : i32 to vector<16xi32>
        %add3A_852 = arith.addi %and3A_844, %add3A_851 : vector<16xi32>
        %and3A_853 = arith.constant 63 : i32
        %and3A_854 = vector.broadcast %and3A_853 : i32 to vector<16xi32>
        %and3A_855 = arith.andi %add3A_852, %and3A_854 : vector<16xi32>
        %gather3A_856 = tpu.vector_load_idx %arg10[%add3A_250, %and3A_855] : memref<408x64xf32, #tpu.memory_space<vmem>>[vector<16xi32>, vector<16xi32>], vector<16xf32>,
        %get3A_857 = arith.constant 55 : index
        %get3A_858 = tpu.vector_load %arg15[%get3A_857] {strides = array<i32>} : memref<128xf32, #tpu.memory_space<vmem>>, vector<16xf32>,
        %mul3A_859 = arith.mulf %gather3A_856, %get3A_858 : vector<16xf32>
        %add3A_860 = arith.addf %add3A_849, %mul3A_859 : vector<16xf32>
        %add3A_861 = arith.constant 1 : i32
        %add3A_862 = vector.broadcast %add3A_861 : i32 to vector<16xi32>
        %add3A_863 = arith.addi %and3A_855, %add3A_862 : vector<16xi32>
        %and3A_864 = arith.constant 63 : i32
        %and3A_865 = vector.broadcast %and3A_864 : i32 to vector<16xi32>
        %and3A_866 = arith.andi %add3A_863, %and3A_865 : vector<16xi32>
        %gather3A_867 = tpu.vector_load_idx %arg10[%add3A_250, %and3A_866] : memref<408x64xf32, #tpu.memory_space<vmem>>[vector<16xi32>, vector<16xi32>], vector<16xf32>,
        %get3A_868 = arith.constant 56 : index
        %get3A_869 = tpu.vector_load %arg15[%get3A_868] {strides = array<i32>} : memref<128xf32, #tpu.memory_space<vmem>>, vector<16xf32>,
        %mul3A_870 = arith.mulf %gather3A_867, %get3A_869 : vector<16xf32>
        %add3A_871 = arith.addf %add3A_860, %mul3A_870 : vector<16xf32>
        %add3A_872 = arith.constant 1 : i32
        %add3A_873 = vector.broadcast %add3A_872 : i32 to vector<16xi32>
        %add3A_874 = arith.addi %and3A_866, %add3A_873 : vector<16xi32>
        %and3A_875 = arith.constant 63 : i32
        %and3A_876 = vector.broadcast %and3A_875 : i32 to vector<16xi32>
        %and3A_877 = arith.andi %add3A_874, %and3A_876 : vector<16xi32>
        %gather3A_878 = tpu.vector_load_idx %arg10[%add3A_250, %and3A_877] : memref<408x64xf32, #tpu.memory_space<vmem>>[vector<16xi32>, vector<16xi32>], vector<16xf32>,
        %get3A_879 = arith.constant 57 : index
        %get3A_880 = tpu.vector_load %arg15[%get3A_879] {strides = array<i32>} : memref<128xf32, #tpu.memory_space<vmem>>, vector<16xf32>,
        %mul3A_881 = arith.mulf %gather3A_878, %get3A_880 : vector<16xf32>
        %add3A_882 = arith.addf %add3A_871, %mul3A_881 : vector<16xf32>
        %add3A_883 = arith.constant 1 : i32
        %add3A_884 = vector.broadcast %add3A_883 : i32 to vector<16xi32>
        %add3A_885 = arith.addi %and3A_877, %add3A_884 : vector<16xi32>
        %and3A_886 = arith.constant 63 : i32
        %and3A_887 = vector.broadcast %and3A_886 : i32 to vector<16xi32>
        %and3A_888 = arith.andi %add3A_885, %and3A_887 : vector<16xi32>
        %gather3A_889 = tpu.vector_load_idx %arg10[%add3A_250, %and3A_888] : memref<408x64xf32, #tpu.memory_space<vmem>>[vector<16xi32>, vector<16xi32>], vector<16xf32>,
        %get3A_890 = arith.constant 58 : index
        %get3A_891 = tpu.vector_load %arg15[%get3A_890] {strides = array<i32>} : memref<128xf32, #tpu.memory_space<vmem>>, vector<16xf32>,
        %mul3A_892 = arith.mulf %gather3A_889, %get3A_891 : vector<16xf32>
        %add3A_893 = arith.addf %add3A_882, %mul3A_892 : vector<16xf32>
        %add3A_894 = arith.constant 1 : i32
        %add3A_895 = vector.broadcast %add3A_894 : i32 to vector<16xi32>
        %add3A_896 = arith.addi %and3A_888, %add3A_895 : vector<16xi32>
        %and3A_897 = arith.constant 63 : i32
        %and3A_898 = vector.broadcast %and3A_897 : i32 to vector<16xi32>
        %and3A_899 = arith.andi %add3A_896, %and3A_898 : vector<16xi32>
        %gather3A_900 = tpu.vector_load_idx %arg10[%add3A_250, %and3A_899] : memref<408x64xf32, #tpu.memory_space<vmem>>[vector<16xi32>, vector<16xi32>], vector<16xf32>,
        %get3A_901 = arith.constant 59 : index
        %get3A_902 = tpu.vector_load %arg15[%get3A_901] {strides = array<i32>} : memref<128xf32, #tpu.memory_space<vmem>>, vector<16xf32>,
        %mul3A_903 = arith.mulf %gather3A_900, %get3A_902 : vector<16xf32>
        %add3A_904 = arith.addf %add3A_893, %mul3A_903 : vector<16xf32>
        %add3A_905 = arith.constant 1 : i32
        %add3A_906 = vector.broadcast %add3A_905 : i32 to vector<16xi32>
        %add3A_907 = arith.addi %and3A_899, %add3A_906 : vector<16xi32>
        %and3A_908 = arith.constant 63 : i32
        %and3A_909 = vector.broadcast %and3A_908 : i32 to vector<16xi32>
        %and3A_910 = arith.andi %add3A_907, %and3A_909 : vector<16xi32>
        %gather3A_911 = tpu.vector_load_idx %arg10[%add3A_250, %and3A_910] : memref<408x64xf32, #tpu.memory_space<vmem>>[vector<16xi32>, vector<16xi32>], vector<16xf32>,
        %get3A_912 = arith.constant 60 : index
        %get3A_913 = tpu.vector_load %arg15[%get3A_912] {strides = array<i32>} : memref<128xf32, #tpu.memory_space<vmem>>, vector<16xf32>,
        %mul3A_914 = arith.mulf %gather3A_911, %get3A_913 : vector<16xf32>
        %add3A_915 = arith.addf %add3A_904, %mul3A_914 : vector<16xf32>
        %add3A_916 = arith.constant 1 : i32
        %add3A_917 = vector.broadcast %add3A_916 : i32 to vector<16xi32>
        %add3A_918 = arith.addi %and3A_910, %add3A_917 : vector<16xi32>
        %and3A_919 = arith.constant 63 : i32
        %and3A_920 = vector.broadcast %and3A_919 : i32 to vector<16xi32>
        %and3A_921 = arith.andi %add3A_918, %and3A_920 : vector<16xi32>
        %gather3A_922 = tpu.vector_load_idx %arg10[%add3A_250, %and3A_921] : memref<408x64xf32, #tpu.memory_space<vmem>>[vector<16xi32>, vector<16xi32>], vector<16xf32>,
        %get3A_923 = arith.constant 61 : index
        %get3A_924 = tpu.vector_load %arg15[%get3A_923] {strides = array<i32>} : memref<128xf32, #tpu.memory_space<vmem>>, vector<16xf32>,
        %mul3A_925 = arith.mulf %gather3A_922, %get3A_924 : vector<16xf32>
        %add3A_926 = arith.addf %add3A_915, %mul3A_925 : vector<16xf32>
        %add3A_927 = arith.constant 1 : i32
        %add3A_928 = vector.broadcast %add3A_927 : i32 to vector<16xi32>
        %add3A_929 = arith.addi %and3A_921, %add3A_928 : vector<16xi32>
        %and3A_930 = arith.constant 63 : i32
        %and3A_931 = vector.broadcast %and3A_930 : i32 to vector<16xi32>
        %and3A_932 = arith.andi %add3A_929, %and3A_931 : vector<16xi32>
        %gather3A_933 = tpu.vector_load_idx %arg10[%add3A_250, %and3A_932] : memref<408x64xf32, #tpu.memory_space<vmem>>[vector<16xi32>, vector<16xi32>], vector<16xf32>,
        %get3A_934 = arith.constant 62 : index
        %get3A_935 = tpu.vector_load %arg15[%get3A_934] {strides = array<i32>} : memref<128xf32, #tpu.memory_space<vmem>>, vector<16xf32>,
        %mul3A_936 = arith.mulf %gather3A_933, %get3A_935 : vector<16xf32>
        %add3A_937 = arith.addf %add3A_926, %mul3A_936 : vector<16xf32>
        %add3A_938 = arith.constant 1 : i32
        %add3A_939 = vector.broadcast %add3A_938 : i32 to vector<16xi32>
        %add3A_940 = arith.addi %and3A_932, %add3A_939 : vector<16xi32>
        %and3A_941 = arith.constant 63 : i32
        %and3A_942 = vector.broadcast %and3A_941 : i32 to vector<16xi32>
        %and3A_943 = arith.andi %add3A_940, %and3A_942 : vector<16xi32>
        %gather3A_944 = tpu.vector_load_idx %arg10[%add3A_250, %and3A_943] : memref<408x64xf32, #tpu.memory_space<vmem>>[vector<16xi32>, vector<16xi32>], vector<16xf32>,
        %get3A_945 = arith.constant 63 : index
        %get3A_946 = tpu.vector_load %arg15[%get3A_945] {strides = array<i32>} : memref<128xf32, #tpu.memory_space<vmem>>, vector<16xf32>,
        %mul3A_947 = arith.mulf %gather3A_944, %get3A_946 : vector<16xf32>
        %add3A_948 = arith.addf %add3A_937, %mul3A_947 : vector<16xf32>
        tpu.vector_store_idx %arg14[%add3A_250], %add3A_948 : memref<408xf32, #tpu.memory_space<vmem>>[vector<16xi32>], vector<16xf32>,
      }
      %scan3A_193 = arith.constant 13 : i32
      %mul3A_194 = arith.constant 2 : i32
      %mul3A_195 = arith.muli %add3A_141, %mul3A_194 : i32
      %add3A_196 = arith.constant 1 : i32
      %add3A_197 = arith.addi %mul3A_195, %add3A_196 : i32
      %get3A_198 = arith.index_cast %add3A_197 : i32 to index
      %get3A_199 = arith.constant 0 : index
      %get3A_200 = tpu.vector_load %arg7[%get3A_198, %get3A_199] {strides = array<i32>} : memref<128x64xf32, #tpu.memory_space<vmem>>, vector<16xf32>,
      %swap3A_201 = arith.constant 0 : index
      %swap3A_202 = tpu.vector_load %arg15[%swap3A_201] {strides = array<i32>} : memref<128xf32, #tpu.memory_space<vmem>>, vector<16xf32>,
      tpu.vector_store %arg15[%swap3A_201], %get3A_200 {strides = array<i32>} : memref<128xf32, #tpu.memory_space<vmem>>, vector<16xf32>,
      %swap3A_203 = arith.constant 64 : index
      %swap3A_204 = tpu.vector_load %arg15[%swap3A_203] {strides = array<i32>} : memref<128xf32, #tpu.memory_space<vmem>>, vector<16xf32>,
      tpu.vector_store %arg15[%swap3A_203], %get3A_200 {strides = array<i32>} : memref<128xf32, #tpu.memory_space<vmem>>, vector<16xf32>,
      %get3A_205 = arith.index_cast %add3A_197 : i32 to index
      %get3A_206 = arith.constant 16 : index
      %get3A_207 = tpu.vector_load %arg7[%get3A_205, %get3A_206] {strides = array<i32>} : memref<128x64xf32, #tpu.memory_space<vmem>>, vector<16xf32>,
      %swap3A_208 = arith.constant 16 : index
      %swap3A_209 = tpu.vector_load %arg15[%swap3A_208] {strides = array<i32>} : memref<128xf32, #tpu.memory_space<vmem>>, vector<16xf32>,
      tpu.vector_store %arg15[%swap3A_208], %get3A_207 {strides = array<i32>} : memref<128xf32, #tpu.memory_space<vmem>>, vector<16xf32>,
      %swap3A_210 = arith.constant 80 : index
      %swap3A_211 = tpu.vector_load %arg15[%swap3A_210] {strides = array<i32>} : memref<128xf32, #tpu.memory_space<vmem>>, vector<16xf32>,
      tpu.vector_store %arg15[%swap3A_210], %get3A_207 {strides = array<i32>} : memref<128xf32, #tpu.memory_space<vmem>>, vector<16xf32>,
      %get3A_212 = arith.index_cast %add3A_197 : i32 to index
      %get3A_213 = arith.constant 32 : index
      %get3A_214 = tpu.vector_load %arg7[%get3A_212, %get3A_213] {strides = array<i32>} : memref<128x64xf32, #tpu.memory_space<vmem>>, vector<16xf32>,
      %swap3A_215 = arith.constant 32 : index
      %swap3A_216 = tpu.vector_load %arg15[%swap3A_215] {strides = array<i32>} : memref<128xf32, #tpu.memory_space<vmem>>, vector<16xf32>,
      tpu.vector_store %arg15[%swap3A_215], %get3A_214 {strides = array<i32>} : memref<128xf32, #tpu.memory_space<vmem>>, vector<16xf32>,
      %swap3A_217 = arith.constant 96 : index
      %swap3A_218 = tpu.vector_load %arg15[%swap3A_217] {strides = array<i32>} : memref<128xf32, #tpu.memory_space<vmem>>, vector<16xf32>,
      tpu.vector_store %arg15[%swap3A_217], %get3A_214 {strides = array<i32>} : memref<128xf32, #tpu.memory_space<vmem>>, vector<16xf32>,
      %get3A_219 = arith.index_cast %add3A_197 : i32 to index
      %get3A_220 = arith.constant 48 : index
      %get3A_221 = tpu.vector_load %arg7[%get3A_219, %get3A_220] {strides = array<i32>} : memref<128x64xf32, #tpu.memory_space<vmem>>, vector<16xf32>,
      %swap3A_222 = arith.constant 48 : index
      %swap3A_223 = tpu.vector_load %arg15[%swap3A_222] {strides = array<i32>} : memref<128xf32, #tpu.memory_space<vmem>>, vector<16xf32>,
      tpu.vector_store %arg15[%swap3A_222], %get3A_221 {strides = array<i32>} : memref<128xf32, #tpu.memory_space<vmem>>, vector<16xf32>,
      %swap3A_224 = arith.constant 112 : index
      %swap3A_225 = tpu.vector_load %arg15[%swap3A_224] {strides = array<i32>} : memref<128xf32, #tpu.memory_space<vmem>>, vector<16xf32>,
      tpu.vector_store %arg15[%swap3A_224], %get3A_221 {strides = array<i32>} : memref<128xf32, #tpu.memory_space<vmem>>, vector<16xf32>,
      %scan3A_226 = arith.constant 0 : i32
      %scan3A_227 = arith.constant 0 : i32
      %scan3A_228 = arith.constant 13 : i32
      %scan3A_229 = arith.addi %scan3A_227, %scan3A_228 : i32
      %scan3A_230 = arith.constant 1 : i32
      scf.for %scan3A_244 = %scan3A_227 to %scan3A_229 step %scan3A_230  : i32 {
        %mul3A_245 = arith.constant 16 : i32
        %mul3A_246 = arith.muli %scan3A_244, %mul3A_245 : i32
        %add3A_247 = arith.constant 200 : i32
        %add3A_248 = arith.addi %add3A_247, %mul3A_246 : i32
        %iota3A = tpu.iota {dimensions = array<i32: 0>} : vector<16xi32>
        %add3A_249 = vector.broadcast %add3A_248 : i32 to vector<16xi32>
        %add3A_250 = arith.addi %add3A_249, %iota3A : vector<16xi32>
        %gather3A = tpu.vector_load_idx %arg12[%add3A_250] : memref<408xf32, #tpu.memory_space<vmem>>[vector<16xi32>], vector<16xf32>,
        %iota3A_251 = tpu.iota {dimensions = array<i32: 0>} : vector<16xi32>
        %gather3A_252 = tpu.vector_load_idx %arg10[%add3A_250, %iota3A_251] : memref<408x64xf32, #tpu.memory_space<vmem>>[vector<16xi32>, vector<16xi32>], vector<16xf32>,
        %get3A_253 = arith.constant 0 : index
        %get3A_254 = tpu.vector_load %arg15[%get3A_253] {strides = array<i32>} : memref<128xf32, #tpu.memory_space<vmem>>, vector<16xf32>,
        %mul3A_255 = arith.mulf %gather3A_252, %get3A_254 : vector<16xf32>
        %add3A_256 = arith.addf %gather3A, %mul3A_255 : vector<16xf32>
        %add3A_257 = arith.constant 1 : i32
        %add3A_258 = vector.broadcast %add3A_257 : i32 to vector<16xi32>
        %add3A_259 = arith.addi %iota3A_251, %add3A_258 : vector<16xi32>
        %and3A = arith.constant 63 : i32
        %and3A_260 = vector.broadcast %and3A : i32 to vector<16xi32>
        %and3A_261 = arith.andi %add3A_259, %and3A_260 : vector<16xi32>
        %gather3A_262 = tpu.vector_load_idx %arg10[%add3A_250, %and3A_261] : memref<408x64xf32, #tpu.memory_space<vmem>>[vector<16xi32>, vector<16xi32>], vector<16xf32>,
        %get3A_263 = arith.constant 1 : index
        %get3A_264 = tpu.vector_load %arg15[%get3A_263] {strides = array<i32>} : memref<128xf32, #tpu.memory_space<vmem>>, vector<16xf32>,
        %mul3A_265 = arith.mulf %gather3A_262, %get3A_264 : vector<16xf32>
        %add3A_266 = arith.addf %add3A_256, %mul3A_265 : vector<16xf32>
        %add3A_267 = arith.constant 1 : i32
        %add3A_268 = vector.broadcast %add3A_267 : i32 to vector<16xi32>
        %add3A_269 = arith.addi %and3A_261, %add3A_268 : vector<16xi32>
        %and3A_270 = arith.constant 63 : i32
        %and3A_271 = vector.broadcast %and3A_270 : i32 to vector<16xi32>
        %and3A_272 = arith.andi %add3A_269, %and3A_271 : vector<16xi32>
        %gather3A_273 = tpu.vector_load_idx %arg10[%add3A_250, %and3A_272] : memref<408x64xf32, #tpu.memory_space<vmem>>[vector<16xi32>, vector<16xi32>], vector<16xf32>,
        %get3A_274 = arith.constant 2 : index
        %get3A_275 = tpu.vector_load %arg15[%get3A_274] {strides = array<i32>} : memref<128xf32, #tpu.memory_space<vmem>>, vector<16xf32>,
        %mul3A_276 = arith.mulf %gather3A_273, %get3A_275 : vector<16xf32>
        %add3A_277 = arith.addf %add3A_266, %mul3A_276 : vector<16xf32>
        %add3A_278 = arith.constant 1 : i32
        %add3A_279 = vector.broadcast %add3A_278 : i32 to vector<16xi32>
        %add3A_280 = arith.addi %and3A_272, %add3A_279 : vector<16xi32>
        %and3A_281 = arith.constant 63 : i32
        %and3A_282 = vector.broadcast %and3A_281 : i32 to vector<16xi32>
        %and3A_283 = arith.andi %add3A_280, %and3A_282 : vector<16xi32>
        %gather3A_284 = tpu.vector_load_idx %arg10[%add3A_250, %and3A_283] : memref<408x64xf32, #tpu.memory_space<vmem>>[vector<16xi32>, vector<16xi32>], vector<16xf32>,
        %get3A_285 = arith.constant 3 : index
        %get3A_286 = tpu.vector_load %arg15[%get3A_285] {strides = array<i32>} : memref<128xf32, #tpu.memory_space<vmem>>, vector<16xf32>,
        %mul3A_287 = arith.mulf %gather3A_284, %get3A_286 : vector<16xf32>
        %add3A_288 = arith.addf %add3A_277, %mul3A_287 : vector<16xf32>
        %add3A_289 = arith.constant 1 : i32
        %add3A_290 = vector.broadcast %add3A_289 : i32 to vector<16xi32>
        %add3A_291 = arith.addi %and3A_283, %add3A_290 : vector<16xi32>
        %and3A_292 = arith.constant 63 : i32
        %and3A_293 = vector.broadcast %and3A_292 : i32 to vector<16xi32>
        %and3A_294 = arith.andi %add3A_291, %and3A_293 : vector<16xi32>
        %gather3A_295 = tpu.vector_load_idx %arg10[%add3A_250, %and3A_294] : memref<408x64xf32, #tpu.memory_space<vmem>>[vector<16xi32>, vector<16xi32>], vector<16xf32>,
        %get3A_296 = arith.constant 4 : index
        %get3A_297 = tpu.vector_load %arg15[%get3A_296] {strides = array<i32>} : memref<128xf32, #tpu.memory_space<vmem>>, vector<16xf32>,
        %mul3A_298 = arith.mulf %gather3A_295, %get3A_297 : vector<16xf32>
        %add3A_299 = arith.addf %add3A_288, %mul3A_298 : vector<16xf32>
        %add3A_300 = arith.constant 1 : i32
        %add3A_301 = vector.broadcast %add3A_300 : i32 to vector<16xi32>
        %add3A_302 = arith.addi %and3A_294, %add3A_301 : vector<16xi32>
        %and3A_303 = arith.constant 63 : i32
        %and3A_304 = vector.broadcast %and3A_303 : i32 to vector<16xi32>
        %and3A_305 = arith.andi %add3A_302, %and3A_304 : vector<16xi32>
        %gather3A_306 = tpu.vector_load_idx %arg10[%add3A_250, %and3A_305] : memref<408x64xf32, #tpu.memory_space<vmem>>[vector<16xi32>, vector<16xi32>], vector<16xf32>,
        %get3A_307 = arith.constant 5 : index
        %get3A_308 = tpu.vector_load %arg15[%get3A_307] {strides = array<i32>} : memref<128xf32, #tpu.memory_space<vmem>>, vector<16xf32>,
        %mul3A_309 = arith.mulf %gather3A_306, %get3A_308 : vector<16xf32>
        %add3A_310 = arith.addf %add3A_299, %mul3A_309 : vector<16xf32>
        %add3A_311 = arith.constant 1 : i32
        %add3A_312 = vector.broadcast %add3A_311 : i32 to vector<16xi32>
        %add3A_313 = arith.addi %and3A_305, %add3A_312 : vector<16xi32>
        %and3A_314 = arith.constant 63 : i32
        %and3A_315 = vector.broadcast %and3A_314 : i32 to vector<16xi32>
        %and3A_316 = arith.andi %add3A_313, %and3A_315 : vector<16xi32>
        %gather3A_317 = tpu.vector_load_idx %arg10[%add3A_250, %and3A_316] : memref<408x64xf32, #tpu.memory_space<vmem>>[vector<16xi32>, vector<16xi32>], vector<16xf32>,
        %get3A_318 = arith.constant 6 : index
        %get3A_319 = tpu.vector_load %arg15[%get3A_318] {strides = array<i32>} : memref<128xf32, #tpu.memory_space<vmem>>, vector<16xf32>,
        %mul3A_320 = arith.mulf %gather3A_317, %get3A_319 : vector<16xf32>
        %add3A_321 = arith.addf %add3A_310, %mul3A_320 : vector<16xf32>
        %add3A_322 = arith.constant 1 : i32
        %add3A_323 = vector.broadcast %add3A_322 : i32 to vector<16xi32>
        %add3A_324 = arith.addi %and3A_316, %add3A_323 : vector<16xi32>
        %and3A_325 = arith.constant 63 : i32
        %and3A_326 = vector.broadcast %and3A_325 : i32 to vector<16xi32>
        %and3A_327 = arith.andi %add3A_324, %and3A_326 : vector<16xi32>
        %gather3A_328 = tpu.vector_load_idx %arg10[%add3A_250, %and3A_327] : memref<408x64xf32, #tpu.memory_space<vmem>>[vector<16xi32>, vector<16xi32>], vector<16xf32>,
        %get3A_329 = arith.constant 7 : index
        %get3A_330 = tpu.vector_load %arg15[%get3A_329] {strides = array<i32>} : memref<128xf32, #tpu.memory_space<vmem>>, vector<16xf32>,
        %mul3A_331 = arith.mulf %gather3A_328, %get3A_330 : vector<16xf32>
        %add3A_332 = arith.addf %add3A_321, %mul3A_331 : vector<16xf32>
        %add3A_333 = arith.constant 1 : i32
        %add3A_334 = vector.broadcast %add3A_333 : i32 to vector<16xi32>
        %add3A_335 = arith.addi %and3A_327, %add3A_334 : vector<16xi32>
        %and3A_336 = arith.constant 63 : i32
        %and3A_337 = vector.broadcast %and3A_336 : i32 to vector<16xi32>
        %and3A_338 = arith.andi %add3A_335, %and3A_337 : vector<16xi32>
        %gather3A_339 = tpu.vector_load_idx %arg10[%add3A_250, %and3A_338] : memref<408x64xf32, #tpu.memory_space<vmem>>[vector<16xi32>, vector<16xi32>], vector<16xf32>,
        %get3A_340 = arith.constant 8 : index
        %get3A_341 = tpu.vector_load %arg15[%get3A_340] {strides = array<i32>} : memref<128xf32, #tpu.memory_space<vmem>>, vector<16xf32>,
        %mul3A_342 = arith.mulf %gather3A_339, %get3A_341 : vector<16xf32>
        %add3A_343 = arith.addf %add3A_332, %mul3A_342 : vector<16xf32>
        %add3A_344 = arith.constant 1 : i32
        %add3A_345 = vector.broadcast %add3A_344 : i32 to vector<16xi32>
        %add3A_346 = arith.addi %and3A_338, %add3A_345 : vector<16xi32>
        %and3A_347 = arith.constant 63 : i32
        %and3A_348 = vector.broadcast %and3A_347 : i32 to vector<16xi32>
        %and3A_349 = arith.andi %add3A_346, %and3A_348 : vector<16xi32>
        %gather3A_350 = tpu.vector_load_idx %arg10[%add3A_250, %and3A_349] : memref<408x64xf32, #tpu.memory_space<vmem>>[vector<16xi32>, vector<16xi32>], vector<16xf32>,
        %get3A_351 = arith.constant 9 : index
        %get3A_352 = tpu.vector_load %arg15[%get3A_351] {strides = array<i32>} : memref<128xf32, #tpu.memory_space<vmem>>, vector<16xf32>,
        %mul3A_353 = arith.mulf %gather3A_350, %get3A_352 : vector<16xf32>
        %add3A_354 = arith.addf %add3A_343, %mul3A_353 : vector<16xf32>
        %add3A_355 = arith.constant 1 : i32
        %add3A_356 = vector.broadcast %add3A_355 : i32 to vector<16xi32>
        %add3A_357 = arith.addi %and3A_349, %add3A_356 : vector<16xi32>
        %and3A_358 = arith.constant 63 : i32
        %and3A_359 = vector.broadcast %and3A_358 : i32 to vector<16xi32>
        %and3A_360 = arith.andi %add3A_357, %and3A_359 : vector<16xi32>
        %gather3A_361 = tpu.vector_load_idx %arg10[%add3A_250, %and3A_360] : memref<408x64xf32, #tpu.memory_space<vmem>>[vector<16xi32>, vector<16xi32>], vector<16xf32>,
        %get3A_362 = arith.constant 10 : index
        %get3A_363 = tpu.vector_load %arg15[%get3A_362] {strides = array<i32>} : memref<128xf32, #tpu.memory_space<vmem>>, vector<16xf32>,
        %mul3A_364 = arith.mulf %gather3A_361, %get3A_363 : vector<16xf32>
        %add3A_365 = arith.addf %add3A_354, %mul3A_364 : vector<16xf32>
        %add3A_366 = arith.constant 1 : i32
        %add3A_367 = vector.broadcast %add3A_366 : i32 to vector<16xi32>
        %add3A_368 = arith.addi %and3A_360, %add3A_367 : vector<16xi32>
        %and3A_369 = arith.constant 63 : i32
        %and3A_370 = vector.broadcast %and3A_369 : i32 to vector<16xi32>
        %and3A_371 = arith.andi %add3A_368, %and3A_370 : vector<16xi32>
        %gather3A_372 = tpu.vector_load_idx %arg10[%add3A_250, %and3A_371] : memref<408x64xf32, #tpu.memory_space<vmem>>[vector<16xi32>, vector<16xi32>], vector<16xf32>,
        %get3A_373 = arith.constant 11 : index
        %get3A_374 = tpu.vector_load %arg15[%get3A_373] {strides = array<i32>} : memref<128xf32, #tpu.memory_space<vmem>>, vector<16xf32>,
        %mul3A_375 = arith.mulf %gather3A_372, %get3A_374 : vector<16xf32>
        %add3A_376 = arith.addf %add3A_365, %mul3A_375 : vector<16xf32>
        %add3A_377 = arith.constant 1 : i32
        %add3A_378 = vector.broadcast %add3A_377 : i32 to vector<16xi32>
        %add3A_379 = arith.addi %and3A_371, %add3A_378 : vector<16xi32>
        %and3A_380 = arith.constant 63 : i32
        %and3A_381 = vector.broadcast %and3A_380 : i32 to vector<16xi32>
        %and3A_382 = arith.andi %add3A_379, %and3A_381 : vector<16xi32>
        %gather3A_383 = tpu.vector_load_idx %arg10[%add3A_250, %and3A_382] : memref<408x64xf32, #tpu.memory_space<vmem>>[vector<16xi32>, vector<16xi32>], vector<16xf32>,
        %get3A_384 = arith.constant 12 : index
        %get3A_385 = tpu.vector_load %arg15[%get3A_384] {strides = array<i32>} : memref<128xf32, #tpu.memory_space<vmem>>, vector<16xf32>,
        %mul3A_386 = arith.mulf %gather3A_383, %get3A_385 : vector<16xf32>
        %add3A_387 = arith.addf %add3A_376, %mul3A_386 : vector<16xf32>
        %add3A_388 = arith.constant 1 : i32
        %add3A_389 = vector.broadcast %add3A_388 : i32 to vector<16xi32>
        %add3A_390 = arith.addi %and3A_382, %add3A_389 : vector<16xi32>
        %and3A_391 = arith.constant 63 : i32
        %and3A_392 = vector.broadcast %and3A_391 : i32 to vector<16xi32>
        %and3A_393 = arith.andi %add3A_390, %and3A_392 : vector<16xi32>
        %gather3A_394 = tpu.vector_load_idx %arg10[%add3A_250, %and3A_393] : memref<408x64xf32, #tpu.memory_space<vmem>>[vector<16xi32>, vector<16xi32>], vector<16xf32>,
        %get3A_395 = arith.constant 13 : index
        %get3A_396 = tpu.vector_load %arg15[%get3A_395] {strides = array<i32>} : memref<128xf32, #tpu.memory_space<vmem>>, vector<16xf32>,
        %mul3A_397 = arith.mulf %gather3A_394, %get3A_396 : vector<16xf32>
        %add3A_398 = arith.addf %add3A_387, %mul3A_397 : vector<16xf32>
        %add3A_399 = arith.constant 1 : i32
        %add3A_400 = vector.broadcast %add3A_399 : i32 to vector<16xi32>
        %add3A_401 = arith.addi %and3A_393, %add3A_400 : vector<16xi32>
        %and3A_402 = arith.constant 63 : i32
        %and3A_403 = vector.broadcast %and3A_402 : i32 to vector<16xi32>
        %and3A_404 = arith.andi %add3A_401, %and3A_403 : vector<16xi32>
        %gather3A_405 = tpu.vector_load_idx %arg10[%add3A_250, %and3A_404] : memref<408x64xf32, #tpu.memory_space<vmem>>[vector<16xi32>, vector<16xi32>], vector<16xf32>,
        %get3A_406 = arith.constant 14 : index
        %get3A_407 = tpu.vector_load %arg15[%get3A_406] {strides = array<i32>} : memref<128xf32, #tpu.memory_space<vmem>>, vector<16xf32>,
        %mul3A_408 = arith.mulf %gather3A_405, %get3A_407 : vector<16xf32>
        %add3A_409 = arith.addf %add3A_398, %mul3A_408 : vector<16xf32>
        %add3A_410 = arith.constant 1 : i32
        %add3A_411 = vector.broadcast %add3A_410 : i32 to vector<16xi32>
        %add3A_412 = arith.addi %and3A_404, %add3A_411 : vector<16xi32>
        %and3A_413 = arith.constant 63 : i32
        %and3A_414 = vector.broadcast %and3A_413 : i32 to vector<16xi32>
        %and3A_415 = arith.andi %add3A_412, %and3A_414 : vector<16xi32>
        %gather3A_416 = tpu.vector_load_idx %arg10[%add3A_250, %and3A_415] : memref<408x64xf32, #tpu.memory_space<vmem>>[vector<16xi32>, vector<16xi32>], vector<16xf32>,
        %get3A_417 = arith.constant 15 : index
        %get3A_418 = tpu.vector_load %arg15[%get3A_417] {strides = array<i32>} : memref<128xf32, #tpu.memory_space<vmem>>, vector<16xf32>,
        %mul3A_419 = arith.mulf %gather3A_416, %get3A_418 : vector<16xf32>
        %add3A_420 = arith.addf %add3A_409, %mul3A_419 : vector<16xf32>
        %add3A_421 = arith.constant 1 : i32
        %add3A_422 = vector.broadcast %add3A_421 : i32 to vector<16xi32>
        %add3A_423 = arith.addi %and3A_415, %add3A_422 : vector<16xi32>
        %and3A_424 = arith.constant 63 : i32
        %and3A_425 = vector.broadcast %and3A_424 : i32 to vector<16xi32>
        %and3A_426 = arith.andi %add3A_423, %and3A_425 : vector<16xi32>
        %gather3A_427 = tpu.vector_load_idx %arg10[%add3A_250, %and3A_426] : memref<408x64xf32, #tpu.memory_space<vmem>>[vector<16xi32>, vector<16xi32>], vector<16xf32>,
        %get3A_428 = arith.constant 16 : index
        %get3A_429 = tpu.vector_load %arg15[%get3A_428] {strides = array<i32>} : memref<128xf32, #tpu.memory_space<vmem>>, vector<16xf32>,
        %mul3A_430 = arith.mulf %gather3A_427, %get3A_429 : vector<16xf32>
        %add3A_431 = arith.addf %add3A_420, %mul3A_430 : vector<16xf32>
        %add3A_432 = arith.constant 1 : i32
        %add3A_433 = vector.broadcast %add3A_432 : i32 to vector<16xi32>
        %add3A_434 = arith.addi %and3A_426, %add3A_433 : vector<16xi32>
        %and3A_435 = arith.constant 63 : i32
        %and3A_436 = vector.broadcast %and3A_435 : i32 to vector<16xi32>
        %and3A_437 = arith.andi %add3A_434, %and3A_436 : vector<16xi32>
        %gather3A_438 = tpu.vector_load_idx %arg10[%add3A_250, %and3A_437] : memref<408x64xf32, #tpu.memory_space<vmem>>[vector<16xi32>, vector<16xi32>], vector<16xf32>,
        %get3A_439 = arith.constant 17 : index
        %get3A_440 = tpu.vector_load %arg15[%get3A_439] {strides = array<i32>} : memref<128xf32, #tpu.memory_space<vmem>>, vector<16xf32>,
        %mul3A_441 = arith.mulf %gather3A_438, %get3A_440 : vector<16xf32>
        %add3A_442 = arith.addf %add3A_431, %mul3A_441 : vector<16xf32>
        %add3A_443 = arith.constant 1 : i32
        %add3A_444 = vector.broadcast %add3A_443 : i32 to vector<16xi32>
        %add3A_445 = arith.addi %and3A_437, %add3A_444 : vector<16xi32>
        %and3A_446 = arith.constant 63 : i32
        %and3A_447 = vector.broadcast %and3A_446 : i32 to vector<16xi32>
        %and3A_448 = arith.andi %add3A_445, %and3A_447 : vector<16xi32>
        %gather3A_449 = tpu.vector_load_idx %arg10[%add3A_250, %and3A_448] : memref<408x64xf32, #tpu.memory_space<vmem>>[vector<16xi32>, vector<16xi32>], vector<16xf32>,
        %get3A_450 = arith.constant 18 : index
        %get3A_451 = tpu.vector_load %arg15[%get3A_450] {strides = array<i32>} : memref<128xf32, #tpu.memory_space<vmem>>, vector<16xf32>,
        %mul3A_452 = arith.mulf %gather3A_449, %get3A_451 : vector<16xf32>
        %add3A_453 = arith.addf %add3A_442, %mul3A_452 : vector<16xf32>
        %add3A_454 = arith.constant 1 : i32
        %add3A_455 = vector.broadcast %add3A_454 : i32 to vector<16xi32>
        %add3A_456 = arith.addi %and3A_448, %add3A_455 : vector<16xi32>
        %and3A_457 = arith.constant 63 : i32
        %and3A_458 = vector.broadcast %and3A_457 : i32 to vector<16xi32>
        %and3A_459 = arith.andi %add3A_456, %and3A_458 : vector<16xi32>
        %gather3A_460 = tpu.vector_load_idx %arg10[%add3A_250, %and3A_459] : memref<408x64xf32, #tpu.memory_space<vmem>>[vector<16xi32>, vector<16xi32>], vector<16xf32>,
        %get3A_461 = arith.constant 19 : index
        %get3A_462 = tpu.vector_load %arg15[%get3A_461] {strides = array<i32>} : memref<128xf32, #tpu.memory_space<vmem>>, vector<16xf32>,
        %mul3A_463 = arith.mulf %gather3A_460, %get3A_462 : vector<16xf32>
        %add3A_464 = arith.addf %add3A_453, %mul3A_463 : vector<16xf32>
        %add3A_465 = arith.constant 1 : i32
        %add3A_466 = vector.broadcast %add3A_465 : i32 to vector<16xi32>
        %add3A_467 = arith.addi %and3A_459, %add3A_466 : vector<16xi32>
        %and3A_468 = arith.constant 63 : i32
        %and3A_469 = vector.broadcast %and3A_468 : i32 to vector<16xi32>
        %and3A_470 = arith.andi %add3A_467, %and3A_469 : vector<16xi32>
        %gather3A_471 = tpu.vector_load_idx %arg10[%add3A_250, %and3A_470] : memref<408x64xf32, #tpu.memory_space<vmem>>[vector<16xi32>, vector<16xi32>], vector<16xf32>,
        %get3A_472 = arith.constant 20 : index
        %get3A_473 = tpu.vector_load %arg15[%get3A_472] {strides = array<i32>} : memref<128xf32, #tpu.memory_space<vmem>>, vector<16xf32>,
        %mul3A_474 = arith.mulf %gather3A_471, %get3A_473 : vector<16xf32>
        %add3A_475 = arith.addf %add3A_464, %mul3A_474 : vector<16xf32>
        %add3A_476 = arith.constant 1 : i32
        %add3A_477 = vector.broadcast %add3A_476 : i32 to vector<16xi32>
        %add3A_478 = arith.addi %and3A_470, %add3A_477 : vector<16xi32>
        %and3A_479 = arith.constant 63 : i32
        %and3A_480 = vector.broadcast %and3A_479 : i32 to vector<16xi32>
        %and3A_481 = arith.andi %add3A_478, %and3A_480 : vector<16xi32>
        %gather3A_482 = tpu.vector_load_idx %arg10[%add3A_250, %and3A_481] : memref<408x64xf32, #tpu.memory_space<vmem>>[vector<16xi32>, vector<16xi32>], vector<16xf32>,
        %get3A_483 = arith.constant 21 : index
        %get3A_484 = tpu.vector_load %arg15[%get3A_483] {strides = array<i32>} : memref<128xf32, #tpu.memory_space<vmem>>, vector<16xf32>,
        %mul3A_485 = arith.mulf %gather3A_482, %get3A_484 : vector<16xf32>
        %add3A_486 = arith.addf %add3A_475, %mul3A_485 : vector<16xf32>
        %add3A_487 = arith.constant 1 : i32
        %add3A_488 = vector.broadcast %add3A_487 : i32 to vector<16xi32>
        %add3A_489 = arith.addi %and3A_481, %add3A_488 : vector<16xi32>
        %and3A_490 = arith.constant 63 : i32
        %and3A_491 = vector.broadcast %and3A_490 : i32 to vector<16xi32>
        %and3A_492 = arith.andi %add3A_489, %and3A_491 : vector<16xi32>
        %gather3A_493 = tpu.vector_load_idx %arg10[%add3A_250, %and3A_492] : memref<408x64xf32, #tpu.memory_space<vmem>>[vector<16xi32>, vector<16xi32>], vector<16xf32>,
        %get3A_494 = arith.constant 22 : index
        %get3A_495 = tpu.vector_load %arg15[%get3A_494] {strides = array<i32>} : memref<128xf32, #tpu.memory_space<vmem>>, vector<16xf32>,
        %mul3A_496 = arith.mulf %gather3A_493, %get3A_495 : vector<16xf32>
        %add3A_497 = arith.addf %add3A_486, %mul3A_496 : vector<16xf32>
        %add3A_498 = arith.constant 1 : i32
        %add3A_499 = vector.broadcast %add3A_498 : i32 to vector<16xi32>
        %add3A_500 = arith.addi %and3A_492, %add3A_499 : vector<16xi32>
        %and3A_501 = arith.constant 63 : i32
        %and3A_502 = vector.broadcast %and3A_501 : i32 to vector<16xi32>
        %and3A_503 = arith.andi %add3A_500, %and3A_502 : vector<16xi32>
        %gather3A_504 = tpu.vector_load_idx %arg10[%add3A_250, %and3A_503] : memref<408x64xf32, #tpu.memory_space<vmem>>[vector<16xi32>, vector<16xi32>], vector<16xf32>,
        %get3A_505 = arith.constant 23 : index
        %get3A_506 = tpu.vector_load %arg15[%get3A_505] {strides = array<i32>} : memref<128xf32, #tpu.memory_space<vmem>>, vector<16xf32>,
        %mul3A_507 = arith.mulf %gather3A_504, %get3A_506 : vector<16xf32>
        %add3A_508 = arith.addf %add3A_497, %mul3A_507 : vector<16xf32>
        %add3A_509 = arith.constant 1 : i32
        %add3A_510 = vector.broadcast %add3A_509 : i32 to vector<16xi32>
        %add3A_511 = arith.addi %and3A_503, %add3A_510 : vector<16xi32>
        %and3A_512 = arith.constant 63 : i32
        %and3A_513 = vector.broadcast %and3A_512 : i32 to vector<16xi32>
        %and3A_514 = arith.andi %add3A_511, %and3A_513 : vector<16xi32>
        %gather3A_515 = tpu.vector_load_idx %arg10[%add3A_250, %and3A_514] : memref<408x64xf32, #tpu.memory_space<vmem>>[vector<16xi32>, vector<16xi32>], vector<16xf32>,
        %get3A_516 = arith.constant 24 : index
        %get3A_517 = tpu.vector_load %arg15[%get3A_516] {strides = array<i32>} : memref<128xf32, #tpu.memory_space<vmem>>, vector<16xf32>,
        %mul3A_518 = arith.mulf %gather3A_515, %get3A_517 : vector<16xf32>
        %add3A_519 = arith.addf %add3A_508, %mul3A_518 : vector<16xf32>
        %add3A_520 = arith.constant 1 : i32
        %add3A_521 = vector.broadcast %add3A_520 : i32 to vector<16xi32>
        %add3A_522 = arith.addi %and3A_514, %add3A_521 : vector<16xi32>
        %and3A_523 = arith.constant 63 : i32
        %and3A_524 = vector.broadcast %and3A_523 : i32 to vector<16xi32>
        %and3A_525 = arith.andi %add3A_522, %and3A_524 : vector<16xi32>
        %gather3A_526 = tpu.vector_load_idx %arg10[%add3A_250, %and3A_525] : memref<408x64xf32, #tpu.memory_space<vmem>>[vector<16xi32>, vector<16xi32>], vector<16xf32>,
        %get3A_527 = arith.constant 25 : index
        %get3A_528 = tpu.vector_load %arg15[%get3A_527] {strides = array<i32>} : memref<128xf32, #tpu.memory_space<vmem>>, vector<16xf32>,
        %mul3A_529 = arith.mulf %gather3A_526, %get3A_528 : vector<16xf32>
        %add3A_530 = arith.addf %add3A_519, %mul3A_529 : vector<16xf32>
        %add3A_531 = arith.constant 1 : i32
        %add3A_532 = vector.broadcast %add3A_531 : i32 to vector<16xi32>
        %add3A_533 = arith.addi %and3A_525, %add3A_532 : vector<16xi32>
        %and3A_534 = arith.constant 63 : i32
        %and3A_535 = vector.broadcast %and3A_534 : i32 to vector<16xi32>
        %and3A_536 = arith.andi %add3A_533, %and3A_535 : vector<16xi32>
        %gather3A_537 = tpu.vector_load_idx %arg10[%add3A_250, %and3A_536] : memref<408x64xf32, #tpu.memory_space<vmem>>[vector<16xi32>, vector<16xi32>], vector<16xf32>,
        %get3A_538 = arith.constant 26 : index
        %get3A_539 = tpu.vector_load %arg15[%get3A_538] {strides = array<i32>} : memref<128xf32, #tpu.memory_space<vmem>>, vector<16xf32>,
        %mul3A_540 = arith.mulf %gather3A_537, %get3A_539 : vector<16xf32>
        %add3A_541 = arith.addf %add3A_530, %mul3A_540 : vector<16xf32>
        %add3A_542 = arith.constant 1 : i32
        %add3A_543 = vector.broadcast %add3A_542 : i32 to vector<16xi32>
        %add3A_544 = arith.addi %and3A_536, %add3A_543 : vector<16xi32>
        %and3A_545 = arith.constant 63 : i32
        %and3A_546 = vector.broadcast %and3A_545 : i32 to vector<16xi32>
        %and3A_547 = arith.andi %add3A_544, %and3A_546 : vector<16xi32>
        %gather3A_548 = tpu.vector_load_idx %arg10[%add3A_250, %and3A_547] : memref<408x64xf32, #tpu.memory_space<vmem>>[vector<16xi32>, vector<16xi32>], vector<16xf32>,
        %get3A_549 = arith.constant 27 : index
        %get3A_550 = tpu.vector_load %arg15[%get3A_549] {strides = array<i32>} : memref<128xf32, #tpu.memory_space<vmem>>, vector<16xf32>,
        %mul3A_551 = arith.mulf %gather3A_548, %get3A_550 : vector<16xf32>
        %add3A_552 = arith.addf %add3A_541, %mul3A_551 : vector<16xf32>
        %add3A_553 = arith.constant 1 : i32
        %add3A_554 = vector.broadcast %add3A_553 : i32 to vector<16xi32>
        %add3A_555 = arith.addi %and3A_547, %add3A_554 : vector<16xi32>
        %and3A_556 = arith.constant 63 : i32
        %and3A_557 = vector.broadcast %and3A_556 : i32 to vector<16xi32>
        %and3A_558 = arith.andi %add3A_555, %and3A_557 : vector<16xi32>
        %gather3A_559 = tpu.vector_load_idx %arg10[%add3A_250, %and3A_558] : memref<408x64xf32, #tpu.memory_space<vmem>>[vector<16xi32>, vector<16xi32>], vector<16xf32>,
        %get3A_560 = arith.constant 28 : index
        %get3A_561 = tpu.vector_load %arg15[%get3A_560] {strides = array<i32>} : memref<128xf32, #tpu.memory_space<vmem>>, vector<16xf32>,
        %mul3A_562 = arith.mulf %gather3A_559, %get3A_561 : vector<16xf32>
        %add3A_563 = arith.addf %add3A_552, %mul3A_562 : vector<16xf32>
        %add3A_564 = arith.constant 1 : i32
        %add3A_565 = vector.broadcast %add3A_564 : i32 to vector<16xi32>
        %add3A_566 = arith.addi %and3A_558, %add3A_565 : vector<16xi32>
        %and3A_567 = arith.constant 63 : i32
        %and3A_568 = vector.broadcast %and3A_567 : i32 to vector<16xi32>
        %and3A_569 = arith.andi %add3A_566, %and3A_568 : vector<16xi32>
        %gather3A_570 = tpu.vector_load_idx %arg10[%add3A_250, %and3A_569] : memref<408x64xf32, #tpu.memory_space<vmem>>[vector<16xi32>, vector<16xi32>], vector<16xf32>,
        %get3A_571 = arith.constant 29 : index
        %get3A_572 = tpu.vector_load %arg15[%get3A_571] {strides = array<i32>} : memref<128xf32, #tpu.memory_space<vmem>>, vector<16xf32>,
        %mul3A_573 = arith.mulf %gather3A_570, %get3A_572 : vector<16xf32>
        %add3A_574 = arith.addf %add3A_563, %mul3A_573 : vector<16xf32>
        %add3A_575 = arith.constant 1 : i32
        %add3A_576 = vector.broadcast %add3A_575 : i32 to vector<16xi32>
        %add3A_577 = arith.addi %and3A_569, %add3A_576 : vector<16xi32>
        %and3A_578 = arith.constant 63 : i32
        %and3A_579 = vector.broadcast %and3A_578 : i32 to vector<16xi32>
        %and3A_580 = arith.andi %add3A_577, %and3A_579 : vector<16xi32>
        %gather3A_581 = tpu.vector_load_idx %arg10[%add3A_250, %and3A_580] : memref<408x64xf32, #tpu.memory_space<vmem>>[vector<16xi32>, vector<16xi32>], vector<16xf32>,
        %get3A_582 = arith.constant 30 : index
        %get3A_583 = tpu.vector_load %arg15[%get3A_582] {strides = array<i32>} : memref<128xf32, #tpu.memory_space<vmem>>, vector<16xf32>,
        %mul3A_584 = arith.mulf %gather3A_581, %get3A_583 : vector<16xf32>
        %add3A_585 = arith.addf %add3A_574, %mul3A_584 : vector<16xf32>
        %add3A_586 = arith.constant 1 : i32
        %add3A_587 = vector.broadcast %add3A_586 : i32 to vector<16xi32>
        %add3A_588 = arith.addi %and3A_580, %add3A_587 : vector<16xi32>
        %and3A_589 = arith.constant 63 : i32
        %and3A_590 = vector.broadcast %and3A_589 : i32 to vector<16xi32>
        %and3A_591 = arith.andi %add3A_588, %and3A_590 : vector<16xi32>
        %gather3A_592 = tpu.vector_load_idx %arg10[%add3A_250, %and3A_591] : memref<408x64xf32, #tpu.memory_space<vmem>>[vector<16xi32>, vector<16xi32>], vector<16xf32>,
        %get3A_593 = arith.constant 31 : index
        %get3A_594 = tpu.vector_load %arg15[%get3A_593] {strides = array<i32>} : memref<128xf32, #tpu.memory_space<vmem>>, vector<16xf32>,
        %mul3A_595 = arith.mulf %gather3A_592, %get3A_594 : vector<16xf32>
        %add3A_596 = arith.addf %add3A_585, %mul3A_595 : vector<16xf32>
        %add3A_597 = arith.constant 1 : i32
        %add3A_598 = vector.broadcast %add3A_597 : i32 to vector<16xi32>
        %add3A_599 = arith.addi %and3A_591, %add3A_598 : vector<16xi32>
        %and3A_600 = arith.constant 63 : i32
        %and3A_601 = vector.broadcast %and3A_600 : i32 to vector<16xi32>
        %and3A_602 = arith.andi %add3A_599, %and3A_601 : vector<16xi32>
        %gather3A_603 = tpu.vector_load_idx %arg10[%add3A_250, %and3A_602] : memref<408x64xf32, #tpu.memory_space<vmem>>[vector<16xi32>, vector<16xi32>], vector<16xf32>,
        %get3A_604 = arith.constant 32 : index
        %get3A_605 = tpu.vector_load %arg15[%get3A_604] {strides = array<i32>} : memref<128xf32, #tpu.memory_space<vmem>>, vector<16xf32>,
        %mul3A_606 = arith.mulf %gather3A_603, %get3A_605 : vector<16xf32>
        %add3A_607 = arith.addf %add3A_596, %mul3A_606 : vector<16xf32>
        %add3A_608 = arith.constant 1 : i32
        %add3A_609 = vector.broadcast %add3A_608 : i32 to vector<16xi32>
        %add3A_610 = arith.addi %and3A_602, %add3A_609 : vector<16xi32>
        %and3A_611 = arith.constant 63 : i32
        %and3A_612 = vector.broadcast %and3A_611 : i32 to vector<16xi32>
        %and3A_613 = arith.andi %add3A_610, %and3A_612 : vector<16xi32>
        %gather3A_614 = tpu.vector_load_idx %arg10[%add3A_250, %and3A_613] : memref<408x64xf32, #tpu.memory_space<vmem>>[vector<16xi32>, vector<16xi32>], vector<16xf32>,
        %get3A_615 = arith.constant 33 : index
        %get3A_616 = tpu.vector_load %arg15[%get3A_615] {strides = array<i32>} : memref<128xf32, #tpu.memory_space<vmem>>, vector<16xf32>,
        %mul3A_617 = arith.mulf %gather3A_614, %get3A_616 : vector<16xf32>
        %add3A_618 = arith.addf %add3A_607, %mul3A_617 : vector<16xf32>
        %add3A_619 = arith.constant 1 : i32
        %add3A_620 = vector.broadcast %add3A_619 : i32 to vector<16xi32>
        %add3A_621 = arith.addi %and3A_613, %add3A_620 : vector<16xi32>
        %and3A_622 = arith.constant 63 : i32
        %and3A_623 = vector.broadcast %and3A_622 : i32 to vector<16xi32>
        %and3A_624 = arith.andi %add3A_621, %and3A_623 : vector<16xi32>
        %gather3A_625 = tpu.vector_load_idx %arg10[%add3A_250, %and3A_624] : memref<408x64xf32, #tpu.memory_space<vmem>>[vector<16xi32>, vector<16xi32>], vector<16xf32>,
        %get3A_626 = arith.constant 34 : index
        %get3A_627 = tpu.vector_load %arg15[%get3A_626] {strides = array<i32>} : memref<128xf32, #tpu.memory_space<vmem>>, vector<16xf32>,
        %mul3A_628 = arith.mulf %gather3A_625, %get3A_627 : vector<16xf32>
        %add3A_629 = arith.addf %add3A_618, %mul3A_628 : vector<16xf32>
        %add3A_630 = arith.constant 1 : i32
        %add3A_631 = vector.broadcast %add3A_630 : i32 to vector<16xi32>
        %add3A_632 = arith.addi %and3A_624, %add3A_631 : vector<16xi32>
        %and3A_633 = arith.constant 63 : i32
        %and3A_634 = vector.broadcast %and3A_633 : i32 to vector<16xi32>
        %and3A_635 = arith.andi %add3A_632, %and3A_634 : vector<16xi32>
        %gather3A_636 = tpu.vector_load_idx %arg10[%add3A_250, %and3A_635] : memref<408x64xf32, #tpu.memory_space<vmem>>[vector<16xi32>, vector<16xi32>], vector<16xf32>,
        %get3A_637 = arith.constant 35 : index
        %get3A_638 = tpu.vector_load %arg15[%get3A_637] {strides = array<i32>} : memref<128xf32, #tpu.memory_space<vmem>>, vector<16xf32>,
        %mul3A_639 = arith.mulf %gather3A_636, %get3A_638 : vector<16xf32>
        %add3A_640 = arith.addf %add3A_629, %mul3A_639 : vector<16xf32>
        %add3A_641 = arith.constant 1 : i32
        %add3A_642 = vector.broadcast %add3A_641 : i32 to vector<16xi32>
        %add3A_643 = arith.addi %and3A_635, %add3A_642 : vector<16xi32>
        %and3A_644 = arith.constant 63 : i32
        %and3A_645 = vector.broadcast %and3A_644 : i32 to vector<16xi32>
        %and3A_646 = arith.andi %add3A_643, %and3A_645 : vector<16xi32>
        %gather3A_647 = tpu.vector_load_idx %arg10[%add3A_250, %and3A_646] : memref<408x64xf32, #tpu.memory_space<vmem>>[vector<16xi32>, vector<16xi32>], vector<16xf32>,
        %get3A_648 = arith.constant 36 : index
        %get3A_649 = tpu.vector_load %arg15[%get3A_648] {strides = array<i32>} : memref<128xf32, #tpu.memory_space<vmem>>, vector<16xf32>,
        %mul3A_650 = arith.mulf %gather3A_647, %get3A_649 : vector<16xf32>
        %add3A_651 = arith.addf %add3A_640, %mul3A_650 : vector<16xf32>
        %add3A_652 = arith.constant 1 : i32
        %add3A_653 = vector.broadcast %add3A_652 : i32 to vector<16xi32>
        %add3A_654 = arith.addi %and3A_646, %add3A_653 : vector<16xi32>
        %and3A_655 = arith.constant 63 : i32
        %and3A_656 = vector.broadcast %and3A_655 : i32 to vector<16xi32>
        %and3A_657 = arith.andi %add3A_654, %and3A_656 : vector<16xi32>
        %gather3A_658 = tpu.vector_load_idx %arg10[%add3A_250, %and3A_657] : memref<408x64xf32, #tpu.memory_space<vmem>>[vector<16xi32>, vector<16xi32>], vector<16xf32>,
        %get3A_659 = arith.constant 37 : index
        %get3A_660 = tpu.vector_load %arg15[%get3A_659] {strides = array<i32>} : memref<128xf32, #tpu.memory_space<vmem>>, vector<16xf32>,
        %mul3A_661 = arith.mulf %gather3A_658, %get3A_660 : vector<16xf32>
        %add3A_662 = arith.addf %add3A_651, %mul3A_661 : vector<16xf32>
        %add3A_663 = arith.constant 1 : i32
        %add3A_664 = vector.broadcast %add3A_663 : i32 to vector<16xi32>
        %add3A_665 = arith.addi %and3A_657, %add3A_664 : vector<16xi32>
        %and3A_666 = arith.constant 63 : i32
        %and3A_667 = vector.broadcast %and3A_666 : i32 to vector<16xi32>
        %and3A_668 = arith.andi %add3A_665, %and3A_667 : vector<16xi32>
        %gather3A_669 = tpu.vector_load_idx %arg10[%add3A_250, %and3A_668] : memref<408x64xf32, #tpu.memory_space<vmem>>[vector<16xi32>, vector<16xi32>], vector<16xf32>,
        %get3A_670 = arith.constant 38 : index
        %get3A_671 = tpu.vector_load %arg15[%get3A_670] {strides = array<i32>} : memref<128xf32, #tpu.memory_space<vmem>>, vector<16xf32>,
        %mul3A_672 = arith.mulf %gather3A_669, %get3A_671 : vector<16xf32>
        %add3A_673 = arith.addf %add3A_662, %mul3A_672 : vector<16xf32>
        %add3A_674 = arith.constant 1 : i32
        %add3A_675 = vector.broadcast %add3A_674 : i32 to vector<16xi32>
        %add3A_676 = arith.addi %and3A_668, %add3A_675 : vector<16xi32>
        %and3A_677 = arith.constant 63 : i32
        %and3A_678 = vector.broadcast %and3A_677 : i32 to vector<16xi32>
        %and3A_679 = arith.andi %add3A_676, %and3A_678 : vector<16xi32>
        %gather3A_680 = tpu.vector_load_idx %arg10[%add3A_250, %and3A_679] : memref<408x64xf32, #tpu.memory_space<vmem>>[vector<16xi32>, vector<16xi32>], vector<16xf32>,
        %get3A_681 = arith.constant 39 : index
        %get3A_682 = tpu.vector_load %arg15[%get3A_681] {strides = array<i32>} : memref<128xf32, #tpu.memory_space<vmem>>, vector<16xf32>,
        %mul3A_683 = arith.mulf %gather3A_680, %get3A_682 : vector<16xf32>
        %add3A_684 = arith.addf %add3A_673, %mul3A_683 : vector<16xf32>
        %add3A_685 = arith.constant 1 : i32
        %add3A_686 = vector.broadcast %add3A_685 : i32 to vector<16xi32>
        %add3A_687 = arith.addi %and3A_679, %add3A_686 : vector<16xi32>
        %and3A_688 = arith.constant 63 : i32
        %and3A_689 = vector.broadcast %and3A_688 : i32 to vector<16xi32>
        %and3A_690 = arith.andi %add3A_687, %and3A_689 : vector<16xi32>
        %gather3A_691 = tpu.vector_load_idx %arg10[%add3A_250, %and3A_690] : memref<408x64xf32, #tpu.memory_space<vmem>>[vector<16xi32>, vector<16xi32>], vector<16xf32>,
        %get3A_692 = arith.constant 40 : index
        %get3A_693 = tpu.vector_load %arg15[%get3A_692] {strides = array<i32>} : memref<128xf32, #tpu.memory_space<vmem>>, vector<16xf32>,
        %mul3A_694 = arith.mulf %gather3A_691, %get3A_693 : vector<16xf32>
        %add3A_695 = arith.addf %add3A_684, %mul3A_694 : vector<16xf32>
        %add3A_696 = arith.constant 1 : i32
        %add3A_697 = vector.broadcast %add3A_696 : i32 to vector<16xi32>
        %add3A_698 = arith.addi %and3A_690, %add3A_697 : vector<16xi32>
        %and3A_699 = arith.constant 63 : i32
        %and3A_700 = vector.broadcast %and3A_699 : i32 to vector<16xi32>
        %and3A_701 = arith.andi %add3A_698, %and3A_700 : vector<16xi32>
        %gather3A_702 = tpu.vector_load_idx %arg10[%add3A_250, %and3A_701] : memref<408x64xf32, #tpu.memory_space<vmem>>[vector<16xi32>, vector<16xi32>], vector<16xf32>,
        %get3A_703 = arith.constant 41 : index
        %get3A_704 = tpu.vector_load %arg15[%get3A_703] {strides = array<i32>} : memref<128xf32, #tpu.memory_space<vmem>>, vector<16xf32>,
        %mul3A_705 = arith.mulf %gather3A_702, %get3A_704 : vector<16xf32>
        %add3A_706 = arith.addf %add3A_695, %mul3A_705 : vector<16xf32>
        %add3A_707 = arith.constant 1 : i32
        %add3A_708 = vector.broadcast %add3A_707 : i32 to vector<16xi32>
        %add3A_709 = arith.addi %and3A_701, %add3A_708 : vector<16xi32>
        %and3A_710 = arith.constant 63 : i32
        %and3A_711 = vector.broadcast %and3A_710 : i32 to vector<16xi32>
        %and3A_712 = arith.andi %add3A_709, %and3A_711 : vector<16xi32>
        %gather3A_713 = tpu.vector_load_idx %arg10[%add3A_250, %and3A_712] : memref<408x64xf32, #tpu.memory_space<vmem>>[vector<16xi32>, vector<16xi32>], vector<16xf32>,
        %get3A_714 = arith.constant 42 : index
        %get3A_715 = tpu.vector_load %arg15[%get3A_714] {strides = array<i32>} : memref<128xf32, #tpu.memory_space<vmem>>, vector<16xf32>,
        %mul3A_716 = arith.mulf %gather3A_713, %get3A_715 : vector<16xf32>
        %add3A_717 = arith.addf %add3A_706, %mul3A_716 : vector<16xf32>
        %add3A_718 = arith.constant 1 : i32
        %add3A_719 = vector.broadcast %add3A_718 : i32 to vector<16xi32>
        %add3A_720 = arith.addi %and3A_712, %add3A_719 : vector<16xi32>
        %and3A_721 = arith.constant 63 : i32
        %and3A_722 = vector.broadcast %and3A_721 : i32 to vector<16xi32>
        %and3A_723 = arith.andi %add3A_720, %and3A_722 : vector<16xi32>
        %gather3A_724 = tpu.vector_load_idx %arg10[%add3A_250, %and3A_723] : memref<408x64xf32, #tpu.memory_space<vmem>>[vector<16xi32>, vector<16xi32>], vector<16xf32>,
        %get3A_725 = arith.constant 43 : index
        %get3A_726 = tpu.vector_load %arg15[%get3A_725] {strides = array<i32>} : memref<128xf32, #tpu.memory_space<vmem>>, vector<16xf32>,
        %mul3A_727 = arith.mulf %gather3A_724, %get3A_726 : vector<16xf32>
        %add3A_728 = arith.addf %add3A_717, %mul3A_727 : vector<16xf32>
        %add3A_729 = arith.constant 1 : i32
        %add3A_730 = vector.broadcast %add3A_729 : i32 to vector<16xi32>
        %add3A_731 = arith.addi %and3A_723, %add3A_730 : vector<16xi32>
        %and3A_732 = arith.constant 63 : i32
        %and3A_733 = vector.broadcast %and3A_732 : i32 to vector<16xi32>
        %and3A_734 = arith.andi %add3A_731, %and3A_733 : vector<16xi32>
        %gather3A_735 = tpu.vector_load_idx %arg10[%add3A_250, %and3A_734] : memref<408x64xf32, #tpu.memory_space<vmem>>[vector<16xi32>, vector<16xi32>], vector<16xf32>,
        %get3A_736 = arith.constant 44 : index
        %get3A_737 = tpu.vector_load %arg15[%get3A_736] {strides = array<i32>} : memref<128xf32, #tpu.memory_space<vmem>>, vector<16xf32>,
        %mul3A_738 = arith.mulf %gather3A_735, %get3A_737 : vector<16xf32>
        %add3A_739 = arith.addf %add3A_728, %mul3A_738 : vector<16xf32>
        %add3A_740 = arith.constant 1 : i32
        %add3A_741 = vector.broadcast %add3A_740 : i32 to vector<16xi32>
        %add3A_742 = arith.addi %and3A_734, %add3A_741 : vector<16xi32>
        %and3A_743 = arith.constant 63 : i32
        %and3A_744 = vector.broadcast %and3A_743 : i32 to vector<16xi32>
        %and3A_745 = arith.andi %add3A_742, %and3A_744 : vector<16xi32>
        %gather3A_746 = tpu.vector_load_idx %arg10[%add3A_250, %and3A_745] : memref<408x64xf32, #tpu.memory_space<vmem>>[vector<16xi32>, vector<16xi32>], vector<16xf32>,
        %get3A_747 = arith.constant 45 : index
        %get3A_748 = tpu.vector_load %arg15[%get3A_747] {strides = array<i32>} : memref<128xf32, #tpu.memory_space<vmem>>, vector<16xf32>,
        %mul3A_749 = arith.mulf %gather3A_746, %get3A_748 : vector<16xf32>
        %add3A_750 = arith.addf %add3A_739, %mul3A_749 : vector<16xf32>
        %add3A_751 = arith.constant 1 : i32
        %add3A_752 = vector.broadcast %add3A_751 : i32 to vector<16xi32>
        %add3A_753 = arith.addi %and3A_745, %add3A_752 : vector<16xi32>
        %and3A_754 = arith.constant 63 : i32
        %and3A_755 = vector.broadcast %and3A_754 : i32 to vector<16xi32>
        %and3A_756 = arith.andi %add3A_753, %and3A_755 : vector<16xi32>
        %gather3A_757 = tpu.vector_load_idx %arg10[%add3A_250, %and3A_756] : memref<408x64xf32, #tpu.memory_space<vmem>>[vector<16xi32>, vector<16xi32>], vector<16xf32>,
        %get3A_758 = arith.constant 46 : index
        %get3A_759 = tpu.vector_load %arg15[%get3A_758] {strides = array<i32>} : memref<128xf32, #tpu.memory_space<vmem>>, vector<16xf32>,
        %mul3A_760 = arith.mulf %gather3A_757, %get3A_759 : vector<16xf32>
        %add3A_761 = arith.addf %add3A_750, %mul3A_760 : vector<16xf32>
        %add3A_762 = arith.constant 1 : i32
        %add3A_763 = vector.broadcast %add3A_762 : i32 to vector<16xi32>
        %add3A_764 = arith.addi %and3A_756, %add3A_763 : vector<16xi32>
        %and3A_765 = arith.constant 63 : i32
        %and3A_766 = vector.broadcast %and3A_765 : i32 to vector<16xi32>
        %and3A_767 = arith.andi %add3A_764, %and3A_766 : vector<16xi32>
        %gather3A_768 = tpu.vector_load_idx %arg10[%add3A_250, %and3A_767] : memref<408x64xf32, #tpu.memory_space<vmem>>[vector<16xi32>, vector<16xi32>], vector<16xf32>,
        %get3A_769 = arith.constant 47 : index
        %get3A_770 = tpu.vector_load %arg15[%get3A_769] {strides = array<i32>} : memref<128xf32, #tpu.memory_space<vmem>>, vector<16xf32>,
        %mul3A_771 = arith.mulf %gather3A_768, %get3A_770 : vector<16xf32>
        %add3A_772 = arith.addf %add3A_761, %mul3A_771 : vector<16xf32>
        %add3A_773 = arith.constant 1 : i32
        %add3A_774 = vector.broadcast %add3A_773 : i32 to vector<16xi32>
        %add3A_775 = arith.addi %and3A_767, %add3A_774 : vector<16xi32>
        %and3A_776 = arith.constant 63 : i32
        %and3A_777 = vector.broadcast %and3A_776 : i32 to vector<16xi32>
        %and3A_778 = arith.andi %add3A_775, %and3A_777 : vector<16xi32>
        %gather3A_779 = tpu.vector_load_idx %arg10[%add3A_250, %and3A_778] : memref<408x64xf32, #tpu.memory_space<vmem>>[vector<16xi32>, vector<16xi32>], vector<16xf32>,
        %get3A_780 = arith.constant 48 : index
        %get3A_781 = tpu.vector_load %arg15[%get3A_780] {strides = array<i32>} : memref<128xf32, #tpu.memory_space<vmem>>, vector<16xf32>,
        %mul3A_782 = arith.mulf %gather3A_779, %get3A_781 : vector<16xf32>
        %add3A_783 = arith.addf %add3A_772, %mul3A_782 : vector<16xf32>
        %add3A_784 = arith.constant 1 : i32
        %add3A_785 = vector.broadcast %add3A_784 : i32 to vector<16xi32>
        %add3A_786 = arith.addi %and3A_778, %add3A_785 : vector<16xi32>
        %and3A_787 = arith.constant 63 : i32
        %and3A_788 = vector.broadcast %and3A_787 : i32 to vector<16xi32>
        %and3A_789 = arith.andi %add3A_786, %and3A_788 : vector<16xi32>
        %gather3A_790 = tpu.vector_load_idx %arg10[%add3A_250, %and3A_789] : memref<408x64xf32, #tpu.memory_space<vmem>>[vector<16xi32>, vector<16xi32>], vector<16xf32>,
        %get3A_791 = arith.constant 49 : index
        %get3A_792 = tpu.vector_load %arg15[%get3A_791] {strides = array<i32>} : memref<128xf32, #tpu.memory_space<vmem>>, vector<16xf32>,
        %mul3A_793 = arith.mulf %gather3A_790, %get3A_792 : vector<16xf32>
        %add3A_794 = arith.addf %add3A_783, %mul3A_793 : vector<16xf32>
        %add3A_795 = arith.constant 1 : i32
        %add3A_796 = vector.broadcast %add3A_795 : i32 to vector<16xi32>
        %add3A_797 = arith.addi %and3A_789, %add3A_796 : vector<16xi32>
        %and3A_798 = arith.constant 63 : i32
        %and3A_799 = vector.broadcast %and3A_798 : i32 to vector<16xi32>
        %and3A_800 = arith.andi %add3A_797, %and3A_799 : vector<16xi32>
        %gather3A_801 = tpu.vector_load_idx %arg10[%add3A_250, %and3A_800] : memref<408x64xf32, #tpu.memory_space<vmem>>[vector<16xi32>, vector<16xi32>], vector<16xf32>,
        %get3A_802 = arith.constant 50 : index
        %get3A_803 = tpu.vector_load %arg15[%get3A_802] {strides = array<i32>} : memref<128xf32, #tpu.memory_space<vmem>>, vector<16xf32>,
        %mul3A_804 = arith.mulf %gather3A_801, %get3A_803 : vector<16xf32>
        %add3A_805 = arith.addf %add3A_794, %mul3A_804 : vector<16xf32>
        %add3A_806 = arith.constant 1 : i32
        %add3A_807 = vector.broadcast %add3A_806 : i32 to vector<16xi32>
        %add3A_808 = arith.addi %and3A_800, %add3A_807 : vector<16xi32>
        %and3A_809 = arith.constant 63 : i32
        %and3A_810 = vector.broadcast %and3A_809 : i32 to vector<16xi32>
        %and3A_811 = arith.andi %add3A_808, %and3A_810 : vector<16xi32>
        %gather3A_812 = tpu.vector_load_idx %arg10[%add3A_250, %and3A_811] : memref<408x64xf32, #tpu.memory_space<vmem>>[vector<16xi32>, vector<16xi32>], vector<16xf32>,
        %get3A_813 = arith.constant 51 : index
        %get3A_814 = tpu.vector_load %arg15[%get3A_813] {strides = array<i32>} : memref<128xf32, #tpu.memory_space<vmem>>, vector<16xf32>,
        %mul3A_815 = arith.mulf %gather3A_812, %get3A_814 : vector<16xf32>
        %add3A_816 = arith.addf %add3A_805, %mul3A_815 : vector<16xf32>
        %add3A_817 = arith.constant 1 : i32
        %add3A_818 = vector.broadcast %add3A_817 : i32 to vector<16xi32>
        %add3A_819 = arith.addi %and3A_811, %add3A_818 : vector<16xi32>
        %and3A_820 = arith.constant 63 : i32
        %and3A_821 = vector.broadcast %and3A_820 : i32 to vector<16xi32>
        %and3A_822 = arith.andi %add3A_819, %and3A_821 : vector<16xi32>
        %gather3A_823 = tpu.vector_load_idx %arg10[%add3A_250, %and3A_822] : memref<408x64xf32, #tpu.memory_space<vmem>>[vector<16xi32>, vector<16xi32>], vector<16xf32>,
        %get3A_824 = arith.constant 52 : index
        %get3A_825 = tpu.vector_load %arg15[%get3A_824] {strides = array<i32>} : memref<128xf32, #tpu.memory_space<vmem>>, vector<16xf32>,
        %mul3A_826 = arith.mulf %gather3A_823, %get3A_825 : vector<16xf32>
        %add3A_827 = arith.addf %add3A_816, %mul3A_826 : vector<16xf32>
        %add3A_828 = arith.constant 1 : i32
        %add3A_829 = vector.broadcast %add3A_828 : i32 to vector<16xi32>
        %add3A_830 = arith.addi %and3A_822, %add3A_829 : vector<16xi32>
        %and3A_831 = arith.constant 63 : i32
        %and3A_832 = vector.broadcast %and3A_831 : i32 to vector<16xi32>
        %and3A_833 = arith.andi %add3A_830, %and3A_832 : vector<16xi32>
        %gather3A_834 = tpu.vector_load_idx %arg10[%add3A_250, %and3A_833] : memref<408x64xf32, #tpu.memory_space<vmem>>[vector<16xi32>, vector<16xi32>], vector<16xf32>,
        %get3A_835 = arith.constant 53 : index
        %get3A_836 = tpu.vector_load %arg15[%get3A_835] {strides = array<i32>} : memref<128xf32, #tpu.memory_space<vmem>>, vector<16xf32>,
        %mul3A_837 = arith.mulf %gather3A_834, %get3A_836 : vector<16xf32>
        %add3A_838 = arith.addf %add3A_827, %mul3A_837 : vector<16xf32>
        %add3A_839 = arith.constant 1 : i32
        %add3A_840 = vector.broadcast %add3A_839 : i32 to vector<16xi32>
        %add3A_841 = arith.addi %and3A_833, %add3A_840 : vector<16xi32>
        %and3A_842 = arith.constant 63 : i32
        %and3A_843 = vector.broadcast %and3A_842 : i32 to vector<16xi32>
        %and3A_844 = arith.andi %add3A_841, %and3A_843 : vector<16xi32>
        %gather3A_845 = tpu.vector_load_idx %arg10[%add3A_250, %and3A_844] : memref<408x64xf32, #tpu.memory_space<vmem>>[vector<16xi32>, vector<16xi32>], vector<16xf32>,
        %get3A_846 = arith.constant 54 : index
        %get3A_847 = tpu.vector_load %arg15[%get3A_846] {strides = array<i32>} : memref<128xf32, #tpu.memory_space<vmem>>, vector<16xf32>,
        %mul3A_848 = arith.mulf %gather3A_845, %get3A_847 : vector<16xf32>
        %add3A_849 = arith.addf %add3A_838, %mul3A_848 : vector<16xf32>
        %add3A_850 = arith.constant 1 : i32
        %add3A_851 = vector.broadcast %add3A_850 : i32 to vector<16xi32>
        %add3A_852 = arith.addi %and3A_844, %add3A_851 : vector<16xi32>
        %and3A_853 = arith.constant 63 : i32
        %and3A_854 = vector.broadcast %and3A_853 : i32 to vector<16xi32>
        %and3A_855 = arith.andi %add3A_852, %and3A_854 : vector<16xi32>
        %gather3A_856 = tpu.vector_load_idx %arg10[%add3A_250, %and3A_855] : memref<408x64xf32, #tpu.memory_space<vmem>>[vector<16xi32>, vector<16xi32>], vector<16xf32>,
        %get3A_857 = arith.constant 55 : index
        %get3A_858 = tpu.vector_load %arg15[%get3A_857] {strides = array<i32>} : memref<128xf32, #tpu.memory_space<vmem>>, vector<16xf32>,
        %mul3A_859 = arith.mulf %gather3A_856, %get3A_858 : vector<16xf32>
        %add3A_860 = arith.addf %add3A_849, %mul3A_859 : vector<16xf32>
        %add3A_861 = arith.constant 1 : i32
        %add3A_862 = vector.broadcast %add3A_861 : i32 to vector<16xi32>
        %add3A_863 = arith.addi %and3A_855, %add3A_862 : vector<16xi32>
        %and3A_864 = arith.constant 63 : i32
        %and3A_865 = vector.broadcast %and3A_864 : i32 to vector<16xi32>
        %and3A_866 = arith.andi %add3A_863, %and3A_865 : vector<16xi32>
        %gather3A_867 = tpu.vector_load_idx %arg10[%add3A_250, %and3A_866] : memref<408x64xf32, #tpu.memory_space<vmem>>[vector<16xi32>, vector<16xi32>], vector<16xf32>,
        %get3A_868 = arith.constant 56 : index
        %get3A_869 = tpu.vector_load %arg15[%get3A_868] {strides = array<i32>} : memref<128xf32, #tpu.memory_space<vmem>>, vector<16xf32>,
        %mul3A_870 = arith.mulf %gather3A_867, %get3A_869 : vector<16xf32>
        %add3A_871 = arith.addf %add3A_860, %mul3A_870 : vector<16xf32>
        %add3A_872 = arith.constant 1 : i32
        %add3A_873 = vector.broadcast %add3A_872 : i32 to vector<16xi32>
        %add3A_874 = arith.addi %and3A_866, %add3A_873 : vector<16xi32>
        %and3A_875 = arith.constant 63 : i32
        %and3A_876 = vector.broadcast %and3A_875 : i32 to vector<16xi32>
        %and3A_877 = arith.andi %add3A_874, %and3A_876 : vector<16xi32>
        %gather3A_878 = tpu.vector_load_idx %arg10[%add3A_250, %and3A_877] : memref<408x64xf32, #tpu.memory_space<vmem>>[vector<16xi32>, vector<16xi32>], vector<16xf32>,
        %get3A_879 = arith.constant 57 : index
        %get3A_880 = tpu.vector_load %arg15[%get3A_879] {strides = array<i32>} : memref<128xf32, #tpu.memory_space<vmem>>, vector<16xf32>,
        %mul3A_881 = arith.mulf %gather3A_878, %get3A_880 : vector<16xf32>
        %add3A_882 = arith.addf %add3A_871, %mul3A_881 : vector<16xf32>
        %add3A_883 = arith.constant 1 : i32
        %add3A_884 = vector.broadcast %add3A_883 : i32 to vector<16xi32>
        %add3A_885 = arith.addi %and3A_877, %add3A_884 : vector<16xi32>
        %and3A_886 = arith.constant 63 : i32
        %and3A_887 = vector.broadcast %and3A_886 : i32 to vector<16xi32>
        %and3A_888 = arith.andi %add3A_885, %and3A_887 : vector<16xi32>
        %gather3A_889 = tpu.vector_load_idx %arg10[%add3A_250, %and3A_888] : memref<408x64xf32, #tpu.memory_space<vmem>>[vector<16xi32>, vector<16xi32>], vector<16xf32>,
        %get3A_890 = arith.constant 58 : index
        %get3A_891 = tpu.vector_load %arg15[%get3A_890] {strides = array<i32>} : memref<128xf32, #tpu.memory_space<vmem>>, vector<16xf32>,
        %mul3A_892 = arith.mulf %gather3A_889, %get3A_891 : vector<16xf32>
        %add3A_893 = arith.addf %add3A_882, %mul3A_892 : vector<16xf32>
        %add3A_894 = arith.constant 1 : i32
        %add3A_895 = vector.broadcast %add3A_894 : i32 to vector<16xi32>
        %add3A_896 = arith.addi %and3A_888, %add3A_895 : vector<16xi32>
        %and3A_897 = arith.constant 63 : i32
        %and3A_898 = vector.broadcast %and3A_897 : i32 to vector<16xi32>
        %and3A_899 = arith.andi %add3A_896, %and3A_898 : vector<16xi32>
        %gather3A_900 = tpu.vector_load_idx %arg10[%add3A_250, %and3A_899] : memref<408x64xf32, #tpu.memory_space<vmem>>[vector<16xi32>, vector<16xi32>], vector<16xf32>,
        %get3A_901 = arith.constant 59 : index
        %get3A_902 = tpu.vector_load %arg15[%get3A_901] {strides = array<i32>} : memref<128xf32, #tpu.memory_space<vmem>>, vector<16xf32>,
        %mul3A_903 = arith.mulf %gather3A_900, %get3A_902 : vector<16xf32>
        %add3A_904 = arith.addf %add3A_893, %mul3A_903 : vector<16xf32>
        %add3A_905 = arith.constant 1 : i32
        %add3A_906 = vector.broadcast %add3A_905 : i32 to vector<16xi32>
        %add3A_907 = arith.addi %and3A_899, %add3A_906 : vector<16xi32>
        %and3A_908 = arith.constant 63 : i32
        %and3A_909 = vector.broadcast %and3A_908 : i32 to vector<16xi32>
        %and3A_910 = arith.andi %add3A_907, %and3A_909 : vector<16xi32>
        %gather3A_911 = tpu.vector_load_idx %arg10[%add3A_250, %and3A_910] : memref<408x64xf32, #tpu.memory_space<vmem>>[vector<16xi32>, vector<16xi32>], vector<16xf32>,
        %get3A_912 = arith.constant 60 : index
        %get3A_913 = tpu.vector_load %arg15[%get3A_912] {strides = array<i32>} : memref<128xf32, #tpu.memory_space<vmem>>, vector<16xf32>,
        %mul3A_914 = arith.mulf %gather3A_911, %get3A_913 : vector<16xf32>
        %add3A_915 = arith.addf %add3A_904, %mul3A_914 : vector<16xf32>
        %add3A_916 = arith.constant 1 : i32
        %add3A_917 = vector.broadcast %add3A_916 : i32 to vector<16xi32>
        %add3A_918 = arith.addi %and3A_910, %add3A_917 : vector<16xi32>
        %and3A_919 = arith.constant 63 : i32
        %and3A_920 = vector.broadcast %and3A_919 : i32 to vector<16xi32>
        %and3A_921 = arith.andi %add3A_918, %and3A_920 : vector<16xi32>
        %gather3A_922 = tpu.vector_load_idx %arg10[%add3A_250, %and3A_921] : memref<408x64xf32, #tpu.memory_space<vmem>>[vector<16xi32>, vector<16xi32>], vector<16xf32>,
        %get3A_923 = arith.constant 61 : index
        %get3A_924 = tpu.vector_load %arg15[%get3A_923] {strides = array<i32>} : memref<128xf32, #tpu.memory_space<vmem>>, vector<16xf32>,
        %mul3A_925 = arith.mulf %gather3A_922, %get3A_924 : vector<16xf32>
        %add3A_926 = arith.addf %add3A_915, %mul3A_925 : vector<16xf32>
        %add3A_927 = arith.constant 1 : i32
        %add3A_928 = vector.broadcast %add3A_927 : i32 to vector<16xi32>
        %add3A_929 = arith.addi %and3A_921, %add3A_928 : vector<16xi32>
        %and3A_930 = arith.constant 63 : i32
        %and3A_931 = vector.broadcast %and3A_930 : i32 to vector<16xi32>
        %and3A_932 = arith.andi %add3A_929, %and3A_931 : vector<16xi32>
        %gather3A_933 = tpu.vector_load_idx %arg10[%add3A_250, %and3A_932] : memref<408x64xf32, #tpu.memory_space<vmem>>[vector<16xi32>, vector<16xi32>], vector<16xf32>,
        %get3A_934 = arith.constant 62 : index
        %get3A_935 = tpu.vector_load %arg15[%get3A_934] {strides = array<i32>} : memref<128xf32, #tpu.memory_space<vmem>>, vector<16xf32>,
        %mul3A_936 = arith.mulf %gather3A_933, %get3A_935 : vector<16xf32>
        %add3A_937 = arith.addf %add3A_926, %mul3A_936 : vector<16xf32>
        %add3A_938 = arith.constant 1 : i32
        %add3A_939 = vector.broadcast %add3A_938 : i32 to vector<16xi32>
        %add3A_940 = arith.addi %and3A_932, %add3A_939 : vector<16xi32>
        %and3A_941 = arith.constant 63 : i32
        %and3A_942 = vector.broadcast %and3A_941 : i32 to vector<16xi32>
        %and3A_943 = arith.andi %add3A_940, %and3A_942 : vector<16xi32>
        %gather3A_944 = tpu.vector_load_idx %arg10[%add3A_250, %and3A_943] : memref<408x64xf32, #tpu.memory_space<vmem>>[vector<16xi32>, vector<16xi32>], vector<16xf32>,
        %get3A_945 = arith.constant 63 : index
        %get3A_946 = tpu.vector_load %arg15[%get3A_945] {strides = array<i32>} : memref<128xf32, #tpu.memory_space<vmem>>, vector<16xf32>,
        %mul3A_947 = arith.mulf %gather3A_944, %get3A_946 : vector<16xf32>
        %add3A_948 = arith.addf %add3A_937, %mul3A_947 : vector<16xf32>
        tpu.vector_store_idx %arg14[%add3A_250], %add3A_948 : memref<408xf32, #tpu.memory_space<vmem>>[vector<16xi32>], vector<16xf32>,
      }
      %scan3A_231 = arith.constant 13 : i32
      %add3A_232 = arith.constant 2 : i32
      %add3A_233 = arith.addi %add3A_141, %add3A_232 : i32
      %lt3A_234 = arith.constant 64 : i32
      %lt3A_235 = arith.cmpi slt, %add3A_233, %lt3A_234 : i32
      %convert_element_type3A_236 = arith.extui %lt3A_235 : i1 to i32
      %cond3A_237 = arith.constant 0 : i32
      %cond3A_238 = arith.cmpi ne, %convert_element_type3A_236, %cond3A_237 : i32
      scf.if %cond3A_238 {
        %add3A_244 = arith.constant 2 : i32
        %add3A_245 = arith.addi %add3A_141, %add3A_244 : i32
        %mul3A_246 = arith.constant 400 : i32
        %mul3A_247 = arith.muli %add3A_245, %mul3A_246 : i32
        %dma_start3A_248 = arith.constant 0 : i32
        %dma_start3A_249 = arith.constant 0 : i32
        %dma_start3A_250 = tpu.memref_slice %arg10[%dma_start3A_248, %dma_start3A_249] : memref<408x64xf32, #tpu.memory_space<vmem>> -> memref<400x64xf32, #tpu.memory_space<vmem>>
        %dma_start3A_251 = tpu.memref_slice %arg8[%mul3A_247] : memref<25600xi32, #tpu.memory_space<vmem>> -> memref<400xi32, #tpu.memory_space<vmem>>
        %dma_start3A_252 = arith.constant 0 : i32
        %dma_start3A_253 = arith.constant 0 : i32
        %dma_start3A_254 = tpu.memref_slice %arg4[%dma_start3A_252, %dma_start3A_253] : memref<1000000x64xf32, #tpu.memory_space<hbm>> -> memref<1000000x64xf32, #tpu.memory_space<hbm>>
        tpu.enqueue_indirect_dma source(%dma_start3A_254 : memref<1000000x64xf32, #tpu.memory_space<hbm>>) target(%dma_start3A_250 : memref<400x64xf32, #tpu.memory_space<vmem>>) offsets(%dma_start3A_251 : memref<400xi32, #tpu.memory_space<vmem>>) semaphore(%arg17 : memref<!tpu.dma_semaphore, #tpu.memory_space<semaphore_mem>>)
        %dma_start3A_255 = arith.constant 0 : i32
        %dma_start3A_256 = tpu.memref_slice %arg12[%dma_start3A_255] : memref<408xf32, #tpu.memory_space<vmem>> -> memref<400xf32, #tpu.memory_space<vmem>>
        %dma_start3A_257 = tpu.memref_slice %arg8[%mul3A_247] : memref<25600xi32, #tpu.memory_space<vmem>> -> memref<400xi32, #tpu.memory_space<vmem>>
        %dma_start3A_258 = arith.constant 0 : i32
        %dma_start3A_259 = tpu.memref_slice %arg5[%dma_start3A_258] : memref<1000000xf32, #tpu.memory_space<hbm>> -> memref<1000000xf32, #tpu.memory_space<hbm>>
        tpu.enqueue_indirect_dma source(%dma_start3A_259 : memref<1000000xf32, #tpu.memory_space<hbm>>) target(%dma_start3A_256 : memref<400xf32, #tpu.memory_space<vmem>>) offsets(%dma_start3A_257 : memref<400xi32, #tpu.memory_space<vmem>>) semaphore(%arg19 : memref<!tpu.dma_semaphore, #tpu.memory_space<semaphore_mem>>)
      } else {
      }
      %mul3A_239 = arith.constant 2 : i32
      %mul3A_240 = arith.muli %add3A_141, %mul3A_239 : i32
      %add3A_241 = arith.addi %mul3A_2, %mul3A_240 : i32
      %mul3A_242 = arith.constant 200 : i32
      %mul3A_243 = arith.muli %add3A_241, %mul3A_242 : i32
      "tpu.region"() ({
        %run_scoped3A = tpu.sem_alloc : memref<!tpu.dma_semaphore, #tpu.memory_space<semaphore_mem>>
        %dma_start3A_244 = arith.constant 0 : i32
        %dma_start3A_245 = tpu.memref_slice %arg14[%dma_start3A_244] : memref<408xf32, #tpu.memory_space<vmem>> -> memref<400xf32, #tpu.memory_space<vmem>>
        %dma_start3A_246 = tpu.memref_slice %arg6[%mul3A_243] : memref<819200xf32, #tpu.memory_space<hbm>> -> memref<400xf32, #tpu.memory_space<hbm>>
        %dma_start3A_247 = tpu.memref_slice %arg6[%mul3A_243] : memref<819200xf32, #tpu.memory_space<hbm>> -> memref<400xf32, #tpu.memory_space<hbm>>
        %dma_start3A_248 = arith.constant 0 : i32
        %dma_start3A_249 = tpu.memref_slice %arg14[%dma_start3A_248] : memref<408xf32, #tpu.memory_space<vmem>> -> memref<400xf32, #tpu.memory_space<vmem>>
        tpu.enqueue_dma source(%dma_start3A_249 : memref<400xf32, #tpu.memory_space<vmem>>) target(%dma_start3A_247 : memref<400xf32, #tpu.memory_space<hbm>>) target_semaphore(%run_scoped3A : memref<!tpu.dma_semaphore, #tpu.memory_space<semaphore_mem>>)
        %dma_wait3A_250 = arith.constant 0 : i32
        %dma_wait3A_251 = tpu.memref_slice %arg14[%dma_wait3A_250] : memref<408xf32, #tpu.memory_space<vmem>> -> memref<400xf32, #tpu.memory_space<vmem>>
        %dma_wait3A_252 = tpu.memref_slice %arg6[%mul3A_243] : memref<819200xf32, #tpu.memory_space<hbm>> -> memref<400xf32, #tpu.memory_space<hbm>>
        %dma_wait3A_253 = tpu.memref_slice %arg6[%mul3A_243] : memref<819200xf32, #tpu.memory_space<hbm>> -> memref<400xf32, #tpu.memory_space<hbm>>
        %dma_wait3A_254 = arith.constant 0 : i32
        %dma_wait3A_255 = tpu.memref_slice %arg14[%dma_wait3A_254] : memref<408xf32, #tpu.memory_space<vmem>> -> memref<400xf32, #tpu.memory_space<vmem>>
        tpu.wait_dma2 semaphore(%run_scoped3A : memref<!tpu.dma_semaphore, #tpu.memory_space<semaphore_mem>>) src(%dma_wait3A_255 : memref<400xf32, #tpu.memory_space<vmem>>) dst(%dma_wait3A_253 : memref<400xf32, #tpu.memory_space<hbm>>)
        tpu.yield
      }) : () -> ()
    }
    %scan3A_36 = arith.constant 32 : i32
    return
  }
}

module attributes {stable_mosaic.version = 14 : i64} {
  func.func @_head_body(%arg0: memref<4096x64xf32, #tpu.memory_space<vmem>>, %arg1: memref<64x64xf32, #tpu.memory_space<vmem>>, %arg2: memref<1x64xf32, #tpu.memory_space<vmem>>, %arg3: memref<4096x64xf32, #tpu.memory_space<vmem>>) attributes {dimension_semantics = [], scalar_prefetch = 0 : i64, scratch_operands = 0 : i64, tpu.core_type = #tpu.core_type<tc>} {
    %get3A = arith.constant 0 : index
    %get3A_0 = arith.constant 0 : index
    %get3A_1 = vector.load %arg0[%get3A, %get3A_0] : memref<4096x64xf32, #tpu.memory_space<vmem>>, vector<4096x64xf32>
    %get3A_2 = arith.constant 0 : index
    %get3A_3 = arith.constant 0 : index
    %get3A_4 = vector.load %arg1[%get3A_2, %get3A_3] : memref<64x64xf32, #tpu.memory_space<vmem>>, vector<64x64xf32>
    %dot_general3A = arith.constant dense<0.000000e+00> : vector<4096x64xf32>
    %dot_general3A_5 = tpu.matmul %get3A_1, %get3A_4, %dot_general3A {dimension_numbers = #tpu.dot_dimension_numbers<[1], [0], [0], [1], [0, 0, 1, 1], [], []>, transpose_lhs_hint = false} : vector<4096x64xf32>, vector<64x64xf32>, vector<4096x64xf32> -> vector<4096x64xf32>
    %get3A_6 = arith.constant 0 : index
    %get3A_7 = arith.constant 0 : index
    %get3A_8 = vector.load %arg2[%get3A_6, %get3A_7] : memref<1x64xf32, #tpu.memory_space<vmem>>, vector<1x64xf32>
    %add3A = vector.broadcast %get3A_8 : vector<1x64xf32> to vector<4096x64xf32>
    %add3A_9 = arith.addf %dot_general3A_5, %add3A : vector<4096x64xf32>
    %mul3A = arith.constant 5.000000e-01 : f32
    %mul3A_10 = vector.broadcast %mul3A : f32 to vector<4096x64xf32>
    %mul3A_11 = arith.mulf %add3A_9, %mul3A_10 : vector<4096x64xf32>
    %mul3A_12 = arith.constant 0.707106769 : f32
    %mul3A_13 = vector.broadcast %mul3A_12 : f32 to vector<4096x64xf32>
    %mul3A_14 = arith.mulf %add3A_9, %mul3A_13 : vector<4096x64xf32>
    %erf3A = math.erf %mul3A_14 : vector<4096x64xf32>
    %add3A_15 = arith.constant 1.000000e+00 : f32
    %add3A_16 = vector.broadcast %add3A_15 : f32 to vector<4096x64xf32>
    %add3A_17 = arith.addf %add3A_16, %erf3A : vector<4096x64xf32>
    %mul3A_18 = arith.mulf %mul3A_11, %add3A_17 : vector<4096x64xf32>
    %swap3A = arith.constant 0 : index
    %swap3A_19 = arith.constant 0 : index
    %swap3A_20 = vector.load %arg3[%swap3A, %swap3A_19] : memref<4096x64xf32, #tpu.memory_space<vmem>>, vector<4096x64xf32>
    tpu.vector_store %arg3[%swap3A, %swap3A_19], %mul3A_18 {strides = array<i32>} : memref<4096x64xf32, #tpu.memory_space<vmem>>, vector<4096x64xf32>,
    return
  }
}

module attributes {stable_mosaic.version = 14 : i64} {
  func.func @_pair_body(%arg0: i32, %arg1: memref<64x4096xf32, #tpu.memory_space<vmem>>, %arg2: memref<2048x128xf32, #tpu.memory_space<vmem>>) attributes {dimension_semantics = [#tpu.dimension_semantics<arbitrary>], iteration_bounds = array<i64: 245>, scalar_prefetch = 0 : i64, scratch_operands = 0 : i64, tpu.core_type = #tpu.core_type<tc>, window_params = [{transform_indices = @transform_0, window_bounds = array<i64: 64, 4096>}, {transform_indices = @transform_1, window_bounds = array<i64: 2048, 128>}]} {
    %get3A = arith.constant 0 : index
    %get3A_0 = arith.constant 0 : index
    %get3A_1 = vector.load %arg1[%get3A, %get3A_0] : memref<64x4096xf32, #tpu.memory_space<vmem>>, vector<64x4096xf32>
    %transpose3A = tpu.transpose %get3A_1, [1, 0] : vector<64x4096xf32> -> vector<4096x64xf32>
    %reshape3A = vector.shape_cast %transpose3A : vector<4096x64xf32> to vector<2048x2x64xf32>
    %slice3A = vector.extract_strided_slice %reshape3A {offsets = [0, 0, 0], sizes = [2048, 1, 64], strides = [1, 1, 1]} : vector<2048x2x64xf32> to vector<2048x1x64xf32>
    %squeeze3A = vector.shape_cast %slice3A : vector<2048x1x64xf32> to vector<2048x64xf32>
    %slice3A_2 = vector.extract_strided_slice %reshape3A {offsets = [0, 1, 0], sizes = [2048, 1, 64], strides = [1, 1, 1]} : vector<2048x2x64xf32> to vector<2048x1x64xf32>
    %squeeze3A_3 = vector.shape_cast %slice3A_2 : vector<2048x1x64xf32> to vector<2048x64xf32>
    %concatenate3A = tpu.concatenate %squeeze3A, %squeeze3A_3 in 1 : vector<2048x64xf32>, vector<2048x64xf32> -> vector<2048x128xf32>
    %swap3A = arith.constant 0 : index
    %swap3A_4 = arith.constant 0 : index
    %swap3A_5 = vector.load %arg2[%swap3A, %swap3A_4] : memref<2048x128xf32, #tpu.memory_space<vmem>>, vector<2048x128xf32>
    tpu.vector_store %arg2[%swap3A, %swap3A_4], %concatenate3A {strides = array<i32>} : memref<2048x128xf32, #tpu.memory_space<vmem>>, vector<2048x128xf32>,
    return
  }
  func.func @transform_0(%arg0: i32) -> (i32, i32) {
    %c0_i32 = arith.constant 0 : i32
    %c0_i32_0 = arith.constant 0 : i32
    return %c0_i32, %arg0 : i32, i32
  }
  func.func @transform_1(%arg0: i32) -> (i32, i32) {
    %c0_i32 = arith.constant 0 : i32
    %c0_i32_0 = arith.constant 0 : i32
    return %arg0, %c0_i32 : i32, i32
  }
}

</mosaic_0001>

<sc_bundles>
// kernel: kernel.5.cloned.1.call-start
scs
__scs_entry_jumppad:
0x0: {  	(pc) =	sbr.rel $0x88, $3  }
0x1: {  	(tag) =	ssettag $0x0;
	lr =	simm.s32 $0x1  }
0x2: {  	[smem:$0x3F9B] =	sst lr;
	_ =	strace $0xD0000000  }
0x3: {  	_ = 	snop  }
0x4: {  	_ = 	snop  }
0x5: {  	_ = 	snop  }
0x6: {  	_ = 	snop  }
0x7: {  	_ = 	snop  }
__scs_overlays_trampoline_lowered:
0x8: {  	[smem:$0x3FAA] =	sst s0  }
0x9: {  	[smem:$0x3FAB] =	sst s1  }
0xa: {  	[smem:$0x3FAC] =	sst s2  }
0xb: {  	[smem:$0x3FAD] =	sst s3  }
0xc: {  	[smem:$0x3FAE] =	sst s4  }
0xd: {  	[smem:$0x3FAF] =	sst s5  }
0xe: {  	[smem:$0x3FB0] =	sst s6  }
0xf: {  	[smem:$0x3FB1] =	sst s7  }
0x10: {  	[smem:$0x3FB2] =	sst s8  }
0x11: {  	[smem:$0x3FB3] =	sst s9;
	s0 =	simm.s32 @!p0 $0x0  }
0x12: {  	s1 =	sld [smem:$0x3F99];
	s0 =	simm.s32 @p0 $0x1  }
0x13: {  	[smem:$0x3FB4] =	sst s0;
	s0 =	simm.s32 @!p1 $0x0  }
0x14: {  	s2 =	sld [smem:$0x3F98];
	s0 =	simm.s32 @p1 $0x1  }
0x15: {  	[smem:$0x3FB5] =	sst s0;
	s0 =	simm.s32 @!p2 $0x0  }
0x16: {  	s3 =	sld [smem:$0x3FDB];
	s0 =	simm.s32 @p2 $0x1  }
0x17: {  	s4 =	simm.s32 $0x1BF5;
	[smem:$0x3FB7] =	sst s0  }
0x18: {  	s0 =	sld [smem:$0x3F9A];
	_ =	swait.ge [sflag:s4], $0x0  }
0x19: {  	s7 =	sld [smem:$0x3F9B]  }
0x1a: {  	s8 =	sadd.s32 $0xFFFFE003, lr  }
0x1b: {  	s9 =	sadd.s32 $0xFFFFFEF7, lr;
	s5 =	simm.s32 $0xFFFFFFFF;
	p2 =	slt.u32 s8, $0xFFFFF086  }
0x1c: {  	p1 =	slt.u32 s9, $0xF7A;
	s5 =	simm.s32 @!p2 $0x0  }
0x1d: {  	s5 =	simm.s32 @p1 $0x1;
	p0 =	seq.s32 s7, s2  }
0x1e: {  	s7 =	smul.u32 @!p0 $0xF7A, s2;
	p2 =	seq.s32 @!p0 s5, $0x0  }
0x1f: {  	s9 =	smul.u32 $0xF7A, s1;
	s8 =	simm.s32 @!p0 $0x1BF5;
	p2 =	por !p2, p0  }
0x20: {  	[sflag:s8] =	ssyncset.s32 @!p0 $0xFFFFF086;
	s6 =	sadd.s32 @!p0 s3, s7;
	s7 =	simm.s32 @!p0 $0x108  }
0x21: {  	s3 =	sadd.s32 s3, s9;
	s6 =	sadd.s32 @!p0 $0x88, s6;
	s7 =	simm.s32 @p2 $0x1082  }
0x22: {  	[simem:s7], [sflag:s8] =	dma.local @!p0 [hbm:s6], $0xF7A  }
0x23: {  	s9 =	sor.u32 $0xD0000000, s2;
	s6 =	simm.s32 $0x108;
	_ =	swait.ge @!p0 [sflag:s8], $0x0  }
0x24: {  	s3 =	sadd.s32 $0x88, s3;
	s6 =	simm.s32 @!p1 $0x1082;
	[sflag:s4] =	ssyncset.s32 $0xFFFFF086  }
0x25: {  	[simem:s6], [sflag:s4] =	dma.local [hbm:s3], $0xF7A  }
0x26: {  	[smem:$0x3F9B] =	sst s1;
	(tag) =	ssettag s2;
	_ =	strace s9  }
0x27: {  	s1 =	sld [smem:$0x3FAB]  }
0x28: {  	s2 =	sld [smem:$0x3FAC]  }
0x29: {  	s4 =	sld [smem:$0x3FAE]  }
0x2a: {  	p0 =	seq.s32 s5, $0x0;
	s5 =	sld [smem:$0x3FAF]  }
0x2b: {  	s6 =	sld [smem:$0x3FB0]  }
0x2c: {  	s7 =	sld [smem:$0x3FB1]  }
0x2d: {  	s3 =	simm.s32 $0x108;
	s8 =	sld [smem:$0x3FB2]  }
0x2e: {  	s3 =	simm.s32 @!p0 $0x1082;
	s9 =	sld [smem:$0x3FB3]  }
0x2f: {  	lr =	sadd.s32 s0, s3;
	s0 =	sld [smem:$0x3FAA]  }
0x30: {  	s3 =	sld [smem:$0x3FAD]  }
0x31: {  	[smem:$0x3FB6] =	sst s10  }
0x32: {  	s10 =	sld [smem:$0x3FB4];
	_ =	sdelay $0x3  }
0x33: {  	p0 =	seq.s32 s10, $0x1;
	s10 =	sld [smem:$0x3FB6];
	_ =	sdelay $0x3  }
0x34: {  	[smem:$0x3FB6] =	sst s10  }
0x35: {  	s10 =	sld [smem:$0x3FB5];
	_ =	sdelay $0x3  }
0x36: {  	p1 =	seq.s32 s10, $0x1;
	s10 =	sld [smem:$0x3FB6];
	_ =	sdelay $0x3  }
0x37: {  	[smem:$0x3FB6] =	sst s10  }
0x38: {  	s10 =	sld [smem:$0x3FB7]  }
0x39: {  	_ = 	snop;
	(pc) =	sbr.ind lr, $3  }
0x3a: {  	_ = 	snop  }
0x3b: {  	_ = 	snop  }
0x3c: {  	p2 =	seq.s32 s10, $0x1;
	s10 =	sld [smem:$0x3FB6]  }
0x3d: {  	_ =	shalt  }
0x3e: {  	_ =	shalt  }
0x3f: {  	_ =	shalt  }
0x40: {  	_ =	shalt  }
0x41: {  	_ =	shalt  }
0x42: {  	_ =	shalt  }
0x43: {  	_ =	shalt  }
0x44: {  	_ =	shalt  }
0x45: {  	_ =	shalt  }
0x46: {  	_ =	shalt  }
0x47: {  	_ =	shalt  }
0x48: {  	_ =	shalt  }
0x49: {  	_ =	shalt  }
0x4a: {  	_ =	shalt  }
0x4b: {  	_ =	shalt  }
0x4c: {  	_ =	shalt  }
0x4d: {  	_ =	shalt  }
0x4e: {  	_ =	shalt  }
0x4f: {  	_ =	shalt  }
0x50: {  	_ =	shalt  }
0x51: {  	_ =	shalt  }
0x52: {  	_ =	shalt  }
0x53: {  	_ =	shalt  }
0x54: {  	_ =	shalt  }
0x55: {  	_ =	shalt  }
0x56: {  	_ =	shalt  }
0x57: {  	_ =	shalt  }
0x58: {  	_ =	shalt  }
0x59: {  	_ =	shalt  }
0x5a: {  	_ =	shalt  }
0x5b: {  	_ =	shalt  }
0x5c: {  	_ =	shalt  }
0x5d: {  	_ =	shalt  }
0x5e: {  	_ =	shalt  }
0x5f: {  	_ =	shalt  }
0x60: {  	_ =	shalt  }
0x61: {  	_ =	shalt  }
0x62: {  	_ =	shalt  }
0x63: {  	_ =	shalt  }
0x64: {  	_ =	shalt  }
0x65: {  	_ =	shalt  }
0x66: {  	_ =	shalt  }
0x67: {  	_ =	shalt  }
0x68: {  	_ =	shalt  }
0x69: {  	_ =	shalt  }
0x6a: {  	_ =	shalt  }
0x6b: {  	_ =	shalt  }
0x6c: {  	_ =	shalt  }
0x6d: {  	_ =	shalt  }
0x6e: {  	_ =	shalt  }
0x6f: {  	_ =	shalt  }
0x70: {  	_ =	shalt  }
0x71: {  	_ =	shalt  }
0x72: {  	_ =	shalt  }
0x73: {  	_ =	shalt  }
0x74: {  	_ =	shalt  }
0x75: {  	_ =	shalt  }
0x76: {  	_ =	shalt  }
0x77: {  	_ =	shalt  }
0x78: {  	_ =	shalt  }
0x79: {  	_ =	shalt  }
0x7a: {  	_ =	shalt  }
0x7b: {  	_ =	shalt  }
0x7c: {  	_ =	shalt  }
0x7d: {  	_ =	shalt  }
0x7e: {  	_ =	shalt  }
0x7f: {  	_ =	shalt  }
0x80: {  	_ =	shalt  }
0x81: {  	_ =	shalt  }
0x82: {  	_ =	shalt  }
0x83: {  	_ =	shalt  }
0x84: {  	_ =	shalt  }
0x85: {  	_ =	shalt  }
0x86: {  	_ =	shalt  }
0x87: {  	_ =	shalt  }
.Lfunc_end0:
.L_simem_size_0:
called_computation_lowered:
.L_overlay_start_0:
0x88: {  	s2 =	sld [smem:$0x3FD9]  }
0x89: {  	s3 =	sld [smem:$0x3FFE];
	_ =	sdelay $0x1  }
0x8a: {  	s1 =	srdreg.scid  }
0x8b: {  	s0 =	sand.u32 $0x1, s1  }
0x8c: {  	s17 =	sshll.u32 s0, $0xA;
	s2 =	sadd.s32 s3, s2  }
0x8d: {  	s2 =	sadd.s32 s2, s17  }
0x8e: {  	[smem:$0x3FC2] =	sst s2  }
0x8f: {  	_ = 	snop  }
0x90: {  	s2 =	sld [smem:$0x3FC4]  }
0x91: {  	s18 =	sld [smem:$0x3FD0];
	(tm) =	ssettm $0x1  }
0x92: {  	s4 =	sld [smem:$0x3FFB];
	_ =	sdelay $0x3  }
0x93: {  	_ =	strace s4  }
0x94: {  	s4 =	sld [smem:$0x3FFC];
	_ =	sdelay $0x3  }
0x95: {  	_ =	strace s4  }
0x96: {  	s4 =	sld [smem:$0x3FFD];
	_ =	sdelay $0x3  }
0x97: {  	_ =	strace s4  }
0x98: {  	_ =	strace $0x8FFFFFFF  }
0x99: {  	s19 =	sld [smem:$0x3FDB];
	_ =	sdelay $0x1  }
0x9a: {  	s5 =	simm.s32 $_scs_section_size  }
0x9b: {  	s6 =	simm.s32 $_size__tile_overlayer_lowered;
	s7 =	simm.s32 $_tile_overlayer_lowered  }
0x9c: {  	s22 =	simm.s32 $0x1BFF;
	s21 =	sshll.u32 s7, $0x1;
	s4 =	sadd.s32 s5, s19  }
0x9d: {  	s8 =	simm.s32 $0x0;
	s20 =	sshll.u32 s6, $0x1;
	s6 =	sadd.s32 s21, s4  }
0x9e: {  	[timem:s8], [sflag:s22] =	dma.local [hbm:s6], s20  }
0x9f: {  	_ =	swait.ge [sflag:s22], s20  }
0xa0: {  	s5 =	ssub.s32 $0x0, s20;
	[sflag:s22] =	ssyncset.done $0x0  }
0xa1: {  	[sflag:s22] =	ssyncadd.s32 s5;
	_ =	sdelay $0x1  }
0xa2: {  	s23 =	simm.s32 $0x1B8B  }
0xa3: {  	_ =	swait.ge [sflag:s23], $0x1  }
0xa4: {  	[sflag:s23] =	ssyncset.done $0x0  }
0xa5: {  	s25 =	simm.s32 $0x1B8E;
	s24 =	sld [smem:$0x3FFE];
	[sflag:s23] =	ssyncadd.s32 $0xFFFFFFFF  }
0xa6: {  	s26 =	simm.s32 $execute0_lowered;
	[smem:$0x3FD2] =	sst s25  }
0xa7: {  	s6 =	sshll.u32 s26, $0x1;
	_ =	strace $0x80000046;
	[dreg:$0x1] =	wrdreg $0xFFFFFFFF  }
0xa8: {  	s28 =	simm.s32 $_size_execute0_lowered;
	s4 =	sadd.s32 s4, s6;
	[dreg:$0x0] =	wrdreg $0x0  }
0xa9: {  	s6 =	sshll.u32 s28, $0x1;
	[dreg:$0x2] =	wrdreg s4  }
0xaa: {  	[dreg:$0x3] =	wrdreg s6  }
0xab: {  	[dreg:$0x4] =	wrdreg $0xC0  }
0xac: {  	_ =	task [dreg:s8], $0x5FFFF  }
0xad: {  	[dreg:$0x1] =	wrdreg $0xFFFFFFFF  }
0xae: {  	[dreg:$0x0] =	wrdreg $0x60  }
0xaf: {  	[dreg:$0x2] =	wrdreg s24  }
0xb0: {  	[dreg:$0x3] =	wrdreg s18  }
0xb1: {  	[dreg:$0x4] =	wrdreg s2  }
0xb2: {  	[dreg:$0x5] =	wrdreg $0x9  }
0xb3: {  	_ =	task.clear_ibuf [dreg:s8], $0x6FFFF;
	_ =	strace $0x90000046  }
0xb4: {  	s29 =	simm.s32 $0x9;
	_ =	strace $0x80000048  }
0xb5: {  	_ =	swait.ge [sflag:s29], $0x1  }
0xb6: {  	[sflag:s29] =	ssyncadd.s32 $0xFFFFFFFF  }
0xb7: {  	_ =	strace $0x90000048  }
0xb8: {  	_ =	sfence  }
0xb9: {  	s30 =	sld [smem:$0x0];
	_ =	sdelay $0x2  }
0xba: {  	s31 =	sshll.u32 s1, $0xD;
	s1 =	sshrl.u32 s1, $0x2  }
0xbb: {  	s3 =	sand.u32 $0x4000, s31;
	s1 =	sadd.s32 s1, s30  }
0xbc: {  	s0 =	sor.u32 s3, s0;
	s1 =	sshll.u32 s1, $0x11  }
0xbd: {  	s0 =	sor.u32 s1, s0  }
0xbe: {  	s0 =	sadd.s32 $0x8F2B, s0  }
0xbf: {  	[sflag:s0] =	ssyncadd.remote.s32 $0x1  }
0xc0: {  	_ =	sfence.sel $0xFFFF  }
0xc1: {  	[dreg:$0x0] =	wrdreg $0xFFFFFFFF;
	(pc) =	sbr.abs _section_cstart, $3  }
0xc2: {  	[dreg:$0x1] =	wrdreg $0xFFFFFFFF  }
0xc3: {  	_ =	task.clear_ibuf [dreg:s8], $0x2FFFF;
	_ =	strace $0x9FFFFFFF  }
0xc4: {  	(tm) =	ssettm $0x7FFFFFFF  }
0xc5: {  	_ =	shalt  }
tec
execute0_lowered:
.L_overlay_start_1:
0x0: {  	(tag) =	ssettag $0x1  }
0x1: {  	v13 =	vlaneseq.u32  }
0x2: {  	v1 =	vimm.s32 $0x38373635;
	v2 =	vimm.s32 $0x3C3B3A39;
	v0 =	vadd.s32 $0x12, v13  }
0x3: {  	v3 =	vimm.s32 $0x3F3E3D;
	vm0 =	vcmask $0x1F10;
	[tilespmem:$0x1FB70] =	vst v0;
	v0 =	vadd.s32 $0x19, v13  }
0x4: {  	v7 =	vimm.s32 $0x39383736;
	v6 =	vunpack.c.0.s8.s32 v1;
	[tilespmem:$0x1FB80] =	vst v0;
	v0 =	vadd.s32 $0x1B, v13  }
0x5: {  	v5 =	vunpack.c.0.s8.s32 v2;
	v1 =	vunpack.c.0.s8.s32 v3;
	[tilespmem:$0x1FB90] =	vst v0;
	v0 =	vimm.s32 $0x34333231  }
0x6: {  	v37 =	vimm.s32 $0x3F3E3D3C;
	v38 =	vimm.s32 $0x37363534;
	v0 =	vunpack.c.0.s8.s32 v0  }
0x7: {  	v2 =	vimm.s32 $0x35343332;
	v7 =	vunpack.c.0.s8.s32 v7;
	[tilespmem:$0x1FBA0] =	vst v6;
	v3 =	vsel vm0, v1, v5  }
0x8: {  	[tilespmem:$0x1FBB0] =	vst v5;
	v5 =	vimm.s32 $0x3D3C3B3A;
	v0 =	vsel vm0, v6, v0;
	v6 =	vimm.s32 $0x1003F3E  }
0x9: {  	v2 =	vunpack.c.0.s8.s32 v2;
	v5 =	vunpack.c.0.s8.s32 v5;
	v28 =	vunpack.c.0.s8.s32 v6  }
0xa: {  	v11 =	vimm.s32 $0x3B3A3938;
	v12 =	vunpack.c.0.s8.s32 v37;
	v20 =	vcombine.low v0, v3  }
0xb: {  	[tilespmem:$0x1FBD0] =	vst v5;
	v0 =	vsel vm0, v7, v2;
	v2 =	vsel vm0, v28, v5;
	v5 =	vimm.s32 $0x36353433  }
0xc: {  	v16 =	vcombine.low v0, v2;
	v0 =	vunpack.c.0.s8.s32 v5;
	v5 =	vimm.s32 $0x3020100  }
0xd: {  	v32 =	vunpack.c.0.s8.s32 v38;
	v45 =	vunpack.c.0.s8.s32 v11;
	v5 =	vunpack.c.0.s8.s32 v5  }
0xe: {  	[tilespmem:$0x1FBC0] =	vst v7;
	v7 =	vimm.s32 $0x201003F  }
0xf: {  	v11 =	vunpack.c.0.s8.s32 v7;
	v7 =	vsel vm0, v45, v32;
	v5 =	vsel vm0, v5, v12  }
0x10: {  	v17 =	vcombine.low v7, v5;
	v5 =	vimm.s32 $0x4030201  }
0x11: {  	v49 =	vimm.s32 $0x5040302;
	v5 =	vunpack.c.0.s8.s32 v5  }
0x12: {  	v37 =	vunpack.c.0.s8.s32 v49;
	[tilespmem:$0x1FBE0] =	vst v45;
	v6 =	vimm.s32 $0x3A393837  }
0x13: {  	s5 =	rddreg [dreg:$0x0];
	[tilespmem:$0x1FC10] =	vst v12;
	v41 =	vunpack.c.0.s8.s32 v6;
	v6 =	vimm.s32 $0x87654321;
	v5 =	vsel vm0, v5, v1  }
0x14: {  	s8 =	rddreg [dreg:$0x1];
	s3 =	simm.s32 $0x0;
	v6 =	vunpack.c.l.s4.s8 v6;
	[tilespmem:$0x1FBF0] =	vst v5;
	v5 =	vsel vm0, v37, v28  }
0x15: {  	[smem:$0x7FF] =	sst s3;
	[tilespmem:$0x1FC00] =	vst v5  }
0x16: {  	v51 =	vimm.s32 $0x98765432;
	s2 =	rddreg [dreg:$0x2];
	v6 =	vunpack.c.0.s8.s32 v6;
	v0 =	vsel vm0, v41, v0;
	_ =	strace $0x80000047;
	[tilespmem:$0x1FC30] =	vst v41  }
0x17: {  	v38 =	vunpack.c.l.s4.s8 v51;
	[tilespmem:$0x1FC40] =	vst v0  }
0x18: {  	v49 =	vadd.s32 $0x2C, v13;
	v6 =	vand.u32 $0xF, v6;
	[tilespmem:$0x1FC60] =	vst v11  }
0x19: {  	v8 =	vcombine.low v3, v6;
	v3 =	vunpack.c.0.s8.s32 v38;
	v38 =	vadd.s32 $0x2B, v13;
	[tilespmem:$0x1FD00] =	vst v49  }
0x1a: {  	v51 =	vadd.s32 $0x29, v13;
	[tilespmem:$0x1FD10] =	vst v38  }
0x1b: {  	v23 =	vadd.s32 $0x2, v13;
	[tilespmem:$0x1FD30] =	vst v51  }
0x1c: {  	v58 =	vadd.s32 $0x4, v13;
	[tilespmem:$0x1FD50] =	vst v23  }
0x1d: {  	v36 =	vadd.s32 $0x5, v13;
	[tilespmem:$0x1FD60] =	vst v58  }
0x1e: {  	v63 =	vadd.s32 $0x6, v13;
	[tilespmem:$0x1FD70] =	vst v36  }
0x1f: {  	v29 =	vadd.s32 $0x7, v13;
	[tilespmem:$0x1FD80] =	vst v63  }
0x20: {  	v27 =	vadd.s32 $0x8, v13;
	[tilespmem:$0x1FDA0] =	vst v29  }
0x21: {  	v53 =	vadd.s32 $0x9, v13;
	[tilespmem:$0x1FDB0] =	vst v27  }
0x22: {  	v54 =	vadd.s32 $0xA, v13;
	[tilespmem:$0x1FDC0] =	vst v53  }
0x23: {  	v39 =	vadd.s32 $0xB, v13;
	[tilespmem:$0x1FDD0] =	vst v54  }
0x24: {  	v30 =	vadd.s32 $0xC, v13;
	[tilespmem:$0x1FDE0] =	vst v39  }
0x25: {  	v60 =	vadd.s32 $0x1F, v13;
	[tilespmem:$0x1FDF0] =	vst v30  }
0x26: {  	v57 =	vadd.s32 $0x21, v13;
	[tilespmem:$0x1FE00] =	vst v60  }
0x27: {  	v21 =	vadd.s32 $0x22, v13;
	[tilespmem:$0x1FE10] =	vst v57  }
0x28: {  	v46 =	vadd.s32 $0x23, v13;
	[tilespmem:$0x1FE20] =	vst v21  }
0x29: {  	v40 =	vadd.s32 $0x24, v13;
	[tilespmem:$0x1FE30] =	vst v46  }
0x2a: {  	v19 =	vadd.s32 $0x26, v13;
	[tilespmem:$0x1FE40] =	vst v40  }
0x2b: {  	v3 =	vand.u32 $0xF, v3;
	[tilespmem:$0x1FE50] =	vst v19  }
0x2c: {  	v18 =	vadd.s32 $0x1, v13;
	v10 =	vcombine.low v2, v3;
	[tilespmem:$0x1FE60] =	vst v20  }
0x2d: {  	[tilespmem:$0x1FE70] =	vst v18  }
0x2e: {  	v14 =	vadd.s32 $0x25, v13;
	[tilespmem:$0x1FE80] =	vst v10  }
0x2f: {  	v56 =	vor.u32 $0x20, v13;
	[tilespmem:$0x1FE90] =	vst v14  }
0x30: {  	v59 =	vadd.s32 $0x1E, v13;
	[tilespmem:$0x1FEA0] =	vst v56  }
0x31: {  	v25 =	vadd.s32 $0x1D, v13;
	[tilespmem:$0x1FEB0] =	vst v59  }
0x32: {  	v15 =	vadd.s32 $0x1C, v13;
	[tilespmem:$0x1FEC0] =	vst v25  }
0x33: {  	v44 =	vadd.s32 $0x1A, v13;
	[tilespmem:$0x1FED0] =	vst v15  }
0x34: {  	v42 =	vadd.s32 $0x18, v13;
	[tilespmem:$0x1FEE0] =	vst v44  }
0x35: {  	v52 =	vadd.s32 $0x17, v13;
	[tilespmem:$0x1FEF0] =	vst v42  }
0x36: {  	v61 =	vadd.s32 $0x16, v13;
	[tilespmem:$0x1FF00] =	vst v52  }
0x37: {  	v4 =	vadd.s32 $0x15, v13;
	[tilespmem:$0x1FF10] =	vst v61  }
0x38: {  	v62 =	vadd.s32 $0x14, v13;
	v7 =	vimm.s32 $0x32107654;
	[tilespmem:$0x1FF20] =	vst v4  }
0x39: {  	vm1 =	vcmask $0x2F10;
	v33 =	vadd.s32 $0x13, v13;
	v7 =	vunpack.c.l.s4.s8 v7;
	[tilespmem:$0x1FF30] =	vst v62  }
0x3a: {  	vm2 =	vcmask $0x3F30;
	v31 =	vadd.s32 $0x11, v13;
	v6 =	vimm.s32 $0x43218765;
	[tilespmem:$0x1FF40] =	vst v33  }
0x3b: {  	v34 =	vor.u32 $0x10, v13;
	v6 =	vunpack.c.l.s4.s8 v6;
	v7 =	vunpack.c.0.s8.s32 v7;
	[tilespmem:$0x1FF50] =	vst v31  }
0x3c: {  	v55 =	vimm.s32 $0x54329876;
	v26 =	vadd.s32 $0xE, v13;
	v50 =	vadd.s32 $0xF, v13;
	[tilespmem:$0x1FF60] =	vst v34  }
0x3d: {  	v6 =	vunpack.c.0.s8.s32 v6;
	v5 =	vand.u32 $0xF, v7;
	v7 =	vimm.s32 $0xB0A0908;
	[tilespmem:$0x1FF70] =	vst v50  }
0x3e: {  	v35 =	vadd.s32 $0xD, v13;
	v2 =	vunpack.c.l.s4.s8 v55;
	v7 =	vunpack.c.0.s8.s32 v7;
	[tilespmem:$0x1FF80] =	vst v26  }
0x3f: {  	v37 =	vadd.s32 $0x28, v13;
	v3 =	vand.u32 $0xF, v6;
	v5 =	vsel vm1, v5, v12;
	[tilespmem:$0x1FF90] =	vst v35  }
0x40: {  	v6 =	vimm.s32 $0x6543A987;
	[tilespmem:$0x1FFB0] =	vst v16;
	v22 =	vsel vm2, v7, v5;
	v5 =	vimm.s32 $0xC0B0A09  }
0x41: {  	v2 =	vunpack.c.0.s8.s32 v2;
	v6 =	vunpack.c.l.s4.s8 v6;
	[tilespmem:$0x1FFD0] =	vst v37;
	v5 =	vunpack.c.0.s8.s32 v5  }
0x42: {  	v1 =	vsel vm1, v3, v1;
	v12 =	vadd.s32 $0x2D, v13;
	[tilespmem:$0x1FFF0] =	vst v17;
	v7 =	vimm.s32 $0x6050403  }
0x43: {  	v48 =	vadd.s32 $0x3, v13;
	[tilespmem:$0x1FCF0] =	vst v12;
	v55 =	vsel vm2, v5, v1;
	v1 =	vand.u32 $0xF, v2  }
0x44: {  	[tilespmem:$0x1FFC0] =	vst v22;
	v2 =	vunpack.c.0.s8.s32 v6;
	v6 =	vimm.s32 $0xD0C0B0A;
	v5 =	vimm.s32 $0xE0D0C0B  }
0x45: {  	v9 =	vunpack.c.0.s8.s32 v6;
	v6 =	vunpack.c.0.s8.s32 v7;
	v7 =	vmovc v48;
	v48 =	vor.u32 $0x30, v13;
	[tilespmem:$0x1FD40] =	vst v55  }
0x46: {  	v1 =	vsel vm1, v1, v28;
	v5 =	vunpack.c.0.s8.s32 v5;
	v2 =	vand.u32 $0xF, v2;
	[tilespmem:$0x1FCC0] =	vst v48  }
0x47: {  	[tilespmem:$0x1FD90] =	vst v7;
	v2 =	vsel vm1, v2, v11;
	v1 =	vsel vm2, v9, v1  }
0x48: {  	v9 =	vadd.s32 $0x2F, v13;
	[tilespmem:$0x1FC20] =	vst v1;
	v24 =	vsel vm2, v5, v2;
	v2 =	vimm.s32 $0x3E3D3C3B  }
0x49: {  	s12 =	simm.s32 $0x190;
	s13 =	simm.s32 $0x8400;
	[tilespmem:$0x1FCD0] =	vst v9;
	v0 =	vunpack.c.0.s8.s32 v2  }
0x4a: {  	s1 =	srdreg.scid;
	s14 =	simm.s32 $0x15000;
	s15 =	simm.s32 $0x2190;
	v3 =	vimm.s32 $0xA9876543;
	[tilespmem:$0x1FCB0] =	vst v24  }
0x4b: {  	s0 =	stileid.u32;
	s16 =	simm.s32 $0xEA00;
	s17 =	simm.s32 $0x15198;
	v3 =	vunpack.c.l.s4.s8 v3;
	v1 =	vimm.s32 $0x76543210;
	[tilespmem:$0x1FC50] =	vst v0;
	v0 =	vsel vm0, v6, v11  }
0x4c: {  	s18 =	simm.s32 $0x1;
	s19 =	simm.s32 $0x3;
	s20 =	simm.s32 $0x15330;
	v1 =	vunpack.c.l.s4.s8 v1;
	v2 =	vmov v8;
	v8 =	vadd.s32 $0x2A, v13;
	[tilespmem:$0x1FC70] =	vst v0  }
0x4d: {  	s21 =	simm.s32 $0x2;
	s22 =	simm.s32 $0x4;
	s23 =	simm.s32 $0x154C8;
	v3 =	vunpack.c.0.s8.s32 v3;
	[tilespmem:$0x1FD20] =	vst v8  }
0x4e: {  	s24 =	simm.s32 $0x0;
	s4 =	sand.u32 $0x1, s1;
	s6 =	sshll.u32 s0, $0x1;
	v11 =	vadd.s32 $0x27, v13;
	v0 =	vunpack.c.0.s8.s32 v1;
	[tilespmem:$0x1FFA0] =	vst v2  }
0x4f: {  	s6 =	sor.u32 s4, s6;
	s9 =	ssub.s32 $0x2, s4;
	s4 =	sadd.s32 $0x8A00, s5;
	[tilespmem:$0x1FFE0] =	vst v11  }
0x50: {  	v47 =	vor.u32 $0xFFFFFFF8, v13;
	s7 =	sshll.u32 s6, $0xA;
	s10 =	sshrl.u32 s9, $0x1;
	s11 =	smul.u32 $0xC80, s6;
	[tilespmem:$0x1FC80] =	vst v0;
	v0 =	vand.u32 $0xF, v3  }
0x51: {  	s6 =	sshll.u32 s6, $0x7;
	s7 =	sadd.s32 s7, s5;
	s5 =	sadd.s32 $0x7A9C00, s5;
	v3 =	vmov v47;
	[tilespmem:$0x1FC90] =	vst v0  }
0x52: {  	s9 =	ssub.s32 s9, s10;
	s10 =	simm.s32 $0x5;
	s7 =	sadd.s32 $0xA00, s7;
	v47 =	vadd.s32 $0x2E, v13;
	[tilespmem:$0x1FCA0] =	vst v3  }
0x53: {  	s8 =	sadd.s32 s8, s11;
	s9 =	smax.u32 s9, $0x1;
	s11 =	simm.s32 $0x2000;
	v5 =	vmov v23;
	[tilespmem:$0x1FCE0] =	vst v47  }
.LBB2_1:
0x54: {  	[tilespmem:s3], [sflag:$0x5] =	stream.linear.gather [hbm4b:s7+s3], $0x2000, $0x38;
	[tilespmem:$0x156E0] =	vst v63  }
0x55: {  	_ =	swait.ge [sflag:s10], $0x2000  }
0x56: {  	[sflag:s10] =	ssyncset.done $0x0  }
0x57: {  	[sflag:s10] =	ssyncadd.s32 $0xFFFFE000  }
0x58: {  	[tilespmem:s11], [sflag:$0x5] =	stream.linear.gather [hbm4b:s8+s3], $0x6400, $0x38;
	[tilespmem:$0x156E0] =	vst v63  }
0x59: {  	_ =	swait.ge [sflag:s10], $0x6400  }
0x5a: {  	[sflag:s10] =	ssyncset.done $0x0  }
0x5b: {  	[sflag:s10] =	ssyncadd.s32 $0xFFFF9C00  }
0x5c: {  	[tilespmem:s13], [sflag:$0x1] =	stream.indirect.gather [hbm4b:s4+s12], $0x40, s11, s12, $0xb8;
	[tilespmem:$0x156E0] =	vst v63  }
0x5d: {  	_ = 	snop  }
0x5e: {  	[tilespmem:s14], [sflag:$0x3] =	stream.indirect.gather [hbm4b:s2+s12], $0x1, s11, s12, $0xb8;
	[tilespmem:$0x156E0] =	vst v63  }
0x5f: {  	_ = 	snop  }
0x60: {  	v32 =	vld [tilespmem:$0x1FB70];
	[tilespmem:s16], [sflag:$0x2] =	stream.indirect.gather [hbm4b:s4+s12], $0x40, s15, s12, $0xb8  }
0x61: {  	s25 =	simm.s32 $0x0;
	v41 =	vmovc v30;
	v28 =	vmov v35;
	v1 =	vmov v26;
	v30 =	vmov v34;
	v43 =	vld [tilespmem:$0x1FB80]  }
0x62: {  	v34 =	vmovc v62;
	v35 =	vmovc v4;
	v26 =	vmov v61;
	v4 =	vmov v15;
	v6 =	vmov v59;
	v45 =	vld [tilespmem:$0x1FB90];
	[tilespmem:s17], [sflag:$0x4] =	stream.indirect.gather [hbm4b:s2+s12], $0x1, s15, s12, $0xb8  }
.LBB2_2:
0x63: {  	_ =	swait.ge [sflag:s18], $0x6400  }
0x64: {  	[sflag:s18] =	ssyncset.done $0x0  }
0x65: {  	[sflag:s18] =	ssyncadd.s32 $0xFFFF9C00  }
0x66: {  	_ =	swait.ge [sflag:s19], $0x190  }
0x67: {  	s26 =	sshll.u32 s25, $0x8;
	[sflag:s19] =	ssyncset.done $0x0  }
0x68: {  	s26 =	sand.u32 $0x3FFFFF00, s26;
	[sflag:s19] =	ssyncadd.s32 $0xFFFFFE70  }
0x69: {  	v0 =	vld [tilespmem:s26+$0x0];
	_ =	sdelay $0x4  }
0x6a: {  	[tilespmem:$0x15660] =	vst v0  }
0x6b: {  	[tilespmem:$0x156A0] =	vst v0  }
0x6c: {  	v0 =	vld [tilespmem:s26+$0x10];
	_ =	sdelay $0x4  }
0x6d: {  	[tilespmem:$0x15670] =	vst v0  }
0x6e: {  	[tilespmem:$0x156B0] =	vst v0  }
0x6f: {  	v0 =	vld [tilespmem:s26+$0x20];
	_ =	sdelay $0x4  }
0x70: {  	[tilespmem:$0x15680] =	vst v0  }
0x71: {  	s28 =	simm.s32 $0x0;
	[tilespmem:$0x156C0] =	vst v0  }
0x72: {  	v15 =	vmov v1;
	v2 =	vor.u32 s28, v13;
	v1 =	vld [tilespmem:s26+$0x30]  }
0x73: {  	v0 =	vand.u32 v3, v2;
	v2 =	vshll.u32 v2, $0x6  }
0x74: {  	v3 =	vor.u32 v13, v2;
	_ =	sdelay $0x1  }
0x75: {  	v22 =	vmov v40;
	v40 =	vmov v4;
	v4 =	vor.u32 v18, v2  }
0x76: {  	v59 =	vld [tilespmem:$0x15661];
	[tilespmem:$0x15690] =	vst v1  }
0x77: {  	v5 =	vor.u32 v5, v2;
	v18 =	vmov v6;
	v6 =	vld [tilespmem:$0x15660];
	[tilespmem:$0x156D0] =	vst v1  }
0x78: {  	v7 =	vor.u32 v7, v2;
	v3 =	vld.idx.msk [tilespmem:v3+s13+$0x0], $0xffff  }
0x79: {  	v1 =	vld.idx.msk [tilespmem:v0+s14+$0x0], $0xffff  }
0x7a: {  	v60 =	vor.u32 v58, v2;
	v4 =	vld.idx.msk [tilespmem:v4+s13+$0x0], $0xffff  }
0x7b: {  	v61 =	vld [tilespmem:$0x15662]  }
0x7c: {  	v62 =	vor.u32 v36, v2;
	v5 =	vld.idx.msk [tilespmem:v5+s13+$0x0], $0xffff  }
0x7d: {  	v3 =	vmul.f32 v6, v3;
	v6 =	vld.idx.msk [tilespmem:v7+s13+$0x0], $0xffff  }
0x7e: {  	v63 =	vor.u32 v63, v2;
	v7 =	vld [tilespmem:$0x15663]  }
0x7f: {  	v1 =	vadd.f32 v3, v1;
	v3 =	vmul.f32 v59, v4;
	v4 =	vld.idx.msk [tilespmem:v60+s13+$0x0], $0xffff  }
0x80: {  	v59 =	vld [tilespmem:$0x15664];
	v60 =	vor.u32 v29, v2  }
0x81: {  	v1 =	vadd.f32 v3, v1;
	v3 =	vmul.f32 v61, v5;
	v5 =	vld.idx.msk [tilespmem:v62+s13+$0x0], $0xffff  }
0x82: {  	v23 =	vmov v10;
	v61 =	vld [tilespmem:$0x15665]  }
0x83: {  	v10 =	vor.u32 v27, v2;
	v1 =	vadd.f32 v3, v1;
	v3 =	vmul.f32 v7, v6;
	v6 =	vld.idx.msk [tilespmem:v63+s13+$0x0], $0xffff  }
0x84: {  	v7 =	vld [tilespmem:$0x15666];
	v63 =	vor.u32 v53, v2  }
0x85: {  	v1 =	vadd.f32 v3, v1;
	v3 =	vmul.f32 v59, v4;
	v4 =	vld.idx.msk [tilespmem:v60+s13+$0x0], $0xffff  }
0x86: {  	v27 =	vmov v53;
	v53 =	vor.u32 v54, v2;
	v59 =	vld [tilespmem:$0x15667]  }
0x87: {  	v20 =	vmov v54;
	v54 =	vld [tilespmem:$0x15668];
	v1 =	vadd.f32 v3, v1;
	v3 =	vmul.f32 v61, v5  }
0x88: {  	v5 =	vld.idx.msk [tilespmem:v10+s13+$0x0], $0xffff;
	v10 =	vor.u32 v39, v2  }
0x89: {  	v1 =	vadd.f32 v3, v1;
	v3 =	vmul.f32 v7, v6;
	v6 =	vld.idx.msk [tilespmem:v63+s13+$0x0], $0xffff  }
0x8a: {  	v39 =	vor.u32 v41, v2;
	v7 =	vld [tilespmem:$0x15669]  }
0x8b: {  	v1 =	vadd.f32 v3, v1;
	v3 =	vmul.f32 v59, v4;
	v4 =	vld.idx.msk [tilespmem:v53+s13+$0x0], $0xffff  }
0x8c: {  	v59 =	vld [tilespmem:$0x1566A];
	v53 =	vor.u32 v28, v2  }
0x8d: {  	v1 =	vadd.f32 v3, v1;
	v3 =	vmul.f32 v54, v5;
	v5 =	vld.idx.msk [tilespmem:v10+s13+$0x0], $0xffff  }
0x8e: {  	v54 =	vld [tilespmem:$0x1566B];
	v10 =	vor.u32 v15, v2  }
0x8f: {  	v1 =	vadd.f32 v3, v1;
	v3 =	vmul.f32 v7, v6;
	v6 =	vld.idx.msk [tilespmem:v39+s13+$0x0], $0xffff  }
0x90: {  	v7 =	vld [tilespmem:$0x1566C];
	v39 =	vor.u32 v50, v2  }
0x91: {  	v1 =	vadd.f32 v3, v1;
	v3 =	vmul.f32 v59, v4;
	v4 =	vld.idx.msk [tilespmem:v53+s13+$0x0], $0xffff  }
0x92: {  	v59 =	vld [tilespmem:$0x1566D];
	v53 =	vor.u32 v30, v2  }
0x93: {  	v1 =	vadd.f32 v3, v1;
	v3 =	vmul.f32 v54, v5;
	v5 =	vld.idx.msk [tilespmem:v10+s13+$0x0], $0xffff  }
0x94: {  	v54 =	vld [tilespmem:$0x1566E];
	v10 =	vor.u32 v31, v2  }
0x95: {  	v1 =	vadd.f32 v3, v1;
	v3 =	vmul.f32 v7, v6;
	v6 =	vld.idx.msk [tilespmem:v39+s13+$0x0], $0xffff  }
0x96: {  	v7 =	vld [tilespmem:$0x1566F];
	v39 =	vor.u32 v32, v2  }
0x97: {  	v1 =	vadd.f32 v3, v1;
	v3 =	vmul.f32 v59, v4;
	v4 =	vld.idx.msk [tilespmem:v53+s13+$0x0], $0xffff  }
0x98: {  	v59 =	vld [tilespmem:$0x15670];
	v53 =	vor.u32 v33, v2  }
0x99: {  	v1 =	vadd.f32 v3, v1;
	v3 =	vmul.f32 v54, v5;
	v5 =	vld.idx.msk [tilespmem:v10+s13+$0x0], $0xffff  }
0x9a: {  	v54 =	vld [tilespmem:$0x15671];
	v10 =	vor.u32 v34, v2  }
0x9b: {  	v1 =	vadd.f32 v3, v1;
	v3 =	vmul.f32 v7, v6;
	v6 =	vld.idx.msk [tilespmem:v39+s13+$0x0], $0xffff  }
0x9c: {  	v7 =	vld [tilespmem:$0x15672];
	v39 =	vor.u32 v35, v2  }
0x9d: {  	v1 =	vadd.f32 v3, v1;
	v3 =	vmul.f32 v59, v4;
	v4 =	vld.idx.msk [tilespmem:v53+s13+$0x0], $0xffff  }
0x9e: {  	v59 =	vld [tilespmem:$0x15673]  }
0x9f: {  	v53 =	vor.u32 v26, v2;
	v1 =	vadd.f32 v3, v1;
	v3 =	vmul.f32 v54, v5;
	v5 =	vld.idx.msk [tilespmem:v10+s13+$0x0], $0xffff  }
0xa0: {  	v54 =	vld [tilespmem:$0x15674];
	v10 =	vor.u32 v52, v2  }
0xa1: {  	v1 =	vadd.f32 v3, v1;
	v3 =	vmul.f32 v7, v6;
	v6 =	vld.idx.msk [tilespmem:v39+s13+$0x0], $0xffff  }
0xa2: {  	v15 =	vmovc v30;
	v30 =	vmov v33;
	v33 =	vmov v34;
	v7 =	vld [tilespmem:$0x15675];
	v39 =	vor.u32 v42, v2  }
0xa3: {  	v34 =	vmovc v35;
	v35 =	vmovc v26;
	v26 =	vmov v52;
	v52 =	vld [tilespmem:$0x15676];
	v1 =	vadd.f32 v3, v1;
	v3 =	vmul.f32 v59, v4  }
0xa4: {  	v4 =	vld.idx.msk [tilespmem:v53+s13+$0x0], $0xffff  }
0xa5: {  	v53 =	vor.u32 v43, v2;
	v1 =	vadd.f32 v3, v1;
	v3 =	vmul.f32 v54, v5;
	v5 =	vld.idx.msk [tilespmem:v10+s13+$0x0], $0xffff  }
0xa6: {  	v54 =	vld [tilespmem:$0x15677]  }
0xa7: {  	v1 =	vadd.f32 v3, v1;
	v3 =	vmul.f32 v7, v6;
	v6 =	vld.idx.msk [tilespmem:v39+s13+$0x0], $0xffff  }
0xa8: {  	v7 =	vld [tilespmem:$0x15678]  }
0xa9: {  	v16 =	vmovc v43;
	v59 =	vld [tilespmem:$0x15679];
	v10 =	vor.u32 v44, v2;
	v1 =	vadd.f32 v3, v1;
	v3 =	vmul.f32 v52, v4  }
0xaa: {  	v43 =	vmovc v44;
	v44 =	vmov v45;
	v39 =	vor.u32 v45, v2;
	v45 =	vor.u32 v40, v2;
	v4 =	vld.idx.msk [tilespmem:v53+s13+$0x0], $0xffff  }
0xab: {  	v1 =	vadd.f32 v3, v1;
	v3 =	vmul.f32 v54, v5;
	_ =	sdelay $0x1  }
0xac: {  	v61 =	vld [tilespmem:$0x1567A];
	v1 =	vadd.f32 v3, v1;
	v3 =	vmul.f32 v7, v6  }
0xad: {  	v5 =	vld.idx.msk [tilespmem:v10+s13+$0x0], $0xffff  }
0xae: {  	v1 =	vadd.f32 v3, v1;
	v3 =	vmul.f32 v59, v4;
	v4 =	vld.idx.msk [tilespmem:v45+s13+$0x0], $0xffff  }
0xaf: {  	v10 =	vor.u32 v25, v2;
	v45 =	vld [tilespmem:$0x1FE00]  }
0xb0: {  	v6 =	vld.idx.msk [tilespmem:v39+s13+$0x0], $0xffff  }
0xb1: {  	v7 =	vld [tilespmem:$0x1567B];
	v39 =	vor.u32 v18, v2  }
0xb2: {  	v40 =	vld [tilespmem:$0x1567C]  }
0xb3: {  	v54 =	vmov v18;
	v18 =	vld [tilespmem:$0x1FE60]  }
0xb4: {  	v1 =	vadd.f32 v3, v1;
	v3 =	vmul.f32 v61, v5;
	v5 =	vld.idx.msk [tilespmem:v10+s13+$0x0], $0xffff;
	v52 =	vor.u32 v45, v2  }
0xb5: {  	v61 =	vld [tilespmem:$0x1567D];
	v10 =	vor.u32 v56, v2  }
0xb6: {  	v1 =	vadd.f32 v3, v1;
	v3 =	vmul.f32 v7, v6;
	v6 =	vld.idx.msk [tilespmem:v39+s13+$0x0], $0xffff  }
0xb7: {  	v7 =	vld [tilespmem:$0x1567E];
	v39 =	vor.u32 v57, v2  }
0xb8: {  	v1 =	vadd.f32 v3, v1;
	v3 =	vmul.f32 v40, v4;
	v40 =	vld [tilespmem:$0x1567F]  }
0xb9: {  	v4 =	vld.idx.msk [tilespmem:v52+s13+$0x0], $0xffff;
	v52 =	vor.u32 v21, v2  }
0xba: {  	v1 =	vadd.f32 v3, v1;
	v3 =	vmul.f32 v61, v5;
	v5 =	vld.idx.msk [tilespmem:v10+s13+$0x0], $0xffff  }
0xbb: {  	v61 =	vld [tilespmem:$0x15680];
	v10 =	vor.u32 v46, v2  }
0xbc: {  	v1 =	vadd.f32 v3, v1;
	v3 =	vmul.f32 v7, v6;
	v6 =	vld.idx.msk [tilespmem:v39+s13+$0x0], $0xffff  }
0xbd: {  	v7 =	vld [tilespmem:$0x15681];
	v39 =	vor.u32 v22, v2  }
0xbe: {  	v1 =	vadd.f32 v3, v1;
	v3 =	vmul.f32 v40, v4;
	v4 =	vld.idx.msk [tilespmem:v52+s13+$0x0], $0xffff  }
0xbf: {  	v40 =	vld [tilespmem:$0x15682];
	v52 =	vor.u32 v14, v2  }
0xc0: {  	v1 =	vadd.f32 v3, v1;
	v3 =	vmul.f32 v61, v5;
	v5 =	vld.idx.msk [tilespmem:v10+s13+$0x0], $0xffff  }
0xc1: {  	v61 =	vld [tilespmem:$0x15683];
	v10 =	vor.u32 v19, v2  }
0xc2: {  	v1 =	vadd.f32 v3, v1;
	v3 =	vmul.f32 v7, v6;
	v6 =	vld.idx.msk [tilespmem:v39+s13+$0x0], $0xffff  }
0xc3: {  	v7 =	vld [tilespmem:$0x15684];
	v39 =	vor.u32 v11, v2  }
0xc4: {  	v1 =	vadd.f32 v3, v1;
	v3 =	vmul.f32 v40, v4;
	v4 =	vld.idx.msk [tilespmem:v52+s13+$0x0], $0xffff  }
0xc5: {  	v40 =	vld [tilespmem:$0x15685];
	v52 =	vor.u32 v37, v2  }
0xc6: {  	v1 =	vadd.f32 v3, v1;
	v3 =	vmul.f32 v61, v5;
	v5 =	vld.idx.msk [tilespmem:v10+s13+$0x0], $0xffff  }
0xc7: {  	v61 =	vld [tilespmem:$0x15686];
	v10 =	vor.u32 v51, v2  }
0xc8: {  	v1 =	vadd.f32 v3, v1;
	v3 =	vmul.f32 v7, v6;
	v6 =	vld.idx.msk [tilespmem:v39+s13+$0x0], $0xffff  }
0xc9: {  	v7 =	vld [tilespmem:$0x15687];
	v39 =	vor.u32 v8, v2  }
0xca: {  	v1 =	vadd.f32 v3, v1;
	v3 =	vmul.f32 v40, v4;
	v4 =	vld.idx.msk [tilespmem:v52+s13+$0x0], $0xffff  }
0xcb: {  	v40 =	vld [tilespmem:$0x15688];
	v52 =	vor.u32 v38, v2  }
0xcc: {  	v1 =	vadd.f32 v3, v1;
	v3 =	vmul.f32 v61, v5;
	v5 =	vld.idx.msk [tilespmem:v10+s13+$0x0], $0xffff  }
0xcd: {  	v10 =	vld [tilespmem:$0x15689]  }
0xce: {  	v38 =	vor.u32 v49, v2;
	v1 =	vadd.f32 v3, v1;
	v3 =	vmul.f32 v7, v6;
	v6 =	vld.idx.msk [tilespmem:v39+s13+$0x0], $0xffff  }
0xcf: {  	v7 =	vld [tilespmem:$0x1568A]  }
0xd0: {  	v1 =	vadd.f32 v3, v1;
	v3 =	vmul.f32 v40, v4;
	v4 =	vld.idx.msk [tilespmem:v52+s13+$0x0], $0xffff  }
0xd1: {  	v39 =	vor.u32 v12, v2;
	v40 =	vld [tilespmem:$0x1568B]  }
0xd2: {  	v49 =	vld [tilespmem:$0x1568C];
	v1 =	vadd.f32 v3, v1;
	v3 =	vmul.f32 v10, v5  }
0xd3: {  	v52 =	vor.u32 v9, v2;
	v5 =	vld.idx.msk [tilespmem:v38+s13+$0x0], $0xffff  }
0xd4: {  	v1 =	vadd.f32 v3, v1;
	v3 =	vmul.f32 v7, v6  }
0xd5: {  	v10 =	vld [tilespmem:$0x1FC50]  }
0xd6: {  	v6 =	vld.idx.msk [tilespmem:v39+s13+$0x0], $0xffff;
	v1 =	vadd.f32 v3, v1;
	v3 =	vmul.f32 v40, v4;
	v4 =	vor.u32 v18, v2  }
0xd7: {  	v39 =	vld [tilespmem:$0x1FFB0]  }
0xd8: {  	v1 =	vadd.f32 v3, v1;
	v3 =	vmul.f32 v49, v5;
	v49 =	vld.idx.msk [tilespmem:v52+s13+$0x0], $0xffff  }
0xd9: {  	v5 =	vld [tilespmem:$0x1FC60]  }
0xda: {  	v52 =	vmov v46;
	v46 =	vld [tilespmem:$0x1FBB0]  }
0xdb: {  	v17 =	vmovc v28;
	v47 =	vor.u32 v47, v2;
	v28 =	vmov v31;
	v31 =	vmov v14;
	v14 =	vld.idx.msk [tilespmem:v4+s13+$0x0], $0xffff  }
0xdc: {  	v4 =	vld [tilespmem:$0x1FBA0];
	_ =	sdelay $0x1  }
0xdd: {  	v60 =	vld [tilespmem:$0x1568E]  }
0xde: {  	v7 =	vld [tilespmem:$0x1568D];
	v40 =	vsel vm0, v5, v10;
	v5 =	vor.u32 v39, v2  }
0xdf: {  	v38 =	vld.idx.msk [tilespmem:v47+s13+$0x0], $0xffff  }
0xe0: {  	v63 =	vor.u32 v48, v2;
	v48 =	vmov v51;
	v51 =	vsel vm0, v46, v4;
	v4 =	vld [tilespmem:$0x1FBF0];
	_ =	sdelay $0x2  }
0xe1: {  	v1 =	vadd.f32 v3, v1;
	v3 =	vmul.f32 v7, v6;
	v9 =	vld.idx.msk [tilespmem:v5+s13+$0x0], $0xffff  }
0xe2: {  	v5 =	vld [tilespmem:$0x1FBD0]  }
0xe3: {  	v1 =	vadd.f32 v3, v1;
	v3 =	vmul.f32 v60, v38;
	v38 =	vcombine.low v51, v4;
	v4 =	vld [tilespmem:$0x1FBC0];
	_ =	sdelay $0x3  }
0xe4: {  	v55 =	vmov v29;
	v29 =	vmov v37;
	v37 =	vld [tilespmem:$0x1FC40]  }
0xe5: {  	v12 =	vmov v58;
	v58 =	vsel vm0, v5, v4;
	v4 =	vld [tilespmem:$0x1FC00];
	_ =	sdelay $0x1  }
0xe6: {  	v59 =	vld [tilespmem:$0x1568F]  }
0xe7: {  	v6 =	vld.idx.msk [tilespmem:v63+s13+$0x0], $0xffff  }
0xe8: {  	v7 =	vld [tilespmem:$0x15690]  }
0xe9: {  	v53 =	vmovc v25;
	v25 =	vmov v22;
	v8 =	vcombine.low v37, v40;
	v5 =	vcombine.low v58, v4;
	v4 =	vld [tilespmem:$0x1FC30]  }
0xea: {  	v22 =	vmov v21;
	v21 =	vmov v25;
	v25 =	vld [tilespmem:$0x1FFF0]  }
0xeb: {  	v61 =	vmov v19;
	v19 =	vld [tilespmem:$0x15691];
	[tilespmem:$0x1FB20] =	vst v8;
	v8 =	vor.u32 v8, v2  }
0xec: {  	v63 =	vld [tilespmem:$0x15693];
	v1 =	vadd.f32 v3, v1;
	v3 =	vmul.f32 v59, v49  }
0xed: {  	v59 =	vld [tilespmem:$0x15692]  }
0xee: {  	v1 =	vadd.f32 v3, v1;
	v3 =	vmul.f32 v7, v6;
	v7 =	vsel vm0, v10, v4;
	v4 =	vld [tilespmem:$0x1FC70]  }
0xef: {  	v49 =	vmovc v45;
	v45 =	vmov v44;
	v44 =	vmov v43;
	v43 =	vmov v16;
	v16 =	vld [tilespmem:$0x1FD50]  }
0xf0: {  	v37 =	vor.u32 v25, v2;
	v8 =	vld.idx.msk [tilespmem:v8+s13+$0x0], $0xffff  }
0xf1: {  	v46 =	vld [tilespmem:$0x1FFC0];
	v1 =	vadd.f32 v3, v1;
	v3 =	vmul.f32 v19, v14  }
0xf2: {  	[tilespmem:$0x1FB30] =	vst v5;
	v58 =	vor.u32 v5, v2;
	v5 =	vld [tilespmem:$0x1FBE0]  }
0xf3: {  	v1 =	vadd.f32 v3, v1;
	v3 =	vmul.f32 v59, v9;
	v6 =	vcombine.low v7, v4;
	v4 =	vld [tilespmem:$0x1FC10]  }
0xf4: {  	v19 =	vld [tilespmem:$0x15696]  }
0xf5: {  	v14 =	vld.idx.msk [tilespmem:v37+s13+$0x0], $0xffff;
	v1 =	vadd.f32 v3, v1;
	v3 =	vmul.f32 v63, v8  }
0xf6: {  	v8 =	vld [tilespmem:$0x1FFA0]  }
0xf7: {  	v62 =	vor.u32 v38, v2;
	v3 =	vadd.f32 v3, v1;
	v1 =	vld [tilespmem:$0x1FC90]  }
0xf8: {  	[tilespmem:$0x1FB40] =	vst v6;
	v7 =	vsel vm0, v4, v5;
	v5 =	vor.u32 v6, v2;
	v6 =	vld [tilespmem:$0x1FC80]  }
0xf9: {  	v37 =	vld [tilespmem:$0x1FDB0]  }
0xfa: {  	v51 =	vmov v20;
	v20 =	vld [tilespmem:$0x1FF80]  }
0xfb: {  	v4 =	vld [tilespmem:$0x15694]  }
0xfc: {  	v59 =	vld.idx.msk [tilespmem:v62+s13+$0x0], $0xffff;
	v1 =	vcombine.low v40, v1  }
0xfd: {  	v62 =	vor.u32 v8, v2;
	v7 =	vcombine.low v7, v6;
	v6 =	vld [tilespmem:$0x15695]  }
0xfe: {  	[tilespmem:$0x1FB60] =	vst v1;
	v40 =	vor.u32 v1, v2;
	v1 =	vld [tilespmem:$0x1FD40]  }
0xff: {  	v60 =	vld.idx.msk [tilespmem:v58+s13+$0x0], $0xffff  }
0x100: {  	v4 =	vmul.f32 v4, v14;
	v5 =	vld.idx.msk [tilespmem:v5+s13+$0x0], $0xffff;
	[tilespmem:$0x1FB50] =	vst v7;
	v7 =	vor.u32 v7, v2  }
0x101: {  	v14 =	vld [tilespmem:$0x15697]  }
0x102: {  	v3 =	vadd.f32 v4, v3;
	v4 =	vmul.f32 v6, v59;
	v59 =	vld.idx.msk [tilespmem:v62+s13+$0x0], $0xffff  }
0x103: {  	v63 =	vor.u32 v23, v2;
	v62 =	vld [tilespmem:$0x1569B]  }
0x104: {  	v6 =	vor.u32 v1, v2;
	v1 =	vld [tilespmem:$0x1FC20]  }
0x105: {  	v58 =	vld.idx.msk [tilespmem:v7+s13+$0x0], $0xffff  }
0x106: {  	v7 =	vld [tilespmem:$0x15698];
	v3 =	vadd.f32 v4, v3;
	v4 =	vmul.f32 v19, v60  }
0x107: {  	v19 =	vld [tilespmem:$0x15699];
	v60 =	vor.u32 v46, v2  }
0x108: {  	v3 =	vadd.f32 v4, v3;
	v4 =	vmul.f32 v14, v5;
	v5 =	vld.idx.msk [tilespmem:v63+s13+$0x0], $0xffff  }
0x109: {  	v14 =	vld [tilespmem:$0x1569A]  }
0x10a: {  	v1 =	vor.u32 v1, v2;
	v6 =	vld.idx.msk [tilespmem:v6+s13+$0x0], $0xffff  }
0x10b: {  	v3 =	vadd.f32 v4, v3;
	v4 =	vmul.f32 v7, v58;
	v7 =	vld.idx.msk [tilespmem:v40+s13+$0x0], $0xffff  }
0x10c: {  	v63 =	vld.idx.msk [tilespmem:v60+s13+$0x0], $0xffff  }
0x10d: {  	v58 =	vmovc v23;
	v23 =	vmov v8;
	v8 =	vmov v39;
	v39 =	vmov v22;
	v22 =	vld [tilespmem:$0x1FED0]  }
0x10e: {  	v3 =	vadd.f32 v4, v3;
	v4 =	vmul.f32 v19, v59;
	v19 =	vld [tilespmem:$0x1569C]  }
0x10f: {  	v1 =	vld.idx.msk [tilespmem:v1+s13+$0x0], $0xffff  }
0x110: {  	v3 =	vadd.f32 v4, v3;
	v4 =	vmul.f32 v14, v5;
	v5 =	vld [tilespmem:$0x1569D]  }
0x111: {  	v2 =	vor.u32 v24, v2;
	v14 =	vld [tilespmem:$0x1FCA0]  }
0x112: {  	v3 =	vadd.f32 v4, v3;
	v4 =	vmul.f32 v62, v7;
	v7 =	vld [tilespmem:$0x1569E]  }
0x113: {  	v47 =	vmov v11;
	v62 =	vld [tilespmem:$0x1FD80]  }
0x114: {  	v24 =	vmovc v35;
	v3 =	vadd.f32 v4, v3;
	v4 =	vmul.f32 v19, v63;
	v19 =	vmovc v31;
	v31 =	vmov v28;
	v28 =	vld [tilespmem:$0x1FD90]  }
0x115: {  	v35 =	vmovc v34;
	v34 =	vmovc v33;
	v33 =	vmov v30;
	v63 =	vmov v36;
	v36 =	vmov v57;
	v57 =	vld [tilespmem:$0x1FE70]  }
0x116: {  	s28 =	simm.s32 $0x10;
	v30 =	vmovc v15;
	v40 =	vmov v27;
	v5 =	vmul.f32 v5, v6;
	v3 =	vadd.f32 v4, v3;
	v4 =	vld.idx.msk [tilespmem:v2+s13+$0x0], $0xffff  }
0x117: {  	v60 =	vmovc v12;
	v2 =	vor.u32 s28, v13;
	v7 =	vmul.f32 v7, v1;
	v1 =	vmovc v18;
	v18 =	vmov v56;
	v56 =	vld [tilespmem:$0x1FDE0]  }
0x118: {  	v59 =	vmovc v41;
	v41 =	vmovc v55;
	v55 =	vmov v8;
	s28 =	simm.s32 $0x20;
	v6 =	vadd.f32 v5, v3;
	v5 =	vld [tilespmem:$0x1569F];
	v3 =	vand.u32 v14, v2  }
.LBB2_3:
0x119: {  	_ =	sdelay $0x3  }
0x11a: {  	v2 =	vshll.u32 v2, $0x6;
	v6 =	vadd.f32 v7, v6;
	v4 =	vmul.f32 v5, v4  }
0x11b: {  	v5 =	vor.u32 v13, v2  }
0x11c: {  	v4 =	vadd.f32 v4, v6;
	_ =	sdelay $0x1  }
0x11d: {  	v6 =	vor.u32 v57, v2;
	[tilespmem:v0+s20+$0x0] =	vst.idx.msk $0xffff, v4  }
0x11e: {  	v0 =	vmov v3;
	v3 =	vld.idx.msk [tilespmem:v3+s14+$0x0], $0xffff  }
0x11f: {  	v4 =	vor.u32 v16, v2;
	v5 =	vld.idx.msk [tilespmem:v5+s13+$0x0], $0xffff  }
0x120: {  	v8 =	vor.u32 v28, v2;
	v7 =	vld [tilespmem:$0x15660]  }
0x121: {  	v9 =	vld [tilespmem:$0x15661]  }
0x122: {  	v10 =	vor.u32 v60, v2;
	v6 =	vld.idx.msk [tilespmem:v6+s13+$0x0], $0xffff  }
0x123: {  	v11 =	vld [tilespmem:$0x15662]  }
0x124: {  	v12 =	vor.u32 v63, v2;
	v4 =	vld.idx.msk [tilespmem:v4+s13+$0x0], $0xffff  }
0x125: {  	v5 =	vmul.f32 v7, v5;
	v7 =	vld.idx.msk [tilespmem:v8+s13+$0x0], $0xffff  }
0x126: {  	v13 =	vor.u32 v62, v2;
	v8 =	vld [tilespmem:$0x15663]  }
0x127: {  	v3 =	vadd.f32 v5, v3;
	v5 =	vmul.f32 v9, v6;
	v6 =	vld.idx.msk [tilespmem:v10+s13+$0x0], $0xffff  }
0x128: {  	v9 =	vld [tilespmem:$0x15664];
	v10 =	vor.u32 v41, v2  }
0x129: {  	v3 =	vadd.f32 v5, v3;
	v4 =	vmul.f32 v11, v4;
	v5 =	vld.idx.msk [tilespmem:v12+s13+$0x0], $0xffff  }
0x12a: {  	v11 =	vld [tilespmem:$0x15665];
	v12 =	vor.u32 v37, v2  }
0x12b: {  	v3 =	vadd.f32 v4, v3;
	v4 =	vmul.f32 v8, v7;
	v7 =	vld.idx.msk [tilespmem:v13+s13+$0x0], $0xffff  }
0x12c: {  	v8 =	vld [tilespmem:$0x15666];
	v13 =	vor.u32 v40, v2  }
0x12d: {  	v3 =	vadd.f32 v4, v3;
	v4 =	vmul.f32 v9, v6;
	v6 =	vld.idx.msk [tilespmem:v10+s13+$0x0], $0xffff  }
0x12e: {  	v9 =	vld [tilespmem:$0x15667];
	v10 =	vor.u32 v51, v2  }
0x12f: {  	v3 =	vadd.f32 v4, v3;
	v4 =	vmul.f32 v11, v5;
	v5 =	vld.idx.msk [tilespmem:v12+s13+$0x0], $0xffff  }
0x130: {  	v11 =	vld [tilespmem:$0x15668];
	v12 =	vor.u32 v56, v2  }
0x131: {  	v3 =	vadd.f32 v4, v3;
	v4 =	vmul.f32 v8, v7;
	v7 =	vld.idx.msk [tilespmem:v13+s13+$0x0], $0xffff  }
0x132: {  	v8 =	vld [tilespmem:$0x15669];
	v13 =	vor.u32 v59, v2  }
0x133: {  	v3 =	vadd.f32 v4, v3;
	v4 =	vmul.f32 v9, v6;
	v6 =	vld.idx.msk [tilespmem:v10+s13+$0x0], $0xffff  }
0x134: {  	v9 =	vld [tilespmem:$0x1566A];
	v10 =	vor.u32 v17, v2  }
0x135: {  	v3 =	vadd.f32 v4, v3;
	v4 =	vmul.f32 v11, v5;
	v5 =	vld.idx.msk [tilespmem:v12+s13+$0x0], $0xffff  }
0x136: {  	v11 =	vld [tilespmem:$0x1566B];
	v12 =	vor.u32 v20, v2  }
0x137: {  	v3 =	vadd.f32 v4, v3;
	v4 =	vmul.f32 v8, v7;
	v7 =	vld.idx.msk [tilespmem:v13+s13+$0x0], $0xffff  }
0x138: {  	v8 =	vld [tilespmem:$0x1566C];
	v13 =	vor.u32 v50, v2  }
0x139: {  	v3 =	vadd.f32 v4, v3;
	v4 =	vmul.f32 v9, v6;
	v6 =	vld.idx.msk [tilespmem:v10+s13+$0x0], $0xffff  }
0x13a: {  	v9 =	vld [tilespmem:$0x1566D];
	v10 =	vor.u32 v30, v2  }
0x13b: {  	v3 =	vadd.f32 v4, v3;
	v4 =	vmul.f32 v11, v5;
	v5 =	vld.idx.msk [tilespmem:v12+s13+$0x0], $0xffff  }
0x13c: {  	v11 =	vld [tilespmem:$0x1566E];
	v12 =	vor.u32 v31, v2  }
0x13d: {  	v3 =	vadd.f32 v4, v3;
	v4 =	vmul.f32 v8, v7;
	v7 =	vld.idx.msk [tilespmem:v13+s13+$0x0], $0xffff  }
0x13e: {  	v8 =	vld [tilespmem:$0x1566F];
	v13 =	vor.u32 v32, v2  }
0x13f: {  	v3 =	vadd.f32 v4, v3;
	v4 =	vmul.f32 v9, v6;
	v6 =	vld.idx.msk [tilespmem:v10+s13+$0x0], $0xffff  }
0x140: {  	v9 =	vld [tilespmem:$0x15670];
	v10 =	vor.u32 v33, v2  }
0x141: {  	v3 =	vadd.f32 v4, v3;
	v4 =	vmul.f32 v11, v5;
	v5 =	vld.idx.msk [tilespmem:v12+s13+$0x0], $0xffff  }
0x142: {  	v11 =	vld [tilespmem:$0x15671];
	v12 =	vor.u32 v34, v2  }
0x143: {  	v3 =	vadd.f32 v4, v3;
	v4 =	vmul.f32 v8, v7;
	v7 =	vld.idx.msk [tilespmem:v13+s13+$0x0], $0xffff  }
0x144: {  	v8 =	vld [tilespmem:$0x15672];
	v13 =	vor.u32 v35, v2  }
0x145: {  	v3 =	vadd.f32 v4, v3;
	v4 =	vmul.f32 v9, v6;
	v6 =	vld.idx.msk [tilespmem:v10+s13+$0x0], $0xffff  }
0x146: {  	v9 =	vld [tilespmem:$0x15673];
	v10 =	vor.u32 v24, v2  }
0x147: {  	v3 =	vadd.f32 v4, v3;
	v4 =	vmul.f32 v11, v5;
	v5 =	vld.idx.msk [tilespmem:v12+s13+$0x0], $0xffff  }
0x148: {  	v11 =	vld [tilespmem:$0x15674];
	v12 =	vor.u32 v26, v2  }
0x149: {  	v3 =	vadd.f32 v4, v3;
	v4 =	vmul.f32 v8, v7;
	v7 =	vld.idx.msk [tilespmem:v13+s13+$0x0], $0xffff  }
0x14a: {  	v8 =	vld [tilespmem:$0x15675];
	v13 =	vor.u32 v42, v2  }
0x14b: {  	v3 =	vadd.f32 v4, v3;
	v4 =	vmul.f32 v9, v6;
	v6 =	vld.idx.msk [tilespmem:v10+s13+$0x0], $0xffff  }
0x14c: {  	v9 =	vld [tilespmem:$0x15676];
	v10 =	vor.u32 v43, v2  }
0x14d: {  	v3 =	vadd.f32 v4, v3;
	v4 =	vmul.f32 v11, v5;
	v5 =	vld.idx.msk [tilespmem:v12+s13+$0x0], $0xffff  }
0x14e: {  	v11 =	vld [tilespmem:$0x15677];
	v12 =	vor.u32 v44, v2  }
0x14f: {  	v3 =	vadd.f32 v4, v3;
	v4 =	vmul.f32 v8, v7;
	v7 =	vld.idx.msk [tilespmem:v13+s13+$0x0], $0xffff  }
0x150: {  	v8 =	vld [tilespmem:$0x15678];
	v13 =	vor.u32 v45, v2  }
0x151: {  	v3 =	vadd.f32 v4, v3;
	v4 =	vmul.f32 v9, v6;
	v6 =	vld.idx.msk [tilespmem:v10+s13+$0x0], $0xffff  }
0x152: {  	v9 =	vld [tilespmem:$0x15679];
	v10 =	vor.u32 v22, v2  }
0x153: {  	v3 =	vadd.f32 v4, v3;
	v4 =	vmul.f32 v11, v5;
	v5 =	vld.idx.msk [tilespmem:v12+s13+$0x0], $0xffff  }
0x154: {  	v11 =	vld [tilespmem:$0x1567A];
	v12 =	vor.u32 v53, v2  }
0x155: {  	v3 =	vadd.f32 v4, v3;
	v4 =	vmul.f32 v8, v7;
	v7 =	vld.idx.msk [tilespmem:v13+s13+$0x0], $0xffff  }
0x156: {  	v8 =	vld [tilespmem:$0x1567B];
	v13 =	vor.u32 v54, v2  }
0x157: {  	v3 =	vadd.f32 v4, v3;
	v4 =	vmul.f32 v9, v6;
	v6 =	vld.idx.msk [tilespmem:v10+s13+$0x0], $0xffff  }
0x158: {  	v9 =	vld [tilespmem:$0x1567C];
	v10 =	vor.u32 v49, v2  }
0x159: {  	v3 =	vadd.f32 v4, v3;
	v4 =	vmul.f32 v11, v5;
	v5 =	vld.idx.msk [tilespmem:v12+s13+$0x0], $0xffff  }
0x15a: {  	v11 =	vld [tilespmem:$0x1567D];
	v12 =	vor.u32 v18, v2  }
0x15b: {  	v3 =	vadd.f32 v4, v3;
	v4 =	vmul.f32 v8, v7;
	v7 =	vld.idx.msk [tilespmem:v13+s13+$0x0], $0xffff  }
0x15c: {  	v8 =	vld [tilespmem:$0x1567E];
	v13 =	vor.u32 v36, v2  }
0x15d: {  	v3 =	vadd.f32 v4, v3;
	v4 =	vmul.f32 v9, v6;
	v6 =	vld.idx.msk [tilespmem:v10+s13+$0x0], $0xffff  }
0x15e: {  	v9 =	vld [tilespmem:$0x1567F];
	v10 =	vor.u32 v39, v2  }
0x15f: {  	v3 =	vadd.f32 v4, v3;
	v4 =	vmul.f32 v11, v5;
	v5 =	vld.idx.msk [tilespmem:v12+s13+$0x0], $0xffff  }
0x160: {  	v11 =	vld [tilespmem:$0x15680];
	v12 =	vor.u32 v52, v2  }
0x161: {  	v3 =	vadd.f32 v4, v3;
	v4 =	vmul.f32 v8, v7;
	v7 =	vld.idx.msk [tilespmem:v13+s13+$0x0], $0xffff  }
0x162: {  	v8 =	vld [tilespmem:$0x15681];
	v13 =	vor.u32 v21, v2  }
0x163: {  	v3 =	vadd.f32 v4, v3;
	v4 =	vmul.f32 v9, v6;
	v6 =	vld.idx.msk [tilespmem:v10+s13+$0x0], $0xffff  }
0x164: {  	v9 =	vld [tilespmem:$0x15682]  }
0x165: {  	v3 =	vadd.f32 v4, v3;
	v4 =	vmul.f32 v11, v5;
	v5 =	vld.idx.msk [tilespmem:v12+s13+$0x0], $0xffff  }
0x166: {  	v10 =	vor.u32 v19, v2;
	v11 =	vld [tilespmem:$0x15683]  }
0x167: {  	v3 =	vadd.f32 v4, v3;
	v4 =	vmul.f32 v8, v7;
	v7 =	vld.idx.msk [tilespmem:v13+s13+$0x0], $0xffff  }
0x168: {  	v8 =	vld [tilespmem:$0x15684];
	v13 =	vor.u32 v47, v2  }
0x169: {  	v3 =	vadd.f32 v4, v3;
	v4 =	vmul.f32 v9, v6  }
0x16a: {  	v12 =	vor.u32 v61, v2  }
0x16b: {  	v6 =	vld.idx.msk [tilespmem:v10+s13+$0x0], $0xffff;
	v3 =	vadd.f32 v4, v3;
	v4 =	vmul.f32 v11, v5  }
0x16c: {  	v9 =	vld [tilespmem:$0x15685]  }
0x16d: {  	v10 =	vor.u32 v29, v2;
	v3 =	vadd.f32 v4, v3;
	v4 =	vmul.f32 v8, v7;
	v7 =	vld.idx.msk [tilespmem:v13+s13+$0x0], $0xffff  }
0x16e: {  	v13 =	vld [tilespmem:$0x1FD20]  }
0x16f: {  	v5 =	vld.idx.msk [tilespmem:v12+s13+$0x0], $0xffff  }
0x170: {  	v11 =	vld [tilespmem:$0x15686];
	v12 =	vor.u32 v48, v2  }
0x171: {  	v8 =	vld [tilespmem:$0x15687]  }
0x172: {  	v3 =	vadd.f32 v4, v3;
	v4 =	vmul.f32 v9, v6;
	v6 =	vld.idx.msk [tilespmem:v10+s13+$0x0], $0xffff  }
0x173: {  	v10 =	vld [tilespmem:$0x1FD10];
	v13 =	vor.u32 v13, v2;
	_ =	sdelay $0x1  }
0x174: {  	v3 =	vadd.f32 v4, v3;
	v4 =	vmul.f32 v11, v5;
	v5 =	vld.idx.msk [tilespmem:v12+s13+$0x0], $0xffff  }
0x175: {  	v12 =	vld [tilespmem:$0x1FD00]  }
0x176: {  	v9 =	vld [tilespmem:$0x15688]  }
0x177: {  	v3 =	vadd.f32 v4, v3;
	v4 =	vmul.f32 v8, v7;
	v10 =	vor.u32 v10, v2;
	v7 =	vld.idx.msk [tilespmem:v13+s13+$0x0], $0xffff  }
0x178: {  	v13 =	vld [tilespmem:$0x1FCF0];
	_ =	sdelay $0x1  }
0x179: {  	v11 =	vld [tilespmem:$0x15689];
	v12 =	vor.u32 v12, v2  }
0x17a: {  	v8 =	vld [tilespmem:$0x1568A]  }
0x17b: {  	v3 =	vadd.f32 v4, v3;
	v4 =	vmul.f32 v9, v6;
	v6 =	vld.idx.msk [tilespmem:v10+s13+$0x0], $0xffff  }
0x17c: {  	v10 =	vld [tilespmem:$0x1FCE0];
	v13 =	vor.u32 v13, v2  }
0x17d: {  	v9 =	vld [tilespmem:$0x1568B]  }
0x17e: {  	v3 =	vadd.f32 v4, v3;
	v4 =	vmul.f32 v11, v5;
	v5 =	vld.idx.msk [tilespmem:v12+s13+$0x0], $0xffff  }
0x17f: {  	v12 =	vld [tilespmem:$0x1FCD0]  }
0x180: {  	v11 =	vld [tilespmem:$0x1568C]  }
0x181: {  	v3 =	vadd.f32 v4, v3;
	v4 =	vmul.f32 v8, v7;
	v10 =	vor.u32 v10, v2;
	v7 =	vld.idx.msk [tilespmem:v13+s13+$0x0], $0xffff  }
0x182: {  	v13 =	vld [tilespmem:$0x1FCC0];
	_ =	sdelay $0x1  }
0x183: {  	v8 =	vld [tilespmem:$0x1568D];
	v12 =	vor.u32 v12, v2  }
0x184: {  	v3 =	vadd.f32 v4, v3;
	v4 =	vmul.f32 v9, v6;
	v9 =	vld [tilespmem:$0x1568E]  }
0x185: {  	v6 =	vld.idx.msk [tilespmem:v10+s13+$0x0], $0xffff;
	v10 =	vor.u32 v1, v2  }
0x186: {  	v3 =	vadd.f32 v4, v3;
	v4 =	vmul.f32 v11, v5;
	v13 =	vor.u32 v13, v2  }
0x187: {  	v11 =	vld [tilespmem:$0x1568F]  }
0x188: {  	v3 =	vadd.f32 v4, v3;
	v5 =	vld.idx.msk [tilespmem:v12+s13+$0x0], $0xffff;
	v4 =	vmul.f32 v8, v7  }
0x189: {  	v12 =	vor.u32 v55, v2;
	v8 =	vld [tilespmem:$0x15690]  }
0x18a: {  	v3 =	vadd.f32 v4, v3;
	v4 =	vmul.f32 v9, v6;
	v6 =	vld.idx.msk [tilespmem:v10+s13+$0x0], $0xffff  }
0x18b: {  	v7 =	vld.idx.msk [tilespmem:v13+s13+$0x0], $0xffff  }
0x18c: {  	v13 =	vld [tilespmem:$0x1FB20]  }
0x18d: {  	v9 =	vld [tilespmem:$0x15691];
	v10 =	vor.u32 v25, v2  }
0x18e: {  	v3 =	vadd.f32 v4, v3;
	v4 =	vmul.f32 v11, v5;
	v5 =	vld.idx.msk [tilespmem:v12+s13+$0x0], $0xffff  }
0x18f: {  	v11 =	vld [tilespmem:$0x15692];
	v12 =	vor.u32 v38, v2  }
0x190: {  	v3 =	vadd.f32 v4, v3;
	v4 =	vmul.f32 v8, v7  }
0x191: {  	v13 =	vor.u32 v13, v2;
	v8 =	vld [tilespmem:$0x15693]  }
0x192: {  	v3 =	vadd.f32 v4, v3;
	v4 =	vmul.f32 v9, v6;
	v6 =	vld.idx.msk [tilespmem:v10+s13+$0x0], $0xffff  }
0x193: {  	v9 =	vld [tilespmem:$0x15694]  }
0x194: {  	v3 =	vadd.f32 v4, v3;
	v4 =	vmul.f32 v11, v5;
	v5 =	vld.idx.msk [tilespmem:v12+s13+$0x0], $0xffff  }
0x195: {  	v12 =	vld [tilespmem:$0x1FB50]  }
0x196: {  	v7 =	vld.idx.msk [tilespmem:v13+s13+$0x0], $0xffff  }
0x197: {  	v13 =	vld [tilespmem:$0x1FB30]  }
0x198: {  	v10 =	vld [tilespmem:$0x1FB40];
	_ =	sdelay $0x1  }
0x199: {  	v11 =	vld [tilespmem:$0x15695];
	v12 =	vor.u32 v12, v2  }
0x19a: {  	v3 =	vadd.f32 v4, v3;
	v4 =	vmul.f32 v8, v7  }
0x19b: {  	v13 =	vor.u32 v13, v2  }
0x19c: {  	v10 =	vor.u32 v10, v2;
	v3 =	vadd.f32 v4, v3;
	v4 =	vmul.f32 v9, v6  }
0x19d: {  	v8 =	vld [tilespmem:$0x15696]  }
0x19e: {  	v3 =	vadd.f32 v4, v3;
	v4 =	vmul.f32 v11, v5;
	v5 =	vld.idx.msk [tilespmem:v12+s13+$0x0], $0xffff  }
0x19f: {  	v12 =	vld [tilespmem:$0x1FB60]  }
0x1a0: {  	v7 =	vld.idx.msk [tilespmem:v13+s13+$0x0], $0xffff;
	v13 =	vor.u32 v23, v2  }
0x1a1: {  	v6 =	vld.idx.msk [tilespmem:v10+s13+$0x0], $0xffff  }
0x1a2: {  	v9 =	vld [tilespmem:$0x15697];
	v10 =	vor.u32 v58, v2;
	_ =	sdelay $0x1  }
0x1a3: {  	v11 =	vld [tilespmem:$0x15698];
	v12 =	vor.u32 v12, v2  }
0x1a4: {  	v3 =	vadd.f32 v4, v3;
	v4 =	vmul.f32 v8, v7;
	v7 =	vld.idx.msk [tilespmem:v13+s13+$0x0], $0xffff  }
0x1a5: {  	v8 =	vld [tilespmem:$0x15699]  }
0x1a6: {  	v3 =	vadd.f32 v4, v3;
	v4 =	vmul.f32 v9, v6;
	v6 =	vld.idx.msk [tilespmem:v10+s13+$0x0], $0xffff  }
0x1a7: {  	v10 =	vld [tilespmem:$0x1FD40]  }
0x1a8: {  	v3 =	vadd.f32 v4, v3;
	v4 =	vmul.f32 v11, v5;
	v5 =	vld.idx.msk [tilespmem:v12+s13+$0x0], $0xffff  }
0x1a9: {  	v13 =	vor.u32 v46, v2;
	v12 =	vld [tilespmem:$0x1FC20];
	_ =	sdelay $0x1  }
0x1aa: {  	v9 =	vld [tilespmem:$0x1569A]  }
0x1ab: {  	v15 =	vld [tilespmem:$0x1FCB0];
	v10 =	vor.u32 v10, v2  }
0x1ac: {  	v11 =	vld [tilespmem:$0x1569B]  }
0x1ad: {  	v3 =	vadd.f32 v4, v3;
	v4 =	vmul.f32 v8, v7;
	v7 =	vld.idx.msk [tilespmem:v13+s13+$0x0], $0xffff;
	v12 =	vor.u32 v12, v2  }
0x1ae: {  	v8 =	vld [tilespmem:$0x1569C]  }
0x1af: {  	v3 =	vadd.f32 v4, v3;
	v4 =	vmul.f32 v9, v6;
	v9 =	vld [tilespmem:$0x1569D]  }
0x1b0: {  	v6 =	vld.idx.msk [tilespmem:v10+s13+$0x0], $0xffff  }
0x1b1: {  	v2 =	vor.u32 v15, v2;
	v3 =	vadd.f32 v4, v3;
	v4 =	vmul.f32 v11, v5;
	v11 =	vld [tilespmem:$0x1569E]  }
0x1b2: {  	p0 =	sne.s32 s28, $0xC0;
	v10 =	vld.idx.msk [tilespmem:v12+s13+$0x0], $0xffff  }
.Ltmp0:
0x1b3: {  	v7 =	vmul.f32 v8, v7;
	v3 =	vadd.f32 v4, v3;
	(pc) =	sbr.rel @p0 .LBB2_3-.Ltmp0, $4  }
0x1b4: {  	_ = 	snop  }
0x1b5: {  	v13 =	vlaneseq.u32;
	v3 =	vadd.f32 v7, v3;
	v6 =	vmul.f32 v9, v6  }
0x1b6: {  	v4 =	vld.idx.msk [tilespmem:v2+s13+$0x0], $0xffff;
	v2 =	vor.u32 s28, v13  }
0x1b7: {  	v5 =	vld [tilespmem:$0x1569F];
	s28 =	sadd.s32 $0x10, s28;
	v6 =	vadd.f32 v6, v3;
	v7 =	vmul.f32 v11, v10;
	v3 =	vand.u32 v14, v2  }
0x1b8: {  	_ =	sdelay $0x3  }
0x1b9: {  	v2 =	vshll.u32 v2, $0x6;
	v6 =	vadd.f32 v7, v6;
	v4 =	vmul.f32 v5, v4  }
0x1ba: {  	v5 =	vor.u32 v13, v2  }
0x1bb: {  	v4 =	vadd.f32 v4, v6;
	_ =	sdelay $0x1  }
0x1bc: {  	v6 =	vor.u32 v57, v2;
	[tilespmem:v0+s20+$0x0] =	vst.idx.msk $0xffff, v4  }
0x1bd: {  	v0 =	vld.idx.msk [tilespmem:v3+s14+$0x0], $0xffff  }
0x1be: {  	v4 =	vor.u32 v16, v2;
	v5 =	vld.idx.msk [tilespmem:v5+s13+$0x0], $0xffff  }
0x1bf: {  	v8 =	vor.u32 v28, v2;
	v7 =	vld [tilespmem:$0x15660]  }
0x1c0: {  	v9 =	vld [tilespmem:$0x15661]  }
0x1c1: {  	v10 =	vor.u32 v60, v2;
	v6 =	vld.idx.msk [tilespmem:v6+s13+$0x0], $0xffff  }
0x1c2: {  	v11 =	vld [tilespmem:$0x15662]  }
0x1c3: {  	v12 =	vor.u32 v63, v2;
	v4 =	vld.idx.msk [tilespmem:v4+s13+$0x0], $0xffff  }
0x1c4: {  	v5 =	vmul.f32 v7, v5;
	v7 =	vld.idx.msk [tilespmem:v8+s13+$0x0], $0xffff  }
0x1c5: {  	v13 =	vor.u32 v62, v2;
	v8 =	vld [tilespmem:$0x15663]  }
0x1c6: {  	v0 =	vadd.f32 v5, v0;
	v5 =	vmul.f32 v9, v6;
	v6 =	vld.idx.msk [tilespmem:v10+s13+$0x0], $0xffff  }
0x1c7: {  	v9 =	vld [tilespmem:$0x15664];
	v10 =	vor.u32 v41, v2  }
0x1c8: {  	v0 =	vadd.f32 v5, v0;
	v4 =	vmul.f32 v11, v4;
	v5 =	vld.idx.msk [tilespmem:v12+s13+$0x0], $0xffff  }
0x1c9: {  	v11 =	vld [tilespmem:$0x15665];
	v12 =	vor.u32 v37, v2  }
0x1ca: {  	v0 =	vadd.f32 v4, v0;
	v4 =	vmul.f32 v8, v7;
	v7 =	vld.idx.msk [tilespmem:v13+s13+$0x0], $0xffff  }
0x1cb: {  	v8 =	vld [tilespmem:$0x15666];
	v13 =	vor.u32 v40, v2  }
0x1cc: {  	v0 =	vadd.f32 v4, v0;
	v4 =	vmul.f32 v9, v6;
	v6 =	vld.idx.msk [tilespmem:v10+s13+$0x0], $0xffff  }
0x1cd: {  	v9 =	vld [tilespmem:$0x15667];
	v10 =	vor.u32 v51, v2  }
0x1ce: {  	v0 =	vadd.f32 v4, v0;
	v4 =	vmul.f32 v11, v5;
	v5 =	vld.idx.msk [tilespmem:v12+s13+$0x0], $0xffff  }
0x1cf: {  	v11 =	vld [tilespmem:$0x15668];
	v12 =	vor.u32 v56, v2  }
0x1d0: {  	v0 =	vadd.f32 v4, v0;
	v4 =	vmul.f32 v8, v7;
	v7 =	vld.idx.msk [tilespmem:v13+s13+$0x0], $0xffff  }
0x1d1: {  	v8 =	vld [tilespmem:$0x15669];
	v13 =	vor.u32 v59, v2  }
0x1d2: {  	v0 =	vadd.f32 v4, v0;
	v4 =	vmul.f32 v9, v6;
	v6 =	vld.idx.msk [tilespmem:v10+s13+$0x0], $0xffff  }
0x1d3: {  	v9 =	vld [tilespmem:$0x1566A];
	v10 =	vor.u32 v17, v2  }
0x1d4: {  	v0 =	vadd.f32 v4, v0;
	v4 =	vmul.f32 v11, v5;
	v5 =	vld.idx.msk [tilespmem:v12+s13+$0x0], $0xffff  }
0x1d5: {  	v11 =	vld [tilespmem:$0x1566B];
	v12 =	vor.u32 v20, v2  }
0x1d6: {  	v0 =	vadd.f32 v4, v0;
	v4 =	vmul.f32 v8, v7;
	v7 =	vld.idx.msk [tilespmem:v13+s13+$0x0], $0xffff  }
0x1d7: {  	v8 =	vld [tilespmem:$0x1566C];
	v13 =	vor.u32 v50, v2  }
0x1d8: {  	v0 =	vadd.f32 v4, v0;
	v4 =	vmul.f32 v9, v6;
	v6 =	vld.idx.msk [tilespmem:v10+s13+$0x0], $0xffff  }
0x1d9: {  	v9 =	vld [tilespmem:$0x1566D];
	v10 =	vor.u32 v30, v2  }
0x1da: {  	v0 =	vadd.f32 v4, v0;
	v4 =	vmul.f32 v11, v5;
	v5 =	vld.idx.msk [tilespmem:v12+s13+$0x0], $0xffff  }
0x1db: {  	v11 =	vld [tilespmem:$0x1566E];
	v12 =	vor.u32 v31, v2  }
0x1dc: {  	v0 =	vadd.f32 v4, v0;
	v4 =	vmul.f32 v8, v7;
	v7 =	vld.idx.msk [tilespmem:v13+s13+$0x0], $0xffff  }
0x1dd: {  	v8 =	vld [tilespmem:$0x1566F];
	v13 =	vor.u32 v32, v2  }
0x1de: {  	v0 =	vadd.f32 v4, v0;
	v4 =	vmul.f32 v9, v6;
	v6 =	vld.idx.msk [tilespmem:v10+s13+$0x0], $0xffff  }
0x1df: {  	v9 =	vld [tilespmem:$0x15670];
	v10 =	vor.u32 v33, v2  }
0x1e0: {  	v0 =	vadd.f32 v4, v0;
	v4 =	vmul.f32 v11, v5;
	v5 =	vld.idx.msk [tilespmem:v12+s13+$0x0], $0xffff  }
0x1e1: {  	v11 =	vld [tilespmem:$0x15671];
	v12 =	vor.u32 v34, v2  }
0x1e2: {  	v0 =	vadd.f32 v4, v0;
	v4 =	vmul.f32 v8, v7;
	v7 =	vld.idx.msk [tilespmem:v13+s13+$0x0], $0xffff  }
0x1e3: {  	v8 =	vld [tilespmem:$0x15672];
	v13 =	vor.u32 v35, v2  }
0x1e4: {  	v0 =	vadd.f32 v4, v0;
	v4 =	vmul.f32 v9, v6;
	v6 =	vld.idx.msk [tilespmem:v10+s13+$0x0], $0xffff  }
0x1e5: {  	v9 =	vld [tilespmem:$0x15673];
	v10 =	vor.u32 v24, v2  }
0x1e6: {  	v0 =	vadd.f32 v4, v0;
	v4 =	vmul.f32 v11, v5;
	v5 =	vld.idx.msk [tilespmem:v12+s13+$0x0], $0xffff  }
0x1e7: {  	v11 =	vld [tilespmem:$0x15674];
	v12 =	vor.u32 v26, v2  }
0x1e8: {  	v0 =	vadd.f32 v4, v0;
	v4 =	vmul.f32 v8, v7;
	v7 =	vld.idx.msk [tilespmem:v13+s13+$0x0], $0xffff  }
0x1e9: {  	v8 =	vld [tilespmem:$0x15675];
	v13 =	vor.u32 v42, v2  }
0x1ea: {  	v0 =	vadd.f32 v4, v0;
	v4 =	vmul.f32 v9, v6;
	v6 =	vld.idx.msk [tilespmem:v10+s13+$0x0], $0xffff  }
0x1eb: {  	v9 =	vld [tilespmem:$0x15676];
	v10 =	vor.u32 v43, v2  }
0x1ec: {  	v0 =	vadd.f32 v4, v0;
	v4 =	vmul.f32 v11, v5;
	v5 =	vld.idx.msk [tilespmem:v12+s13+$0x0], $0xffff  }
0x1ed: {  	v11 =	vld [tilespmem:$0x15677];
	v12 =	vor.u32 v44, v2  }
0x1ee: {  	v0 =	vadd.f32 v4, v0;
	v4 =	vmul.f32 v8, v7;
	v7 =	vld.idx.msk [tilespmem:v13+s13+$0x0], $0xffff  }
0x1ef: {  	v8 =	vld [tilespmem:$0x15678];
	v13 =	vor.u32 v45, v2  }
0x1f0: {  	v0 =	vadd.f32 v4, v0;
	v4 =	vmul.f32 v9, v6;
	v6 =	vld.idx.msk [tilespmem:v10+s13+$0x0], $0xffff  }
0x1f1: {  	v9 =	vld [tilespmem:$0x15679];
	v10 =	vor.u32 v22, v2  }
0x1f2: {  	v0 =	vadd.f32 v4, v0;
	v4 =	vmul.f32 v11, v5;
	v5 =	vld.idx.msk [tilespmem:v12+s13+$0x0], $0xffff  }
0x1f3: {  	v11 =	vld [tilespmem:$0x1567A];
	v12 =	vor.u32 v53, v2  }
0x1f4: {  	v0 =	vadd.f32 v4, v0;
	v4 =	vmul.f32 v8, v7;
	v7 =	vld.idx.msk [tilespmem:v13+s13+$0x0], $0xffff  }
0x1f5: {  	v8 =	vld [tilespmem:$0x1567B];
	v13 =	vor.u32 v54, v2  }
0x1f6: {  	v0 =	vadd.f32 v4, v0;
	v4 =	vmul.f32 v9, v6;
	v6 =	vld.idx.msk [tilespmem:v10+s13+$0x0], $0xffff  }
0x1f7: {  	v9 =	vld [tilespmem:$0x1567C];
	v10 =	vor.u32 v49, v2  }
0x1f8: {  	v0 =	vadd.f32 v4, v0;
	v4 =	vmul.f32 v11, v5;
	v5 =	vld.idx.msk [tilespmem:v12+s13+$0x0], $0xffff  }
0x1f9: {  	v11 =	vld [tilespmem:$0x1567D];
	v12 =	vor.u32 v18, v2  }
0x1fa: {  	v0 =	vadd.f32 v4, v0;
	v4 =	vmul.f32 v8, v7;
	v7 =	vld.idx.msk [tilespmem:v13+s13+$0x0], $0xffff  }
0x1fb: {  	v8 =	vld [tilespmem:$0x1567E];
	v13 =	vor.u32 v36, v2  }
0x1fc: {  	v0 =	vadd.f32 v4, v0;
	v4 =	vmul.f32 v9, v6;
	v6 =	vld.idx.msk [tilespmem:v10+s13+$0x0], $0xffff  }
0x1fd: {  	v9 =	vld [tilespmem:$0x1567F];
	v10 =	vor.u32 v39, v2  }
0x1fe: {  	v0 =	vadd.f32 v4, v0;
	v4 =	vmul.f32 v11, v5;
	v5 =	vld.idx.msk [tilespmem:v12+s13+$0x0], $0xffff  }
0x1ff: {  	v11 =	vld [tilespmem:$0x15680];
	v12 =	vor.u32 v52, v2  }
0x200: {  	v0 =	vadd.f32 v4, v0;
	v4 =	vmul.f32 v8, v7;
	v7 =	vld.idx.msk [tilespmem:v13+s13+$0x0], $0xffff  }
0x201: {  	v8 =	vld [tilespmem:$0x15681];
	v13 =	vor.u32 v21, v2  }
0x202: {  	v0 =	vadd.f32 v4, v0;
	v4 =	vmul.f32 v9, v6;
	v6 =	vld.idx.msk [tilespmem:v10+s13+$0x0], $0xffff  }
0x203: {  	v9 =	vld [tilespmem:$0x15682]  }
0x204: {  	v0 =	vadd.f32 v4, v0;
	v4 =	vmul.f32 v11, v5;
	v5 =	vld.idx.msk [tilespmem:v12+s13+$0x0], $0xffff  }
0x205: {  	v10 =	vor.u32 v19, v2;
	v11 =	vld [tilespmem:$0x15683]  }
0x206: {  	v0 =	vadd.f32 v4, v0;
	v4 =	vmul.f32 v8, v7;
	v7 =	vld.idx.msk [tilespmem:v13+s13+$0x0], $0xffff  }
0x207: {  	v8 =	vld [tilespmem:$0x15684];
	v13 =	vor.u32 v47, v2  }
0x208: {  	v0 =	vadd.f32 v4, v0;
	v4 =	vmul.f32 v9, v6;
	_ =	sdelay $0x1  }
0x209: {  	v12 =	vor.u32 v61, v2;
	v6 =	vld.idx.msk [tilespmem:v10+s13+$0x0], $0xffff;
	v0 =	vadd.f32 v4, v0;
	v4 =	vmul.f32 v11, v5  }
0x20a: {  	v9 =	vld [tilespmem:$0x15685]  }
0x20b: {  	v0 =	vadd.f32 v4, v0;
	v4 =	vmul.f32 v8, v7;
	v7 =	vld.idx.msk [tilespmem:v13+s13+$0x0], $0xffff  }
0x20c: {  	v10 =	vor.u32 v29, v2;
	v13 =	vld [tilespmem:$0x1FD20];
	_ =	sdelay $0x1  }
0x20d: {  	v5 =	vld.idx.msk [tilespmem:v12+s13+$0x0], $0xffff  }
0x20e: {  	v11 =	vld [tilespmem:$0x15686];
	v12 =	vor.u32 v48, v2  }
0x20f: {  	v8 =	vld [tilespmem:$0x15687]  }
0x210: {  	v0 =	vadd.f32 v4, v0;
	v4 =	vmul.f32 v9, v6;
	v6 =	vld.idx.msk [tilespmem:v10+s13+$0x0], $0xffff;
	v13 =	vor.u32 v13, v2  }
0x211: {  	v9 =	vld [tilespmem:$0x15688]  }
0x212: {  	v10 =	vld [tilespmem:$0x1FD10]  }
0x213: {  	v0 =	vadd.f32 v4, v0;
	v4 =	vmul.f32 v11, v5;
	v5 =	vld.idx.msk [tilespmem:v12+s13+$0x0], $0xffff  }
0x214: {  	v12 =	vld [tilespmem:$0x1FD00]  }
0x215: {  	v0 =	vadd.f32 v4, v0;
	v4 =	vmul.f32 v8, v7;
	v7 =	vld.idx.msk [tilespmem:v13+s13+$0x0], $0xffff  }
0x216: {  	v13 =	vld [tilespmem:$0x1FCF0]  }
0x217: {  	v10 =	vor.u32 v10, v2;
	_ =	sdelay $0x1  }
0x218: {  	v11 =	vld [tilespmem:$0x15689];
	v12 =	vor.u32 v12, v2  }
0x219: {  	v8 =	vld [tilespmem:$0x1568A]  }
0x21a: {  	v0 =	vadd.f32 v4, v0;
	v4 =	vmul.f32 v9, v6;
	v9 =	vld [tilespmem:$0x1568B];
	v13 =	vor.u32 v13, v2  }
0x21b: {  	v6 =	vld.idx.msk [tilespmem:v10+s13+$0x0], $0xffff  }
0x21c: {  	v10 =	vld [tilespmem:$0x1FCE0]  }
0x21d: {  	v0 =	vadd.f32 v4, v0;
	v4 =	vmul.f32 v11, v5;
	v5 =	vld.idx.msk [tilespmem:v12+s13+$0x0], $0xffff  }
0x21e: {  	v12 =	vld [tilespmem:$0x1FCD0]  }
0x21f: {  	v0 =	vadd.f32 v4, v0;
	v4 =	vmul.f32 v8, v7;
	v7 =	vld.idx.msk [tilespmem:v13+s13+$0x0], $0xffff  }
0x220: {  	v13 =	vld [tilespmem:$0x1FCC0];
	_ =	sdelay $0x1  }
0x221: {  	v11 =	vld [tilespmem:$0x1568C]  }
0x222: {  	v10 =	vor.u32 v10, v2  }
0x223: {  	v12 =	vor.u32 v12, v2  }
0x224: {  	v8 =	vld [tilespmem:$0x1568D];
	v0 =	vadd.f32 v4, v0;
	v4 =	vmul.f32 v9, v6;
	v13 =	vor.u32 v13, v2  }
0x225: {  	v9 =	vld [tilespmem:$0x1568E]  }
0x226: {  	v0 =	vadd.f32 v4, v0;
	v4 =	vmul.f32 v11, v5;
	v11 =	vld [tilespmem:$0x1568F]  }
0x227: {  	v6 =	vld.idx.msk [tilespmem:v10+s13+$0x0], $0xffff  }
0x228: {  	v10 =	vor.u32 v1, v2;
	v5 =	vld.idx.msk [tilespmem:v12+s13+$0x0], $0xffff  }
0x229: {  	v0 =	vadd.f32 v4, v0;
	v4 =	vmul.f32 v8, v7;
	v7 =	vld.idx.msk [tilespmem:v13+s13+$0x0], $0xffff  }
0x22a: {  	v13 =	vld [tilespmem:$0x1FB20];
	_ =	sdelay $0x1  }
0x22b: {  	v12 =	vor.u32 v55, v2;
	v8 =	vld [tilespmem:$0x15690]  }
0x22c: {  	v0 =	vadd.f32 v4, v0;
	v4 =	vmul.f32 v9, v6;
	v6 =	vld.idx.msk [tilespmem:v10+s13+$0x0], $0xffff  }
0x22d: {  	v9 =	vld [tilespmem:$0x15691];
	v10 =	vor.u32 v25, v2  }
0x22e: {  	v0 =	vadd.f32 v4, v0;
	v4 =	vmul.f32 v11, v5;
	v13 =	vor.u32 v13, v2;
	_ =	sdelay $0x1  }
0x22f: {  	v5 =	vld.idx.msk [tilespmem:v12+s13+$0x0], $0xffff;
	v0 =	vadd.f32 v4, v0;
	v4 =	vmul.f32 v8, v7  }
0x230: {  	v11 =	vld [tilespmem:$0x15692];
	v12 =	vor.u32 v38, v2  }
0x231: {  	v0 =	vadd.f32 v4, v0;
	v4 =	vmul.f32 v9, v6;
	v6 =	vld.idx.msk [tilespmem:v10+s13+$0x0], $0xffff  }
0x232: {  	v7 =	vld.idx.msk [tilespmem:v13+s13+$0x0], $0xffff  }
0x233: {  	v13 =	vld [tilespmem:$0x1FB30]  }
0x234: {  	v10 =	vld [tilespmem:$0x1FB40]  }
0x235: {  	v0 =	vadd.f32 v4, v0;
	v4 =	vmul.f32 v11, v5;
	v5 =	vld.idx.msk [tilespmem:v12+s13+$0x0], $0xffff  }
0x236: {  	v12 =	vld [tilespmem:$0x1FB50]  }
0x237: {  	v8 =	vld [tilespmem:$0x15693]  }
0x238: {  	v13 =	vor.u32 v13, v2  }
0x239: {  	v9 =	vld [tilespmem:$0x15694];
	v10 =	vor.u32 v10, v2  }
0x23a: {  	[tilespmem:$0x1FB00] =	vst v38;
	v38 =	vld [tilespmem:$0x1FB60]  }
0x23b: {  	v11 =	vld [tilespmem:$0x15695];
	v12 =	vor.u32 v12, v2  }
0x23c: {  	v0 =	vadd.f32 v4, v0;
	v4 =	vmul.f32 v8, v7;
	v8 =	vld [tilespmem:$0x15696]  }
0x23d: {  	v7 =	vld.idx.msk [tilespmem:v13+s13+$0x0], $0xffff;
	v13 =	vor.u32 v23, v2  }
0x23e: {  	v0 =	vadd.f32 v4, v0;
	v4 =	vmul.f32 v9, v6;
	v6 =	vld.idx.msk [tilespmem:v10+s13+$0x0], $0xffff  }
0x23f: {  	v9 =	vld [tilespmem:$0x15697];
	v10 =	vor.u32 v58, v2  }
0x240: {  	v0 =	vadd.f32 v4, v0;
	v4 =	vmul.f32 v11, v5;
	v5 =	vld.idx.msk [tilespmem:v12+s13+$0x0], $0xffff  }
0x241: {  	v11 =	vld [tilespmem:$0x15698]  }
0x242: {  	v0 =	vadd.f32 v4, v0;
	v4 =	vmul.f32 v8, v7;
	v7 =	vld.idx.msk [tilespmem:v13+s13+$0x0], $0xffff  }
0x243: {  	v8 =	vld [tilespmem:$0x15699];
	v13 =	vor.u32 v46, v2  }
0x244: {  	v0 =	vadd.f32 v4, v0;
	v4 =	vmul.f32 v9, v6;
	v6 =	vld.idx.msk [tilespmem:v10+s13+$0x0], $0xffff  }
0x245: {  	v12 =	vor.u32 v38, v2;
	v10 =	vld [tilespmem:$0x1FD40]  }
0x246: {  	v14 =	vld [tilespmem:$0x1FC20];
	v0 =	vadd.f32 v4, v0;
	v4 =	vmul.f32 v11, v5  }
0x247: {  	v9 =	vld [tilespmem:$0x1569A]  }
0x248: {  	v0 =	vadd.f32 v4, v0;
	v4 =	vmul.f32 v8, v7;
	v7 =	vld.idx.msk [tilespmem:v13+s13+$0x0], $0xffff  }
0x249: {  	v13 =	vld [tilespmem:$0x1FCB0]  }
0x24a: {  	v5 =	vld.idx.msk [tilespmem:v12+s13+$0x0], $0xffff;
	v10 =	vor.u32 v10, v2  }
0x24b: {  	v11 =	vld [tilespmem:$0x1569B];
	v12 =	vor.u32 v14, v2;
	_ =	sdelay $0x1  }
0x24c: {  	v8 =	vld [tilespmem:$0x1569C]  }
0x24d: {  	v0 =	vadd.f32 v4, v0;
	v4 =	vmul.f32 v9, v6;
	v9 =	vld [tilespmem:$0x1569D];
	v2 =	vor.u32 v13, v2  }
0x24e: {  	v6 =	vld.idx.msk [tilespmem:v10+s13+$0x0], $0xffff  }
0x24f: {  	v0 =	vadd.f32 v4, v0;
	v4 =	vmul.f32 v11, v5;
	v5 =	vld.idx.msk [tilespmem:v12+s13+$0x0], $0xffff  }
0x250: {  	v10 =	vld [tilespmem:$0x1569E]  }
0x251: {  	v0 =	vadd.f32 v4, v0;
	v4 =	vmul.f32 v8, v7;
	v7 =	vld [tilespmem:$0x1569F]  }
0x252: {  	v2 =	vld.idx.msk [tilespmem:v2+s13+$0x0], $0xffff  }
0x253: {  	v0 =	vadd.f32 v4, v0;
	v4 =	vmul.f32 v9, v6;
	_ =	sdelay $0x1  }
0x254: {  	v0 =	vadd.f32 v4, v0;
	v4 =	vmul.f32 v10, v5;
	_ =	sdelay $0x1  }
0x255: {  	v0 =	vadd.f32 v4, v0;
	v2 =	vmul.f32 v7, v2;
	_ =	sdelay $0x1  }
0x256: {  	v0 =	vadd.f32 v2, v0;
	_ =	sdelay $0x1  }
0x257: {  	[tilespmem:v3+s20+$0x0] =	vst.idx.msk $0xffff, v0  }
0x258: {  	v0 =	vld [tilespmem:s26+$0x40];
	_ =	sdelay $0x4  }
0x259: {  	[tilespmem:$0x15660] =	vst v0  }
0x25a: {  	[tilespmem:$0x156A0] =	vst v0  }
0x25b: {  	v0 =	vld [tilespmem:s26+$0x50];
	_ =	sdelay $0x4  }
0x25c: {  	[tilespmem:$0x15670] =	vst v0  }
0x25d: {  	[tilespmem:$0x156B0] =	vst v0  }
0x25e: {  	v0 =	vld [tilespmem:s26+$0x60];
	_ =	sdelay $0x4  }
0x25f: {  	[tilespmem:$0x15680] =	vst v0  }
0x260: {  	s28 =	simm.s32 $0xC8;
	[tilespmem:$0x156C0] =	vst v0;
	v0 =	vlaneseq.u32  }
0x261: {  	v2 =	vlaneseq.u32;
	v0 =	vadd.s32 s28, v0  }
0x262: {  	v5 =	vand.u32 $0x7, v2;
	v3 =	vld [tilespmem:s26+$0x70];
	v4 =	vand.u32 $0x3F8, v0  }
0x263: {  	v6 =	vld [tilespmem:$0x1FD50];
	v2 =	vshll.u32 v0, $0x6;
	v0 =	vor.u32 v5, v4;
	v4 =	vlaneseq.u32  }
0x264: {  	v8 =	vld [tilespmem:$0x1FD90];
	v4 =	vor.u32 v4, v2  }
0x265: {  	v12 =	vld [tilespmem:$0x1FD70]  }
0x266: {  	v10 =	vld [tilespmem:$0x1FD60];
	[tilespmem:$0x1FB10] =	vst v5;
	v5 =	vor.u32 v57, v2  }
0x267: {  	v7 =	vld [tilespmem:$0x15660];
	[tilespmem:$0x15690] =	vst v3  }
0x268: {  	v9 =	vld [tilespmem:$0x15661];
	v6 =	vor.u32 v6, v2;
	[tilespmem:$0x156D0] =	vst v3  }
0x269: {  	v8 =	vor.u32 v8, v2;
	v4 =	vld.idx.msk [tilespmem:v4+s13+$0x0], $0xffff  }
0x26a: {  	v3 =	vld.idx.msk [tilespmem:v0+s14+$0x0], $0xffff  }
0x26b: {  	v10 =	vor.u32 v10, v2;
	v5 =	vld.idx.msk [tilespmem:v5+s13+$0x0], $0xffff  }
0x26c: {  	v11 =	vld [tilespmem:$0x15662]  }
0x26d: {  	v6 =	vld.idx.msk [tilespmem:v6+s13+$0x0], $0xffff  }
0x26e: {  	v12 =	vor.u32 v12, v2;
	v4 =	vmul.f32 v7, v4;
	v7 =	vld.idx.msk [tilespmem:v8+s13+$0x0], $0xffff  }
0x26f: {  	v8 =	vld [tilespmem:$0x15663]  }
0x270: {  	v3 =	vadd.f32 v4, v3;
	v4 =	vmul.f32 v9, v5;
	v5 =	vld.idx.msk [tilespmem:v10+s13+$0x0], $0xffff  }
0x271: {  	v13 =	vor.u32 v62, v2;
	v9 =	vld [tilespmem:$0x15664]  }
0x272: {  	v10 =	vld [tilespmem:$0x1FDA0]  }
0x273: {  	v3 =	vadd.f32 v4, v3;
	v4 =	vmul.f32 v11, v6;
	v6 =	vld.idx.msk [tilespmem:v12+s13+$0x0], $0xffff  }
0x274: {  	v11 =	vld [tilespmem:$0x15665]  }
0x275: {  	v12 =	vld [tilespmem:$0x1FDB0]  }
0x276: {  	v3 =	vadd.f32 v4, v3;
	v4 =	vmul.f32 v8, v7;
	v7 =	vld.idx.msk [tilespmem:v13+s13+$0x0], $0xffff  }
0x277: {  	v13 =	vld [tilespmem:$0x1FDC0]  }
0x278: {  	v10 =	vor.u32 v10, v2;
	_ =	sdelay $0x1  }
0x279: {  	v8 =	vld [tilespmem:$0x15666];
	v3 =	vadd.f32 v4, v3;
	v4 =	vmul.f32 v9, v5;
	v12 =	vor.u32 v12, v2  }
0x27a: {  	v9 =	vld [tilespmem:$0x15667]  }
0x27b: {  	v3 =	vadd.f32 v4, v3;
	v4 =	vmul.f32 v11, v6;
	v11 =	vld [tilespmem:$0x15668];
	v13 =	vor.u32 v13, v2  }
0x27c: {  	v5 =	vld.idx.msk [tilespmem:v10+s13+$0x0], $0xffff  }
0x27d: {  	v10 =	vld [tilespmem:$0x1FDD0]  }
0x27e: {  	v6 =	vld.idx.msk [tilespmem:v12+s13+$0x0], $0xffff  }
0x27f: {  	v12 =	vld [tilespmem:$0x1FDE0]  }
0x280: {  	v3 =	vadd.f32 v4, v3;
	v4 =	vmul.f32 v8, v7;
	v7 =	vld.idx.msk [tilespmem:v13+s13+$0x0], $0xffff  }
0x281: {  	v13 =	vld [tilespmem:$0x1FDF0]  }
0x282: {  	v10 =	vor.u32 v10, v2;
	_ =	sdelay $0x1  }
0x283: {  	v8 =	vld [tilespmem:$0x15669];
	v3 =	vadd.f32 v4, v3;
	v4 =	vmul.f32 v9, v5;
	v12 =	vor.u32 v12, v2  }
0x284: {  	v9 =	vld [tilespmem:$0x1566A]  }
0x285: {  	v3 =	vadd.f32 v4, v3;
	v4 =	vmul.f32 v11, v6;
	v11 =	vld [tilespmem:$0x1566B];
	v13 =	vor.u32 v13, v2  }
0x286: {  	v5 =	vld.idx.msk [tilespmem:v10+s13+$0x0], $0xffff  }
0x287: {  	v10 =	vld [tilespmem:$0x1FF90]  }
0x288: {  	v6 =	vld.idx.msk [tilespmem:v12+s13+$0x0], $0xffff  }
0x289: {  	v12 =	vld [tilespmem:$0x1FF80]  }
0x28a: {  	v3 =	vadd.f32 v4, v3;
	v4 =	vmul.f32 v8, v7;
	v7 =	vld.idx.msk [tilespmem:v13+s13+$0x0], $0xffff  }
0x28b: {  	v13 =	vld [tilespmem:$0x1FF70]  }
0x28c: {  	v10 =	vor.u32 v10, v2;
	_ =	sdelay $0x1  }
0x28d: {  	v8 =	vld [tilespmem:$0x1566C];
	v3 =	vadd.f32 v4, v3;
	v4 =	vmul.f32 v9, v5;
	v12 =	vor.u32 v12, v2  }
0x28e: {  	v9 =	vld [tilespmem:$0x1566D]  }
0x28f: {  	v3 =	vadd.f32 v4, v3;
	v4 =	vmul.f32 v11, v6;
	v11 =	vld [tilespmem:$0x1566E];
	v13 =	vor.u32 v13, v2  }
0x290: {  	v5 =	vld.idx.msk [tilespmem:v10+s13+$0x0], $0xffff  }
0x291: {  	v10 =	vld [tilespmem:$0x1FF60]  }
0x292: {  	v6 =	vld.idx.msk [tilespmem:v12+s13+$0x0], $0xffff  }
0x293: {  	v12 =	vld [tilespmem:$0x1FF50]  }
0x294: {  	v3 =	vadd.f32 v4, v3;
	v4 =	vmul.f32 v8, v7;
	v7 =	vld.idx.msk [tilespmem:v13+s13+$0x0], $0xffff  }
0x295: {  	v13 =	vld [tilespmem:$0x1FB70]  }
0x296: {  	v10 =	vor.u32 v10, v2;
	_ =	sdelay $0x1  }
0x297: {  	v8 =	vld [tilespmem:$0x1566F];
	v3 =	vadd.f32 v4, v3;
	v4 =	vmul.f32 v9, v5;
	v12 =	vor.u32 v12, v2  }
0x298: {  	v9 =	vld [tilespmem:$0x15670]  }
0x299: {  	v3 =	vadd.f32 v4, v3;
	v4 =	vmul.f32 v11, v6;
	v11 =	vld [tilespmem:$0x15671];
	v13 =	vor.u32 v13, v2  }
0x29a: {  	v5 =	vld.idx.msk [tilespmem:v10+s13+$0x0], $0xffff  }
0x29b: {  	v10 =	vld [tilespmem:$0x1FF40]  }
0x29c: {  	v6 =	vld.idx.msk [tilespmem:v12+s13+$0x0], $0xffff  }
0x29d: {  	v12 =	vld [tilespmem:$0x1FF30]  }
0x29e: {  	v3 =	vadd.f32 v4, v3;
	v4 =	vmul.f32 v8, v7;
	v7 =	vld.idx.msk [tilespmem:v13+s13+$0x0], $0xffff  }
0x29f: {  	v13 =	vld [tilespmem:$0x1FF20]  }
0x2a0: {  	v10 =	vor.u32 v10, v2;
	_ =	sdelay $0x1  }
0x2a1: {  	v8 =	vld [tilespmem:$0x15672];
	v3 =	vadd.f32 v4, v3;
	v4 =	vmul.f32 v9, v5;
	v12 =	vor.u32 v12, v2  }
0x2a2: {  	v9 =	vld [tilespmem:$0x15673]  }
0x2a3: {  	v3 =	vadd.f32 v4, v3;
	v4 =	vmul.f32 v11, v6;
	v11 =	vld [tilespmem:$0x15674];
	v13 =	vor.u32 v13, v2  }
0x2a4: {  	v5 =	vld.idx.msk [tilespmem:v10+s13+$0x0], $0xffff  }
0x2a5: {  	v10 =	vld [tilespmem:$0x1FF10]  }
0x2a6: {  	v6 =	vld.idx.msk [tilespmem:v12+s13+$0x0], $0xffff  }
0x2a7: {  	v12 =	vld [tilespmem:$0x1FF00]  }
0x2a8: {  	v3 =	vadd.f32 v4, v3;
	v4 =	vmul.f32 v8, v7;
	v7 =	vld.idx.msk [tilespmem:v13+s13+$0x0], $0xffff  }
0x2a9: {  	v13 =	vld [tilespmem:$0x1FEF0]  }
0x2aa: {  	v10 =	vor.u32 v10, v2;
	_ =	sdelay $0x1  }
0x2ab: {  	v8 =	vld [tilespmem:$0x15675];
	v3 =	vadd.f32 v4, v3;
	v4 =	vmul.f32 v9, v5;
	v12 =	vor.u32 v12, v2  }
0x2ac: {  	v9 =	vld [tilespmem:$0x15676]  }
0x2ad: {  	v3 =	vadd.f32 v4, v3;
	v4 =	vmul.f32 v11, v6;
	v11 =	vld [tilespmem:$0x15677];
	v13 =	vor.u32 v13, v2  }
0x2ae: {  	v5 =	vld.idx.msk [tilespmem:v10+s13+$0x0], $0xffff  }
0x2af: {  	v10 =	vld [tilespmem:$0x1FB80]  }
0x2b0: {  	v6 =	vld.idx.msk [tilespmem:v12+s13+$0x0], $0xffff  }
0x2b1: {  	v12 =	vld [tilespmem:$0x1FEE0]  }
0x2b2: {  	v3 =	vadd.f32 v4, v3;
	v4 =	vmul.f32 v8, v7;
	v7 =	vld.idx.msk [tilespmem:v13+s13+$0x0], $0xffff  }
0x2b3: {  	v13 =	vld [tilespmem:$0x1FB90]  }
0x2b4: {  	v10 =	vor.u32 v10, v2;
	_ =	sdelay $0x1  }
0x2b5: {  	v8 =	vld [tilespmem:$0x15678];
	v3 =	vadd.f32 v4, v3;
	v4 =	vmul.f32 v9, v5;
	v12 =	vor.u32 v12, v2  }
0x2b6: {  	v9 =	vld [tilespmem:$0x15679]  }
0x2b7: {  	v3 =	vadd.f32 v4, v3;
	v4 =	vmul.f32 v11, v6;
	v11 =	vld [tilespmem:$0x1567A];
	v13 =	vor.u32 v13, v2  }
0x2b8: {  	v5 =	vld.idx.msk [tilespmem:v10+s13+$0x0], $0xffff  }
0x2b9: {  	v10 =	vld [tilespmem:$0x1FED0]  }
0x2ba: {  	v6 =	vld.idx.msk [tilespmem:v12+s13+$0x0], $0xffff  }
0x2bb: {  	v12 =	vld [tilespmem:$0x1FEC0]  }
0x2bc: {  	v3 =	vadd.f32 v4, v3;
	v4 =	vmul.f32 v8, v7;
	v7 =	vld.idx.msk [tilespmem:v13+s13+$0x0], $0xffff  }
0x2bd: {  	v13 =	vld [tilespmem:$0x1FEB0]  }
0x2be: {  	v10 =	vor.u32 v10, v2;
	_ =	sdelay $0x1  }
0x2bf: {  	v8 =	vld [tilespmem:$0x1567B];
	v3 =	vadd.f32 v4, v3;
	v4 =	vmul.f32 v9, v5;
	v12 =	vor.u32 v12, v2  }
0x2c0: {  	v9 =	vld [tilespmem:$0x1567C]  }
0x2c1: {  	v3 =	vadd.f32 v4, v3;
	v4 =	vmul.f32 v11, v6;
	v11 =	vld [tilespmem:$0x1567D];
	v13 =	vor.u32 v13, v2  }
0x2c2: {  	v5 =	vld.idx.msk [tilespmem:v10+s13+$0x0], $0xffff  }
0x2c3: {  	v10 =	vld [tilespmem:$0x1FE00]  }
0x2c4: {  	v6 =	vld.idx.msk [tilespmem:v12+s13+$0x0], $0xffff  }
0x2c5: {  	v12 =	vld [tilespmem:$0x1FEA0]  }
0x2c6: {  	v3 =	vadd.f32 v4, v3;
	v4 =	vmul.f32 v8, v7;
	v7 =	vld.idx.msk [tilespmem:v13+s13+$0x0], $0xffff  }
0x2c7: {  	v13 =	vld [tilespmem:$0x1FE10]  }
0x2c8: {  	v10 =	vor.u32 v10, v2;
	_ =	sdelay $0x1  }
0x2c9: {  	v8 =	vld [tilespmem:$0x1567E];
	v3 =	vadd.f32 v4, v3;
	v4 =	vmul.f32 v9, v5;
	v12 =	vor.u32 v12, v2  }
0x2ca: {  	v9 =	vld [tilespmem:$0x1567F]  }
0x2cb: {  	v3 =	vadd.f32 v4, v3;
	v4 =	vmul.f32 v11, v6;
	v11 =	vld [tilespmem:$0x15680];
	v13 =	vor.u32 v13, v2  }
0x2cc: {  	v5 =	vld.idx.msk [tilespmem:v10+s13+$0x0], $0xffff  }
0x2cd: {  	v10 =	vld [tilespmem:$0x1FE20]  }
0x2ce: {  	v6 =	vld.idx.msk [tilespmem:v12+s13+$0x0], $0xffff  }
0x2cf: {  	v12 =	vld [tilespmem:$0x1FE30]  }
0x2d0: {  	v3 =	vadd.f32 v4, v3;
	v4 =	vmul.f32 v8, v7;
	v7 =	vld.idx.msk [tilespmem:v13+s13+$0x0], $0xffff  }
0x2d1: {  	v13 =	vld [tilespmem:$0x1FE40]  }
0x2d2: {  	v10 =	vor.u32 v10, v2;
	_ =	sdelay $0x1  }
0x2d3: {  	v8 =	vld [tilespmem:$0x15681];
	v3 =	vadd.f32 v4, v3;
	v4 =	vmul.f32 v9, v5;
	v12 =	vor.u32 v12, v2  }
0x2d4: {  	v9 =	vld [tilespmem:$0x15682]  }
0x2d5: {  	v3 =	vadd.f32 v4, v3;
	v4 =	vmul.f32 v11, v6;
	v11 =	vld [tilespmem:$0x15683];
	v13 =	vor.u32 v13, v2  }
0x2d6: {  	v5 =	vld.idx.msk [tilespmem:v10+s13+$0x0], $0xffff  }
0x2d7: {  	v10 =	vld [tilespmem:$0x1FE90]  }
0x2d8: {  	v6 =	vld.idx.msk [tilespmem:v12+s13+$0x0], $0xffff  }
0x2d9: {  	v12 =	vld [tilespmem:$0x1FE50]  }
0x2da: {  	v3 =	vadd.f32 v4, v3;
	v4 =	vmul.f32 v8, v7;
	v7 =	vld.idx.msk [tilespmem:v13+s13+$0x0], $0xffff  }
0x2db: {  	v13 =	vld [tilespmem:$0x1FFE0]  }
0x2dc: {  	v10 =	vor.u32 v10, v2;
	_ =	sdelay $0x1  }
0x2dd: {  	v8 =	vld [tilespmem:$0x15684];
	v3 =	vadd.f32 v4, v3;
	v4 =	vmul.f32 v9, v5;
	v12 =	vor.u32 v12, v2  }
0x2de: {  	v9 =	vld [tilespmem:$0x15685]  }
0x2df: {  	v3 =	vadd.f32 v4, v3;
	v4 =	vmul.f32 v11, v6;
	v11 =	vld [tilespmem:$0x15686];
	v13 =	vor.u32 v13, v2  }
0x2e0: {  	v5 =	vld.idx.msk [tilespmem:v10+s13+$0x0], $0xffff  }
0x2e1: {  	v10 =	vld [tilespmem:$0x1FFD0]  }
0x2e2: {  	v6 =	vld.idx.msk [tilespmem:v12+s13+$0x0], $0xffff  }
0x2e3: {  	v12 =	vld [tilespmem:$0x1FD30]  }
0x2e4: {  	v3 =	vadd.f32 v4, v3;
	v4 =	vmul.f32 v8, v7;
	v7 =	vld.idx.msk [tilespmem:v13+s13+$0x0], $0xffff  }
0x2e5: {  	v13 =	vld [tilespmem:$0x1FD20]  }
0x2e6: {  	v10 =	vor.u32 v10, v2;
	_ =	sdelay $0x1  }
0x2e7: {  	v8 =	vld [tilespmem:$0x15687];
	v3 =	vadd.f32 v4, v3;
	v4 =	vmul.f32 v9, v5;
	v12 =	vor.u32 v12, v2  }
0x2e8: {  	v9 =	vld [tilespmem:$0x15688]  }
0x2e9: {  	v3 =	vadd.f32 v4, v3;
	v4 =	vmul.f32 v11, v6;
	v11 =	vld [tilespmem:$0x15689];
	v13 =	vor.u32 v13, v2  }
0x2ea: {  	v5 =	vld.idx.msk [tilespmem:v10+s13+$0x0], $0xffff  }
0x2eb: {  	v10 =	vld [tilespmem:$0x1FD10]  }
0x2ec: {  	v6 =	vld.idx.msk [tilespmem:v12+s13+$0x0], $0xffff  }
0x2ed: {  	v12 =	vld [tilespmem:$0x1FD00]  }
0x2ee: {  	v3 =	vadd.f32 v4, v3;
	v4 =	vmul.f32 v8, v7;
	v7 =	vld.idx.msk [tilespmem:v13+s13+$0x0], $0xffff  }
0x2ef: {  	v13 =	vld [tilespmem:$0x1FCF0]  }
0x2f0: {  	v10 =	vor.u32 v10, v2;
	_ =	sdelay $0x1  }
0x2f1: {  	v8 =	vld [tilespmem:$0x1568A];
	v3 =	vadd.f32 v4, v3;
	v4 =	vmul.f32 v9, v5;
	v12 =	vor.u32 v12, v2  }
0x2f2: {  	v9 =	vld [tilespmem:$0x1568B]  }
0x2f3: {  	v3 =	vadd.f32 v4, v3;
	v4 =	vmul.f32 v11, v6;
	v11 =	vld [tilespmem:$0x1568C];
	v13 =	vor.u32 v13, v2  }
0x2f4: {  	v5 =	vld.idx.msk [tilespmem:v10+s13+$0x0], $0xffff  }
0x2f5: {  	v10 =	vld [tilespmem:$0x1FCE0]  }
0x2f6: {  	v6 =	vld.idx.msk [tilespmem:v12+s13+$0x0], $0xffff  }
0x2f7: {  	v12 =	vld [tilespmem:$0x1FCD0]  }
0x2f8: {  	v3 =	vadd.f32 v4, v3;
	v4 =	vmul.f32 v8, v7;
	v7 =	vld.idx.msk [tilespmem:v13+s13+$0x0], $0xffff  }
0x2f9: {  	v13 =	vld [tilespmem:$0x1FCC0]  }
0x2fa: {  	v8 =	vld [tilespmem:$0x1568D]  }
0x2fb: {  	v3 =	vadd.f32 v4, v3;
	v10 =	vor.u32 v10, v2;
	v4 =	vmul.f32 v9, v5  }
0x2fc: {  	v12 =	vor.u32 v12, v2  }
0x2fd: {  	v9 =	vld [tilespmem:$0x1568E];
	v3 =	vadd.f32 v4, v3;
	v4 =	vmul.f32 v11, v6  }
0x2fe: {  	v11 =	vld [tilespmem:$0x1568F];
	v13 =	vor.u32 v13, v2  }
0x2ff: {  	v3 =	vadd.f32 v4, v3;
	v4 =	vmul.f32 v8, v7;
	v8 =	vld [tilespmem:$0x15690]  }
0x300: {  	v5 =	vld.idx.msk [tilespmem:v10+s13+$0x0], $0xffff;
	v10 =	vor.u32 v1, v2  }
0x301: {  	v6 =	vld.idx.msk [tilespmem:v12+s13+$0x0], $0xffff  }
0x302: {  	v12 =	vld [tilespmem:$0x1FFB0]  }
0x303: {  	v7 =	vld.idx.msk [tilespmem:v13+s13+$0x0], $0xffff  }
0x304: {  	v13 =	vld [tilespmem:$0x1FB20]  }
0x305: {  	v3 =	vadd.f32 v4, v3;
	v4 =	vmul.f32 v9, v5;
	v5 =	vld.idx.msk [tilespmem:v10+s13+$0x0], $0xffff  }
0x306: {  	v9 =	vld [tilespmem:$0x15691];
	v10 =	vor.u32 v25, v2  }
0x307: {  	v3 =	vadd.f32 v4, v3;
	v4 =	vmul.f32 v11, v6  }
0x308: {  	v12 =	vor.u32 v12, v2  }
0x309: {  	v11 =	vld [tilespmem:$0x15692];
	v3 =	vadd.f32 v4, v3;
	v4 =	vmul.f32 v8, v7  }
0x30a: {  	v13 =	vor.u32 v13, v2;
	v8 =	vld [tilespmem:$0x15693]  }
0x30b: {  	v3 =	vadd.f32 v4, v3;
	v4 =	vmul.f32 v9, v5;
	v5 =	vld.idx.msk [tilespmem:v10+s13+$0x0], $0xffff  }
0x30c: {  	v10 =	vld [tilespmem:$0x1FB40]  }
0x30d: {  	v6 =	vld.idx.msk [tilespmem:v12+s13+$0x0], $0xffff  }
0x30e: {  	v12 =	vld [tilespmem:$0x1FB00]  }
0x30f: {  	v7 =	vld.idx.msk [tilespmem:v13+s13+$0x0], $0xffff  }
0x310: {  	v13 =	vld [tilespmem:$0x1FB30]  }
0x311: {  	v9 =	vld [tilespmem:$0x15694];
	v10 =	vor.u32 v10, v2  }
0x312: {  	v3 =	vadd.f32 v4, v3;
	v4 =	vmul.f32 v11, v6  }
0x313: {  	v12 =	vor.u32 v12, v2  }
0x314: {  	v3 =	vadd.f32 v4, v3;
	v4 =	vmul.f32 v8, v7  }
0x315: {  	v11 =	vld [tilespmem:$0x15695];
	v13 =	vor.u32 v13, v2  }
0x316: {  	v3 =	vadd.f32 v4, v3;
	v4 =	vmul.f32 v9, v5;
	v5 =	vld.idx.msk [tilespmem:v10+s13+$0x0], $0xffff  }
0x317: {  	v10 =	vld [tilespmem:$0x1FE80]  }
0x318: {  	v6 =	vld.idx.msk [tilespmem:v12+s13+$0x0], $0xffff  }
0x319: {  	v12 =	vld [tilespmem:$0x1FB50]  }
0x31a: {  	v7 =	vld.idx.msk [tilespmem:v13+s13+$0x0], $0xffff  }
0x31b: {  	v13 =	vld [tilespmem:$0x1FFA0]  }
0x31c: {  	v8 =	vld [tilespmem:$0x15696];
	_ =	sdelay $0x1  }
0x31d: {  	v9 =	vld [tilespmem:$0x15697];
	v10 =	vor.u32 v10, v2  }
0x31e: {  	v3 =	vadd.f32 v4, v3;
	v12 =	vor.u32 v12, v2;
	v4 =	vmul.f32 v11, v6  }
0x31f: {  	v13 =	vor.u32 v13, v2  }
0x320: {  	v11 =	vld [tilespmem:$0x15698];
	v3 =	vadd.f32 v4, v3;
	v4 =	vmul.f32 v8, v7  }
0x321: {  	v8 =	vld [tilespmem:$0x15699]  }
0x322: {  	v3 =	vadd.f32 v4, v3;
	v4 =	vmul.f32 v9, v5;
	v5 =	vld.idx.msk [tilespmem:v10+s13+$0x0], $0xffff  }
0x323: {  	v6 =	vld.idx.msk [tilespmem:v12+s13+$0x0], $0xffff;
	v12 =	vor.u32 v38, v2  }
0x324: {  	v7 =	vld.idx.msk [tilespmem:v13+s13+$0x0], $0xffff  }
0x325: {  	v13 =	vld [tilespmem:$0x1FFC0]  }
0x326: {  	v9 =	vld [tilespmem:$0x1569A]  }
0x327: {  	v38 =	vld [tilespmem:$0x1FD40]  }
0x328: {  	v3 =	vadd.f32 v4, v3;
	v4 =	vmul.f32 v11, v6;
	v6 =	vld.idx.msk [tilespmem:v12+s13+$0x0], $0xffff  }
0x329: {  	v11 =	vld [tilespmem:$0x1569B]  }
0x32a: {  	v13 =	vor.u32 v13, v2;
	v3 =	vadd.f32 v4, v3;
	v7 =	vmul.f32 v8, v7;
	_ =	sdelay $0x1  }
0x32b: {  	v5 =	vmul.f32 v9, v5;
	v10 =	vor.u32 v38, v2;
	v3 =	vadd.f32 v7, v3  }
0x32c: {  	v12 =	vld [tilespmem:$0x1569C]  }
0x32d: {  	v4 =	vor.u32 v14, v2;
	v3 =	vadd.f32 v5, v3;
	v5 =	vmul.f32 v11, v6;
	v6 =	vld [tilespmem:$0x1FCB0]  }
0x32e: {  	v8 =	vld.idx.msk [tilespmem:v13+s13+$0x0], $0xffff  }
0x32f: {  	v38 =	vld [tilespmem:$0x1569D]  }
0x330: {  	v7 =	vld.idx.msk [tilespmem:v10+s13+$0x0], $0xffff;
	_ =	sdelay $0x1  }
0x331: {  	v2 =	vor.u32 v6, v2;
	v6 =	vld.idx.msk [tilespmem:v4+s13+$0x0], $0xffff  }
0x332: {  	v3 =	vadd.f32 v5, v3;
	v4 =	vmul.f32 v12, v8;
	v8 =	vld [tilespmem:$0x1569E];
	_ =	sdelay $0x1  }
0x333: {  	v27 =	vld [tilespmem:$0x1FB00];
	v5 =	vmul.f32 v38, v7;
	v4 =	vadd.f32 v4, v3  }
0x334: {  	v15 =	vmov v57;
	s28 =	simm.s32 $0xD8;
	v57 =	vld [tilespmem:$0x1FB10];
	v13 =	vlaneseq.u32  }
0x335: {  	v3 =	vld.idx.msk [tilespmem:v2+s13+$0x0], $0xffff;
	v2 =	vadd.s32 s28, v13;
	v5 =	vadd.f32 v5, v4  }
0x336: {  	v4 =	vld [tilespmem:$0x1569F];
	s28 =	simm.s32 $0xE8;
	v6 =	vmul.f32 v8, v6;
	v7 =	vand.u32 $0x3F8, v2;
	v2 =	vshll.u32 v2, $0x6  }
.LBB2_5:
0x337: {  	_ =	sdelay $0x3  }
0x338: {  	v7 =	vor.u32 v57, v7;
	v5 =	vadd.f32 v6, v5;
	v3 =	vmul.f32 v4, v3  }
0x339: {  	v4 =	vor.u32 v13, v2  }
0x33a: {  	v3 =	vadd.f32 v3, v5;
	_ =	sdelay $0x1  }
0x33b: {  	v5 =	vor.u32 v15, v2;
	[tilespmem:v0+s20+$0x0] =	vst.idx.msk $0xffff, v3  }
0x33c: {  	v6 =	vor.u32 v16, v2;
	v3 =	vld.idx.msk [tilespmem:v7+s14+$0x0], $0xffff  }
0x33d: {  	v4 =	vld.idx.msk [tilespmem:v4+s13+$0x0], $0xffff  }
0x33e: {  	v8 =	vor.u32 v28, v2;
	v0 =	vmov v7;
	v7 =	vld [tilespmem:$0x15660]  }
0x33f: {  	v9 =	vld [tilespmem:$0x15661]  }
0x340: {  	v10 =	vor.u32 v60, v2;
	v5 =	vld.idx.msk [tilespmem:v5+s13+$0x0], $0xffff  }
0x341: {  	v6 =	vld.idx.msk [tilespmem:v6+s13+$0x0], $0xffff  }
0x342: {  	v12 =	vor.u32 v63, v2;
	v11 =	vld [tilespmem:$0x15662]  }
0x343: {  	v4 =	vmul.f32 v7, v4;
	v7 =	vld.idx.msk [tilespmem:v8+s13+$0x0], $0xffff  }
0x344: {  	v13 =	vor.u32 v62, v2;
	v8 =	vld [tilespmem:$0x15663]  }
0x345: {  	v3 =	vadd.f32 v4, v3;
	v4 =	vmul.f32 v9, v5;
	v5 =	vld.idx.msk [tilespmem:v10+s13+$0x0], $0xffff  }
0x346: {  	v38 =	vor.u32 v41, v2;
	v9 =	vld [tilespmem:$0x15664]  }
0x347: {  	v3 =	vadd.f32 v4, v3;
	v4 =	vmul.f32 v11, v6;
	v6 =	vld.idx.msk [tilespmem:v12+s13+$0x0], $0xffff  }
0x348: {  	v11 =	vld [tilespmem:$0x15665];
	v12 =	vor.u32 v37, v2  }
0x349: {  	v3 =	vadd.f32 v4, v3;
	v4 =	vmul.f32 v8, v7;
	v7 =	vld.idx.msk [tilespmem:v13+s13+$0x0], $0xffff  }
0x34a: {  	v8 =	vld [tilespmem:$0x15666];
	v13 =	vor.u32 v40, v2  }
0x34b: {  	v3 =	vadd.f32 v4, v3;
	v4 =	vmul.f32 v9, v5;
	v5 =	vld.idx.msk [tilespmem:v38+s13+$0x0], $0xffff  }
0x34c: {  	v9 =	vld [tilespmem:$0x15667];
	v38 =	vor.u32 v51, v2  }
0x34d: {  	v3 =	vadd.f32 v4, v3;
	v4 =	vmul.f32 v11, v6;
	v6 =	vld.idx.msk [tilespmem:v12+s13+$0x0], $0xffff  }
0x34e: {  	v11 =	vld [tilespmem:$0x15668];
	v12 =	vor.u32 v56, v2  }
0x34f: {  	v3 =	vadd.f32 v4, v3;
	v4 =	vmul.f32 v8, v7;
	v7 =	vld.idx.msk [tilespmem:v13+s13+$0x0], $0xffff  }
0x350: {  	v8 =	vld [tilespmem:$0x15669];
	v13 =	vor.u32 v59, v2  }
0x351: {  	v3 =	vadd.f32 v4, v3;
	v4 =	vmul.f32 v9, v5;
	v5 =	vld.idx.msk [tilespmem:v38+s13+$0x0], $0xffff  }
0x352: {  	v9 =	vld [tilespmem:$0x1566A];
	v38 =	vor.u32 v17, v2  }
0x353: {  	v3 =	vadd.f32 v4, v3;
	v4 =	vmul.f32 v11, v6;
	v6 =	vld.idx.msk [tilespmem:v12+s13+$0x0], $0xffff  }
0x354: {  	v11 =	vld [tilespmem:$0x1566B];
	v12 =	vor.u32 v20, v2  }
0x355: {  	v3 =	vadd.f32 v4, v3;
	v4 =	vmul.f32 v8, v7;
	v7 =	vld.idx.msk [tilespmem:v13+s13+$0x0], $0xffff  }
0x356: {  	v8 =	vld [tilespmem:$0x1566C];
	v13 =	vor.u32 v50, v2  }
0x357: {  	v3 =	vadd.f32 v4, v3;
	v4 =	vmul.f32 v9, v5;
	v5 =	vld.idx.msk [tilespmem:v38+s13+$0x0], $0xffff  }
0x358: {  	v9 =	vld [tilespmem:$0x1566D];
	v38 =	vor.u32 v30, v2  }
0x359: {  	v3 =	vadd.f32 v4, v3;
	v4 =	vmul.f32 v11, v6;
	v6 =	vld.idx.msk [tilespmem:v12+s13+$0x0], $0xffff  }
0x35a: {  	v11 =	vld [tilespmem:$0x1566E];
	v12 =	vor.u32 v31, v2  }
0x35b: {  	v3 =	vadd.f32 v4, v3;
	v4 =	vmul.f32 v8, v7;
	v7 =	vld.idx.msk [tilespmem:v13+s13+$0x0], $0xffff  }
0x35c: {  	v8 =	vld [tilespmem:$0x1566F];
	v13 =	vor.u32 v32, v2  }
0x35d: {  	v3 =	vadd.f32 v4, v3;
	v4 =	vmul.f32 v9, v5;
	v5 =	vld.idx.msk [tilespmem:v38+s13+$0x0], $0xffff  }
0x35e: {  	v9 =	vld [tilespmem:$0x15670];
	v38 =	vor.u32 v33, v2  }
0x35f: {  	v3 =	vadd.f32 v4, v3;
	v4 =	vmul.f32 v11, v6;
	v6 =	vld.idx.msk [tilespmem:v12+s13+$0x0], $0xffff  }
0x360: {  	v11 =	vld [tilespmem:$0x15671];
	v12 =	vor.u32 v34, v2  }
0x361: {  	v3 =	vadd.f32 v4, v3;
	v4 =	vmul.f32 v8, v7;
	v7 =	vld.idx.msk [tilespmem:v13+s13+$0x0], $0xffff  }
0x362: {  	v8 =	vld [tilespmem:$0x15672];
	v13 =	vor.u32 v35, v2  }
0x363: {  	v3 =	vadd.f32 v4, v3;
	v4 =	vmul.f32 v9, v5;
	v5 =	vld.idx.msk [tilespmem:v38+s13+$0x0], $0xffff  }
0x364: {  	v9 =	vld [tilespmem:$0x15673];
	v38 =	vor.u32 v24, v2  }
0x365: {  	v3 =	vadd.f32 v4, v3;
	v4 =	vmul.f32 v11, v6;
	v6 =	vld.idx.msk [tilespmem:v12+s13+$0x0], $0xffff  }
0x366: {  	v11 =	vld [tilespmem:$0x15674];
	v12 =	vor.u32 v26, v2  }
0x367: {  	v3 =	vadd.f32 v4, v3;
	v4 =	vmul.f32 v8, v7;
	v7 =	vld.idx.msk [tilespmem:v13+s13+$0x0], $0xffff  }
0x368: {  	v8 =	vld [tilespmem:$0x15675];
	v13 =	vor.u32 v42, v2  }
0x369: {  	v3 =	vadd.f32 v4, v3;
	v4 =	vmul.f32 v9, v5;
	v5 =	vld.idx.msk [tilespmem:v38+s13+$0x0], $0xffff  }
0x36a: {  	v9 =	vld [tilespmem:$0x15676];
	v38 =	vor.u32 v43, v2  }
0x36b: {  	v3 =	vadd.f32 v4, v3;
	v4 =	vmul.f32 v11, v6;
	v6 =	vld.idx.msk [tilespmem:v12+s13+$0x0], $0xffff  }
0x36c: {  	v11 =	vld [tilespmem:$0x15677];
	v12 =	vor.u32 v44, v2  }
0x36d: {  	v3 =	vadd.f32 v4, v3;
	v4 =	vmul.f32 v8, v7;
	v7 =	vld.idx.msk [tilespmem:v13+s13+$0x0], $0xffff  }
0x36e: {  	v8 =	vld [tilespmem:$0x15678];
	v13 =	vor.u32 v45, v2  }
0x36f: {  	v3 =	vadd.f32 v4, v3;
	v4 =	vmul.f32 v9, v5;
	v5 =	vld.idx.msk [tilespmem:v38+s13+$0x0], $0xffff  }
0x370: {  	v9 =	vld [tilespmem:$0x15679];
	v38 =	vor.u32 v22, v2  }
0x371: {  	v3 =	vadd.f32 v4, v3;
	v4 =	vmul.f32 v11, v6;
	v6 =	vld.idx.msk [tilespmem:v12+s13+$0x0], $0xffff  }
0x372: {  	v11 =	vld [tilespmem:$0x1567A];
	v12 =	vor.u32 v53, v2  }
0x373: {  	v3 =	vadd.f32 v4, v3;
	v4 =	vmul.f32 v8, v7;
	v7 =	vld.idx.msk [tilespmem:v13+s13+$0x0], $0xffff  }
0x374: {  	v8 =	vld [tilespmem:$0x1567B];
	v13 =	vor.u32 v54, v2  }
0x375: {  	v3 =	vadd.f32 v4, v3;
	v4 =	vmul.f32 v9, v5;
	v5 =	vld.idx.msk [tilespmem:v38+s13+$0x0], $0xffff  }
0x376: {  	v9 =	vld [tilespmem:$0x1567C];
	v38 =	vor.u32 v49, v2  }
0x377: {  	v3 =	vadd.f32 v4, v3;
	v4 =	vmul.f32 v11, v6;
	v6 =	vld.idx.msk [tilespmem:v12+s13+$0x0], $0xffff  }
0x378: {  	v11 =	vld [tilespmem:$0x1567D];
	v12 =	vor.u32 v18, v2  }
0x379: {  	v3 =	vadd.f32 v4, v3;
	v4 =	vmul.f32 v8, v7;
	v7 =	vld.idx.msk [tilespmem:v13+s13+$0x0], $0xffff  }
0x37a: {  	v8 =	vld [tilespmem:$0x1567E];
	v13 =	vor.u32 v36, v2  }
0x37b: {  	v3 =	vadd.f32 v4, v3;
	v4 =	vmul.f32 v9, v5;
	v5 =	vld.idx.msk [tilespmem:v38+s13+$0x0], $0xffff  }
0x37c: {  	v9 =	vld [tilespmem:$0x1567F];
	v38 =	vor.u32 v39, v2  }
0x37d: {  	v3 =	vadd.f32 v4, v3;
	v4 =	vmul.f32 v11, v6;
	v6 =	vld.idx.msk [tilespmem:v12+s13+$0x0], $0xffff  }
0x37e: {  	v11 =	vld [tilespmem:$0x15680];
	v12 =	vor.u32 v52, v2  }
0x37f: {  	v3 =	vadd.f32 v4, v3;
	v4 =	vmul.f32 v8, v7;
	v7 =	vld.idx.msk [tilespmem:v13+s13+$0x0], $0xffff  }
0x380: {  	v8 =	vld [tilespmem:$0x15681];
	v13 =	vor.u32 v21, v2  }
0x381: {  	v3 =	vadd.f32 v4, v3;
	v4 =	vmul.f32 v9, v5;
	v5 =	vld.idx.msk [tilespmem:v38+s13+$0x0], $0xffff  }
0x382: {  	v9 =	vld [tilespmem:$0x15682]  }
0x383: {  	v3 =	vadd.f32 v4, v3;
	v4 =	vmul.f32 v11, v6;
	v6 =	vld.idx.msk [tilespmem:v12+s13+$0x0], $0xffff  }
0x384: {  	v38 =	vor.u32 v19, v2;
	v11 =	vld [tilespmem:$0x15683]  }
0x385: {  	v3 =	vadd.f32 v4, v3;
	v4 =	vmul.f32 v8, v7;
	v7 =	vld.idx.msk [tilespmem:v13+s13+$0x0], $0xffff  }
0x386: {  	v8 =	vld [tilespmem:$0x15684];
	v13 =	vor.u32 v47, v2  }
0x387: {  	v3 =	vadd.f32 v4, v3;
	v4 =	vmul.f32 v9, v5  }
0x388: {  	v12 =	vor.u32 v61, v2  }
0x389: {  	v5 =	vld.idx.msk [tilespmem:v38+s13+$0x0], $0xffff;
	v3 =	vadd.f32 v4, v3;
	v4 =	vmul.f32 v11, v6  }
0x38a: {  	v9 =	vld [tilespmem:$0x15685]  }
0x38b: {  	v3 =	vadd.f32 v4, v3;
	v4 =	vmul.f32 v8, v7;
	v7 =	vld.idx.msk [tilespmem:v13+s13+$0x0], $0xffff  }
0x38c: {  	v38 =	vor.u32 v29, v2;
	v13 =	vld [tilespmem:$0x1FD20]  }
0x38d: {  	v6 =	vld.idx.msk [tilespmem:v12+s13+$0x0], $0xffff  }
0x38e: {  	v11 =	vld [tilespmem:$0x15686];
	v12 =	vor.u32 v48, v2;
	_ =	sdelay $0x1  }
0x38f: {  	v8 =	vld [tilespmem:$0x15687]  }
0x390: {  	v3 =	vadd.f32 v4, v3;
	v4 =	vmul.f32 v9, v5;
	v5 =	vld.idx.msk [tilespmem:v38+s13+$0x0], $0xffff;
	v13 =	vor.u32 v13, v2  }
0x391: {  	v9 =	vld [tilespmem:$0x15688]  }
0x392: {  	v3 =	vadd.f32 v4, v3;
	v4 =	vmul.f32 v11, v6;
	v6 =	vld.idx.msk [tilespmem:v12+s13+$0x0], $0xffff  }
0x393: {  	v12 =	vld [tilespmem:$0x1FD00]  }
0x394: {  	v38 =	vld [tilespmem:$0x1FD10]  }
0x395: {  	v3 =	vadd.f32 v4, v3;
	v4 =	vmul.f32 v8, v7;
	v7 =	vld.idx.msk [tilespmem:v13+s13+$0x0], $0xffff  }
0x396: {  	v13 =	vld [tilespmem:$0x1FCF0]  }
0x397: {  	v11 =	vld [tilespmem:$0x15689]  }
0x398: {  	v12 =	vor.u32 v12, v2  }
0x399: {  	v8 =	vld [tilespmem:$0x1568A]  }
0x39a: {  	v10 =	vor.u32 v38, v2;
	v38 =	vld [tilespmem:$0x1FCE0];
	v3 =	vadd.f32 v4, v3;
	v4 =	vmul.f32 v9, v5  }
0x39b: {  	v9 =	vld [tilespmem:$0x1568B];
	v13 =	vor.u32 v13, v2  }
0x39c: {  	v3 =	vadd.f32 v4, v3;
	v4 =	vmul.f32 v11, v6;
	v11 =	vld [tilespmem:$0x1568C]  }
0x39d: {  	v6 =	vld.idx.msk [tilespmem:v12+s13+$0x0], $0xffff  }
0x39e: {  	v12 =	vld [tilespmem:$0x1FCD0]  }
0x39f: {  	v5 =	vld.idx.msk [tilespmem:v10+s13+$0x0], $0xffff;
	v10 =	vor.u32 v38, v2  }
0x3a0: {  	v3 =	vadd.f32 v4, v3;
	v4 =	vmul.f32 v8, v7;
	v7 =	vld.idx.msk [tilespmem:v13+s13+$0x0], $0xffff  }
0x3a1: {  	v13 =	vld [tilespmem:$0x1FCC0];
	_ =	sdelay $0x1  }
0x3a2: {  	v8 =	vld [tilespmem:$0x1568D];
	v12 =	vor.u32 v12, v2  }
0x3a3: {  	v3 =	vadd.f32 v4, v3;
	v4 =	vmul.f32 v9, v5;
	v5 =	vld.idx.msk [tilespmem:v10+s13+$0x0], $0xffff  }
0x3a4: {  	v38 =	vor.u32 v1, v2;
	v9 =	vld [tilespmem:$0x1568E]  }
0x3a5: {  	v3 =	vadd.f32 v4, v3;
	v4 =	vmul.f32 v11, v6;
	v13 =	vor.u32 v13, v2  }
0x3a6: {  	v11 =	vld [tilespmem:$0x1568F]  }
0x3a7: {  	v3 =	vadd.f32 v4, v3;
	v6 =	vld.idx.msk [tilespmem:v12+s13+$0x0], $0xffff;
	v4 =	vmul.f32 v8, v7  }
0x3a8: {  	v12 =	vor.u32 v55, v2;
	v8 =	vld [tilespmem:$0x15690]  }
0x3a9: {  	v3 =	vadd.f32 v4, v3;
	v4 =	vmul.f32 v9, v5;
	v5 =	vld.idx.msk [tilespmem:v38+s13+$0x0], $0xffff  }
0x3aa: {  	v7 =	vld.idx.msk [tilespmem:v13+s13+$0x0], $0xffff  }
0x3ab: {  	v13 =	vld [tilespmem:$0x1FB20]  }
0x3ac: {  	v9 =	vld [tilespmem:$0x15691];
	v38 =	vor.u32 v25, v2  }
0x3ad: {  	v3 =	vadd.f32 v4, v3;
	v4 =	vmul.f32 v11, v6;
	v6 =	vld.idx.msk [tilespmem:v12+s13+$0x0], $0xffff  }
0x3ae: {  	v11 =	vld [tilespmem:$0x15692];
	v12 =	vor.u32 v27, v2  }
0x3af: {  	v3 =	vadd.f32 v4, v3;
	v4 =	vmul.f32 v8, v7  }
0x3b0: {  	v13 =	vor.u32 v13, v2;
	v8 =	vld [tilespmem:$0x15693]  }
0x3b1: {  	v3 =	vadd.f32 v4, v3;
	v4 =	vmul.f32 v9, v5;
	v5 =	vld.idx.msk [tilespmem:v38+s13+$0x0], $0xffff  }
0x3b2: {  	v38 =	vld [tilespmem:$0x1FB40]  }
0x3b3: {  	v3 =	vadd.f32 v4, v3;
	v4 =	vmul.f32 v11, v6;
	v6 =	vld.idx.msk [tilespmem:v12+s13+$0x0], $0xffff  }
0x3b4: {  	v12 =	vld [tilespmem:$0x1FB50]  }
0x3b5: {  	v7 =	vld.idx.msk [tilespmem:v13+s13+$0x0], $0xffff  }
0x3b6: {  	v13 =	vld [tilespmem:$0x1FB30];
	_ =	sdelay $0x1  }
0x3b7: {  	v9 =	vld [tilespmem:$0x15694]  }
0x3b8: {  	v10 =	vor.u32 v38, v2  }
0x3b9: {  	v11 =	vld [tilespmem:$0x15695];
	v12 =	vor.u32 v12, v2  }
0x3ba: {  	v3 =	vadd.f32 v4, v3;
	v13 =	vor.u32 v13, v2;
	v4 =	vmul.f32 v8, v7;
	_ =	sdelay $0x1  }
0x3bb: {  	v8 =	vld [tilespmem:$0x15696];
	v3 =	vadd.f32 v4, v3;
	v4 =	vmul.f32 v9, v5  }
0x3bc: {  	v5 =	vld.idx.msk [tilespmem:v10+s13+$0x0], $0xffff  }
0x3bd: {  	v3 =	vadd.f32 v4, v3;
	v4 =	vmul.f32 v11, v6;
	v6 =	vld.idx.msk [tilespmem:v12+s13+$0x0], $0xffff  }
0x3be: {  	v7 =	vld.idx.msk [tilespmem:v13+s13+$0x0], $0xffff;
	v13 =	vor.u32 v23, v2  }
0x3bf: {  	v12 =	vld [tilespmem:$0x1FB60]  }
0x3c0: {  	v38 =	vor.u32 v58, v2;
	v9 =	vld [tilespmem:$0x15697];
	_ =	sdelay $0x1  }
0x3c1: {  	v11 =	vld [tilespmem:$0x15698]  }
0x3c2: {  	v3 =	vadd.f32 v4, v3;
	v4 =	vmul.f32 v8, v7;
	v7 =	vld.idx.msk [tilespmem:v13+s13+$0x0], $0xffff  }
0x3c3: {  	v12 =	vor.u32 v12, v2;
	v8 =	vld [tilespmem:$0x15699]  }
0x3c4: {  	v3 =	vadd.f32 v4, v3;
	v4 =	vmul.f32 v9, v5;
	v5 =	vld.idx.msk [tilespmem:v38+s13+$0x0], $0xffff  }
0x3c5: {  	v38 =	vld [tilespmem:$0x1FD40]  }
0x3c6: {  	v13 =	vor.u32 v46, v2  }
0x3c7: {  	v9 =	vld [tilespmem:$0x1569A]  }
0x3c8: {  	v3 =	vadd.f32 v4, v3;
	v4 =	vmul.f32 v11, v6;
	v6 =	vld.idx.msk [tilespmem:v12+s13+$0x0], $0xffff  }
0x3c9: {  	v11 =	vld [tilespmem:$0x1569B];
	v12 =	vor.u32 v14, v2  }
0x3ca: {  	v3 =	vadd.f32 v4, v3;
	v4 =	vmul.f32 v8, v7;
	v10 =	vor.u32 v38, v2;
	v38 =	vld [tilespmem:$0x1FCB0]  }
0x3cb: {  	v7 =	vld.idx.msk [tilespmem:v13+s13+$0x0], $0xffff  }
0x3cc: {  	v8 =	vld [tilespmem:$0x1569C];
	v3 =	vadd.f32 v4, v3;
	v4 =	vmul.f32 v9, v5  }
0x3cd: {  	v9 =	vld [tilespmem:$0x1569D]  }
0x3ce: {  	v3 =	vadd.f32 v4, v3;
	v4 =	vmul.f32 v11, v6;
	v6 =	vld.idx.msk [tilespmem:v12+s13+$0x0], $0xffff  }
0x3cf: {  	v2 =	vor.u32 v38, v2;
	v5 =	vld.idx.msk [tilespmem:v10+s13+$0x0], $0xffff  }
0x3d0: {  	v38 =	vld [tilespmem:$0x1569E]  }
0x3d1: {  	p0 =	sne.s32 s28, $0x188  }
.Ltmp1:
0x3d2: {  	v7 =	vmul.f32 v8, v7;
	v11 =	vadd.f32 v4, v3;
	(pc) =	sbr.rel @p0 .LBB2_5-.Ltmp1, $4  }
0x3d3: {  	_ = 	snop  }
0x3d4: {  	v13 =	vlaneseq.u32;
	v3 =	vld.idx.msk [tilespmem:v2+s13+$0x0], $0xffff;
	v2 =	vadd.f32 v7, v11;
	v5 =	vmul.f32 v9, v5  }
0x3d5: {  	v8 =	vadd.s32 s28, v13;
	v6 =	vmul.f32 v38, v6  }
0x3d6: {  	s28 =	sadd.s32 $0x10, s28;
	v4 =	vld [tilespmem:$0x1569F];
	v7 =	vand.u32 $0x3F8, v8;
	v5 =	vadd.f32 v5, v2;
	v2 =	vshll.u32 v8, $0x6  }
0x3d7: {  	_ =	sdelay $0x3  }
0x3d8: {  	v57 =	vor.u32 v57, v7;
	v5 =	vadd.f32 v6, v5;
	v3 =	vmul.f32 v4, v3  }
0x3d9: {  	v4 =	vor.u32 v13, v2  }
0x3da: {  	v3 =	vadd.f32 v3, v5;
	_ =	sdelay $0x1  }
0x3db: {  	v7 =	vor.u32 v28, v2;
	v28 =	vld [tilespmem:$0x1FCD0];
	[tilespmem:v0+s20+$0x0] =	vst.idx.msk $0xffff, v3  }
0x3dc: {  	v0 =	vld.idx.msk [tilespmem:v57+s14+$0x0], $0xffff  }
0x3dd: {  	v5 =	vor.u32 v15, v2;
	v4 =	vld.idx.msk [tilespmem:v4+s13+$0x0], $0xffff  }
0x3de: {  	v6 =	vld [tilespmem:$0x15660]  }
0x3df: {  	v3 =	vor.u32 v16, v2;
	v8 =	vld [tilespmem:$0x15661]  }
0x3e0: {  	v10 =	vld [tilespmem:$0x15662]  }
0x3e1: {  	v38 =	vor.u32 v41, v2;
	v41 =	vld [tilespmem:$0x15665]  }
0x3e2: {  	v5 =	vld.idx.msk [tilespmem:v5+s13+$0x0], $0xffff  }
0x3e3: {  	v9 =	vor.u32 v60, v2;
	v11 =	vor.u32 v63, v2;
	v63 =	vld [tilespmem:$0x15668]  }
0x3e4: {  	v3 =	vld.idx.msk [tilespmem:v3+s13+$0x0], $0xffff  }
0x3e5: {  	v4 =	vmul.f32 v6, v4;
	v6 =	vld.idx.msk [tilespmem:v7+s13+$0x0], $0xffff  }
0x3e6: {  	v12 =	vor.u32 v62, v2;
	v60 =	vor.u32 v37, v2;
	v7 =	vld [tilespmem:$0x15663]  }
0x3e7: {  	v37 =	vor.u32 v56, v2;
	v56 =	vld [tilespmem:$0x1566E];
	v0 =	vadd.f32 v4, v0;
	v4 =	vmul.f32 v8, v5  }
0x3e8: {  	v5 =	vld.idx.msk [tilespmem:v9+s13+$0x0], $0xffff  }
0x3e9: {  	v8 =	vld [tilespmem:$0x15664];
	v0 =	vadd.f32 v4, v0;
	v3 =	vmul.f32 v10, v3  }
0x3ea: {  	v4 =	vld.idx.msk [tilespmem:v11+s13+$0x0], $0xffff  }
0x3eb: {  	v0 =	vadd.f32 v3, v0;
	v3 =	vmul.f32 v7, v6;
	v6 =	vld.idx.msk [tilespmem:v12+s13+$0x0], $0xffff  }
0x3ec: {  	v7 =	vld [tilespmem:$0x15666]  }
0x3ed: {  	v12 =	vor.u32 v40, v2;
	v40 =	vld [tilespmem:$0x1566B]  }
0x3ee: {  	v0 =	vadd.f32 v3, v0;
	v3 =	vmul.f32 v8, v5;
	v5 =	vld.idx.msk [tilespmem:v38+s13+$0x0], $0xffff  }
0x3ef: {  	v62 =	vor.u32 v51, v2;
	v8 =	vld [tilespmem:$0x15667]  }
0x3f0: {  	v0 =	vadd.f32 v3, v0;
	v3 =	vmul.f32 v41, v4;
	v4 =	vld.idx.msk [tilespmem:v60+s13+$0x0], $0xffff  }
0x3f1: {  	v41 =	vor.u32 v20, v2;
	v20 =	vld [tilespmem:$0x1FCE0]  }
0x3f2: {  	v0 =	vadd.f32 v3, v0;
	v3 =	vmul.f32 v7, v6;
	v6 =	vld.idx.msk [tilespmem:v12+s13+$0x0], $0xffff  }
0x3f3: {  	v7 =	vld [tilespmem:$0x15669]  }
0x3f4: {  	v12 =	vor.u32 v59, v2;
	v0 =	vadd.f32 v3, v0;
	v3 =	vmul.f32 v8, v5;
	v5 =	vld.idx.msk [tilespmem:v62+s13+$0x0], $0xffff  }
0x3f5: {  	v8 =	vld [tilespmem:$0x1566A]  }
0x3f6: {  	v38 =	vor.u32 v17, v2;
	v62 =	vld [tilespmem:$0x15671]  }
0x3f7: {  	v0 =	vadd.f32 v3, v0;
	v3 =	vmul.f32 v63, v4;
	v4 =	vld.idx.msk [tilespmem:v37+s13+$0x0], $0xffff  }
0x3f8: {  	v16 =	vmov v24;
	v37 =	vor.u32 v24, v2;
	v24 =	vld [tilespmem:$0x1FCC0]  }
0x3f9: {  	v0 =	vadd.f32 v3, v0;
	v3 =	vmul.f32 v7, v6;
	v6 =	vld.idx.msk [tilespmem:v12+s13+$0x0], $0xffff  }
0x3fa: {  	v7 =	vld [tilespmem:$0x1566C];
	v12 =	vor.u32 v50, v2  }
0x3fb: {  	v0 =	vadd.f32 v3, v0;
	v3 =	vmul.f32 v8, v5;
	v5 =	vld.idx.msk [tilespmem:v38+s13+$0x0], $0xffff  }
0x3fc: {  	v51 =	vor.u32 v30, v2;
	v8 =	vld [tilespmem:$0x1566D]  }
0x3fd: {  	v38 =	vld [tilespmem:$0x15674];
	v0 =	vadd.f32 v3, v0;
	v3 =	vmul.f32 v40, v4  }
0x3fe: {  	v59 =	vor.u32 v31, v2;
	v4 =	vld.idx.msk [tilespmem:v41+s13+$0x0], $0xffff  }
0x3ff: {  	v0 =	vadd.f32 v3, v0;
	v3 =	vmul.f32 v7, v6;
	v6 =	vld.idx.msk [tilespmem:v12+s13+$0x0], $0xffff  }
0x400: {  	v7 =	vld [tilespmem:$0x1566F];
	v12 =	vor.u32 v32, v2  }
0x401: {  	v0 =	vadd.f32 v3, v0;
	v3 =	vmul.f32 v8, v5;
	v5 =	vld.idx.msk [tilespmem:v51+s13+$0x0], $0xffff  }
0x402: {  	v60 =	vor.u32 v33, v2;
	v8 =	vld [tilespmem:$0x15670]  }
0x403: {  	v0 =	vadd.f32 v3, v0;
	v3 =	vmul.f32 v56, v4;
	v4 =	vld.idx.msk [tilespmem:v59+s13+$0x0], $0xffff  }
0x404: {  	v40 =	vor.u32 v26, v2;
	v59 =	vmov v26;
	v26 =	vld [tilespmem:$0x1FD00]  }
0x405: {  	v63 =	vor.u32 v34, v2;
	v0 =	vadd.f32 v3, v0;
	v3 =	vmul.f32 v7, v6;
	v6 =	vld.idx.msk [tilespmem:v12+s13+$0x0], $0xffff  }
0x406: {  	v7 =	vld [tilespmem:$0x15672];
	v12 =	vor.u32 v35, v2  }
0x407: {  	v0 =	vadd.f32 v3, v0;
	v3 =	vmul.f32 v8, v5;
	v5 =	vld.idx.msk [tilespmem:v60+s13+$0x0], $0xffff  }
0x408: {  	v8 =	vld [tilespmem:$0x15673]  }
0x409: {  	v60 =	vld [tilespmem:$0x15683];
	v0 =	vadd.f32 v3, v0;
	v3 =	vmul.f32 v62, v4  }
0x40a: {  	v4 =	vld.idx.msk [tilespmem:v63+s13+$0x0], $0xffff  }
0x40b: {  	v0 =	vadd.f32 v3, v0;
	v3 =	vmul.f32 v7, v6;
	v6 =	vld.idx.msk [tilespmem:v12+s13+$0x0], $0xffff  }
0x40c: {  	v7 =	vld [tilespmem:$0x15675]  }
0x40d: {  	v17 =	vmov v50;
	v50 =	vmov v42;
	v12 =	vor.u32 v42, v2;
	v42 =	vld [tilespmem:$0x15677]  }
0x40e: {  	v0 =	vadd.f32 v3, v0;
	v3 =	vmul.f32 v8, v5;
	v5 =	vld.idx.msk [tilespmem:v37+s13+$0x0], $0xffff  }
0x40f: {  	v41 =	vor.u32 v43, v2;
	v8 =	vld [tilespmem:$0x15676]  }
0x410: {  	v37 =	vld [tilespmem:$0x1567A];
	v0 =	vadd.f32 v3, v0;
	v3 =	vmul.f32 v38, v4  }
0x411: {  	v4 =	vld.idx.msk [tilespmem:v40+s13+$0x0], $0xffff  }
0x412: {  	v51 =	vor.u32 v44, v2;
	v0 =	vadd.f32 v3, v0;
	v3 =	vmul.f32 v7, v6;
	v6 =	vld.idx.msk [tilespmem:v12+s13+$0x0], $0xffff  }
0x413: {  	v7 =	vld [tilespmem:$0x15678]  }
0x414: {  	v12 =	vor.u32 v45, v2;
	v0 =	vadd.f32 v3, v0;
	v3 =	vmul.f32 v8, v5;
	v5 =	vld.idx.msk [tilespmem:v41+s13+$0x0], $0xffff  }
0x415: {  	v8 =	vld [tilespmem:$0x15679]  }
0x416: {  	v56 =	vor.u32 v22, v2;
	v41 =	vld [tilespmem:$0x1567D]  }
0x417: {  	v0 =	vadd.f32 v3, v0;
	v3 =	vmul.f32 v42, v4;
	v4 =	vld.idx.msk [tilespmem:v51+s13+$0x0], $0xffff  }
0x418: {  	v38 =	vor.u32 v53, v2;
	v51 =	vld [tilespmem:$0x15680]  }
0x419: {  	v0 =	vadd.f32 v3, v0;
	v3 =	vmul.f32 v7, v6;
	v6 =	vld.idx.msk [tilespmem:v12+s13+$0x0], $0xffff  }
0x41a: {  	v7 =	vld [tilespmem:$0x1567B]  }
0x41b: {  	v12 =	vor.u32 v54, v2;
	v0 =	vadd.f32 v3, v0;
	v3 =	vmul.f32 v8, v5;
	v5 =	vld.idx.msk [tilespmem:v56+s13+$0x0], $0xffff  }
0x41c: {  	v8 =	vld [tilespmem:$0x1567C]  }
0x41d: {  	v40 =	vor.u32 v49, v2;
	v0 =	vadd.f32 v3, v0;
	v3 =	vmul.f32 v37, v4;
	v4 =	vld.idx.msk [tilespmem:v38+s13+$0x0], $0xffff  }
0x41e: {  	v37 =	vld [tilespmem:$0x1FD20]  }
0x41f: {  	v38 =	vld [tilespmem:$0x1568C]  }
0x420: {  	v42 =	vor.u32 v18, v2;
	v0 =	vadd.f32 v3, v0;
	v3 =	vmul.f32 v7, v6;
	v6 =	vld.idx.msk [tilespmem:v12+s13+$0x0], $0xffff  }
0x421: {  	v7 =	vld [tilespmem:$0x1567E];
	v12 =	vor.u32 v36, v2  }
0x422: {  	v0 =	vadd.f32 v3, v0;
	v3 =	vmul.f32 v8, v5;
	v5 =	vld.idx.msk [tilespmem:v40+s13+$0x0], $0xffff  }
0x423: {  	v49 =	vor.u32 v39, v2;
	v8 =	vld [tilespmem:$0x1567F]  }
0x424: {  	v36 =	vld [tilespmem:$0x1FD10];
	v0 =	vadd.f32 v3, v0;
	v3 =	vmul.f32 v41, v4  }
0x425: {  	v63 =	vmov v53;
	v4 =	vld.idx.msk [tilespmem:v42+s13+$0x0], $0xffff  }
0x426: {  	v53 =	vor.u32 v52, v2;
	v0 =	vadd.f32 v3, v0;
	v3 =	vmul.f32 v7, v6;
	v6 =	vld.idx.msk [tilespmem:v12+s13+$0x0], $0xffff  }
0x427: {  	v7 =	vld [tilespmem:$0x15681];
	v12 =	vor.u32 v21, v2  }
0x428: {  	v0 =	vadd.f32 v3, v0;
	v3 =	vmul.f32 v8, v5;
	v5 =	vld.idx.msk [tilespmem:v49+s13+$0x0], $0xffff  }
0x429: {  	v56 =	vor.u32 v19, v2;
	v8 =	vld [tilespmem:$0x15682]  }
0x42a: {  	v39 =	vmovc v29;
	v49 =	vor.u32 v29, v2;
	v29 =	vld [tilespmem:$0x1FCF0];
	v0 =	vadd.f32 v3, v0;
	v3 =	vmul.f32 v51, v4  }
0x42b: {  	v4 =	vld.idx.msk [tilespmem:v53+s13+$0x0], $0xffff  }
0x42c: {  	v42 =	vor.u32 v61, v2;
	v0 =	vadd.f32 v3, v0;
	v3 =	vmul.f32 v7, v6;
	v6 =	vld.idx.msk [tilespmem:v12+s13+$0x0], $0xffff  }
0x42d: {  	v7 =	vld [tilespmem:$0x15684];
	v12 =	vor.u32 v47, v2  }
0x42e: {  	v0 =	vadd.f32 v3, v0;
	v3 =	vmul.f32 v8, v5;
	v5 =	vld.idx.msk [tilespmem:v56+s13+$0x0], $0xffff  }
0x42f: {  	v8 =	vld [tilespmem:$0x15685]  }
0x430: {  	v51 =	vld [tilespmem:$0x15686];
	v0 =	vadd.f32 v3, v0;
	v3 =	vmul.f32 v60, v4  }
0x431: {  	v4 =	vld.idx.msk [tilespmem:v42+s13+$0x0], $0xffff  }
0x432: {  	v52 =	vor.u32 v48, v2;
	v0 =	vadd.f32 v3, v0;
	v3 =	vmul.f32 v7, v6;
	v6 =	vld.idx.msk [tilespmem:v12+s13+$0x0], $0xffff  }
0x433: {  	v7 =	vld [tilespmem:$0x15687];
	v12 =	vor.u32 v37, v2  }
0x434: {  	v0 =	vadd.f32 v3, v0;
	v3 =	vmul.f32 v8, v5;
	v5 =	vld.idx.msk [tilespmem:v49+s13+$0x0], $0xffff  }
0x435: {  	v53 =	vor.u32 v36, v2;
	v8 =	vld [tilespmem:$0x15688]  }
0x436: {  	v56 =	vld [tilespmem:$0x15689];
	v0 =	vadd.f32 v3, v0;
	v3 =	vmul.f32 v51, v4  }
0x437: {  	v4 =	vld.idx.msk [tilespmem:v52+s13+$0x0], $0xffff  }
0x438: {  	v60 =	vor.u32 v26, v2;
	v0 =	vadd.f32 v3, v0;
	v3 =	vmul.f32 v7, v6;
	v6 =	vld.idx.msk [tilespmem:v12+s13+$0x0], $0xffff  }
0x439: {  	v7 =	vld [tilespmem:$0x1568A];
	v12 =	vor.u32 v29, v2  }
0x43a: {  	v0 =	vadd.f32 v3, v0;
	v3 =	vmul.f32 v8, v5;
	v5 =	vld.idx.msk [tilespmem:v53+s13+$0x0], $0xffff  }
0x43b: {  	v61 =	vor.u32 v20, v2;
	v8 =	vld [tilespmem:$0x1568B]  }
0x43c: {  	v41 =	vmov v48;
	v48 =	vld [tilespmem:$0x1568F];
	v0 =	vadd.f32 v3, v0;
	v3 =	vmul.f32 v56, v4  }
0x43d: {  	v4 =	vld.idx.msk [tilespmem:v60+s13+$0x0], $0xffff  }
0x43e: {  	v40 =	vor.u32 v28, v2;
	v0 =	vadd.f32 v3, v0;
	v3 =	vmul.f32 v7, v6;
	v6 =	vld.idx.msk [tilespmem:v12+s13+$0x0], $0xffff  }
0x43f: {  	v7 =	vld [tilespmem:$0x1568D];
	v12 =	vor.u32 v24, v2  }
0x440: {  	v0 =	vadd.f32 v3, v0;
	v3 =	vmul.f32 v8, v5;
	v5 =	vld.idx.msk [tilespmem:v61+s13+$0x0], $0xffff  }
0x441: {  	v42 =	vor.u32 v1, v2;
	v8 =	vld [tilespmem:$0x1568E]  }
0x442: {  	v52 =	vld [tilespmem:$0x1FB20];
	v0 =	vadd.f32 v3, v0;
	v3 =	vmul.f32 v38, v4  }
0x443: {  	v4 =	vld.idx.msk [tilespmem:v40+s13+$0x0], $0xffff  }
0x444: {  	v0 =	vadd.f32 v3, v0;
	v3 =	vmul.f32 v7, v6;
	v6 =	vld.idx.msk [tilespmem:v12+s13+$0x0], $0xffff  }
0x445: {  	v49 =	vor.u32 v55, v2;
	v7 =	vld [tilespmem:$0x15690]  }
0x446: {  	v0 =	vadd.f32 v3, v0;
	v3 =	vmul.f32 v8, v5;
	v5 =	vld.idx.msk [tilespmem:v42+s13+$0x0], $0xffff  }
0x447: {  	v56 =	vor.u32 v25, v2;
	v8 =	vld [tilespmem:$0x15691]  }
0x448: {  	v62 =	vmov v22;
	v22 =	vld [tilespmem:$0x1FB50];
	v0 =	vadd.f32 v3, v0;
	v3 =	vmul.f32 v48, v4  }
0x449: {  	v60 =	vld [tilespmem:$0x15692];
	v12 =	vor.u32 v52, v2  }
0x44a: {  	v4 =	vld.idx.msk [tilespmem:v49+s13+$0x0], $0xffff;
	v0 =	vadd.f32 v3, v0;
	v3 =	vmul.f32 v7, v6  }
0x44b: {  	v61 =	vor.u32 v27, v2;
	v49 =	vmov v27;
	v27 =	vld [tilespmem:$0x1FB30]  }
0x44c: {  	v0 =	vadd.f32 v3, v0;
	v3 =	vmul.f32 v8, v5;
	v5 =	vld.idx.msk [tilespmem:v56+s13+$0x0], $0xffff  }
0x44d: {  	v56 =	vld [tilespmem:$0x1FB40]  }
0x44e: {  	v6 =	vld.idx.msk [tilespmem:v12+s13+$0x0], $0xffff  }
0x44f: {  	v7 =	vld [tilespmem:$0x15693]  }
0x450: {  	v1 =	vld [tilespmem:$0x1FB60];
	v12 =	vor.u32 v27, v2  }
0x451: {  	v8 =	vld [tilespmem:$0x15694]  }
0x452: {  	v40 =	vld [tilespmem:$0x15695];
	v0 =	vadd.f32 v3, v0;
	v3 =	vmul.f32 v60, v4;
	v38 =	vor.u32 v56, v2  }
0x453: {  	v4 =	vld.idx.msk [tilespmem:v61+s13+$0x0], $0xffff  }
0x454: {  	v42 =	vor.u32 v22, v2;
	v0 =	vadd.f32 v3, v0;
	v3 =	vmul.f32 v7, v6;
	v7 =	vld [tilespmem:$0x15696]  }
0x455: {  	v6 =	vld.idx.msk [tilespmem:v12+s13+$0x0], $0xffff;
	v12 =	vor.u32 v23, v2  }
0x456: {  	v0 =	vadd.f32 v3, v0;
	v3 =	vmul.f32 v8, v5;
	v8 =	vld [tilespmem:$0x15697]  }
0x457: {  	v5 =	vld.idx.msk [tilespmem:v38+s13+$0x0], $0xffff  }
0x458: {  	v51 =	vld [tilespmem:$0x15698];
	v0 =	vadd.f32 v3, v0;
	v3 =	vmul.f32 v40, v4  }
0x459: {  	v48 =	vor.u32 v58, v2;
	v4 =	vld.idx.msk [tilespmem:v42+s13+$0x0], $0xffff  }
0x45a: {  	v0 =	vadd.f32 v3, v0;
	v3 =	vmul.f32 v7, v6;
	v6 =	vld.idx.msk [tilespmem:v12+s13+$0x0], $0xffff  }
0x45b: {  	v7 =	vld [tilespmem:$0x15699];
	v12 =	vor.u32 v46, v2  }
0x45c: {  	v38 =	vld [tilespmem:$0x1FD40];
	v0 =	vadd.f32 v3, v0;
	v3 =	vmul.f32 v8, v5;
	_ =	sdelay $0x1  }
0x45d: {  	v53 =	vor.u32 v1, v2;
	v5 =	vld.idx.msk [tilespmem:v48+s13+$0x0], $0xffff;
	v0 =	vadd.f32 v3, v0;
	v3 =	vmul.f32 v51, v4  }
0x45e: {  	v8 =	vld [tilespmem:$0x1569A]  }
0x45f: {  	v0 =	vadd.f32 v3, v0;
	v3 =	vmul.f32 v7, v6;
	v6 =	vld.idx.msk [tilespmem:v12+s13+$0x0], $0xffff  }
0x460: {  	v58 =	vor.u32 v38, v2;
	v12 =	vld [tilespmem:$0x1FCB0]  }
0x461: {  	v60 =	vld [tilespmem:$0x1569B]  }
0x462: {  	v4 =	vld.idx.msk [tilespmem:v53+s13+$0x0], $0xffff  }
0x463: {  	v61 =	vor.u32 v14, v2  }
0x464: {  	v7 =	vld [tilespmem:$0x1569C]  }
0x465: {  	v0 =	vadd.f32 v3, v0;
	v3 =	vmul.f32 v8, v5;
	v5 =	vld.idx.msk [tilespmem:v58+s13+$0x0], $0xffff;
	v2 =	vor.u32 v12, v2  }
0x466: {  	v8 =	vld [tilespmem:$0x1569D]  }
0x467: {  	v40 =	vld [tilespmem:$0x1569E];
	v0 =	vadd.f32 v3, v0;
	v3 =	vmul.f32 v60, v4  }
0x468: {  	v4 =	vld.idx.msk [tilespmem:v61+s13+$0x0], $0xffff  }
0x469: {  	v0 =	vadd.f32 v3, v0;
	v3 =	vmul.f32 v7, v6;
	v6 =	vld [tilespmem:$0x1569F]  }
0x46a: {  	v2 =	vld.idx.msk [tilespmem:v2+s13+$0x0], $0xffff  }
0x46b: {  	v0 =	vadd.f32 v3, v0;
	v3 =	vmul.f32 v8, v5;
	_ =	sdelay $0x1  }
0x46c: {  	v0 =	vadd.f32 v3, v0;
	v3 =	vmul.f32 v40, v4;
	_ =	sdelay $0x1  }
0x46d: {  	p0 =	seq.s32 s25, $0x1F;
	v0 =	vadd.f32 v3, v0;
	v2 =	vmul.f32 v6, v2  }
0x46e: {  	s28 =	smul.u32 @!p0 $0xC80, s25  }
0x46f: {  	v0 =	vadd.f32 v2, v0  }
0x470: {  	s29 =	sshll.u32 s25, $0x2;
	s28 =	sshra.s32 @!p0 s28, $0x2  }
0x471: {  	s31 =	simm.s32 @!p0 $0x190;
	s1 =	simm.s32 @!p0 $0x8400;
	s30 =	sadd.s32 @!p0 $0x2320, s28;
	[tilespmem:v57+s20+$0x0] =	vst.idx.msk $0xffff, v0  }
0x472: {  	[tilespmem:s1], [sflag:$0x1] =	stream.indirect.gather @!p0 [hbm4b:s4+s31], $0x40, s30, s31, $0xb8;
	[tilespmem:$0x156E0] =	vst v63  }
0x473: {  	s1 =	sadd.s32 s6, s29  }
0x474: {  	s0 =	simm.s32 @!p0 $0x15000;
	s1 =	smul.u32 $0x19, s1  }
0x475: {  	[tilespmem:s0], [sflag:$0x3] =	stream.indirect.gather @!p0 [hbm4b:s2+s31], $0x1, s30, s31, $0xb8;
	[tilespmem:$0x156E0] =	vst v63  }
0x476: {  	s31 =	sadd.s32 s5, s1;
	s1 =	simm.s32 $0x0  }
0x477: {  	[hbm4b:s31+s1] =	stream.linear.scatter [tilespmem:s20], [sflag:$0x5], $0x190, $0x38;
	[tilespmem:$0x156E0] =	vst v63  }
0x478: {  	_ =	swait.ge [sflag:s10], $0x190  }
0x479: {  	[sflag:s10] =	ssyncset.done $0x0  }
0x47a: {  	[sflag:s10] =	ssyncadd.s32 $0xFFFFFE70  }
0x47b: {  	_ =	swait.ge [sflag:s21], $0x6400  }
0x47c: {  	[sflag:s21] =	ssyncset.done $0x0  }
0x47d: {  	[sflag:s21] =	ssyncadd.s32 $0xFFFF9C00  }
0x47e: {  	s29 =	sor.u32 $0x2, s29;
	_ =	swait.ge [sflag:s22], $0x190  }
0x47f: {  	s31 =	sshll.u32 s29, $0x6;
	[sflag:s22] =	ssyncset.done $0x0  }
0x480: {  	s0 =	sand.u32 $0x3FFFFFC0, s31;
	[sflag:s22] =	ssyncadd.s32 $0xFFFFFE70  }
0x481: {  	v0 =	vld [tilespmem:s0+$0x0];
	_ =	sdelay $0x4  }
0x482: {  	[tilespmem:$0x15660] =	vst v0  }
0x483: {  	[tilespmem:$0x156A0] =	vst v0  }
0x484: {  	v0 =	vld [tilespmem:s0+$0x10];
	_ =	sdelay $0x4  }
0x485: {  	[tilespmem:$0x15670] =	vst v0  }
0x486: {  	[tilespmem:$0x156B0] =	vst v0  }
0x487: {  	v0 =	vld [tilespmem:s0+$0x20]  }
0x488: {  	v23 =	vmov v14;
	v14 =	vld [tilespmem:$0x1FCA0]  }
0x489: {  	v6 =	vld [tilespmem:$0x1FD50]  }
0x48a: {  	v8 =	vld [tilespmem:$0x1FD90]  }
0x48b: {  	v48 =	vld [tilespmem:$0x1FD60]  }
0x48c: {  	v12 =	vld [tilespmem:$0x1FD70];
	[tilespmem:$0x15680] =	vst v0  }
0x48d: {  	v57 =	vld [tilespmem:$0x1FDA0];
	[tilespmem:$0x156C0] =	vst v0  }
0x48e: {  	v2 =	vor.u32 s1, v13;
	v3 =	vld [tilespmem:s0+$0x30]  }
0x48f: {  	v61 =	vld [tilespmem:$0x1FDD0];
	v0 =	vand.u32 v14, v2;
	v2 =	vshll.u32 v2, $0x6  }
0x490: {  	v1 =	vld [tilespmem:$0x1FFA0];
	v4 =	vor.u32 v13, v2  }
0x491: {  	v7 =	vld [tilespmem:$0x15660]  }
0x492: {  	v42 =	vld [tilespmem:$0x15661];
	v5 =	vor.u32 v15, v2  }
0x493: {  	v51 =	vld [tilespmem:$0x15662];
	[tilespmem:$0x15690] =	vst v3  }
0x494: {  	v6 =	vor.u32 v6, v2;
	v13 =	vld [tilespmem:$0x1FD80];
	[tilespmem:$0x156D0] =	vst v3  }
0x495: {  	v8 =	vor.u32 v8, v2;
	v4 =	vld.idx.msk [tilespmem:v4+s16+$0x0], $0xffff  }
0x496: {  	v3 =	vld.idx.msk [tilespmem:v0+s17+$0x0], $0xffff  }
0x497: {  	v5 =	vld.idx.msk [tilespmem:v5+s16+$0x0], $0xffff  }
0x498: {  	v53 =	vld [tilespmem:$0x15664]  }
0x499: {  	v12 =	vor.u32 v12, v2;
	v6 =	vld.idx.msk [tilespmem:v6+s16+$0x0], $0xffff  }
0x49a: {  	v4 =	vmul.f32 v7, v4;
	v7 =	vld.idx.msk [tilespmem:v8+s16+$0x0], $0xffff  }
0x49b: {  	v13 =	vor.u32 v13, v2;
	v8 =	vld [tilespmem:$0x15663]  }
0x49c: {  	v58 =	vld [tilespmem:$0x15665];
	v3 =	vadd.f32 v4, v3;
	v4 =	vmul.f32 v42, v5  }
0x49d: {  	v60 =	vld [tilespmem:$0x15667];
	v10 =	vor.u32 v48, v2  }
0x49e: {  	v3 =	vadd.f32 v4, v3;
	v4 =	vmul.f32 v51, v6;
	v6 =	vld.idx.msk [tilespmem:v12+s16+$0x0], $0xffff  }
0x49f: {  	v12 =	vld [tilespmem:$0x1FDB0]  }
0x4a0: {  	v3 =	vadd.f32 v4, v3;
	v4 =	vmul.f32 v8, v7;
	v7 =	vld.idx.msk [tilespmem:v13+s16+$0x0], $0xffff  }
0x4a1: {  	v13 =	vld [tilespmem:$0x1FDC0]  }
0x4a2: {  	v5 =	vld.idx.msk [tilespmem:v10+s16+$0x0], $0xffff  }
0x4a3: {  	v40 =	vld [tilespmem:$0x15668];
	v10 =	vor.u32 v57, v2  }
0x4a4: {  	v48 =	vld [tilespmem:$0x1FF90];
	v12 =	vor.u32 v12, v2  }
0x4a5: {  	v9 =	vld [tilespmem:$0x15685]  }
0x4a6: {  	v8 =	vld [tilespmem:$0x15666];
	v13 =	vor.u32 v13, v2  }
0x4a7: {  	v42 =	vld [tilespmem:$0x1566A];
	v3 =	vadd.f32 v4, v3;
	v4 =	vmul.f32 v53, v5  }
0x4a8: {  	v5 =	vld.idx.msk [tilespmem:v10+s16+$0x0], $0xffff  }
0x4a9: {  	v3 =	vadd.f32 v4, v3;
	v4 =	vmul.f32 v58, v6;
	v6 =	vld.idx.msk [tilespmem:v12+s16+$0x0], $0xffff  }
0x4aa: {  	v12 =	vld [tilespmem:$0x1FDE0]  }
0x4ab: {  	v3 =	vadd.f32 v4, v3;
	v4 =	vmul.f32 v8, v7;
	v7 =	vld.idx.msk [tilespmem:v13+s16+$0x0], $0xffff  }
0x4ac: {  	v13 =	vld [tilespmem:$0x1FDF0]  }
0x4ad: {  	v57 =	vld [tilespmem:$0x1FF80];
	v10 =	vor.u32 v61, v2  }
0x4ae: {  	v51 =	vld [tilespmem:$0x1566B]  }
0x4af: {  	v53 =	vld [tilespmem:$0x1566D];
	v12 =	vor.u32 v12, v2  }
0x4b0: {  	v8 =	vld [tilespmem:$0x15669]  }
0x4b1: {  	v61 =	vld [tilespmem:$0x15670];
	v3 =	vadd.f32 v4, v3;
	v4 =	vmul.f32 v60, v5;
	v13 =	vor.u32 v13, v2  }
0x4b2: {  	v5 =	vld.idx.msk [tilespmem:v10+s16+$0x0], $0xffff  }
0x4b3: {  	v10 =	vor.u32 v48, v2;
	v60 =	vld [tilespmem:$0x1566E];
	v3 =	vadd.f32 v4, v3;
	v4 =	vmul.f32 v40, v6  }
0x4b4: {  	v6 =	vld.idx.msk [tilespmem:v12+s16+$0x0], $0xffff  }
0x4b5: {  	v3 =	vadd.f32 v4, v3;
	v4 =	vmul.f32 v8, v7;
	v8 =	vld [tilespmem:$0x1566C];
	v12 =	vor.u32 v57, v2  }
0x4b6: {  	v7 =	vld.idx.msk [tilespmem:v13+s16+$0x0], $0xffff;
	v13 =	vor.u32 v17, v2  }
0x4b7: {  	v48 =	vld [tilespmem:$0x15673];
	v3 =	vadd.f32 v4, v3;
	v4 =	vmul.f32 v42, v5  }
0x4b8: {  	v58 =	vor.u32 v30, v2;
	v5 =	vld.idx.msk [tilespmem:v10+s16+$0x0], $0xffff  }
0x4b9: {  	v42 =	vld [tilespmem:$0x15671];
	v3 =	vadd.f32 v4, v3;
	v4 =	vmul.f32 v51, v6  }
0x4ba: {  	v6 =	vld.idx.msk [tilespmem:v12+s16+$0x0], $0xffff  }
0x4bb: {  	v12 =	vor.u32 v31, v2;
	v3 =	vadd.f32 v4, v3;
	v4 =	vmul.f32 v8, v7;
	v7 =	vld.idx.msk [tilespmem:v13+s16+$0x0], $0xffff  }
0x4bc: {  	v8 =	vld [tilespmem:$0x1566F];
	v13 =	vor.u32 v32, v2  }
0x4bd: {  	v3 =	vadd.f32 v4, v3;
	v4 =	vmul.f32 v53, v5;
	v5 =	vld.idx.msk [tilespmem:v58+s16+$0x0], $0xffff  }
0x4be: {  	v53 =	vld [tilespmem:$0x15674]  }
0x4bf: {  	v40 =	vor.u32 v33, v2;
	v58 =	vld [tilespmem:$0x15676];
	v3 =	vadd.f32 v4, v3;
	v4 =	vmul.f32 v60, v6  }
0x4c0: {  	v6 =	vld.idx.msk [tilespmem:v12+s16+$0x0], $0xffff  }
0x4c1: {  	v12 =	vor.u32 v34, v2;
	v3 =	vadd.f32 v4, v3;
	v4 =	vmul.f32 v8, v7;
	v7 =	vld.idx.msk [tilespmem:v13+s16+$0x0], $0xffff  }
0x4c2: {  	v8 =	vld [tilespmem:$0x15672];
	v13 =	vor.u32 v35, v2  }
0x4c3: {  	v60 =	vld [tilespmem:$0x15677];
	v3 =	vadd.f32 v4, v3;
	v4 =	vmul.f32 v61, v5  }
0x4c4: {  	v5 =	vld.idx.msk [tilespmem:v40+s16+$0x0], $0xffff  }
0x4c5: {  	v51 =	vor.u32 v16, v2;
	v61 =	vld [tilespmem:$0x15679];
	v3 =	vadd.f32 v4, v3;
	v4 =	vmul.f32 v42, v6  }
0x4c6: {  	v6 =	vld.idx.msk [tilespmem:v12+s16+$0x0], $0xffff  }
0x4c7: {  	v12 =	vor.u32 v59, v2;
	v3 =	vadd.f32 v4, v3;
	v4 =	vmul.f32 v8, v7;
	v7 =	vld.idx.msk [tilespmem:v13+s16+$0x0], $0xffff  }
0x4c8: {  	v8 =	vld [tilespmem:$0x15675];
	v13 =	vor.u32 v50, v2  }
0x4c9: {  	v40 =	vld [tilespmem:$0x1567A];
	v3 =	vadd.f32 v4, v3;
	v4 =	vmul.f32 v48, v5  }
0x4ca: {  	v42 =	vmov v59;
	v59 =	vor.u32 v43, v2;
	v5 =	vld.idx.msk [tilespmem:v51+s16+$0x0], $0xffff  }
0x4cb: {  	v48 =	vld [tilespmem:$0x1567C];
	v3 =	vadd.f32 v4, v3;
	v4 =	vmul.f32 v53, v6  }
0x4cc: {  	v6 =	vld.idx.msk [tilespmem:v12+s16+$0x0], $0xffff;
	v12 =	vor.u32 v44, v2  }
0x4cd: {  	v3 =	vadd.f32 v4, v3;
	v4 =	vmul.f32 v8, v7;
	v7 =	vld.idx.msk [tilespmem:v13+s16+$0x0], $0xffff  }
0x4ce: {  	v8 =	vld [tilespmem:$0x15678]  }
0x4cf: {  	v13 =	vor.u32 v45, v2;
	v3 =	vadd.f32 v4, v3;
	v4 =	vmul.f32 v58, v5;
	v5 =	vld.idx.msk [tilespmem:v59+s16+$0x0], $0xffff  }
0x4d0: {  	v53 =	vmov v62;
	v58 =	vld [tilespmem:$0x1FE00]  }
0x4d1: {  	v62 =	vor.u32 v62, v2;
	v3 =	vadd.f32 v4, v3;
	v4 =	vmul.f32 v60, v6;
	v6 =	vld.idx.msk [tilespmem:v12+s16+$0x0], $0xffff  }
0x4d2: {  	v60 =	vld [tilespmem:$0x1FE10]  }
0x4d3: {  	v59 =	vmov v63;
	v12 =	vor.u32 v63, v2;
	v63 =	vld [tilespmem:$0x1FE50]  }
0x4d4: {  	v3 =	vadd.f32 v4, v3;
	v4 =	vmul.f32 v8, v7;
	v7 =	vld.idx.msk [tilespmem:v13+s16+$0x0], $0xffff  }
0x4d5: {  	v8 =	vld [tilespmem:$0x1567B]  }
0x4d6: {  	v3 =	vadd.f32 v4, v3;
	v4 =	vmul.f32 v61, v5;
	v5 =	vld.idx.msk [tilespmem:v62+s16+$0x0], $0xffff  }
0x4d7: {  	v13 =	vor.u32 v54, v2;
	v61 =	vld [tilespmem:$0x1FE20]  }
0x4d8: {  	v62 =	vld [tilespmem:$0x1FE30]  }
0x4d9: {  	v51 =	vor.u32 v58, v2;
	v3 =	vadd.f32 v4, v3;
	v4 =	vmul.f32 v40, v6;
	v6 =	vld.idx.msk [tilespmem:v12+s16+$0x0], $0xffff  }
0x4da: {  	v40 =	vld [tilespmem:$0x1567D]  }
0x4db: {  	v21 =	vmov v16;
	v16 =	vmov v18;
	v12 =	vor.u32 v18, v2;
	v18 =	vld [tilespmem:$0x1FE40]  }
0x4dc: {  	v3 =	vadd.f32 v4, v3;
	v4 =	vmul.f32 v8, v7;
	v7 =	vld.idx.msk [tilespmem:v13+s16+$0x0], $0xffff  }
0x4dd: {  	v8 =	vld [tilespmem:$0x1567E];
	v13 =	vor.u32 v60, v2  }
0x4de: {  	v3 =	vadd.f32 v4, v3;
	v4 =	vmul.f32 v48, v5;
	v5 =	vld.idx.msk [tilespmem:v51+s16+$0x0], $0xffff  }
0x4df: {  	v48 =	vld [tilespmem:$0x1567F];
	v51 =	vor.u32 v61, v2  }
0x4e0: {  	v3 =	vadd.f32 v4, v3;
	v4 =	vmul.f32 v40, v6;
	v6 =	vld.idx.msk [tilespmem:v12+s16+$0x0], $0xffff  }
0x4e1: {  	v40 =	vld [tilespmem:$0x15680];
	v12 =	vor.u32 v62, v2  }
0x4e2: {  	v3 =	vadd.f32 v4, v3;
	v4 =	vmul.f32 v8, v7;
	v7 =	vld.idx.msk [tilespmem:v13+s16+$0x0], $0xffff  }
0x4e3: {  	v8 =	vld [tilespmem:$0x15681];
	v13 =	vor.u32 v18, v2  }
0x4e4: {  	v3 =	vadd.f32 v4, v3;
	v4 =	vmul.f32 v48, v5;
	v5 =	vld.idx.msk [tilespmem:v51+s16+$0x0], $0xffff  }
0x4e5: {  	v48 =	vld [tilespmem:$0x15682];
	v51 =	vor.u32 v19, v2  }
0x4e6: {  	v3 =	vadd.f32 v4, v3;
	v4 =	vmul.f32 v40, v6;
	v6 =	vld.idx.msk [tilespmem:v12+s16+$0x0], $0xffff  }
0x4e7: {  	v40 =	vld [tilespmem:$0x15683];
	v12 =	vor.u32 v63, v2  }
0x4e8: {  	v3 =	vadd.f32 v4, v3;
	v4 =	vmul.f32 v8, v7;
	v7 =	vld.idx.msk [tilespmem:v13+s16+$0x0], $0xffff  }
0x4e9: {  	v8 =	vld [tilespmem:$0x15684];
	v13 =	vor.u32 v47, v2  }
0x4ea: {  	v3 =	vadd.f32 v4, v3;
	v4 =	vmul.f32 v48, v5;
	v5 =	vld.idx.msk [tilespmem:v51+s16+$0x0], $0xffff  }
0x4eb: {  	v48 =	vmov v39;
	v51 =	vld [tilespmem:$0x15688]  }
0x4ec: {  	v39 =	vor.u32 v39, v2;
	v3 =	vadd.f32 v4, v3;
	v4 =	vmul.f32 v40, v6;
	v6 =	vld.idx.msk [tilespmem:v12+s16+$0x0], $0xffff  }
0x4ed: {  	v40 =	vld [tilespmem:$0x15686]  }
0x4ee: {  	v3 =	vadd.f32 v4, v3;
	v4 =	vmul.f32 v8, v7;
	v7 =	vld.idx.msk [tilespmem:v13+s16+$0x0], $0xffff  }
0x4ef: {  	v12 =	vor.u32 v41, v2;
	v8 =	vld [tilespmem:$0x15687]  }
0x4f0: {  	v13 =	vor.u32 v37, v2;
	v37 =	vor.u32 v36, v2;
	v36 =	vld [tilespmem:$0x1568C]  }
0x4f1: {  	v3 =	vadd.f32 v4, v3;
	v4 =	vmul.f32 v9, v5;
	v5 =	vld.idx.msk [tilespmem:v39+s16+$0x0], $0xffff  }
0x4f2: {  	v39 =	vld [tilespmem:$0x15689]  }
0x4f3: {  	v9 =	vld [tilespmem:$0x1568E]  }
0x4f4: {  	v3 =	vadd.f32 v4, v3;
	v4 =	vmul.f32 v40, v6;
	v6 =	vld.idx.msk [tilespmem:v12+s16+$0x0], $0xffff  }
0x4f5: {  	v40 =	vld [tilespmem:$0x1568B]  }
0x4f6: {  	v12 =	vor.u32 v26, v2;
	v26 =	vld [tilespmem:$0x1FDA0]  }
0x4f7: {  	v3 =	vadd.f32 v4, v3;
	v4 =	vmul.f32 v8, v7;
	v7 =	vld.idx.msk [tilespmem:v13+s16+$0x0], $0xffff  }
0x4f8: {  	v8 =	vld [tilespmem:$0x1568A]  }
0x4f9: {  	v13 =	vor.u32 v29, v2;
	v29 =	vld [tilespmem:$0x1FDC0];
	v3 =	vadd.f32 v4, v3;
	v4 =	vmul.f32 v51, v5  }
0x4fa: {  	v5 =	vld.idx.msk [tilespmem:v37+s16+$0x0], $0xffff  }
0x4fb: {  	v41 =	vor.u32 v20, v2;
	v51 =	vmovc v20;
	v20 =	vld [tilespmem:$0x1FFF0];
	v3 =	vadd.f32 v4, v3;
	v4 =	vmul.f32 v39, v6  }
0x4fc: {  	v6 =	vld.idx.msk [tilespmem:v12+s16+$0x0], $0xffff  }
0x4fd: {  	v12 =	vor.u32 v28, v2;
	v28 =	vld [tilespmem:$0x1FD90];
	v3 =	vadd.f32 v4, v3;
	v4 =	vmul.f32 v8, v7  }
0x4fe: {  	v7 =	vld.idx.msk [tilespmem:v13+s16+$0x0], $0xffff  }
0x4ff: {  	v3 =	vadd.f32 v4, v3;
	v4 =	vmul.f32 v40, v5;
	v40 =	vld [tilespmem:$0x1FE60]  }
0x500: {  	v8 =	vld [tilespmem:$0x1568D]  }
0x501: {  	v25 =	vmov v49;
	v49 =	vmov v24;
	v13 =	vor.u32 v24, v2;
	v24 =	vld [tilespmem:$0x1FD70]  }
0x502: {  	v5 =	vld.idx.msk [tilespmem:v41+s16+$0x0], $0xffff  }
0x503: {  	v3 =	vadd.f32 v4, v3;
	v4 =	vmul.f32 v36, v6;
	v6 =	vld.idx.msk [tilespmem:v12+s16+$0x0], $0xffff  }
0x504: {  	v36 =	vld [tilespmem:$0x1568F];
	v37 =	vor.u32 v40, v2  }
0x505: {  	v41 =	vmov v55;
	v12 =	vor.u32 v55, v2;
	v55 =	vld [tilespmem:$0x1FE80]  }
0x506: {  	v3 =	vadd.f32 v4, v3;
	v4 =	vmul.f32 v8, v7;
	v7 =	vld.idx.msk [tilespmem:v13+s16+$0x0], $0xffff  }
0x507: {  	v8 =	vld [tilespmem:$0x15690]  }
0x508: {  	v13 =	vor.u32 v52, v2;
	v52 =	vld [tilespmem:$0x15695]  }
0x509: {  	v3 =	vadd.f32 v4, v3;
	v4 =	vmul.f32 v9, v5;
	v5 =	vld.idx.msk [tilespmem:v37+s16+$0x0], $0xffff  }
0x50a: {  	v39 =	vor.u32 v20, v2;
	v37 =	vld [tilespmem:$0x15691]  }
0x50b: {  	v3 =	vadd.f32 v4, v3;
	v4 =	vmul.f32 v36, v6;
	v6 =	vld.idx.msk [tilespmem:v12+s16+$0x0], $0xffff  }
0x50c: {  	v36 =	vld [tilespmem:$0x15692]  }
0x50d: {  	v12 =	vor.u32 v25, v2;
	v3 =	vadd.f32 v4, v3;
	v4 =	vmul.f32 v8, v7;
	v7 =	vld.idx.msk [tilespmem:v13+s16+$0x0], $0xffff  }
0x50e: {  	v8 =	vld [tilespmem:$0x15693]  }
0x50f: {  	v13 =	vor.u32 v27, v2;
	v3 =	vadd.f32 v4, v3;
	v4 =	vmul.f32 v37, v5;
	v5 =	vld.idx.msk [tilespmem:v39+s16+$0x0], $0xffff  }
0x510: {  	v37 =	vld [tilespmem:$0x15694]  }
0x511: {  	v9 =	vld [tilespmem:$0x15697];
	v39 =	vor.u32 v56, v2;
	v3 =	vadd.f32 v4, v3;
	v4 =	vmul.f32 v36, v6  }
0x512: {  	v6 =	vld.idx.msk [tilespmem:v12+s16+$0x0], $0xffff;
	v12 =	vor.u32 v22, v2  }
0x513: {  	v25 =	vld [tilespmem:$0x1FD80];
	v3 =	vadd.f32 v4, v3;
	v4 =	vmul.f32 v8, v7  }
0x514: {  	v7 =	vld.idx.msk [tilespmem:v13+s16+$0x0], $0xffff  }
0x515: {  	v8 =	vld [tilespmem:$0x15696];
	v13 =	vor.u32 v1, v2;
	v3 =	vadd.f32 v4, v3;
	v4 =	vmul.f32 v37, v5  }
0x516: {  	v5 =	vld.idx.msk [tilespmem:v39+s16+$0x0], $0xffff  }
0x517: {  	v56 =	vor.u32 v55, v2;
	v3 =	vadd.f32 v4, v3;
	v4 =	vmul.f32 v52, v6;
	v6 =	vld.idx.msk [tilespmem:v12+s16+$0x0], $0xffff  }
0x518: {  	v12 =	vld [tilespmem:$0x1FB60]  }
0x519: {  	v52 =	vld [tilespmem:$0x15698]  }
0x51a: {  	v3 =	vadd.f32 v4, v3;
	v4 =	vmul.f32 v8, v7;
	v7 =	vld.idx.msk [tilespmem:v13+s16+$0x0], $0xffff  }
0x51b: {  	v8 =	vld [tilespmem:$0x15699]  }
0x51c: {  	v3 =	vadd.f32 v4, v3;
	v4 =	vmul.f32 v9, v5;
	v5 =	vld.idx.msk [tilespmem:v56+s16+$0x0], $0xffff  }
0x51d: {  	v56 =	vld [tilespmem:$0x1569A];
	v12 =	vor.u32 v12, v2  }
0x51e: {  	v27 =	vld [tilespmem:$0x1FDB0];
	v13 =	vor.u32 v46, v2;
	v3 =	vadd.f32 v4, v3;
	v4 =	vmul.f32 v52, v6  }
0x51f: {  	v22 =	vld [tilespmem:$0x1FD50]  }
0x520: {  	v39 =	vld [tilespmem:$0x1569B];
	v3 =	vadd.f32 v4, v3;
	v4 =	vmul.f32 v8, v7  }
0x521: {  	v37 =	vmov v46;
	v46 =	vld [tilespmem:$0x1569D]  }
0x522: {  	v6 =	vld.idx.msk [tilespmem:v12+s16+$0x0], $0xffff;
	v12 =	vor.u32 v23, v2;
	v3 =	vadd.f32 v4, v3;
	v4 =	vmul.f32 v56, v5  }
0x523: {  	v36 =	vor.u32 v38, v2;
	v7 =	vld.idx.msk [tilespmem:v13+s16+$0x0], $0xffff  }
0x524: {  	v3 =	vadd.f32 v4, v3;
	v4 =	vld [tilespmem:$0x1FCB0]  }
0x525: {  	v8 =	vld [tilespmem:$0x1569C]  }
0x526: {  	v56 =	vld [tilespmem:$0x1569E]  }
0x527: {  	v52 =	vld.idx.msk [tilespmem:v12+s16+$0x0], $0xffff  }
0x528: {  	v5 =	vld.idx.msk [tilespmem:v36+s16+$0x0], $0xffff  }
0x529: {  	v23 =	vld [tilespmem:$0x1FD60];
	v2 =	vor.u32 v4, v2;
	v4 =	vmul.f32 v39, v6  }
0x52a: {  	v36 =	vld [tilespmem:$0x1FDD0]  }
0x52b: {  	v39 =	vld [tilespmem:$0x1FDE0];
	v3 =	vadd.f32 v4, v3;
	v4 =	vmul.f32 v8, v7  }
0x52c: {  	v7 =	vmul.f32 v56, v52;
	v52 =	vld [tilespmem:$0x1FDF0]  }
0x52d: {  	s31 =	simm.s32 $0x10;
	v13 =	vlaneseq.u32;
	v5 =	vmul.f32 v46, v5;
	v56 =	vld [tilespmem:$0x1FF90];
	v3 =	vadd.f32 v4, v3  }
0x52e: {  	v4 =	vld.idx.msk [tilespmem:v2+s16+$0x0], $0xffff;
	v2 =	vor.u32 s31, v13  }
0x52f: {  	s30 =	simm.s32 $0x20;
	v46 =	vmov v1;
	v6 =	vadd.f32 v5, v3;
	v5 =	vld [tilespmem:$0x1569F];
	v3 =	vand.u32 v14, v2  }
.LBB2_7:
0x530: {  	_ =	sdelay $0x3  }
0x531: {  	v2 =	vshll.u32 v2, $0x6;
	v6 =	vadd.f32 v7, v6;
	v4 =	vmul.f32 v5, v4  }
0x532: {  	v5 =	vor.u32 v13, v2  }
0x533: {  	v4 =	vadd.f32 v4, v6;
	_ =	sdelay $0x1  }
0x534: {  	v6 =	vor.u32 v15, v2;
	[tilespmem:v0+s23+$0x0] =	vst.idx.msk $0xffff, v4  }
0x535: {  	v0 =	vmov v3;
	v3 =	vld.idx.msk [tilespmem:v3+s17+$0x0], $0xffff  }
0x536: {  	v4 =	vor.u32 v22, v2;
	v5 =	vld.idx.msk [tilespmem:v5+s16+$0x0], $0xffff  }
0x537: {  	v8 =	vor.u32 v28, v2;
	v7 =	vld [tilespmem:$0x15660]  }
0x538: {  	v9 =	vld [tilespmem:$0x15661]  }
0x539: {  	v10 =	vor.u32 v23, v2;
	v6 =	vld.idx.msk [tilespmem:v6+s16+$0x0], $0xffff  }
0x53a: {  	v11 =	vld [tilespmem:$0x15662]  }
0x53b: {  	v12 =	vor.u32 v24, v2;
	v4 =	vld.idx.msk [tilespmem:v4+s16+$0x0], $0xffff  }
0x53c: {  	v5 =	vmul.f32 v7, v5;
	v7 =	vld.idx.msk [tilespmem:v8+s16+$0x0], $0xffff  }
0x53d: {  	v13 =	vor.u32 v25, v2;
	v8 =	vld [tilespmem:$0x15663]  }
0x53e: {  	v3 =	vadd.f32 v5, v3;
	v5 =	vmul.f32 v9, v6;
	v6 =	vld.idx.msk [tilespmem:v10+s16+$0x0], $0xffff  }
0x53f: {  	v9 =	vld [tilespmem:$0x15664];
	v10 =	vor.u32 v26, v2  }
0x540: {  	v3 =	vadd.f32 v5, v3;
	v4 =	vmul.f32 v11, v4;
	v5 =	vld.idx.msk [tilespmem:v12+s16+$0x0], $0xffff  }
0x541: {  	v11 =	vld [tilespmem:$0x15665];
	v12 =	vor.u32 v27, v2  }
0x542: {  	v3 =	vadd.f32 v4, v3;
	v4 =	vmul.f32 v8, v7;
	v7 =	vld.idx.msk [tilespmem:v13+s16+$0x0], $0xffff  }
0x543: {  	v8 =	vld [tilespmem:$0x15666];
	v13 =	vor.u32 v29, v2  }
0x544: {  	v3 =	vadd.f32 v4, v3;
	v4 =	vmul.f32 v9, v6;
	v6 =	vld.idx.msk [tilespmem:v10+s16+$0x0], $0xffff  }
0x545: {  	v9 =	vld [tilespmem:$0x15667];
	v10 =	vor.u32 v36, v2  }
0x546: {  	v3 =	vadd.f32 v4, v3;
	v4 =	vmul.f32 v11, v5;
	v5 =	vld.idx.msk [tilespmem:v12+s16+$0x0], $0xffff  }
0x547: {  	v11 =	vld [tilespmem:$0x15668];
	v12 =	vor.u32 v39, v2  }
0x548: {  	v3 =	vadd.f32 v4, v3;
	v4 =	vmul.f32 v8, v7;
	v7 =	vld.idx.msk [tilespmem:v13+s16+$0x0], $0xffff  }
0x549: {  	v8 =	vld [tilespmem:$0x15669];
	v13 =	vor.u32 v52, v2  }
0x54a: {  	v3 =	vadd.f32 v4, v3;
	v4 =	vmul.f32 v9, v6;
	v6 =	vld.idx.msk [tilespmem:v10+s16+$0x0], $0xffff  }
0x54b: {  	v9 =	vld [tilespmem:$0x1566A];
	v10 =	vor.u32 v56, v2  }
0x54c: {  	v3 =	vadd.f32 v4, v3;
	v4 =	vmul.f32 v11, v5;
	v5 =	vld.idx.msk [tilespmem:v12+s16+$0x0], $0xffff  }
0x54d: {  	v11 =	vld [tilespmem:$0x1566B];
	v12 =	vor.u32 v57, v2  }
0x54e: {  	v3 =	vadd.f32 v4, v3;
	v4 =	vmul.f32 v8, v7;
	v7 =	vld.idx.msk [tilespmem:v13+s16+$0x0], $0xffff  }
0x54f: {  	v8 =	vld [tilespmem:$0x1566C];
	v13 =	vor.u32 v17, v2  }
0x550: {  	v3 =	vadd.f32 v4, v3;
	v4 =	vmul.f32 v9, v6;
	v6 =	vld.idx.msk [tilespmem:v10+s16+$0x0], $0xffff  }
0x551: {  	v9 =	vld [tilespmem:$0x1566D];
	v10 =	vor.u32 v30, v2  }
0x552: {  	v3 =	vadd.f32 v4, v3;
	v4 =	vmul.f32 v11, v5;
	v5 =	vld.idx.msk [tilespmem:v12+s16+$0x0], $0xffff  }
0x553: {  	v11 =	vld [tilespmem:$0x1566E];
	v12 =	vor.u32 v31, v2  }
0x554: {  	v3 =	vadd.f32 v4, v3;
	v4 =	vmul.f32 v8, v7;
	v7 =	vld.idx.msk [tilespmem:v13+s16+$0x0], $0xffff  }
0x555: {  	v8 =	vld [tilespmem:$0x1566F];
	v13 =	vor.u32 v32, v2  }
0x556: {  	v3 =	vadd.f32 v4, v3;
	v4 =	vmul.f32 v9, v6;
	v6 =	vld.idx.msk [tilespmem:v10+s16+$0x0], $0xffff  }
0x557: {  	v9 =	vld [tilespmem:$0x15670];
	v10 =	vor.u32 v33, v2  }
0x558: {  	v3 =	vadd.f32 v4, v3;
	v4 =	vmul.f32 v11, v5;
	v5 =	vld.idx.msk [tilespmem:v12+s16+$0x0], $0xffff  }
0x559: {  	v11 =	vld [tilespmem:$0x15671];
	v12 =	vor.u32 v34, v2  }
0x55a: {  	v3 =	vadd.f32 v4, v3;
	v4 =	vmul.f32 v8, v7;
	v7 =	vld.idx.msk [tilespmem:v13+s16+$0x0], $0xffff  }
0x55b: {  	v8 =	vld [tilespmem:$0x15672];
	v13 =	vor.u32 v35, v2  }
0x55c: {  	v3 =	vadd.f32 v4, v3;
	v4 =	vmul.f32 v9, v6;
	v6 =	vld.idx.msk [tilespmem:v10+s16+$0x0], $0xffff  }
0x55d: {  	v9 =	vld [tilespmem:$0x15673];
	v10 =	vor.u32 v21, v2  }
0x55e: {  	v3 =	vadd.f32 v4, v3;
	v4 =	vmul.f32 v11, v5;
	v5 =	vld.idx.msk [tilespmem:v12+s16+$0x0], $0xffff  }
0x55f: {  	v11 =	vld [tilespmem:$0x15674];
	v12 =	vor.u32 v42, v2  }
0x560: {  	v3 =	vadd.f32 v4, v3;
	v4 =	vmul.f32 v8, v7;
	v7 =	vld.idx.msk [tilespmem:v13+s16+$0x0], $0xffff  }
0x561: {  	v8 =	vld [tilespmem:$0x15675];
	v13 =	vor.u32 v50, v2  }
0x562: {  	v3 =	vadd.f32 v4, v3;
	v4 =	vmul.f32 v9, v6;
	v6 =	vld.idx.msk [tilespmem:v10+s16+$0x0], $0xffff  }
0x563: {  	v9 =	vld [tilespmem:$0x15676];
	v10 =	vor.u32 v43, v2  }
0x564: {  	v3 =	vadd.f32 v4, v3;
	v4 =	vmul.f32 v11, v5;
	v5 =	vld.idx.msk [tilespmem:v12+s16+$0x0], $0xffff  }
0x565: {  	v11 =	vld [tilespmem:$0x15677];
	v12 =	vor.u32 v44, v2  }
0x566: {  	v3 =	vadd.f32 v4, v3;
	v4 =	vmul.f32 v8, v7;
	v7 =	vld.idx.msk [tilespmem:v13+s16+$0x0], $0xffff  }
0x567: {  	v8 =	vld [tilespmem:$0x15678];
	v13 =	vor.u32 v45, v2  }
0x568: {  	v3 =	vadd.f32 v4, v3;
	v4 =	vmul.f32 v9, v6;
	v6 =	vld.idx.msk [tilespmem:v10+s16+$0x0], $0xffff  }
0x569: {  	v9 =	vld [tilespmem:$0x15679];
	v10 =	vor.u32 v53, v2  }
0x56a: {  	v3 =	vadd.f32 v4, v3;
	v4 =	vmul.f32 v11, v5;
	v5 =	vld.idx.msk [tilespmem:v12+s16+$0x0], $0xffff  }
0x56b: {  	v11 =	vld [tilespmem:$0x1567A];
	v12 =	vor.u32 v59, v2  }
0x56c: {  	v3 =	vadd.f32 v4, v3;
	v4 =	vmul.f32 v8, v7;
	v7 =	vld.idx.msk [tilespmem:v13+s16+$0x0], $0xffff  }
0x56d: {  	v8 =	vld [tilespmem:$0x1567B];
	v13 =	vor.u32 v54, v2  }
0x56e: {  	v3 =	vadd.f32 v4, v3;
	v4 =	vmul.f32 v9, v6;
	v6 =	vld.idx.msk [tilespmem:v10+s16+$0x0], $0xffff  }
0x56f: {  	v9 =	vld [tilespmem:$0x1567C];
	v10 =	vor.u32 v58, v2  }
0x570: {  	v3 =	vadd.f32 v4, v3;
	v4 =	vmul.f32 v11, v5;
	v5 =	vld.idx.msk [tilespmem:v12+s16+$0x0], $0xffff  }
0x571: {  	v11 =	vld [tilespmem:$0x1567D];
	v12 =	vor.u32 v16, v2  }
0x572: {  	v3 =	vadd.f32 v4, v3;
	v4 =	vmul.f32 v8, v7;
	v7 =	vld.idx.msk [tilespmem:v13+s16+$0x0], $0xffff  }
0x573: {  	v8 =	vld [tilespmem:$0x1567E];
	v13 =	vor.u32 v60, v2  }
0x574: {  	v3 =	vadd.f32 v4, v3;
	v4 =	vmul.f32 v9, v6;
	v6 =	vld.idx.msk [tilespmem:v10+s16+$0x0], $0xffff  }
0x575: {  	v9 =	vld [tilespmem:$0x1567F];
	v10 =	vor.u32 v61, v2  }
0x576: {  	v3 =	vadd.f32 v4, v3;
	v4 =	vmul.f32 v11, v5;
	v5 =	vld.idx.msk [tilespmem:v12+s16+$0x0], $0xffff  }
0x577: {  	v11 =	vld [tilespmem:$0x15680];
	v12 =	vor.u32 v62, v2  }
0x578: {  	v3 =	vadd.f32 v4, v3;
	v4 =	vmul.f32 v8, v7;
	v7 =	vld.idx.msk [tilespmem:v13+s16+$0x0], $0xffff  }
0x579: {  	v8 =	vld [tilespmem:$0x15681]  }
0x57a: {  	v3 =	vadd.f32 v4, v3;
	v4 =	vmul.f32 v9, v6;
	v6 =	vld.idx.msk [tilespmem:v10+s16+$0x0], $0xffff  }
0x57b: {  	v13 =	vor.u32 v18, v2;
	v9 =	vld [tilespmem:$0x15682]  }
0x57c: {  	v3 =	vadd.f32 v4, v3;
	v4 =	vmul.f32 v11, v5;
	v5 =	vld.idx.msk [tilespmem:v12+s16+$0x0], $0xffff  }
0x57d: {  	v11 =	vld [tilespmem:$0x15683];
	v12 =	vor.u32 v63, v2  }
0x57e: {  	v1 =	vld [tilespmem:$0x1FD30];
	v3 =	vadd.f32 v4, v3;
	v4 =	vmul.f32 v8, v7;
	_ =	sdelay $0x1  }
0x57f: {  	v10 =	vor.u32 v19, v2;
	v7 =	vld.idx.msk [tilespmem:v13+s16+$0x0], $0xffff;
	v3 =	vadd.f32 v4, v3;
	v4 =	vmul.f32 v9, v6  }
0x580: {  	v8 =	vld [tilespmem:$0x15684]  }
0x581: {  	v13 =	vor.u32 v47, v2;
	v3 =	vadd.f32 v4, v3;
	v4 =	vmul.f32 v11, v5;
	v5 =	vld.idx.msk [tilespmem:v12+s16+$0x0], $0xffff  }
0x582: {  	v12 =	vor.u32 v1, v2;
	v1 =	vld [tilespmem:$0x1FD20];
	_ =	sdelay $0x1  }
0x583: {  	v6 =	vld.idx.msk [tilespmem:v10+s16+$0x0], $0xffff  }
0x584: {  	v9 =	vld [tilespmem:$0x15685]  }
0x585: {  	v10 =	vor.u32 v48, v2;
	v3 =	vadd.f32 v4, v3;
	v4 =	vmul.f32 v8, v7;
	v7 =	vld.idx.msk [tilespmem:v13+s16+$0x0], $0xffff  }
0x586: {  	v13 =	vor.u32 v1, v2;
	v1 =	vld [tilespmem:$0x1FD10];
	_ =	sdelay $0x2  }
0x587: {  	v11 =	vld [tilespmem:$0x15686]  }
0x588: {  	v3 =	vadd.f32 v4, v3;
	v4 =	vmul.f32 v9, v6;
	v6 =	vld.idx.msk [tilespmem:v10+s16+$0x0], $0xffff  }
0x589: {  	v10 =	vor.u32 v1, v2;
	v1 =	vld [tilespmem:$0x1FD00]  }
0x58a: {  	v8 =	vld [tilespmem:$0x15687]  }
0x58b: {  	v9 =	vld [tilespmem:$0x15688]  }
0x58c: {  	v3 =	vadd.f32 v4, v3;
	v4 =	vmul.f32 v11, v5;
	v5 =	vld.idx.msk [tilespmem:v12+s16+$0x0], $0xffff  }
0x58d: {  	v11 =	vld [tilespmem:$0x15689]  }
0x58e: {  	v12 =	vor.u32 v1, v2;
	v1 =	vld [tilespmem:$0x1FCF0]  }
0x58f: {  	v3 =	vadd.f32 v4, v3;
	v4 =	vmul.f32 v8, v7;
	v8 =	vld [tilespmem:$0x1568A]  }
0x590: {  	v7 =	vld.idx.msk [tilespmem:v13+s16+$0x0], $0xffff  }
0x591: {  	v3 =	vadd.f32 v4, v3;
	v4 =	vmul.f32 v9, v6;
	v9 =	vld [tilespmem:$0x1568B]  }
0x592: {  	v6 =	vld.idx.msk [tilespmem:v10+s16+$0x0], $0xffff  }
0x593: {  	v10 =	vor.u32 v51, v2;
	v13 =	vor.u32 v1, v2;
	v1 =	vld [tilespmem:$0x1FCD0]  }
0x594: {  	v3 =	vadd.f32 v4, v3;
	v4 =	vmul.f32 v11, v5  }
0x595: {  	v11 =	vld [tilespmem:$0x1568C]  }
0x596: {  	v3 =	vadd.f32 v4, v3;
	v4 =	vmul.f32 v8, v7;
	v8 =	vld [tilespmem:$0x1568D]  }
0x597: {  	v5 =	vld.idx.msk [tilespmem:v12+s16+$0x0], $0xffff  }
0x598: {  	v3 =	vadd.f32 v4, v3;
	v4 =	vmul.f32 v9, v6;
	v6 =	vld.idx.msk [tilespmem:v10+s16+$0x0], $0xffff;
	v12 =	vor.u32 v1, v2  }
0x599: {  	v7 =	vld.idx.msk [tilespmem:v13+s16+$0x0], $0xffff;
	v13 =	vor.u32 v49, v2  }
0x59a: {  	v1 =	vld [tilespmem:$0x1FB20]  }
0x59b: {  	v9 =	vld [tilespmem:$0x1568E]  }
0x59c: {  	v3 =	vadd.f32 v4, v3;
	v4 =	vmul.f32 v11, v5;
	v11 =	vld [tilespmem:$0x1568F]  }
0x59d: {  	v5 =	vld.idx.msk [tilespmem:v12+s16+$0x0], $0xffff  }
0x59e: {  	v3 =	vadd.f32 v4, v3;
	v12 =	vor.u32 v41, v2;
	v4 =	vmul.f32 v8, v7;
	v7 =	vld.idx.msk [tilespmem:v13+s16+$0x0], $0xffff  }
0x59f: {  	v13 =	vor.u32 v1, v2;
	v1 =	vld [tilespmem:$0x1FB00];
	_ =	sdelay $0x1  }
0x5a0: {  	v10 =	vor.u32 v40, v2;
	v3 =	vadd.f32 v4, v3;
	v4 =	vmul.f32 v9, v6  }
0x5a1: {  	v8 =	vld [tilespmem:$0x15690]  }
0x5a2: {  	v3 =	vadd.f32 v4, v3;
	v4 =	vmul.f32 v11, v5;
	v5 =	vld.idx.msk [tilespmem:v12+s16+$0x0], $0xffff  }
0x5a3: {  	v12 =	vor.u32 v1, v2;
	v1 =	vld [tilespmem:$0x1FB30];
	_ =	sdelay $0x1  }
0x5a4: {  	v6 =	vld.idx.msk [tilespmem:v10+s16+$0x0], $0xffff  }
0x5a5: {  	v9 =	vld [tilespmem:$0x15691]  }
0x5a6: {  	v10 =	vor.u32 v20, v2;
	v3 =	vadd.f32 v4, v3;
	v4 =	vmul.f32 v8, v7;
	v7 =	vld.idx.msk [tilespmem:v13+s16+$0x0], $0xffff  }
0x5a7: {  	v13 =	vor.u32 v1, v2;
	v1 =	vld [tilespmem:$0x1FB40];
	_ =	sdelay $0x2  }
0x5a8: {  	v11 =	vld [tilespmem:$0x15692]  }
0x5a9: {  	v3 =	vadd.f32 v4, v3;
	v4 =	vmul.f32 v9, v6;
	v6 =	vld.idx.msk [tilespmem:v10+s16+$0x0], $0xffff  }
0x5aa: {  	v10 =	vor.u32 v1, v2;
	v1 =	vld [tilespmem:$0x1FB50]  }
0x5ab: {  	v8 =	vld [tilespmem:$0x15693];
	_ =	sdelay $0x1  }
0x5ac: {  	v9 =	vld [tilespmem:$0x15694]  }
0x5ad: {  	v3 =	vadd.f32 v4, v3;
	v4 =	vmul.f32 v11, v5;
	v5 =	vld.idx.msk [tilespmem:v12+s16+$0x0], $0xffff  }
0x5ae: {  	v11 =	vld [tilespmem:$0x15695];
	v12 =	vor.u32 v1, v2  }
0x5af: {  	v3 =	vadd.f32 v4, v3;
	v4 =	vmul.f32 v8, v7;
	_ =	sdelay $0x1  }
0x5b0: {  	v3 =	vadd.f32 v4, v3;
	v4 =	vmul.f32 v9, v6  }
0x5b1: {  	v8 =	vld [tilespmem:$0x15696]  }
0x5b2: {  	v3 =	vadd.f32 v4, v3;
	v4 =	vmul.f32 v11, v5;
	v5 =	vld.idx.msk [tilespmem:v12+s16+$0x0], $0xffff  }
0x5b3: {  	v12 =	vld [tilespmem:$0x1FB60]  }
0x5b4: {  	v7 =	vld.idx.msk [tilespmem:v13+s16+$0x0], $0xffff  }
0x5b5: {  	v9 =	vld [tilespmem:$0x15697]  }
0x5b6: {  	v13 =	vor.u32 v46, v2;
	v6 =	vld.idx.msk [tilespmem:v10+s16+$0x0], $0xffff;
	_ =	sdelay $0x1  }
0x5b7: {  	v11 =	vld [tilespmem:$0x15698];
	v12 =	vor.u32 v12, v2  }
0x5b8: {  	v3 =	vadd.f32 v4, v3;
	v4 =	vmul.f32 v8, v7  }
0x5b9: {  	v10 =	vor.u32 v55, v2  }
0x5ba: {  	v7 =	vld.idx.msk [tilespmem:v13+s16+$0x0], $0xffff;
	v3 =	vadd.f32 v4, v3;
	v4 =	vmul.f32 v9, v6  }
0x5bb: {  	v8 =	vld [tilespmem:$0x15699]  }
0x5bc: {  	v3 =	vadd.f32 v4, v3;
	v4 =	vmul.f32 v11, v5;
	v5 =	vld.idx.msk [tilespmem:v12+s16+$0x0], $0xffff  }
0x5bd: {  	v13 =	vor.u32 v37, v2;
	v12 =	vld [tilespmem:$0x1FC20]  }
0x5be: {  	v6 =	vld.idx.msk [tilespmem:v10+s16+$0x0], $0xffff  }
0x5bf: {  	v9 =	vld [tilespmem:$0x1569A];
	v10 =	vor.u32 v38, v2  }
0x5c0: {  	v1 =	vld [tilespmem:$0x1FCB0]  }
0x5c1: {  	v11 =	vld [tilespmem:$0x1569B]  }
0x5c2: {  	v3 =	vadd.f32 v4, v3;
	v4 =	vmul.f32 v8, v7;
	v7 =	vld.idx.msk [tilespmem:v13+s16+$0x0], $0xffff;
	v12 =	vor.u32 v12, v2  }
0x5c3: {  	v8 =	vld [tilespmem:$0x1569C]  }
0x5c4: {  	v3 =	vadd.f32 v4, v3;
	v4 =	vmul.f32 v9, v6;
	v6 =	vld.idx.msk [tilespmem:v10+s16+$0x0], $0xffff  }
0x5c5: {  	v9 =	vld [tilespmem:$0x1569D]  }
0x5c6: {  	v3 =	vadd.f32 v4, v3;
	v2 =	vor.u32 v1, v2;
	v4 =	vmul.f32 v11, v5;
	v11 =	vld [tilespmem:$0x1569E]  }
0x5c7: {  	p1 =	sne.s32 s30, $0xC0;
	v10 =	vld.idx.msk [tilespmem:v12+s16+$0x0], $0xffff  }
.Ltmp2:
0x5c8: {  	v7 =	vmul.f32 v8, v7;
	v3 =	vadd.f32 v4, v3;
	(pc) =	sbr.rel @p1 .LBB2_7-.Ltmp2, $4  }
0x5c9: {  	_ = 	snop  }
0x5ca: {  	v13 =	vlaneseq.u32;
	v6 =	vmul.f32 v9, v6;
	v3 =	vadd.f32 v7, v3  }
0x5cb: {  	v4 =	vld.idx.msk [tilespmem:v2+s16+$0x0], $0xffff;
	v2 =	vor.u32 s30, v13  }
0x5cc: {  	v5 =	vld [tilespmem:$0x1569F];
	s30 =	sadd.s32 $0x10, s30;
	v6 =	vadd.f32 v6, v3;
	v3 =	vand.u32 v14, v2;
	v7 =	vmul.f32 v11, v10  }
0x5cd: {  	_ =	sdelay $0x3  }
0x5ce: {  	v2 =	vshll.u32 v2, $0x6;
	v6 =	vadd.f32 v7, v6;
	v4 =	vmul.f32 v5, v4  }
0x5cf: {  	v5 =	vor.u32 v13, v2  }
0x5d0: {  	v4 =	vadd.f32 v4, v6;
	_ =	sdelay $0x1  }
0x5d1: {  	v6 =	vor.u32 v15, v2;
	[tilespmem:v0+s23+$0x0] =	vst.idx.msk $0xffff, v4  }
0x5d2: {  	v0 =	vld.idx.msk [tilespmem:v3+s17+$0x0], $0xffff  }
0x5d3: {  	v4 =	vor.u32 v22, v2;
	v5 =	vld.idx.msk [tilespmem:v5+s16+$0x0], $0xffff  }
0x5d4: {  	v8 =	vor.u32 v28, v2;
	v7 =	vld [tilespmem:$0x15660]  }
0x5d5: {  	v9 =	vld [tilespmem:$0x15661]  }
0x5d6: {  	v10 =	vor.u32 v23, v2;
	v6 =	vld.idx.msk [tilespmem:v6+s16+$0x0], $0xffff  }
0x5d7: {  	v11 =	vld [tilespmem:$0x15662]  }
0x5d8: {  	v12 =	vor.u32 v24, v2;
	v4 =	vld.idx.msk [tilespmem:v4+s16+$0x0], $0xffff  }
0x5d9: {  	v5 =	vmul.f32 v7, v5;
	v7 =	vld.idx.msk [tilespmem:v8+s16+$0x0], $0xffff  }
0x5da: {  	v13 =	vor.u32 v25, v2;
	v8 =	vld [tilespmem:$0x15663]  }
0x5db: {  	v0 =	vadd.f32 v5, v0;
	v5 =	vmul.f32 v9, v6;
	v6 =	vld.idx.msk [tilespmem:v10+s16+$0x0], $0xffff  }
0x5dc: {  	v9 =	vld [tilespmem:$0x15664];
	v10 =	vor.u32 v26, v2  }
0x5dd: {  	v0 =	vadd.f32 v5, v0;
	v4 =	vmul.f32 v11, v4;
	v5 =	vld.idx.msk [tilespmem:v12+s16+$0x0], $0xffff  }
0x5de: {  	v11 =	vld [tilespmem:$0x15665];
	v12 =	vor.u32 v27, v2  }
0x5df: {  	v0 =	vadd.f32 v4, v0;
	v4 =	vmul.f32 v8, v7;
	v7 =	vld.idx.msk [tilespmem:v13+s16+$0x0], $0xffff  }
0x5e0: {  	v8 =	vld [tilespmem:$0x15666];
	v13 =	vor.u32 v29, v2  }
0x5e1: {  	v0 =	vadd.f32 v4, v0;
	v4 =	vmul.f32 v9, v6;
	v6 =	vld.idx.msk [tilespmem:v10+s16+$0x0], $0xffff  }
0x5e2: {  	v9 =	vld [tilespmem:$0x15667];
	v10 =	vor.u32 v36, v2  }
0x5e3: {  	v0 =	vadd.f32 v4, v0;
	v4 =	vmul.f32 v11, v5;
	v5 =	vld.idx.msk [tilespmem:v12+s16+$0x0], $0xffff  }
0x5e4: {  	v11 =	vld [tilespmem:$0x15668];
	v12 =	vor.u32 v39, v2  }
0x5e5: {  	v0 =	vadd.f32 v4, v0;
	v4 =	vmul.f32 v8, v7;
	v7 =	vld.idx.msk [tilespmem:v13+s16+$0x0], $0xffff  }
0x5e6: {  	v8 =	vld [tilespmem:$0x15669];
	v13 =	vor.u32 v52, v2  }
0x5e7: {  	v0 =	vadd.f32 v4, v0;
	v4 =	vmul.f32 v9, v6;
	v6 =	vld.idx.msk [tilespmem:v10+s16+$0x0], $0xffff  }
0x5e8: {  	v9 =	vld [tilespmem:$0x1566A];
	v10 =	vor.u32 v56, v2  }
0x5e9: {  	v0 =	vadd.f32 v4, v0;
	v4 =	vmul.f32 v11, v5;
	v5 =	vld.idx.msk [tilespmem:v12+s16+$0x0], $0xffff  }
0x5ea: {  	v11 =	vld [tilespmem:$0x1566B];
	v12 =	vor.u32 v57, v2  }
0x5eb: {  	v0 =	vadd.f32 v4, v0;
	v4 =	vmul.f32 v8, v7;
	v7 =	vld.idx.msk [tilespmem:v13+s16+$0x0], $0xffff  }
0x5ec: {  	v8 =	vld [tilespmem:$0x1566C];
	v13 =	vor.u32 v17, v2  }
0x5ed: {  	v0 =	vadd.f32 v4, v0;
	v4 =	vmul.f32 v9, v6;
	v6 =	vld.idx.msk [tilespmem:v10+s16+$0x0], $0xffff  }
0x5ee: {  	v9 =	vld [tilespmem:$0x1566D];
	v10 =	vor.u32 v30, v2  }
0x5ef: {  	v0 =	vadd.f32 v4, v0;
	v4 =	vmul.f32 v11, v5;
	v5 =	vld.idx.msk [tilespmem:v12+s16+$0x0], $0xffff  }
0x5f0: {  	v11 =	vld [tilespmem:$0x1566E];
	v12 =	vor.u32 v31, v2  }
0x5f1: {  	v0 =	vadd.f32 v4, v0;
	v4 =	vmul.f32 v8, v7;
	v7 =	vld.idx.msk [tilespmem:v13+s16+$0x0], $0xffff  }
0x5f2: {  	v8 =	vld [tilespmem:$0x1566F];
	v13 =	vor.u32 v32, v2  }
0x5f3: {  	v0 =	vadd.f32 v4, v0;
	v4 =	vmul.f32 v9, v6;
	v6 =	vld.idx.msk [tilespmem:v10+s16+$0x0], $0xffff  }
0x5f4: {  	v9 =	vld [tilespmem:$0x15670];
	v10 =	vor.u32 v33, v2  }
0x5f5: {  	v0 =	vadd.f32 v4, v0;
	v4 =	vmul.f32 v11, v5;
	v5 =	vld.idx.msk [tilespmem:v12+s16+$0x0], $0xffff  }
0x5f6: {  	v11 =	vld [tilespmem:$0x15671];
	v12 =	vor.u32 v34, v2  }
0x5f7: {  	v0 =	vadd.f32 v4, v0;
	v4 =	vmul.f32 v8, v7;
	v7 =	vld.idx.msk [tilespmem:v13+s16+$0x0], $0xffff  }
0x5f8: {  	v8 =	vld [tilespmem:$0x15672];
	v13 =	vor.u32 v35, v2  }
0x5f9: {  	v0 =	vadd.f32 v4, v0;
	v4 =	vmul.f32 v9, v6;
	v6 =	vld.idx.msk [tilespmem:v10+s16+$0x0], $0xffff  }
0x5fa: {  	v9 =	vld [tilespmem:$0x15673];
	v10 =	vor.u32 v21, v2  }
0x5fb: {  	v0 =	vadd.f32 v4, v0;
	v4 =	vmul.f32 v11, v5;
	v5 =	vld.idx.msk [tilespmem:v12+s16+$0x0], $0xffff  }
0x5fc: {  	v11 =	vld [tilespmem:$0x15674];
	v12 =	vor.u32 v42, v2  }
0x5fd: {  	v0 =	vadd.f32 v4, v0;
	v4 =	vmul.f32 v8, v7;
	v7 =	vld.idx.msk [tilespmem:v13+s16+$0x0], $0xffff  }
0x5fe: {  	v8 =	vld [tilespmem:$0x15675];
	v13 =	vor.u32 v50, v2  }
0x5ff: {  	v0 =	vadd.f32 v4, v0;
	v4 =	vmul.f32 v9, v6;
	v6 =	vld.idx.msk [tilespmem:v10+s16+$0x0], $0xffff  }
0x600: {  	v9 =	vld [tilespmem:$0x15676];
	v10 =	vor.u32 v43, v2  }
0x601: {  	v0 =	vadd.f32 v4, v0;
	v4 =	vmul.f32 v11, v5;
	v5 =	vld.idx.msk [tilespmem:v12+s16+$0x0], $0xffff  }
0x602: {  	v11 =	vld [tilespmem:$0x15677];
	v12 =	vor.u32 v44, v2  }
0x603: {  	v0 =	vadd.f32 v4, v0;
	v4 =	vmul.f32 v8, v7;
	v7 =	vld.idx.msk [tilespmem:v13+s16+$0x0], $0xffff  }
0x604: {  	v8 =	vld [tilespmem:$0x15678];
	v13 =	vor.u32 v45, v2  }
0x605: {  	v0 =	vadd.f32 v4, v0;
	v4 =	vmul.f32 v9, v6;
	v6 =	vld.idx.msk [tilespmem:v10+s16+$0x0], $0xffff  }
0x606: {  	v9 =	vld [tilespmem:$0x15679];
	v10 =	vor.u32 v53, v2  }
0x607: {  	v0 =	vadd.f32 v4, v0;
	v4 =	vmul.f32 v11, v5;
	v5 =	vld.idx.msk [tilespmem:v12+s16+$0x0], $0xffff  }
0x608: {  	v11 =	vld [tilespmem:$0x1567A];
	v12 =	vor.u32 v59, v2  }
0x609: {  	v0 =	vadd.f32 v4, v0;
	v4 =	vmul.f32 v8, v7;
	v7 =	vld.idx.msk [tilespmem:v13+s16+$0x0], $0xffff  }
0x60a: {  	v8 =	vld [tilespmem:$0x1567B];
	v13 =	vor.u32 v54, v2  }
0x60b: {  	v0 =	vadd.f32 v4, v0;
	v4 =	vmul.f32 v9, v6;
	v6 =	vld.idx.msk [tilespmem:v10+s16+$0x0], $0xffff  }
0x60c: {  	v9 =	vld [tilespmem:$0x1567C];
	v10 =	vor.u32 v58, v2  }
0x60d: {  	v0 =	vadd.f32 v4, v0;
	v4 =	vmul.f32 v11, v5;
	v5 =	vld.idx.msk [tilespmem:v12+s16+$0x0], $0xffff  }
0x60e: {  	v11 =	vld [tilespmem:$0x1567D];
	v12 =	vor.u32 v16, v2  }
0x60f: {  	v0 =	vadd.f32 v4, v0;
	v4 =	vmul.f32 v8, v7;
	v7 =	vld.idx.msk [tilespmem:v13+s16+$0x0], $0xffff  }
0x610: {  	v8 =	vld [tilespmem:$0x1567E];
	v13 =	vor.u32 v60, v2  }
0x611: {  	v0 =	vadd.f32 v4, v0;
	v4 =	vmul.f32 v9, v6;
	v6 =	vld.idx.msk [tilespmem:v10+s16+$0x0], $0xffff  }
0x612: {  	v9 =	vld [tilespmem:$0x1567F];
	v10 =	vor.u32 v61, v2  }
0x613: {  	v0 =	vadd.f32 v4, v0;
	v4 =	vmul.f32 v11, v5;
	v5 =	vld.idx.msk [tilespmem:v12+s16+$0x0], $0xffff  }
0x614: {  	v11 =	vld [tilespmem:$0x15680];
	v12 =	vor.u32 v62, v2  }
0x615: {  	v0 =	vadd.f32 v4, v0;
	v4 =	vmul.f32 v8, v7;
	v7 =	vld.idx.msk [tilespmem:v13+s16+$0x0], $0xffff  }
0x616: {  	v8 =	vld [tilespmem:$0x15681]  }
0x617: {  	v0 =	vadd.f32 v4, v0;
	v4 =	vmul.f32 v9, v6;
	v6 =	vld.idx.msk [tilespmem:v10+s16+$0x0], $0xffff  }
0x618: {  	v9 =	vld [tilespmem:$0x15682]  }
0x619: {  	v13 =	vor.u32 v18, v2;
	v0 =	vadd.f32 v4, v0;
	v4 =	vmul.f32 v11, v5;
	v5 =	vld.idx.msk [tilespmem:v12+s16+$0x0], $0xffff  }
0x61a: {  	v11 =	vld [tilespmem:$0x15683];
	v12 =	vor.u32 v63, v2  }
0x61b: {  	v0 =	vadd.f32 v4, v0;
	v4 =	vmul.f32 v8, v7;
	_ =	sdelay $0x1  }
0x61c: {  	v10 =	vor.u32 v19, v2;
	v0 =	vadd.f32 v4, v0;
	v4 =	vmul.f32 v9, v6  }
0x61d: {  	v7 =	vld.idx.msk [tilespmem:v13+s16+$0x0], $0xffff  }
0x61e: {  	v0 =	vadd.f32 v4, v0;
	v4 =	vmul.f32 v11, v5;
	v5 =	vld.idx.msk [tilespmem:v12+s16+$0x0], $0xffff  }
0x61f: {  	v12 =	vld [tilespmem:$0x1FD30]  }
0x620: {  	v8 =	vld [tilespmem:$0x15684];
	v13 =	vor.u32 v47, v2  }
0x621: {  	v6 =	vld.idx.msk [tilespmem:v10+s16+$0x0], $0xffff  }
0x622: {  	v9 =	vld [tilespmem:$0x15685];
	_ =	sdelay $0x1  }
0x623: {  	v11 =	vld [tilespmem:$0x15686];
	v12 =	vor.u32 v12, v2  }
0x624: {  	v0 =	vadd.f32 v4, v0;
	v4 =	vmul.f32 v8, v7;
	v7 =	vld.idx.msk [tilespmem:v13+s16+$0x0], $0xffff  }
0x625: {  	v10 =	vor.u32 v48, v2;
	v13 =	vld [tilespmem:$0x1FD20]  }
0x626: {  	v0 =	vadd.f32 v4, v0;
	v4 =	vmul.f32 v9, v6  }
0x627: {  	v8 =	vld [tilespmem:$0x15687]  }
0x628: {  	v0 =	vadd.f32 v4, v0;
	v4 =	vmul.f32 v11, v5;
	v5 =	vld.idx.msk [tilespmem:v12+s16+$0x0], $0xffff  }
0x629: {  	v12 =	vld [tilespmem:$0x1FD00]  }
0x62a: {  	v6 =	vld.idx.msk [tilespmem:v10+s16+$0x0], $0xffff;
	v13 =	vor.u32 v13, v2  }
0x62b: {  	v9 =	vld [tilespmem:$0x15688]  }
0x62c: {  	v10 =	vld [tilespmem:$0x1FD10];
	_ =	sdelay $0x1  }
0x62d: {  	v11 =	vld [tilespmem:$0x15689];
	v12 =	vor.u32 v12, v2  }
0x62e: {  	v0 =	vadd.f32 v4, v0;
	v4 =	vmul.f32 v8, v7;
	v7 =	vld.idx.msk [tilespmem:v13+s16+$0x0], $0xffff  }
0x62f: {  	v13 =	vld [tilespmem:$0x1FCF0]  }
0x630: {  	v10 =	vor.u32 v10, v2;
	v0 =	vadd.f32 v4, v0;
	v4 =	vmul.f32 v9, v6  }
0x631: {  	v8 =	vld [tilespmem:$0x1568A]  }
0x632: {  	v0 =	vadd.f32 v4, v0;
	v4 =	vmul.f32 v11, v5;
	v5 =	vld.idx.msk [tilespmem:v12+s16+$0x0], $0xffff  }
0x633: {  	v12 =	vld [tilespmem:$0x1FCD0]  }
0x634: {  	v9 =	vld [tilespmem:$0x1568B];
	v13 =	vor.u32 v13, v2  }
0x635: {  	v6 =	vld.idx.msk [tilespmem:v10+s16+$0x0], $0xffff;
	v10 =	vor.u32 v51, v2;
	_ =	sdelay $0x1  }
0x636: {  	v11 =	vld [tilespmem:$0x1568C]  }
0x637: {  	v0 =	vadd.f32 v4, v0;
	v4 =	vmul.f32 v8, v7;
	v8 =	vld [tilespmem:$0x1568D];
	v12 =	vor.u32 v12, v2  }
0x638: {  	v7 =	vld.idx.msk [tilespmem:v13+s16+$0x0], $0xffff  }
0x639: {  	v0 =	vadd.f32 v4, v0;
	v4 =	vmul.f32 v9, v6;
	v6 =	vld.idx.msk [tilespmem:v10+s16+$0x0], $0xffff  }
0x63a: {  	v9 =	vld [tilespmem:$0x1568E];
	v13 =	vor.u32 v49, v2  }
0x63b: {  	v0 =	vadd.f32 v4, v0;
	v4 =	vmul.f32 v11, v5;
	v11 =	vld [tilespmem:$0x1568F]  }
0x63c: {  	v5 =	vld.idx.msk [tilespmem:v12+s16+$0x0], $0xffff;
	v12 =	vor.u32 v41, v2  }
0x63d: {  	v0 =	vadd.f32 v4, v0;
	v4 =	vmul.f32 v8, v7;
	_ =	sdelay $0x1  }
0x63e: {  	v10 =	vor.u32 v40, v2;
	v7 =	vld.idx.msk [tilespmem:v13+s16+$0x0], $0xffff;
	v0 =	vadd.f32 v4, v0;
	v4 =	vmul.f32 v9, v6  }
0x63f: {  	v13 =	vld [tilespmem:$0x1FB20]  }
0x640: {  	v0 =	vadd.f32 v4, v0;
	v4 =	vmul.f32 v11, v5;
	v5 =	vld.idx.msk [tilespmem:v12+s16+$0x0], $0xffff  }
0x641: {  	v12 =	vld [tilespmem:$0x1FB00]  }
0x642: {  	v8 =	vld [tilespmem:$0x15690]  }
0x643: {  	v6 =	vld.idx.msk [tilespmem:v10+s16+$0x0], $0xffff  }
0x644: {  	v9 =	vld [tilespmem:$0x15691];
	v13 =	vor.u32 v13, v2;
	_ =	sdelay $0x1  }
0x645: {  	v11 =	vld [tilespmem:$0x15692];
	v12 =	vor.u32 v12, v2  }
0x646: {  	v0 =	vadd.f32 v4, v0;
	v4 =	vmul.f32 v8, v7;
	_ =	sdelay $0x1  }
0x647: {  	v10 =	vor.u32 v20, v2;
	v7 =	vld.idx.msk [tilespmem:v13+s16+$0x0], $0xffff;
	v0 =	vadd.f32 v4, v0;
	v4 =	vmul.f32 v9, v6  }
0x648: {  	v8 =	vld [tilespmem:$0x15693]  }
0x649: {  	v0 =	vadd.f32 v4, v0;
	v4 =	vmul.f32 v11, v5;
	v5 =	vld.idx.msk [tilespmem:v12+s16+$0x0], $0xffff  }
0x64a: {  	v12 =	vld [tilespmem:$0x1FB50]  }
0x64b: {  	v13 =	vld [tilespmem:$0x1FB30]  }
0x64c: {  	v6 =	vld.idx.msk [tilespmem:v10+s16+$0x0], $0xffff  }
0x64d: {  	v9 =	vld [tilespmem:$0x15694]  }
0x64e: {  	v10 =	vld [tilespmem:$0x1FB40]  }
0x64f: {  	v11 =	vld [tilespmem:$0x15695];
	v12 =	vor.u32 v12, v2  }
0x650: {  	v0 =	vadd.f32 v4, v0;
	v4 =	vmul.f32 v8, v7  }
0x651: {  	v13 =	vor.u32 v13, v2  }
0x652: {  	v0 =	vadd.f32 v4, v0;
	v4 =	vmul.f32 v9, v6  }
0x653: {  	v8 =	vld [tilespmem:$0x15696];
	v10 =	vor.u32 v10, v2  }
0x654: {  	v0 =	vadd.f32 v4, v0;
	v4 =	vmul.f32 v11, v5;
	v5 =	vld.idx.msk [tilespmem:v12+s16+$0x0], $0xffff  }
0x655: {  	v12 =	vld [tilespmem:$0x1FB60]  }
0x656: {  	v7 =	vld.idx.msk [tilespmem:v13+s16+$0x0], $0xffff;
	v13 =	vor.u32 v46, v2  }
0x657: {  	v9 =	vld [tilespmem:$0x15697]  }
0x658: {  	v6 =	vld.idx.msk [tilespmem:v10+s16+$0x0], $0xffff;
	v10 =	vor.u32 v55, v2;
	_ =	sdelay $0x1  }
0x659: {  	v11 =	vld [tilespmem:$0x15698];
	v12 =	vor.u32 v12, v2  }
0x65a: {  	v0 =	vadd.f32 v4, v0;
	v4 =	vmul.f32 v8, v7;
	v7 =	vld.idx.msk [tilespmem:v13+s16+$0x0], $0xffff  }
0x65b: {  	v8 =	vld [tilespmem:$0x15699];
	v13 =	vor.u32 v37, v2  }
0x65c: {  	v0 =	vadd.f32 v4, v0;
	v4 =	vmul.f32 v9, v6;
	v6 =	vld.idx.msk [tilespmem:v10+s16+$0x0], $0xffff  }
0x65d: {  	v9 =	vld [tilespmem:$0x1569A]  }
0x65e: {  	v0 =	vadd.f32 v4, v0;
	v4 =	vmul.f32 v11, v5;
	v5 =	vld.idx.msk [tilespmem:v12+s16+$0x0], $0xffff  }
0x65f: {  	v12 =	vld [tilespmem:$0x1FC20]  }
0x660: {  	v0 =	vadd.f32 v4, v0;
	v4 =	vmul.f32 v8, v7;
	v7 =	vld.idx.msk [tilespmem:v13+s16+$0x0], $0xffff  }
0x661: {  	v10 =	vor.u32 v38, v2;
	v13 =	vld [tilespmem:$0x1FCB0];
	_ =	sdelay $0x1  }
0x662: {  	v11 =	vld [tilespmem:$0x1569B]  }
0x663: {  	v12 =	vor.u32 v12, v2  }
0x664: {  	v8 =	vld [tilespmem:$0x1569C]  }
0x665: {  	v0 =	vadd.f32 v4, v0;
	v4 =	vmul.f32 v9, v6;
	v6 =	vld.idx.msk [tilespmem:v10+s16+$0x0], $0xffff;
	v2 =	vor.u32 v13, v2  }
0x666: {  	v9 =	vld [tilespmem:$0x1569D]  }
0x667: {  	v10 =	vld [tilespmem:$0x1569E];
	v0 =	vadd.f32 v4, v0;
	v4 =	vmul.f32 v11, v5  }
0x668: {  	v5 =	vld.idx.msk [tilespmem:v12+s16+$0x0], $0xffff  }
0x669: {  	v0 =	vadd.f32 v4, v0;
	v4 =	vmul.f32 v8, v7;
	v7 =	vld [tilespmem:$0x1569F]  }
0x66a: {  	v2 =	vld.idx.msk [tilespmem:v2+s16+$0x0], $0xffff  }
0x66b: {  	v0 =	vadd.f32 v4, v0;
	v4 =	vmul.f32 v9, v6;
	_ =	sdelay $0x1  }
0x66c: {  	v0 =	vadd.f32 v4, v0;
	v4 =	vmul.f32 v10, v5;
	_ =	sdelay $0x1  }
0x66d: {  	v2 =	vmul.f32 v7, v2;
	v0 =	vadd.f32 v4, v0;
	_ =	sdelay $0x1  }
0x66e: {  	v0 =	vadd.f32 v2, v0;
	_ =	sdelay $0x1  }
0x66f: {  	[tilespmem:v3+s23+$0x0] =	vst.idx.msk $0xffff, v0  }
0x670: {  	v0 =	vld [tilespmem:s26+$0xC0];
	_ =	sdelay $0x4  }
0x671: {  	[tilespmem:$0x15660] =	vst v0  }
0x672: {  	[tilespmem:$0x156A0] =	vst v0  }
0x673: {  	v0 =	vld [tilespmem:s26+$0xD0];
	_ =	sdelay $0x4  }
0x674: {  	[tilespmem:$0x15670] =	vst v0  }
0x675: {  	[tilespmem:$0x156B0] =	vst v0  }
0x676: {  	v0 =	vld [tilespmem:s26+$0xE0];
	_ =	sdelay $0x3  }
0x677: {  	v14 =	vld [tilespmem:$0x1FB10]  }
0x678: {  	[tilespmem:$0x15680] =	vst v0  }
0x679: {  	s0 =	simm.s32 $0xC8;
	[tilespmem:$0x156C0] =	vst v0;
	v0 =	vlaneseq.u32  }
0x67a: {  	v0 =	vadd.s32 s0, v0  }
0x67b: {  	v3 =	vld [tilespmem:s26+$0xF0];
	v4 =	vand.u32 $0x3F8, v0  }
0x67c: {  	v8 =	vld [tilespmem:$0x1FD90];
	v2 =	vshll.u32 v0, $0x6;
	v0 =	vor.u32 v14, v4;
	v4 =	vlaneseq.u32  }
0x67d: {  	v6 =	vld [tilespmem:$0x1FD50];
	v4 =	vor.u32 v4, v2  }
0x67e: {  	v12 =	vld [tilespmem:$0x1FD70]  }
0x67f: {  	v10 =	vld [tilespmem:$0x1FD60];
	v5 =	vor.u32 v15, v2  }
0x680: {  	v7 =	vld [tilespmem:$0x15660];
	[tilespmem:$0x15690] =	vst v3  }
0x681: {  	v9 =	vld [tilespmem:$0x15661];
	[tilespmem:$0x156D0] =	vst v3  }
0x682: {  	v4 =	vld.idx.msk [tilespmem:v4+s16+$0x0], $0xffff  }
0x683: {  	v6 =	vor.u32 v6, v2;
	v3 =	vld.idx.msk [tilespmem:v0+s17+$0x0], $0xffff  }
0x684: {  	v10 =	vor.u32 v10, v2;
	v5 =	vld.idx.msk [tilespmem:v5+s16+$0x0], $0xffff  }
0x685: {  	v1 =	vld [tilespmem:$0x1FDA0];
	_ =	sdelay $0x1  }
0x686: {  	v11 =	vld [tilespmem:$0x15662];
	v8 =	vor.u32 v8, v2;
	v4 =	vmul.f32 v7, v4  }
0x687: {  	v6 =	vld.idx.msk [tilespmem:v6+s16+$0x0], $0xffff  }
0x688: {  	v12 =	vor.u32 v12, v2;
	v3 =	vadd.f32 v4, v3;
	v4 =	vmul.f32 v9, v5;
	v5 =	vld.idx.msk [tilespmem:v10+s16+$0x0], $0xffff  }
0x689: {  	v10 =	vor.u32 v1, v2;
	v1 =	vld [tilespmem:$0x1FDB0];
	_ =	sdelay $0x1  }
0x68a: {  	v7 =	vld.idx.msk [tilespmem:v8+s16+$0x0], $0xffff  }
0x68b: {  	v8 =	vld [tilespmem:$0x15663]  }
0x68c: {  	v13 =	vor.u32 v25, v2;
	v3 =	vadd.f32 v4, v3;
	v4 =	vmul.f32 v11, v6;
	v6 =	vld.idx.msk [tilespmem:v12+s16+$0x0], $0xffff  }
0x68d: {  	v12 =	vor.u32 v1, v2;
	v1 =	vld [tilespmem:$0x1FDC0];
	_ =	sdelay $0x2  }
0x68e: {  	v9 =	vld [tilespmem:$0x15664]  }
0x68f: {  	v3 =	vadd.f32 v4, v3;
	v4 =	vmul.f32 v8, v7;
	v7 =	vld.idx.msk [tilespmem:v13+s16+$0x0], $0xffff  }
0x690: {  	v13 =	vor.u32 v1, v2;
	v1 =	vld [tilespmem:$0x1FDD0];
	_ =	sdelay $0x2  }
0x691: {  	v11 =	vld [tilespmem:$0x15665]  }
0x692: {  	v3 =	vadd.f32 v4, v3;
	v4 =	vmul.f32 v9, v5;
	v5 =	vld.idx.msk [tilespmem:v10+s16+$0x0], $0xffff  }
0x693: {  	v10 =	vor.u32 v1, v2;
	v1 =	vld [tilespmem:$0x1FDE0];
	_ =	sdelay $0x2  }
0x694: {  	v8 =	vld [tilespmem:$0x15666]  }
0x695: {  	v3 =	vadd.f32 v4, v3;
	v4 =	vmul.f32 v11, v6;
	v6 =	vld.idx.msk [tilespmem:v12+s16+$0x0], $0xffff  }
0x696: {  	v12 =	vor.u32 v1, v2;
	v1 =	vld [tilespmem:$0x1FDF0];
	_ =	sdelay $0x2  }
0x697: {  	v9 =	vld [tilespmem:$0x15667]  }
0x698: {  	v3 =	vadd.f32 v4, v3;
	v4 =	vmul.f32 v8, v7;
	v7 =	vld.idx.msk [tilespmem:v13+s16+$0x0], $0xffff  }
0x699: {  	v13 =	vor.u32 v1, v2;
	v1 =	vld [tilespmem:$0x1FF90];
	_ =	sdelay $0x2  }
0x69a: {  	v11 =	vld [tilespmem:$0x15668]  }
0x69b: {  	v3 =	vadd.f32 v4, v3;
	v4 =	vmul.f32 v9, v5;
	v5 =	vld.idx.msk [tilespmem:v10+s16+$0x0], $0xffff  }
0x69c: {  	v10 =	vor.u32 v1, v2;
	v1 =	vld [tilespmem:$0x1FF80];
	_ =	sdelay $0x2  }
0x69d: {  	v8 =	vld [tilespmem:$0x15669]  }
0x69e: {  	v3 =	vadd.f32 v4, v3;
	v4 =	vmul.f32 v11, v6;
	v6 =	vld.idx.msk [tilespmem:v12+s16+$0x0], $0xffff  }
0x69f: {  	v12 =	vor.u32 v1, v2;
	v1 =	vld [tilespmem:$0x1FF70];
	_ =	sdelay $0x2  }
0x6a0: {  	v9 =	vld [tilespmem:$0x1566A]  }
0x6a1: {  	v3 =	vadd.f32 v4, v3;
	v4 =	vmul.f32 v8, v7;
	v7 =	vld.idx.msk [tilespmem:v13+s16+$0x0], $0xffff  }
0x6a2: {  	v13 =	vor.u32 v1, v2;
	v1 =	vld [tilespmem:$0x1FF60];
	_ =	sdelay $0x2  }
0x6a3: {  	v11 =	vld [tilespmem:$0x1566B]  }
0x6a4: {  	v3 =	vadd.f32 v4, v3;
	v4 =	vmul.f32 v9, v5;
	v5 =	vld.idx.msk [tilespmem:v10+s16+$0x0], $0xffff  }
0x6a5: {  	v10 =	vor.u32 v1, v2;
	v1 =	vld [tilespmem:$0x1FF50];
	_ =	sdelay $0x2  }
0x6a6: {  	v8 =	vld [tilespmem:$0x1566C]  }
0x6a7: {  	v3 =	vadd.f32 v4, v3;
	v4 =	vmul.f32 v11, v6;
	v6 =	vld.idx.msk [tilespmem:v12+s16+$0x0], $0xffff  }
0x6a8: {  	v12 =	vor.u32 v1, v2;
	v1 =	vld [tilespmem:$0x1FB70];
	_ =	sdelay $0x2  }
0x6a9: {  	v9 =	vld [tilespmem:$0x1566D]  }
0x6aa: {  	v3 =	vadd.f32 v4, v3;
	v4 =	vmul.f32 v8, v7;
	v7 =	vld.idx.msk [tilespmem:v13+s16+$0x0], $0xffff  }
0x6ab: {  	v13 =	vor.u32 v1, v2;
	v1 =	vld [tilespmem:$0x1FF40];
	_ =	sdelay $0x2  }
0x6ac: {  	v11 =	vld [tilespmem:$0x1566E]  }
0x6ad: {  	v3 =	vadd.f32 v4, v3;
	v4 =	vmul.f32 v9, v5;
	v5 =	vld.idx.msk [tilespmem:v10+s16+$0x0], $0xffff  }
0x6ae: {  	v10 =	vor.u32 v1, v2;
	v1 =	vld [tilespmem:$0x1FF30];
	_ =	sdelay $0x2  }
0x6af: {  	v8 =	vld [tilespmem:$0x1566F]  }
0x6b0: {  	v3 =	vadd.f32 v4, v3;
	v4 =	vmul.f32 v11, v6;
	v6 =	vld.idx.msk [tilespmem:v12+s16+$0x0], $0xffff  }
0x6b1: {  	v12 =	vor.u32 v1, v2;
	v1 =	vld [tilespmem:$0x1FF20];
	_ =	sdelay $0x2  }
0x6b2: {  	v9 =	vld [tilespmem:$0x15670]  }
0x6b3: {  	v3 =	vadd.f32 v4, v3;
	v4 =	vmul.f32 v8, v7;
	v7 =	vld.idx.msk [tilespmem:v13+s16+$0x0], $0xffff  }
0x6b4: {  	v13 =	vor.u32 v1, v2;
	v1 =	vld [tilespmem:$0x1FF10];
	_ =	sdelay $0x2  }
0x6b5: {  	v11 =	vld [tilespmem:$0x15671]  }
0x6b6: {  	v3 =	vadd.f32 v4, v3;
	v4 =	vmul.f32 v9, v5;
	v5 =	vld.idx.msk [tilespmem:v10+s16+$0x0], $0xffff  }
0x6b7: {  	v10 =	vor.u32 v1, v2;
	v1 =	vld [tilespmem:$0x1FF00];
	_ =	sdelay $0x2  }
0x6b8: {  	v8 =	vld [tilespmem:$0x15672]  }
0x6b9: {  	v3 =	vadd.f32 v4, v3;
	v4 =	vmul.f32 v11, v6;
	v6 =	vld.idx.msk [tilespmem:v12+s16+$0x0], $0xffff  }
0x6ba: {  	v12 =	vor.u32 v1, v2;
	v1 =	vld [tilespmem:$0x1FEF0];
	_ =	sdelay $0x2  }
0x6bb: {  	v9 =	vld [tilespmem:$0x15673]  }
0x6bc: {  	v3 =	vadd.f32 v4, v3;
	v4 =	vmul.f32 v8, v7;
	v7 =	vld.idx.msk [tilespmem:v13+s16+$0x0], $0xffff  }
0x6bd: {  	v13 =	vor.u32 v1, v2;
	v1 =	vld [tilespmem:$0x1FB80];
	_ =	sdelay $0x2  }
0x6be: {  	v11 =	vld [tilespmem:$0x15674]  }
0x6bf: {  	v3 =	vadd.f32 v4, v3;
	v4 =	vmul.f32 v9, v5;
	v5 =	vld.idx.msk [tilespmem:v10+s16+$0x0], $0xffff  }
0x6c0: {  	v10 =	vor.u32 v1, v2;
	v1 =	vld [tilespmem:$0x1FEE0];
	_ =	sdelay $0x2  }
0x6c1: {  	v8 =	vld [tilespmem:$0x15675]  }
0x6c2: {  	v3 =	vadd.f32 v4, v3;
	v4 =	vmul.f32 v11, v6;
	v6 =	vld.idx.msk [tilespmem:v12+s16+$0x0], $0xffff  }
0x6c3: {  	v12 =	vor.u32 v1, v2;
	v1 =	vld [tilespmem:$0x1FB90];
	_ =	sdelay $0x2  }
0x6c4: {  	v9 =	vld [tilespmem:$0x15676]  }
0x6c5: {  	v3 =	vadd.f32 v4, v3;
	v4 =	vmul.f32 v8, v7;
	v7 =	vld.idx.msk [tilespmem:v13+s16+$0x0], $0xffff  }
0x6c6: {  	v13 =	vor.u32 v1, v2;
	v1 =	vld [tilespmem:$0x1FED0];
	_ =	sdelay $0x2  }
0x6c7: {  	v11 =	vld [tilespmem:$0x15677]  }
0x6c8: {  	v3 =	vadd.f32 v4, v3;
	v4 =	vmul.f32 v9, v5;
	v5 =	vld.idx.msk [tilespmem:v10+s16+$0x0], $0xffff  }
0x6c9: {  	v10 =	vor.u32 v1, v2;
	v1 =	vld [tilespmem:$0x1FEC0];
	_ =	sdelay $0x2  }
0x6ca: {  	v8 =	vld [tilespmem:$0x15678]  }
0x6cb: {  	v3 =	vadd.f32 v4, v3;
	v4 =	vmul.f32 v11, v6;
	v6 =	vld.idx.msk [tilespmem:v12+s16+$0x0], $0xffff  }
0x6cc: {  	v12 =	vor.u32 v1, v2;
	v1 =	vld [tilespmem:$0x1FEB0];
	_ =	sdelay $0x2  }
0x6cd: {  	v9 =	vld [tilespmem:$0x15679]  }
0x6ce: {  	v3 =	vadd.f32 v4, v3;
	v4 =	vmul.f32 v8, v7;
	v7 =	vld.idx.msk [tilespmem:v13+s16+$0x0], $0xffff  }
0x6cf: {  	v13 =	vor.u32 v1, v2;
	v1 =	vld [tilespmem:$0x1FE00];
	_ =	sdelay $0x2  }
0x6d0: {  	v11 =	vld [tilespmem:$0x1567A]  }
0x6d1: {  	v3 =	vadd.f32 v4, v3;
	v4 =	vmul.f32 v9, v5;
	v5 =	vld.idx.msk [tilespmem:v10+s16+$0x0], $0xffff  }
0x6d2: {  	v10 =	vor.u32 v1, v2;
	v1 =	vld [tilespmem:$0x1FEA0];
	_ =	sdelay $0x2  }
0x6d3: {  	v8 =	vld [tilespmem:$0x1567B]  }
0x6d4: {  	v3 =	vadd.f32 v4, v3;
	v4 =	vmul.f32 v11, v6;
	v6 =	vld.idx.msk [tilespmem:v12+s16+$0x0], $0xffff  }
0x6d5: {  	v12 =	vor.u32 v1, v2;
	v1 =	vld [tilespmem:$0x1FE10];
	_ =	sdelay $0x2  }
0x6d6: {  	v9 =	vld [tilespmem:$0x1567C]  }
0x6d7: {  	v3 =	vadd.f32 v4, v3;
	v4 =	vmul.f32 v8, v7;
	v7 =	vld.idx.msk [tilespmem:v13+s16+$0x0], $0xffff  }
0x6d8: {  	v13 =	vor.u32 v1, v2;
	v1 =	vld [tilespmem:$0x1FE20];
	_ =	sdelay $0x2  }
0x6d9: {  	v11 =	vld [tilespmem:$0x1567D]  }
0x6da: {  	v3 =	vadd.f32 v4, v3;
	v4 =	vmul.f32 v9, v5;
	v5 =	vld.idx.msk [tilespmem:v10+s16+$0x0], $0xffff  }
0x6db: {  	v10 =	vor.u32 v1, v2;
	v1 =	vld [tilespmem:$0x1FE30];
	_ =	sdelay $0x2  }
0x6dc: {  	v8 =	vld [tilespmem:$0x1567E]  }
0x6dd: {  	v3 =	vadd.f32 v4, v3;
	v4 =	vmul.f32 v11, v6;
	v6 =	vld.idx.msk [tilespmem:v12+s16+$0x0], $0xffff  }
0x6de: {  	v12 =	vor.u32 v1, v2;
	v1 =	vld [tilespmem:$0x1FE40];
	_ =	sdelay $0x2  }
0x6df: {  	v9 =	vld [tilespmem:$0x1567F]  }
0x6e0: {  	v3 =	vadd.f32 v4, v3;
	v4 =	vmul.f32 v8, v7;
	v7 =	vld.idx.msk [tilespmem:v13+s16+$0x0], $0xffff  }
0x6e1: {  	v13 =	vor.u32 v1, v2;
	v1 =	vld [tilespmem:$0x1FE90];
	_ =	sdelay $0x2  }
0x6e2: {  	v11 =	vld [tilespmem:$0x15680]  }
0x6e3: {  	v3 =	vadd.f32 v4, v3;
	v4 =	vmul.f32 v9, v5;
	v5 =	vld.idx.msk [tilespmem:v10+s16+$0x0], $0xffff  }
0x6e4: {  	v10 =	vor.u32 v1, v2;
	v1 =	vld [tilespmem:$0x1FE50];
	_ =	sdelay $0x2  }
0x6e5: {  	v8 =	vld [tilespmem:$0x15681]  }
0x6e6: {  	v3 =	vadd.f32 v4, v3;
	v4 =	vmul.f32 v11, v6;
	v6 =	vld.idx.msk [tilespmem:v12+s16+$0x0], $0xffff  }
0x6e7: {  	v12 =	vor.u32 v1, v2;
	v1 =	vld [tilespmem:$0x1FFE0];
	_ =	sdelay $0x2  }
0x6e8: {  	v9 =	vld [tilespmem:$0x15682]  }
0x6e9: {  	v3 =	vadd.f32 v4, v3;
	v4 =	vmul.f32 v8, v7;
	v7 =	vld.idx.msk [tilespmem:v13+s16+$0x0], $0xffff  }
0x6ea: {  	v13 =	vor.u32 v1, v2;
	v1 =	vld [tilespmem:$0x1FFD0];
	_ =	sdelay $0x2  }
0x6eb: {  	v11 =	vld [tilespmem:$0x15683]  }
0x6ec: {  	v3 =	vadd.f32 v4, v3;
	v4 =	vmul.f32 v9, v5;
	v5 =	vld.idx.msk [tilespmem:v10+s16+$0x0], $0xffff  }
0x6ed: {  	v10 =	vor.u32 v1, v2;
	v1 =	vld [tilespmem:$0x1FD30];
	_ =	sdelay $0x2  }
0x6ee: {  	v8 =	vld [tilespmem:$0x15684]  }
0x6ef: {  	v3 =	vadd.f32 v4, v3;
	v4 =	vmul.f32 v11, v6;
	v6 =	vld.idx.msk [tilespmem:v12+s16+$0x0], $0xffff  }
0x6f0: {  	v12 =	vor.u32 v1, v2;
	v1 =	vld [tilespmem:$0x1FD20];
	_ =	sdelay $0x2  }
0x6f1: {  	v9 =	vld [tilespmem:$0x15685]  }
0x6f2: {  	v3 =	vadd.f32 v4, v3;
	v4 =	vmul.f32 v8, v7;
	v7 =	vld.idx.msk [tilespmem:v13+s16+$0x0], $0xffff  }
0x6f3: {  	v13 =	vor.u32 v1, v2;
	v1 =	vld [tilespmem:$0x1FD10];
	_ =	sdelay $0x2  }
0x6f4: {  	v11 =	vld [tilespmem:$0x15686]  }
0x6f5: {  	v3 =	vadd.f32 v4, v3;
	v4 =	vmul.f32 v9, v5;
	v5 =	vld.idx.msk [tilespmem:v10+s16+$0x0], $0xffff  }
0x6f6: {  	v10 =	vor.u32 v1, v2;
	v1 =	vld [tilespmem:$0x1FD00];
	_ =	sdelay $0x2  }
0x6f7: {  	v8 =	vld [tilespmem:$0x15687]  }
0x6f8: {  	v3 =	vadd.f32 v4, v3;
	v4 =	vmul.f32 v11, v6;
	v6 =	vld.idx.msk [tilespmem:v12+s16+$0x0], $0xffff  }
0x6f9: {  	v12 =	vor.u32 v1, v2;
	v1 =	vld [tilespmem:$0x1FCF0];
	_ =	sdelay $0x2  }
0x6fa: {  	v9 =	vld [tilespmem:$0x15688]  }
0x6fb: {  	v3 =	vadd.f32 v4, v3;
	v4 =	vmul.f32 v8, v7;
	v7 =	vld.idx.msk [tilespmem:v13+s16+$0x0], $0xffff  }
0x6fc: {  	v13 =	vor.u32 v1, v2;
	v1 =	vld [tilespmem:$0x1FCE0];
	_ =	sdelay $0x2  }
0x6fd: {  	v11 =	vld [tilespmem:$0x15689]  }
0x6fe: {  	v3 =	vadd.f32 v4, v3;
	v4 =	vmul.f32 v9, v5;
	v5 =	vld.idx.msk [tilespmem:v10+s16+$0x0], $0xffff  }
0x6ff: {  	v10 =	vor.u32 v1, v2;
	v1 =	vld [tilespmem:$0x1FCD0];
	_ =	sdelay $0x2  }
0x700: {  	v8 =	vld [tilespmem:$0x1568A]  }
0x701: {  	v3 =	vadd.f32 v4, v3;
	v4 =	vmul.f32 v11, v6;
	v6 =	vld.idx.msk [tilespmem:v12+s16+$0x0], $0xffff  }
0x702: {  	v12 =	vor.u32 v1, v2;
	v1 =	vld [tilespmem:$0x1FCC0];
	_ =	sdelay $0x2  }
0x703: {  	v9 =	vld [tilespmem:$0x1568B]  }
0x704: {  	v3 =	vadd.f32 v4, v3;
	v4 =	vmul.f32 v8, v7;
	v7 =	vld.idx.msk [tilespmem:v13+s16+$0x0], $0xffff  }
0x705: {  	v13 =	vor.u32 v1, v2;
	v1 =	vld [tilespmem:$0x1FE60];
	_ =	sdelay $0x2  }
0x706: {  	v11 =	vld [tilespmem:$0x1568C]  }
0x707: {  	v3 =	vadd.f32 v4, v3;
	v4 =	vmul.f32 v9, v5;
	v5 =	vld.idx.msk [tilespmem:v10+s16+$0x0], $0xffff  }
0x708: {  	v10 =	vor.u32 v1, v2;
	v1 =	vld [tilespmem:$0x1FFB0];
	_ =	sdelay $0x2  }
0x709: {  	v8 =	vld [tilespmem:$0x1568D]  }
0x70a: {  	v3 =	vadd.f32 v4, v3;
	v4 =	vmul.f32 v11, v6;
	v6 =	vld.idx.msk [tilespmem:v12+s16+$0x0], $0xffff  }
0x70b: {  	v12 =	vor.u32 v1, v2;
	v1 =	vld [tilespmem:$0x1FB20];
	_ =	sdelay $0x2  }
0x70c: {  	v9 =	vld [tilespmem:$0x1568E]  }
0x70d: {  	v3 =	vadd.f32 v4, v3;
	v4 =	vmul.f32 v8, v7;
	v7 =	vld.idx.msk [tilespmem:v13+s16+$0x0], $0xffff  }
0x70e: {  	v13 =	vor.u32 v1, v2;
	v1 =	vld [tilespmem:$0x1FFF0];
	_ =	sdelay $0x2  }
0x70f: {  	v11 =	vld [tilespmem:$0x1568F]  }
0x710: {  	v3 =	vadd.f32 v4, v3;
	v4 =	vmul.f32 v9, v5;
	v5 =	vld.idx.msk [tilespmem:v10+s16+$0x0], $0xffff  }
0x711: {  	v10 =	vor.u32 v1, v2;
	v1 =	vld [tilespmem:$0x1FB00];
	_ =	sdelay $0x2  }
0x712: {  	v8 =	vld [tilespmem:$0x15690]  }
0x713: {  	v3 =	vadd.f32 v4, v3;
	v4 =	vmul.f32 v11, v6;
	v6 =	vld.idx.msk [tilespmem:v12+s16+$0x0], $0xffff  }
0x714: {  	v12 =	vor.u32 v1, v2;
	v1 =	vld [tilespmem:$0x1FB30];
	_ =	sdelay $0x2  }
0x715: {  	v9 =	vld [tilespmem:$0x15691]  }
0x716: {  	v3 =	vadd.f32 v4, v3;
	v4 =	vmul.f32 v8, v7;
	v7 =	vld.idx.msk [tilespmem:v13+s16+$0x0], $0xffff  }
0x717: {  	v13 =	vor.u32 v1, v2;
	v1 =	vld [tilespmem:$0x1FB40];
	_ =	sdelay $0x2  }
0x718: {  	v11 =	vld [tilespmem:$0x15692]  }
0x719: {  	v3 =	vadd.f32 v4, v3;
	v4 =	vmul.f32 v9, v5;
	v5 =	vld.idx.msk [tilespmem:v10+s16+$0x0], $0xffff  }
0x71a: {  	v10 =	vor.u32 v1, v2;
	v1 =	vld [tilespmem:$0x1FB50];
	_ =	sdelay $0x2  }
0x71b: {  	v8 =	vld [tilespmem:$0x15693]  }
0x71c: {  	v3 =	vadd.f32 v4, v3;
	v4 =	vmul.f32 v11, v6;
	v6 =	vld.idx.msk [tilespmem:v12+s16+$0x0], $0xffff  }
0x71d: {  	v12 =	vor.u32 v1, v2;
	v1 =	vld [tilespmem:$0x1FFA0];
	_ =	sdelay $0x2  }
0x71e: {  	v9 =	vld [tilespmem:$0x15694]  }
0x71f: {  	v3 =	vadd.f32 v4, v3;
	v4 =	vmul.f32 v8, v7;
	v7 =	vld.idx.msk [tilespmem:v13+s16+$0x0], $0xffff  }
0x720: {  	v13 =	vor.u32 v1, v2;
	v1 =	vld [tilespmem:$0x1FE80];
	_ =	sdelay $0x2  }
0x721: {  	v11 =	vld [tilespmem:$0x15695]  }
0x722: {  	v3 =	vadd.f32 v4, v3;
	v4 =	vmul.f32 v9, v5;
	v5 =	vld.idx.msk [tilespmem:v10+s16+$0x0], $0xffff  }
0x723: {  	v10 =	vor.u32 v1, v2;
	v1 =	vld [tilespmem:$0x1FB60];
	_ =	sdelay $0x2  }
0x724: {  	v8 =	vld [tilespmem:$0x15696]  }
0x725: {  	v3 =	vadd.f32 v4, v3;
	v4 =	vmul.f32 v11, v6;
	v6 =	vld.idx.msk [tilespmem:v12+s16+$0x0], $0xffff  }
0x726: {  	v12 =	vor.u32 v1, v2;
	v1 =	vld [tilespmem:$0x1FFC0];
	_ =	sdelay $0x2  }
0x727: {  	v9 =	vld [tilespmem:$0x15697]  }
0x728: {  	v3 =	vadd.f32 v4, v3;
	v4 =	vmul.f32 v8, v7;
	v7 =	vld.idx.msk [tilespmem:v13+s16+$0x0], $0xffff  }
0x729: {  	v13 =	vor.u32 v1, v2;
	v1 =	vld [tilespmem:$0x1FD40];
	_ =	sdelay $0x1  }
0x72a: {  	v11 =	vld [tilespmem:$0x15698]  }
0x72b: {  	v8 =	vld [tilespmem:$0x15699]  }
0x72c: {  	v3 =	vadd.f32 v4, v3;
	v4 =	vmul.f32 v9, v5;
	v5 =	vld.idx.msk [tilespmem:v10+s16+$0x0], $0xffff  }
0x72d: {  	v10 =	vor.u32 v1, v2;
	v1 =	vld [tilespmem:$0x1FC20]  }
0x72e: {  	v9 =	vld [tilespmem:$0x1569A]  }
0x72f: {  	v3 =	vadd.f32 v4, v3;
	v4 =	vmul.f32 v11, v6;
	v11 =	vld [tilespmem:$0x1569B]  }
0x730: {  	v6 =	vld.idx.msk [tilespmem:v12+s16+$0x0], $0xffff  }
0x731: {  	v12 =	vld [tilespmem:$0x1569C]  }
0x732: {  	v3 =	vadd.f32 v4, v3;
	v7 =	vmul.f32 v8, v7;
	v4 =	vor.u32 v1, v2;
	v1 =	vld [tilespmem:$0x1FCB0]  }
0x733: {  	v8 =	vld.idx.msk [tilespmem:v13+s16+$0x0], $0xffff  }
0x734: {  	v3 =	vadd.f32 v7, v3;
	v5 =	vmul.f32 v9, v5;
	v9 =	vld [tilespmem:$0x1569D]  }
0x735: {  	v7 =	vld.idx.msk [tilespmem:v10+s16+$0x0], $0xffff  }
0x736: {  	v3 =	vadd.f32 v5, v3;
	v5 =	vmul.f32 v11, v6  }
0x737: {  	v2 =	vor.u32 v1, v2;
	v6 =	vld.idx.msk [tilespmem:v4+s16+$0x0], $0xffff  }
0x738: {  	v3 =	vadd.f32 v5, v3;
	v4 =	vmul.f32 v12, v8;
	v8 =	vld [tilespmem:$0x1569E];
	_ =	sdelay $0x1  }
0x739: {  	v5 =	vmul.f32 v9, v7;
	v4 =	vadd.f32 v4, v3  }
0x73a: {  	s31 =	simm.s32 $0xD8;
	v13 =	vlaneseq.u32  }
0x73b: {  	v5 =	vadd.f32 v5, v4;
	v3 =	vld.idx.msk [tilespmem:v2+s16+$0x0], $0xffff;
	v2 =	vadd.s32 s31, v13  }
0x73c: {  	s26 =	simm.s32 $0xE8;
	v4 =	vld [tilespmem:$0x1569F];
	v6 =	vmul.f32 v8, v6;
	v7 =	vand.u32 $0x3F8, v2;
	v2 =	vshll.u32 v2, $0x6  }
.LBB2_9:
0x73d: {  	_ =	sdelay $0x3  }
0x73e: {  	v7 =	vor.u32 v14, v7;
	v5 =	vadd.f32 v6, v5;
	v3 =	vmul.f32 v4, v3  }
0x73f: {  	v4 =	vor.u32 v13, v2  }
0x740: {  	v3 =	vadd.f32 v3, v5;
	_ =	sdelay $0x1  }
0x741: {  	v5 =	vor.u32 v15, v2;
	[tilespmem:v0+s23+$0x0] =	vst.idx.msk $0xffff, v3  }
0x742: {  	v6 =	vor.u32 v22, v2;
	v3 =	vld.idx.msk [tilespmem:v7+s17+$0x0], $0xffff  }
0x743: {  	v4 =	vld.idx.msk [tilespmem:v4+s16+$0x0], $0xffff  }
0x744: {  	v8 =	vor.u32 v28, v2;
	v0 =	vmov v7;
	v7 =	vld [tilespmem:$0x15660]  }
0x745: {  	v9 =	vld [tilespmem:$0x15661]  }
0x746: {  	v10 =	vor.u32 v23, v2;
	v5 =	vld.idx.msk [tilespmem:v5+s16+$0x0], $0xffff  }
0x747: {  	v6 =	vld.idx.msk [tilespmem:v6+s16+$0x0], $0xffff  }
0x748: {  	v12 =	vor.u32 v24, v2;
	v11 =	vld [tilespmem:$0x15662]  }
0x749: {  	v4 =	vmul.f32 v7, v4;
	v7 =	vld.idx.msk [tilespmem:v8+s16+$0x0], $0xffff  }
0x74a: {  	v13 =	vor.u32 v25, v2;
	v8 =	vld [tilespmem:$0x15663]  }
0x74b: {  	v3 =	vadd.f32 v4, v3;
	v4 =	vmul.f32 v9, v5;
	v5 =	vld.idx.msk [tilespmem:v10+s16+$0x0], $0xffff  }
0x74c: {  	v9 =	vld [tilespmem:$0x15664];
	v10 =	vor.u32 v26, v2  }
0x74d: {  	v3 =	vadd.f32 v4, v3;
	v4 =	vmul.f32 v11, v6;
	v6 =	vld.idx.msk [tilespmem:v12+s16+$0x0], $0xffff  }
0x74e: {  	v11 =	vld [tilespmem:$0x15665];
	v12 =	vor.u32 v27, v2  }
0x74f: {  	v3 =	vadd.f32 v4, v3;
	v4 =	vmul.f32 v8, v7;
	v7 =	vld.idx.msk [tilespmem:v13+s16+$0x0], $0xffff  }
0x750: {  	v8 =	vld [tilespmem:$0x15666];
	v13 =	vor.u32 v29, v2  }
0x751: {  	v3 =	vadd.f32 v4, v3;
	v4 =	vmul.f32 v9, v5;
	v5 =	vld.idx.msk [tilespmem:v10+s16+$0x0], $0xffff  }
0x752: {  	v9 =	vld [tilespmem:$0x15667];
	v10 =	vor.u32 v36, v2  }
0x753: {  	v3 =	vadd.f32 v4, v3;
	v4 =	vmul.f32 v11, v6;
	v6 =	vld.idx.msk [tilespmem:v12+s16+$0x0], $0xffff  }
0x754: {  	v11 =	vld [tilespmem:$0x15668];
	v12 =	vor.u32 v39, v2  }
0x755: {  	v3 =	vadd.f32 v4, v3;
	v4 =	vmul.f32 v8, v7;
	v7 =	vld.idx.msk [tilespmem:v13+s16+$0x0], $0xffff  }
0x756: {  	v8 =	vld [tilespmem:$0x15669];
	v13 =	vor.u32 v52, v2  }
0x757: {  	v3 =	vadd.f32 v4, v3;
	v4 =	vmul.f32 v9, v5;
	v5 =	vld.idx.msk [tilespmem:v10+s16+$0x0], $0xffff  }
0x758: {  	v9 =	vld [tilespmem:$0x1566A];
	v10 =	vor.u32 v56, v2  }
0x759: {  	v3 =	vadd.f32 v4, v3;
	v4 =	vmul.f32 v11, v6;
	v6 =	vld.idx.msk [tilespmem:v12+s16+$0x0], $0xffff  }
0x75a: {  	v11 =	vld [tilespmem:$0x1566B];
	v12 =	vor.u32 v57, v2  }
0x75b: {  	v3 =	vadd.f32 v4, v3;
	v4 =	vmul.f32 v8, v7;
	v7 =	vld.idx.msk [tilespmem:v13+s16+$0x0], $0xffff  }
0x75c: {  	v8 =	vld [tilespmem:$0x1566C];
	v13 =	vor.u32 v17, v2  }
0x75d: {  	v3 =	vadd.f32 v4, v3;
	v4 =	vmul.f32 v9, v5;
	v5 =	vld.idx.msk [tilespmem:v10+s16+$0x0], $0xffff  }
0x75e: {  	v9 =	vld [tilespmem:$0x1566D];
	v10 =	vor.u32 v30, v2  }
0x75f: {  	v3 =	vadd.f32 v4, v3;
	v4 =	vmul.f32 v11, v6;
	v6 =	vld.idx.msk [tilespmem:v12+s16+$0x0], $0xffff  }
0x760: {  	v11 =	vld [tilespmem:$0x1566E];
	v12 =	vor.u32 v31, v2  }
0x761: {  	v3 =	vadd.f32 v4, v3;
	v4 =	vmul.f32 v8, v7;
	v7 =	vld.idx.msk [tilespmem:v13+s16+$0x0], $0xffff  }
0x762: {  	v8 =	vld [tilespmem:$0x1566F];
	v13 =	vor.u32 v32, v2  }
0x763: {  	v3 =	vadd.f32 v4, v3;
	v4 =	vmul.f32 v9, v5;
	v5 =	vld.idx.msk [tilespmem:v10+s16+$0x0], $0xffff  }
0x764: {  	v9 =	vld [tilespmem:$0x15670];
	v10 =	vor.u32 v33, v2  }
0x765: {  	v3 =	vadd.f32 v4, v3;
	v4 =	vmul.f32 v11, v6;
	v6 =	vld.idx.msk [tilespmem:v12+s16+$0x0], $0xffff  }
0x766: {  	v11 =	vld [tilespmem:$0x15671];
	v12 =	vor.u32 v34, v2  }
0x767: {  	v3 =	vadd.f32 v4, v3;
	v4 =	vmul.f32 v8, v7;
	v7 =	vld.idx.msk [tilespmem:v13+s16+$0x0], $0xffff  }
0x768: {  	v8 =	vld [tilespmem:$0x15672];
	v13 =	vor.u32 v35, v2  }
0x769: {  	v3 =	vadd.f32 v4, v3;
	v4 =	vmul.f32 v9, v5;
	v5 =	vld.idx.msk [tilespmem:v10+s16+$0x0], $0xffff  }
0x76a: {  	v9 =	vld [tilespmem:$0x15673];
	v10 =	vor.u32 v21, v2  }
0x76b: {  	v3 =	vadd.f32 v4, v3;
	v4 =	vmul.f32 v11, v6;
	v6 =	vld.idx.msk [tilespmem:v12+s16+$0x0], $0xffff  }
0x76c: {  	v11 =	vld [tilespmem:$0x15674];
	v12 =	vor.u32 v42, v2  }
0x76d: {  	v3 =	vadd.f32 v4, v3;
	v4 =	vmul.f32 v8, v7;
	v7 =	vld.idx.msk [tilespmem:v13+s16+$0x0], $0xffff  }
0x76e: {  	v8 =	vld [tilespmem:$0x15675];
	v13 =	vor.u32 v50, v2  }
0x76f: {  	v3 =	vadd.f32 v4, v3;
	v4 =	vmul.f32 v9, v5;
	v5 =	vld.idx.msk [tilespmem:v10+s16+$0x0], $0xffff  }
0x770: {  	v9 =	vld [tilespmem:$0x15676];
	v10 =	vor.u32 v43, v2  }
0x771: {  	v3 =	vadd.f32 v4, v3;
	v4 =	vmul.f32 v11, v6;
	v6 =	vld.idx.msk [tilespmem:v12+s16+$0x0], $0xffff  }
0x772: {  	v11 =	vld [tilespmem:$0x15677];
	v12 =	vor.u32 v44, v2  }
0x773: {  	v3 =	vadd.f32 v4, v3;
	v4 =	vmul.f32 v8, v7;
	v7 =	vld.idx.msk [tilespmem:v13+s16+$0x0], $0xffff  }
0x774: {  	v8 =	vld [tilespmem:$0x15678];
	v13 =	vor.u32 v45, v2  }
0x775: {  	v3 =	vadd.f32 v4, v3;
	v4 =	vmul.f32 v9, v5;
	v5 =	vld.idx.msk [tilespmem:v10+s16+$0x0], $0xffff  }
0x776: {  	v9 =	vld [tilespmem:$0x15679];
	v10 =	vor.u32 v53, v2  }
0x777: {  	v3 =	vadd.f32 v4, v3;
	v4 =	vmul.f32 v11, v6;
	v6 =	vld.idx.msk [tilespmem:v12+s16+$0x0], $0xffff  }
0x778: {  	v11 =	vld [tilespmem:$0x1567A];
	v12 =	vor.u32 v59, v2  }
0x779: {  	v3 =	vadd.f32 v4, v3;
	v4 =	vmul.f32 v8, v7;
	v7 =	vld.idx.msk [tilespmem:v13+s16+$0x0], $0xffff  }
0x77a: {  	v8 =	vld [tilespmem:$0x1567B];
	v13 =	vor.u32 v54, v2  }
0x77b: {  	v3 =	vadd.f32 v4, v3;
	v4 =	vmul.f32 v9, v5;
	v5 =	vld.idx.msk [tilespmem:v10+s16+$0x0], $0xffff  }
0x77c: {  	v9 =	vld [tilespmem:$0x1567C];
	v10 =	vor.u32 v58, v2  }
0x77d: {  	v3 =	vadd.f32 v4, v3;
	v4 =	vmul.f32 v11, v6;
	v6 =	vld.idx.msk [tilespmem:v12+s16+$0x0], $0xffff  }
0x77e: {  	v11 =	vld [tilespmem:$0x1567D];
	v12 =	vor.u32 v16, v2  }
0x77f: {  	v3 =	vadd.f32 v4, v3;
	v4 =	vmul.f32 v8, v7;
	v7 =	vld.idx.msk [tilespmem:v13+s16+$0x0], $0xffff  }
0x780: {  	v8 =	vld [tilespmem:$0x1567E];
	v13 =	vor.u32 v60, v2  }
0x781: {  	v3 =	vadd.f32 v4, v3;
	v4 =	vmul.f32 v9, v5;
	v5 =	vld.idx.msk [tilespmem:v10+s16+$0x0], $0xffff  }
0x782: {  	v9 =	vld [tilespmem:$0x1567F];
	v10 =	vor.u32 v61, v2  }
0x783: {  	v3 =	vadd.f32 v4, v3;
	v4 =	vmul.f32 v11, v6;
	v6 =	vld.idx.msk [tilespmem:v12+s16+$0x0], $0xffff  }
0x784: {  	v11 =	vld [tilespmem:$0x15680];
	v12 =	vor.u32 v62, v2  }
0x785: {  	v3 =	vadd.f32 v4, v3;
	v4 =	vmul.f32 v8, v7;
	v7 =	vld.idx.msk [tilespmem:v13+s16+$0x0], $0xffff  }
0x786: {  	v8 =	vld [tilespmem:$0x15681]  }
0x787: {  	v3 =	vadd.f32 v4, v3;
	v4 =	vmul.f32 v9, v5;
	v5 =	vld.idx.msk [tilespmem:v10+s16+$0x0], $0xffff  }
0x788: {  	v13 =	vor.u32 v18, v2;
	v9 =	vld [tilespmem:$0x15682]  }
0x789: {  	v3 =	vadd.f32 v4, v3;
	v4 =	vmul.f32 v11, v6;
	v6 =	vld.idx.msk [tilespmem:v12+s16+$0x0], $0xffff  }
0x78a: {  	v11 =	vld [tilespmem:$0x15683];
	v12 =	vor.u32 v63, v2  }
0x78b: {  	v1 =	vld [tilespmem:$0x1FD30];
	v3 =	vadd.f32 v4, v3;
	v4 =	vmul.f32 v8, v7;
	_ =	sdelay $0x1  }
0x78c: {  	v10 =	vor.u32 v19, v2;
	v7 =	vld.idx.msk [tilespmem:v13+s16+$0x0], $0xffff;
	v3 =	vadd.f32 v4, v3;
	v4 =	vmul.f32 v9, v5  }
0x78d: {  	v8 =	vld [tilespmem:$0x15684]  }
0x78e: {  	v13 =	vor.u32 v47, v2;
	v3 =	vadd.f32 v4, v3;
	v4 =	vmul.f32 v11, v6;
	v6 =	vld.idx.msk [tilespmem:v12+s16+$0x0], $0xffff  }
0x78f: {  	v12 =	vor.u32 v1, v2;
	v1 =	vld [tilespmem:$0x1FD20];
	_ =	sdelay $0x1  }
0x790: {  	v5 =	vld.idx.msk [tilespmem:v10+s16+$0x0], $0xffff  }
0x791: {  	v9 =	vld [tilespmem:$0x15685]  }
0x792: {  	v10 =	vor.u32 v48, v2;
	v3 =	vadd.f32 v4, v3;
	v4 =	vmul.f32 v8, v7;
	v7 =	vld.idx.msk [tilespmem:v13+s16+$0x0], $0xffff  }
0x793: {  	v13 =	vor.u32 v1, v2;
	v1 =	vld [tilespmem:$0x1FD10];
	_ =	sdelay $0x2  }
0x794: {  	v11 =	vld [tilespmem:$0x15686]  }
0x795: {  	v3 =	vadd.f32 v4, v3;
	v4 =	vmul.f32 v9, v5;
	v5 =	vld.idx.msk [tilespmem:v10+s16+$0x0], $0xffff  }
0x796: {  	v10 =	vor.u32 v1, v2;
	v1 =	vld [tilespmem:$0x1FD00]  }
0x797: {  	v8 =	vld [tilespmem:$0x15687]  }
0x798: {  	v9 =	vld [tilespmem:$0x15688]  }
0x799: {  	v3 =	vadd.f32 v4, v3;
	v4 =	vmul.f32 v11, v6;
	v6 =	vld.idx.msk [tilespmem:v12+s16+$0x0], $0xffff  }
0x79a: {  	v11 =	vld [tilespmem:$0x15689]  }
0x79b: {  	v12 =	vor.u32 v1, v2;
	v1 =	vld [tilespmem:$0x1FCF0]  }
0x79c: {  	v3 =	vadd.f32 v4, v3;
	v4 =	vmul.f32 v8, v7;
	v8 =	vld [tilespmem:$0x1568A]  }
0x79d: {  	v7 =	vld.idx.msk [tilespmem:v13+s16+$0x0], $0xffff  }
0x79e: {  	v3 =	vadd.f32 v4, v3;
	v4 =	vmul.f32 v9, v5;
	v9 =	vld [tilespmem:$0x1568B]  }
0x79f: {  	v5 =	vld.idx.msk [tilespmem:v10+s16+$0x0], $0xffff  }
0x7a0: {  	v10 =	vor.u32 v51, v2;
	v13 =	vor.u32 v1, v2;
	v1 =	vld [tilespmem:$0x1FCD0]  }
0x7a1: {  	v3 =	vadd.f32 v4, v3;
	v4 =	vmul.f32 v11, v6  }
0x7a2: {  	v11 =	vld [tilespmem:$0x1568C]  }
0x7a3: {  	v3 =	vadd.f32 v4, v3;
	v4 =	vmul.f32 v8, v7;
	v8 =	vld [tilespmem:$0x1568D]  }
0x7a4: {  	v6 =	vld.idx.msk [tilespmem:v12+s16+$0x0], $0xffff  }
0x7a5: {  	v3 =	vadd.f32 v4, v3;
	v4 =	vmul.f32 v9, v5;
	v5 =	vld.idx.msk [tilespmem:v10+s16+$0x0], $0xffff;
	v12 =	vor.u32 v1, v2  }
0x7a6: {  	v7 =	vld.idx.msk [tilespmem:v13+s16+$0x0], $0xffff;
	v13 =	vor.u32 v49, v2  }
0x7a7: {  	v1 =	vld [tilespmem:$0x1FB20]  }
0x7a8: {  	v9 =	vld [tilespmem:$0x1568E]  }
0x7a9: {  	v3 =	vadd.f32 v4, v3;
	v4 =	vmul.f32 v11, v6;
	v11 =	vld [tilespmem:$0x1568F]  }
0x7aa: {  	v6 =	vld.idx.msk [tilespmem:v12+s16+$0x0], $0xffff  }
0x7ab: {  	v3 =	vadd.f32 v4, v3;
	v12 =	vor.u32 v41, v2;
	v4 =	vmul.f32 v8, v7;
	v7 =	vld.idx.msk [tilespmem:v13+s16+$0x0], $0xffff  }
0x7ac: {  	v13 =	vor.u32 v1, v2;
	v1 =	vld [tilespmem:$0x1FB00];
	_ =	sdelay $0x1  }
0x7ad: {  	v10 =	vor.u32 v40, v2;
	v3 =	vadd.f32 v4, v3;
	v4 =	vmul.f32 v9, v5  }
0x7ae: {  	v8 =	vld [tilespmem:$0x15690]  }
0x7af: {  	v3 =	vadd.f32 v4, v3;
	v4 =	vmul.f32 v11, v6;
	v6 =	vld.idx.msk [tilespmem:v12+s16+$0x0], $0xffff  }
0x7b0: {  	v12 =	vor.u32 v1, v2;
	v1 =	vld [tilespmem:$0x1FB30];
	_ =	sdelay $0x1  }
0x7b1: {  	v5 =	vld.idx.msk [tilespmem:v10+s16+$0x0], $0xffff  }
0x7b2: {  	v9 =	vld [tilespmem:$0x15691]  }
0x7b3: {  	v10 =	vor.u32 v20, v2;
	v3 =	vadd.f32 v4, v3;
	v4 =	vmul.f32 v8, v7;
	v7 =	vld.idx.msk [tilespmem:v13+s16+$0x0], $0xffff  }
0x7b4: {  	v13 =	vor.u32 v1, v2;
	v1 =	vld [tilespmem:$0x1FB40];
	_ =	sdelay $0x2  }
0x7b5: {  	v11 =	vld [tilespmem:$0x15692]  }
0x7b6: {  	v3 =	vadd.f32 v4, v3;
	v4 =	vmul.f32 v9, v5;
	v5 =	vld.idx.msk [tilespmem:v10+s16+$0x0], $0xffff  }
0x7b7: {  	v10 =	vor.u32 v1, v2;
	v1 =	vld [tilespmem:$0x1FB50]  }
0x7b8: {  	v8 =	vld [tilespmem:$0x15693];
	_ =	sdelay $0x1  }
0x7b9: {  	v9 =	vld [tilespmem:$0x15694]  }
0x7ba: {  	v3 =	vadd.f32 v4, v3;
	v4 =	vmul.f32 v11, v6;
	v6 =	vld.idx.msk [tilespmem:v12+s16+$0x0], $0xffff  }
0x7bb: {  	v11 =	vld [tilespmem:$0x15695];
	v12 =	vor.u32 v1, v2  }
0x7bc: {  	v3 =	vadd.f32 v4, v3;
	v4 =	vmul.f32 v8, v7;
	_ =	sdelay $0x1  }
0x7bd: {  	v3 =	vadd.f32 v4, v3;
	v4 =	vmul.f32 v9, v5  }
0x7be: {  	v8 =	vld [tilespmem:$0x15696]  }
0x7bf: {  	v3 =	vadd.f32 v4, v3;
	v4 =	vmul.f32 v11, v6;
	v6 =	vld.idx.msk [tilespmem:v12+s16+$0x0], $0xffff  }
0x7c0: {  	v12 =	vld [tilespmem:$0x1FB60]  }
0x7c1: {  	v7 =	vld.idx.msk [tilespmem:v13+s16+$0x0], $0xffff  }
0x7c2: {  	v9 =	vld [tilespmem:$0x15697]  }
0x7c3: {  	v13 =	vor.u32 v46, v2;
	v5 =	vld.idx.msk [tilespmem:v10+s16+$0x0], $0xffff;
	_ =	sdelay $0x1  }
0x7c4: {  	v11 =	vld [tilespmem:$0x15698];
	v12 =	vor.u32 v12, v2  }
0x7c5: {  	v3 =	vadd.f32 v4, v3;
	v4 =	vmul.f32 v8, v7  }
0x7c6: {  	v10 =	vor.u32 v55, v2  }
0x7c7: {  	v7 =	vld.idx.msk [tilespmem:v13+s16+$0x0], $0xffff;
	v3 =	vadd.f32 v4, v3;
	v4 =	vmul.f32 v9, v5  }
0x7c8: {  	v8 =	vld [tilespmem:$0x15699]  }
0x7c9: {  	v3 =	vadd.f32 v4, v3;
	v4 =	vmul.f32 v11, v6;
	v6 =	vld.idx.msk [tilespmem:v12+s16+$0x0], $0xffff  }
0x7ca: {  	v13 =	vor.u32 v37, v2;
	v12 =	vld [tilespmem:$0x1FC20]  }
0x7cb: {  	v5 =	vld.idx.msk [tilespmem:v10+s16+$0x0], $0xffff  }
0x7cc: {  	v9 =	vld [tilespmem:$0x1569A];
	v10 =	vor.u32 v38, v2  }
0x7cd: {  	v1 =	vld [tilespmem:$0x1FCB0]  }
0x7ce: {  	v11 =	vld [tilespmem:$0x1569B]  }
0x7cf: {  	v3 =	vadd.f32 v4, v3;
	v4 =	vmul.f32 v8, v7;
	v7 =	vld.idx.msk [tilespmem:v13+s16+$0x0], $0xffff;
	v12 =	vor.u32 v12, v2  }
0x7d0: {  	v8 =	vld [tilespmem:$0x1569C]  }
0x7d1: {  	v3 =	vadd.f32 v4, v3;
	v4 =	vmul.f32 v9, v5;
	v5 =	vld.idx.msk [tilespmem:v10+s16+$0x0], $0xffff  }
0x7d2: {  	v9 =	vld [tilespmem:$0x1569D];
	v2 =	vor.u32 v1, v2  }
0x7d3: {  	v10 =	vld [tilespmem:$0x1569E];
	v3 =	vadd.f32 v4, v3;
	v4 =	vmul.f32 v11, v6  }
0x7d4: {  	p1 =	sne.s32 s26, $0x188;
	v6 =	vld.idx.msk [tilespmem:v12+s16+$0x0], $0xffff  }
.Ltmp3:
0x7d5: {  	v7 =	vmul.f32 v8, v7;
	v11 =	vadd.f32 v4, v3;
	(pc) =	sbr.rel @p1 .LBB2_9-.Ltmp3, $4  }
0x7d6: {  	v13 =	vlaneseq.u32  }
0x7d7: {  	v8 =	vadd.s32 s26, v13;
	v5 =	vmul.f32 v9, v5;
	v3 =	vld.idx.msk [tilespmem:v2+s16+$0x0], $0xffff;
	v2 =	vadd.f32 v7, v11  }
0x7d8: {  	v7 =	vand.u32 $0x3F8, v8  }
0x7d9: {  	s26 =	sadd.s32 $0x10, s26;
	v4 =	vld [tilespmem:$0x1569F];
	v5 =	vadd.f32 v5, v2;
	v2 =	vshll.u32 v8, $0x6;
	v6 =	vmul.f32 v10, v6  }
0x7da: {  	_ =	sdelay $0x3  }
0x7db: {  	v1 =	vor.u32 v14, v7;
	v5 =	vadd.f32 v6, v5;
	v3 =	vmul.f32 v4, v3  }
0x7dc: {  	v4 =	vor.u32 v13, v2  }
0x7dd: {  	v3 =	vadd.f32 v3, v5  }
0x7de: {  	v9 =	vor.u32 v23, v2;
	v23 =	vld [tilespmem:$0x1FCF0]  }
0x7df: {  	v14 =	vld [tilespmem:$0x1FCD0];
	[tilespmem:v0+s23+$0x0] =	vst.idx.msk $0xffff, v3  }
0x7e0: {  	v5 =	vor.u32 v15, v2;
	v0 =	vld.idx.msk [tilespmem:v1+s17+$0x0], $0xffff  }
0x7e1: {  	v4 =	vld.idx.msk [tilespmem:v4+s16+$0x0], $0xffff  }
0x7e2: {  	v3 =	vor.u32 v22, v2;
	v6 =	vld [tilespmem:$0x15660]  }
0x7e3: {  	v7 =	vor.u32 v28, v2;
	v8 =	vld [tilespmem:$0x15661]  }
0x7e4: {  	v10 =	vld [tilespmem:$0x15662]  }
0x7e5: {  	v5 =	vld.idx.msk [tilespmem:v5+s16+$0x0], $0xffff  }
0x7e6: {  	[tilespmem:$0x1FAF0] =	vst v1;
	v1 =	vld [tilespmem:$0x1FB20]  }
0x7e7: {  	v3 =	vld.idx.msk [tilespmem:v3+s16+$0x0], $0xffff  }
0x7e8: {  	v11 =	vor.u32 v24, v2;
	v4 =	vmul.f32 v6, v4;
	v6 =	vld.idx.msk [tilespmem:v7+s16+$0x0], $0xffff  }
0x7e9: {  	v7 =	vld [tilespmem:$0x15663]  }
0x7ea: {  	v0 =	vadd.f32 v4, v0;
	v4 =	vmul.f32 v8, v5;
	v5 =	vld.idx.msk [tilespmem:v9+s16+$0x0], $0xffff  }
0x7eb: {  	v12 =	vor.u32 v25, v2;
	v8 =	vld [tilespmem:$0x15664]  }
0x7ec: {  	v9 =	vor.u32 v26, v2;
	v26 =	vld [tilespmem:$0x1FD20]  }
0x7ed: {  	v0 =	vadd.f32 v4, v0;
	v4 =	vld.idx.msk [tilespmem:v11+s16+$0x0], $0xffff  }
0x7ee: {  	v3 =	vmul.f32 v10, v3;
	v10 =	vld [tilespmem:$0x15665]  }
0x7ef: {  	v11 =	vor.u32 v27, v2;
	v27 =	vld [tilespmem:$0x1FD30]  }
0x7f0: {  	v0 =	vadd.f32 v3, v0;
	v3 =	vmul.f32 v7, v6;
	v6 =	vld.idx.msk [tilespmem:v12+s16+$0x0], $0xffff  }
0x7f1: {  	v7 =	vld [tilespmem:$0x15666];
	v12 =	vor.u32 v29, v2  }
0x7f2: {  	v0 =	vadd.f32 v3, v0;
	v3 =	vmul.f32 v8, v5;
	v5 =	vld.idx.msk [tilespmem:v9+s16+$0x0], $0xffff  }
0x7f3: {  	v8 =	vld [tilespmem:$0x15667];
	v9 =	vor.u32 v36, v2  }
0x7f4: {  	v0 =	vadd.f32 v3, v0;
	v3 =	vmul.f32 v10, v4;
	v4 =	vld.idx.msk [tilespmem:v11+s16+$0x0], $0xffff  }
0x7f5: {  	v10 =	vld [tilespmem:$0x15668];
	v11 =	vor.u32 v39, v2  }
0x7f6: {  	v0 =	vadd.f32 v3, v0;
	v3 =	vmul.f32 v7, v6;
	v6 =	vld.idx.msk [tilespmem:v12+s16+$0x0], $0xffff  }
0x7f7: {  	v7 =	vld [tilespmem:$0x15669];
	v12 =	vor.u32 v52, v2  }
0x7f8: {  	v0 =	vadd.f32 v3, v0;
	v3 =	vmul.f32 v8, v5;
	v5 =	vld.idx.msk [tilespmem:v9+s16+$0x0], $0xffff  }
0x7f9: {  	v8 =	vld [tilespmem:$0x1566A]  }
0x7fa: {  	v9 =	vor.u32 v56, v2;
	v0 =	vadd.f32 v3, v0;
	v3 =	vmul.f32 v10, v4;
	v4 =	vld.idx.msk [tilespmem:v11+s16+$0x0], $0xffff  }
0x7fb: {  	v10 =	vld [tilespmem:$0x1566B]  }
0x7fc: {  	v11 =	vor.u32 v57, v2;
	v0 =	vadd.f32 v3, v0;
	v3 =	vmul.f32 v7, v6;
	v6 =	vld.idx.msk [tilespmem:v12+s16+$0x0], $0xffff  }
0x7fd: {  	v7 =	vld [tilespmem:$0x1566C]  }
0x7fe: {  	v12 =	vor.u32 v17, v2;
	v17 =	vld [tilespmem:$0x1FD10]  }
0x7ff: {  	v0 =	vadd.f32 v3, v0;
	v3 =	vmul.f32 v8, v5;
	v5 =	vld.idx.msk [tilespmem:v9+s16+$0x0], $0xffff  }
0x800: {  	v8 =	vld [tilespmem:$0x1566D];
	v9 =	vor.u32 v30, v2  }
0x801: {  	v0 =	vadd.f32 v3, v0;
	v3 =	vmul.f32 v10, v4;
	v4 =	vld.idx.msk [tilespmem:v11+s16+$0x0], $0xffff  }
0x802: {  	v10 =	vld [tilespmem:$0x1566E];
	v11 =	vor.u32 v31, v2  }
0x803: {  	v0 =	vadd.f32 v3, v0;
	v3 =	vmul.f32 v7, v6;
	v6 =	vld.idx.msk [tilespmem:v12+s16+$0x0], $0xffff  }
0x804: {  	v7 =	vld [tilespmem:$0x1566F];
	v12 =	vor.u32 v32, v2  }
0x805: {  	v0 =	vadd.f32 v3, v0;
	v3 =	vmul.f32 v8, v5;
	v5 =	vld.idx.msk [tilespmem:v9+s16+$0x0], $0xffff  }
0x806: {  	v8 =	vld [tilespmem:$0x15670];
	v9 =	vor.u32 v33, v2  }
0x807: {  	v0 =	vadd.f32 v3, v0;
	v3 =	vmul.f32 v10, v4;
	v4 =	vld.idx.msk [tilespmem:v11+s16+$0x0], $0xffff  }
0x808: {  	v10 =	vld [tilespmem:$0x15671];
	v11 =	vor.u32 v34, v2  }
0x809: {  	v0 =	vadd.f32 v3, v0;
	v3 =	vmul.f32 v7, v6;
	v6 =	vld.idx.msk [tilespmem:v12+s16+$0x0], $0xffff  }
0x80a: {  	v7 =	vld [tilespmem:$0x15672];
	v12 =	vor.u32 v35, v2  }
0x80b: {  	v0 =	vadd.f32 v3, v0;
	v3 =	vmul.f32 v8, v5;
	v5 =	vld.idx.msk [tilespmem:v9+s16+$0x0], $0xffff  }
0x80c: {  	v8 =	vld [tilespmem:$0x15673];
	v9 =	vor.u32 v21, v2  }
0x80d: {  	v0 =	vadd.f32 v3, v0;
	v3 =	vmul.f32 v10, v4;
	v4 =	vld.idx.msk [tilespmem:v11+s16+$0x0], $0xffff  }
0x80e: {  	v10 =	vld [tilespmem:$0x15674];
	v11 =	vor.u32 v42, v2  }
0x80f: {  	v0 =	vadd.f32 v3, v0;
	v3 =	vmul.f32 v7, v6;
	v6 =	vld.idx.msk [tilespmem:v12+s16+$0x0], $0xffff  }
0x810: {  	v7 =	vld [tilespmem:$0x15675];
	v12 =	vor.u32 v50, v2  }
0x811: {  	v0 =	vadd.f32 v3, v0;
	v3 =	vmul.f32 v8, v5;
	v5 =	vld.idx.msk [tilespmem:v9+s16+$0x0], $0xffff  }
0x812: {  	v8 =	vld [tilespmem:$0x15676];
	v9 =	vor.u32 v43, v2  }
0x813: {  	v0 =	vadd.f32 v3, v0;
	v3 =	vmul.f32 v10, v4;
	v4 =	vld.idx.msk [tilespmem:v11+s16+$0x0], $0xffff  }
0x814: {  	v10 =	vld [tilespmem:$0x15677];
	v11 =	vor.u32 v44, v2  }
0x815: {  	v0 =	vadd.f32 v3, v0;
	v3 =	vmul.f32 v7, v6;
	v6 =	vld.idx.msk [tilespmem:v12+s16+$0x0], $0xffff  }
0x816: {  	v7 =	vld [tilespmem:$0x15678];
	v12 =	vor.u32 v45, v2  }
0x817: {  	v0 =	vadd.f32 v3, v0;
	v3 =	vmul.f32 v8, v5;
	v5 =	vld.idx.msk [tilespmem:v9+s16+$0x0], $0xffff  }
0x818: {  	v8 =	vld [tilespmem:$0x15679];
	v9 =	vor.u32 v53, v2  }
0x819: {  	v0 =	vadd.f32 v3, v0;
	v3 =	vmul.f32 v10, v4;
	v4 =	vld.idx.msk [tilespmem:v11+s16+$0x0], $0xffff  }
0x81a: {  	v10 =	vld [tilespmem:$0x1567A];
	v11 =	vor.u32 v59, v2  }
0x81b: {  	v0 =	vadd.f32 v3, v0;
	v3 =	vmul.f32 v7, v6;
	v6 =	vld.idx.msk [tilespmem:v12+s16+$0x0], $0xffff  }
0x81c: {  	v7 =	vld [tilespmem:$0x1567B]  }
0x81d: {  	v12 =	vor.u32 v54, v2;
	v0 =	vadd.f32 v3, v0;
	v3 =	vmul.f32 v8, v5;
	v5 =	vld.idx.msk [tilespmem:v9+s16+$0x0], $0xffff  }
0x81e: {  	v8 =	vld [tilespmem:$0x1567C]  }
0x81f: {  	v9 =	vor.u32 v58, v2;
	v0 =	vadd.f32 v3, v0;
	v3 =	vmul.f32 v10, v4;
	v4 =	vld.idx.msk [tilespmem:v11+s16+$0x0], $0xffff  }
0x820: {  	v10 =	vld [tilespmem:$0x1567D]  }
0x821: {  	v56 =	vmov v16;
	v11 =	vor.u32 v16, v2;
	v16 =	vld [tilespmem:$0x1FD00]  }
0x822: {  	v0 =	vadd.f32 v3, v0;
	v3 =	vmul.f32 v7, v6;
	v6 =	vld.idx.msk [tilespmem:v12+s16+$0x0], $0xffff  }
0x823: {  	v7 =	vld [tilespmem:$0x1567E];
	v12 =	vor.u32 v60, v2  }
0x824: {  	v0 =	vadd.f32 v3, v0;
	v3 =	vmul.f32 v8, v5;
	v5 =	vld.idx.msk [tilespmem:v9+s16+$0x0], $0xffff  }
0x825: {  	v8 =	vld [tilespmem:$0x1567F];
	v9 =	vor.u32 v61, v2  }
0x826: {  	v0 =	vadd.f32 v3, v0;
	v3 =	vmul.f32 v10, v4;
	v4 =	vld.idx.msk [tilespmem:v11+s16+$0x0], $0xffff  }
0x827: {  	v10 =	vld [tilespmem:$0x15680];
	v11 =	vor.u32 v62, v2  }
0x828: {  	v0 =	vadd.f32 v3, v0;
	v3 =	vmul.f32 v7, v6;
	v6 =	vld.idx.msk [tilespmem:v12+s16+$0x0], $0xffff  }
0x829: {  	v7 =	vld [tilespmem:$0x15681];
	v12 =	vor.u32 v18, v2  }
0x82a: {  	v0 =	vadd.f32 v3, v0;
	v3 =	vmul.f32 v8, v5;
	v5 =	vld.idx.msk [tilespmem:v9+s16+$0x0], $0xffff  }
0x82b: {  	v8 =	vld [tilespmem:$0x15682];
	v9 =	vor.u32 v19, v2  }
0x82c: {  	v0 =	vadd.f32 v3, v0;
	v3 =	vmul.f32 v10, v4;
	v4 =	vld.idx.msk [tilespmem:v11+s16+$0x0], $0xffff  }
0x82d: {  	v10 =	vld [tilespmem:$0x15683];
	v11 =	vor.u32 v63, v2  }
0x82e: {  	v0 =	vadd.f32 v3, v0;
	v3 =	vmul.f32 v7, v6;
	v6 =	vld.idx.msk [tilespmem:v12+s16+$0x0], $0xffff  }
0x82f: {  	v7 =	vld [tilespmem:$0x15684];
	v12 =	vor.u32 v47, v2  }
0x830: {  	v0 =	vadd.f32 v3, v0;
	v3 =	vmul.f32 v8, v5;
	v5 =	vld.idx.msk [tilespmem:v9+s16+$0x0], $0xffff  }
0x831: {  	v8 =	vld [tilespmem:$0x15685];
	v9 =	vor.u32 v48, v2  }
0x832: {  	v0 =	vadd.f32 v3, v0;
	v3 =	vmul.f32 v10, v4;
	v4 =	vld.idx.msk [tilespmem:v11+s16+$0x0], $0xffff  }
0x833: {  	v10 =	vld [tilespmem:$0x15686];
	v11 =	vor.u32 v27, v2  }
0x834: {  	v0 =	vadd.f32 v3, v0;
	v3 =	vmul.f32 v7, v6;
	v6 =	vld.idx.msk [tilespmem:v12+s16+$0x0], $0xffff  }
0x835: {  	v7 =	vld [tilespmem:$0x15687];
	v12 =	vor.u32 v26, v2  }
0x836: {  	v0 =	vadd.f32 v3, v0;
	v3 =	vmul.f32 v8, v5;
	v5 =	vld.idx.msk [tilespmem:v9+s16+$0x0], $0xffff  }
0x837: {  	v8 =	vld [tilespmem:$0x15688];
	v9 =	vor.u32 v17, v2  }
0x838: {  	v0 =	vadd.f32 v3, v0;
	v3 =	vmul.f32 v10, v4;
	v4 =	vld.idx.msk [tilespmem:v11+s16+$0x0], $0xffff  }
0x839: {  	v10 =	vld [tilespmem:$0x15689];
	v11 =	vor.u32 v16, v2  }
0x83a: {  	v0 =	vadd.f32 v3, v0;
	v3 =	vmul.f32 v7, v6;
	v6 =	vld.idx.msk [tilespmem:v12+s16+$0x0], $0xffff  }
0x83b: {  	v7 =	vld [tilespmem:$0x1568A];
	v12 =	vor.u32 v23, v2  }
0x83c: {  	v0 =	vadd.f32 v3, v0;
	v3 =	vmul.f32 v8, v5;
	v5 =	vld.idx.msk [tilespmem:v9+s16+$0x0], $0xffff  }
0x83d: {  	v8 =	vld [tilespmem:$0x1568B];
	v9 =	vor.u32 v51, v2  }
0x83e: {  	v0 =	vadd.f32 v3, v0;
	v3 =	vmul.f32 v10, v4;
	v4 =	vld.idx.msk [tilespmem:v11+s16+$0x0], $0xffff  }
0x83f: {  	v10 =	vld [tilespmem:$0x1568C];
	v11 =	vor.u32 v14, v2  }
0x840: {  	v0 =	vadd.f32 v3, v0;
	v3 =	vmul.f32 v7, v6;
	v6 =	vld.idx.msk [tilespmem:v12+s16+$0x0], $0xffff  }
0x841: {  	v7 =	vld [tilespmem:$0x1568D];
	v12 =	vor.u32 v49, v2  }
0x842: {  	v0 =	vadd.f32 v3, v0;
	v3 =	vmul.f32 v8, v5;
	v5 =	vld.idx.msk [tilespmem:v9+s16+$0x0], $0xffff  }
0x843: {  	v8 =	vld [tilespmem:$0x1568E]  }
0x844: {  	v0 =	vadd.f32 v3, v0;
	v3 =	vmul.f32 v10, v4;
	v4 =	vld.idx.msk [tilespmem:v11+s16+$0x0], $0xffff  }
0x845: {  	v10 =	vld [tilespmem:$0x1568F]  }
0x846: {  	v11 =	vor.u32 v41, v2;
	v0 =	vadd.f32 v3, v0;
	v3 =	vmul.f32 v7, v6;
	v6 =	vld.idx.msk [tilespmem:v12+s16+$0x0], $0xffff  }
0x847: {  	v12 =	vor.u32 v1, v2;
	v1 =	vld [tilespmem:$0x1FB00];
	_ =	sdelay $0x1  }
0x848: {  	v9 =	vor.u32 v40, v2;
	v0 =	vadd.f32 v3, v0;
	v3 =	vmul.f32 v8, v5  }
0x849: {  	v7 =	vld [tilespmem:$0x15690]  }
0x84a: {  	v0 =	vadd.f32 v3, v0;
	v3 =	vmul.f32 v10, v4;
	v4 =	vld.idx.msk [tilespmem:v11+s16+$0x0], $0xffff  }
0x84b: {  	v11 =	vor.u32 v1, v2;
	v1 =	vld [tilespmem:$0x1FB30];
	_ =	sdelay $0x1  }
0x84c: {  	v5 =	vld.idx.msk [tilespmem:v9+s16+$0x0], $0xffff  }
0x84d: {  	v8 =	vld [tilespmem:$0x15691]  }
0x84e: {  	v9 =	vor.u32 v20, v2;
	v0 =	vadd.f32 v3, v0;
	v3 =	vmul.f32 v7, v6;
	v6 =	vld.idx.msk [tilespmem:v12+s16+$0x0], $0xffff  }
0x84f: {  	v12 =	vor.u32 v1, v2;
	v1 =	vld [tilespmem:$0x1FB40];
	_ =	sdelay $0x1  }
0x850: {  	v10 =	vld [tilespmem:$0x15692]  }
0x851: {  	v7 =	vld [tilespmem:$0x15693]  }
0x852: {  	v0 =	vadd.f32 v3, v0;
	v3 =	vmul.f32 v8, v5;
	v5 =	vld.idx.msk [tilespmem:v9+s16+$0x0], $0xffff  }
0x853: {  	v9 =	vor.u32 v1, v2;
	v1 =	vld [tilespmem:$0x1FB50]  }
0x854: {  	v8 =	vld [tilespmem:$0x15694]  }
0x855: {  	v0 =	vadd.f32 v3, v0;
	v3 =	vmul.f32 v10, v4;
	v4 =	vld.idx.msk [tilespmem:v11+s16+$0x0], $0xffff  }
0x856: {  	v10 =	vld [tilespmem:$0x15695]  }
0x857: {  	v0 =	vadd.f32 v3, v0;
	v3 =	vmul.f32 v7, v6  }
0x858: {  	v7 =	vld [tilespmem:$0x15696];
	v11 =	vor.u32 v1, v2  }
0x859: {  	v0 =	vadd.f32 v3, v0;
	v3 =	vmul.f32 v8, v5;
	v8 =	vld [tilespmem:$0x15697]  }
0x85a: {  	v6 =	vld.idx.msk [tilespmem:v12+s16+$0x0], $0xffff  }
0x85b: {  	v0 =	vadd.f32 v3, v0;
	v3 =	vmul.f32 v10, v4;
	v10 =	vld [tilespmem:$0x15698]  }
0x85c: {  	v5 =	vld.idx.msk [tilespmem:v9+s16+$0x0], $0xffff  }
0x85d: {  	v12 =	vor.u32 v46, v2;
	v4 =	vld.idx.msk [tilespmem:v11+s16+$0x0], $0xffff  }
0x85e: {  	v11 =	vld [tilespmem:$0x1FB60]  }
0x85f: {  	v0 =	vadd.f32 v3, v0;
	v3 =	vmul.f32 v7, v6  }
0x860: {  	v9 =	vor.u32 v55, v2  }
0x861: {  	v24 =	vld [tilespmem:$0x1FCB0];
	v0 =	vadd.f32 v3, v0;
	v3 =	vmul.f32 v8, v5  }
0x862: {  	v6 =	vld.idx.msk [tilespmem:v12+s16+$0x0], $0xffff  }
0x863: {  	v0 =	vadd.f32 v3, v0;
	v1 =	vor.u32 v11, v2;
	v3 =	vmul.f32 v10, v4;
	v10 =	vld [tilespmem:$0x1FC20]  }
0x864: {  	v7 =	vld [tilespmem:$0x15699]  }
0x865: {  	v5 =	vld.idx.msk [tilespmem:v9+s16+$0x0], $0xffff;
	v11 =	vor.u32 v37, v2  }
0x866: {  	v8 =	vld [tilespmem:$0x1569A];
	v9 =	vor.u32 v38, v2  }
0x867: {  	v4 =	vld [tilespmem:$0x1569B]  }
0x868: {  	v12 =	vld.idx.msk [tilespmem:v1+s16+$0x0], $0xffff;
	v10 =	vor.u32 v10, v2  }
0x869: {  	v0 =	vadd.f32 v3, v0;
	v3 =	vmul.f32 v7, v6;
	v7 =	vld [tilespmem:$0x1569C]  }
0x86a: {  	v6 =	vld.idx.msk [tilespmem:v11+s16+$0x0], $0xffff;
	v2 =	vor.u32 v24, v2  }
0x86b: {  	v0 =	vadd.f32 v3, v0;
	v3 =	vmul.f32 v8, v5;
	v5 =	vld.idx.msk [tilespmem:v9+s16+$0x0], $0xffff  }
0x86c: {  	v8 =	vld [tilespmem:$0x1569D]  }
0x86d: {  	v0 =	vadd.f32 v3, v0;
	v1 =	vmul.f32 v4, v12;
	v3 =	vld.idx.msk [tilespmem:v10+s16+$0x0], $0xffff  }
0x86e: {  	v4 =	vld [tilespmem:$0x1569E]  }
0x86f: {  	v2 =	vld.idx.msk [tilespmem:v2+s16+$0x0], $0xffff;
	v0 =	vadd.f32 v1, v0;
	v1 =	vmul.f32 v7, v6  }
0x870: {  	v6 =	vld [tilespmem:$0x1569F]  }
0x871: {  	v0 =	vadd.f32 v1, v0;
	v1 =	vmul.f32 v8, v5;
	_ =	sdelay $0x1  }
0x872: {  	v0 =	vadd.f32 v1, v0;
	v1 =	vmul.f32 v4, v3;
	_ =	sdelay $0x1  }
0x873: {  	v0 =	vadd.f32 v1, v0;
	v1 =	vmul.f32 v6, v2;
	_ =	sdelay $0x1  }
0x874: {  	v0 =	vadd.f32 v1, v0;
	v1 =	vld [tilespmem:$0x1FAF0];
	_ =	sdelay $0x6  }
0x875: {  	s0 =	sadd.s32 @!p0 $0x24B0, s28  }
0x876: {  	s1 =	simm.s32 @!p0 $0x190;
	s26 =	simm.s32 @!p0 $0xEA00;
	s30 =	sadd.s32 s6, s29;
	[tilespmem:v1+s23+$0x0] =	vst.idx.msk $0xffff, v0  }
0x877: {  	[tilespmem:s26], [sflag:$0x2] =	stream.indirect.gather @!p0 [hbm4b:s4+s1], $0x40, s0, s1, $0xb8;
	[tilespmem:$0x156E0] =	vst v63  }
0x878: {  	s28 =	simm.s32 @!p0 $0x15198;
	s26 =	smul.u32 $0x19, s30  }
0x879: {  	[tilespmem:s28], [sflag:$0x4] =	stream.indirect.gather @!p0 [hbm4b:s2+s1], $0x1, s0, s1, $0xb8;
	[tilespmem:$0x156E0] =	vst v63  }
0x87a: {  	s31 =	sadd.s32 s5, s26  }
0x87b: {  	[hbm4b:s31+s3] =	stream.linear.scatter [tilespmem:s23], [sflag:$0x5], $0x190, $0x38;
	[tilespmem:$0x156E0] =	vst v63  }
0x87c: {  	_ =	swait.ge [sflag:s10], $0x190  }
0x87d: {  	v3 =	vld [tilespmem:$0x1FCA0]  }
0x87e: {  	v5 =	vld [tilespmem:$0x1FD50]  }
0x87f: {  	v7 =	vld [tilespmem:$0x1FD90]  }
0x880: {  	v22 =	vmovc v19;
	v19 =	vmovc v63;
	v63 =	vmov v47;
	v47 =	vmov v51;
	v51 =	vmov v27;
	v27 =	vld [tilespmem:$0x1FDB0]  }
0x881: {  	v58 =	vld [tilespmem:$0x1FD60]  }
0x882: {  	v0 =	vmov v36;
	v36 =	vld [tilespmem:$0x1FD70]  }
0x883: {  	v28 =	vmov v48;
	v41 =	vld [tilespmem:$0x1FDF0]  }
0x884: {  	s25 =	sadd.s32 $0x1, s25;
	v37 =	vmov v28;
	v28 =	vld [tilespmem:$0x1FF90]  }
0x885: {  	p0 =	sne.s32 s25, $0x20;
	v1 =	vld [tilespmem:$0x1FF80]  }
.Ltmp4:
0x886: {  	v29 =	vmov v21;
	v52 =	vmov v42;
	v42 =	vmov v50;
	v50 =	vld [tilespmem:$0x1FF70];
	(pc) =	sbr.rel @p0 .LBB2_2-.Ltmp4, $4  }
0x887: {  	v25 =	vmov v59;
	v8 =	vmov v26;
	v26 =	vmov v29;
	v29 =	vld [tilespmem:$0x1FDA0]  }
0x888: {  	v57 =	vmovc v60;
	v21 =	vmovc v61;
	v18 =	vmov v15;
	v48 =	vmov v49;
	v4 =	vmov v53;
	v53 =	vld [tilespmem:$0x1FDC0]  }
0x889: {  	v49 =	vmovc v16;
	v46 =	vmovc v62;
	v38 =	vmov v17;
	v9 =	vmov v14;
	v11 =	vmov v63;
	[sflag:s10] =	ssyncset.done $0x0;
	v63 =	vld [tilespmem:$0x1FD80]  }
0x88a: {  	v14 =	vmovc v22;
	v12 =	vmovc v23;
	v10 =	vmov v55;
	v6 =	vmov v54;
	v54 =	vmov v0;
	v40 =	vld [tilespmem:$0x1FE40];
	[sflag:s10] =	ssyncadd.s32 $0xFFFFFE70  }
0x88b: {  	s24 =	sadd.s32 $0x1, s24  }
0x88c: {  	p0 =	sne.s32 s24, s9  }
.Ltmp5:
0x88d: {  	_ = 	snop;
	(pc) =	sbr.rel @p0 .LBB2_1-.Ltmp5, $3  }
0x88e: {  	_ =	sdelay $0x1  }
0x88f: {  	v59 =	vmovc v6;
	v15 =	vmov v4;
	v61 =	vmov v26;
	v4 =	vmov v35  }
0x890: {  	v62 =	vmovc v34;
	v34 =	vmovc v30;
	v26 =	vmov v1;
	v35 =	vmov v28;
	v30 =	vmov v41  }
0x891: {  	_ =	sfence.sel $0x180000  }
0x892: {  	[bflag:$0x0] =	sbarrier.arrive $0xFFFF  }
0x893: {  	_ =	strace $0x90000047  }
0x894: {  	s0 =	stileid.u32;
	[bflag:$0x2] =	sbarrier.arrive $0xFFFF  }
0x895: {  	p0 =	sne.s32 s0, $0x0;
	s0 =	rddreg [dreg:$0x3]  }
0x896: {  	s0 =	sadd.s32 @!p0 $0x100000, s0  }
0x897: {  	[sflag:s0] =	ssyncadd.tile.s32 @!p0 $0x1;
	_ =	shalt  }
.Lfunc_end2:
_tile_overlayer_lowered:
.L_overlay_start_2:
0x898: {  	(tag) =	ssettag $0x2  }
0x899: {  	s0 =	rddreg [dreg:$0x0];
	s2 =	stileid.u32  }
0x89a: {  	s1 =	rddreg [dreg:$0x1];
	p0 =	sne.s32 s2, $0x0  }
0x89b: {  	s3 =	rddreg [dreg:$0x2];
	[bflag:$0x3] =	sbarrier.arrive $0xFFFF;
	s2 =	simm.s32 @!p0 $0x1C05  }
0x89c: {  	[timem:s3], [sflag:s2] =	dma.local @!p0 [hbm:s0], s1  }
0x89d: {  	s0 =	simm.s32 @!p0 $0x5  }
0x89e: {  	_ =	swait.ge @!p0 [sflag:s0], s1  }
0x89f: {  	s1 =	ssub.s32 @!p0 $0x0, s1;
	[sflag:s0] =	ssyncset.done @!p0 $0x0  }
0x8a0: {  	[sflag:s0] =	ssyncadd.s32 @!p0 s1  }
0x8a1: {  	[bflag:$0x3] =	sbarrier.arrive $0xFFFF  }
0x8a2: {  	_ =	shalt  }

</sc_bundles>
